<compile_context>
chip_gen: v7x
topology: tpu7x:2x2x1
jax: 0.10.2.dev20260603
libtpu: 0.0.44.dev20260713+nightly
codegen_flags: <defaults>
</compile_context>

<pallas_src>
import functools

import jax
import jax.numpy as jnp
from jax import lax
from jax.experimental import pallas as pl
from jax.experimental.pallas import tpu as pltpu
from jax.experimental.pallas import tpu_sc as plsc

N = 10000
E = 160000
D = 128
HID = 128
H = 2
B = 16384
F32 = jnp.float32

_RELS = ['binds', 'presents_to', 'contacts', 'bound_by', 'contacted_by']
_SRC = [0, 1, 0, 1, 2]
_DST = [1, 2, 2, 0, 0]


_NBLK = 1000


def _proj_body(pep, mhc, tcr, wl, bl, wr, br, xs, xd):
    embs = (pep[...], mhc[...], tcr[...])
    for r in range(5):
        for h in range(2):
            xs[r, h] = (jnp.dot(embs[_SRC[r]], wl[r, h],
                                preferred_element_type=F32)
                        + bl[2 * r + h][None, :])
            xd[r, h] = (jnp.dot(embs[_DST[r]], wr[r, h],
                                preferred_element_type=F32)
                        + br[2 * r + h][None, :])


def _proj_call(pep, mhc, tcr, wl, bl, wr, br):
    grid = (N // _NBLK,)
    node_spec = pl.BlockSpec((_NBLK, D), lambda i: (i, 0))
    full4 = pl.BlockSpec((5, 2, D, D), lambda i: (0, 0, 0, 0))
    full2 = pl.BlockSpec((10, D), lambda i: (0, 0))
    out_spec = pl.BlockSpec((5, 2, _NBLK, D), lambda i: (0, 0, i, 0))
    return pl.pallas_call(
        _proj_body,
        grid=grid,
        in_specs=[node_spec, node_spec, node_spec, full4, full2, full4, full2],
        out_specs=[out_spec, out_spec],
        out_shape=[jax.ShapeDtypeStruct((5, 2, N, D), F32)] * 2,
    )(pep, mhc, tcr, wl, bl, wr, br)



_EC = 40
_NCHUNK = 252
_EPAD = 16 * _NCHUNK * _EC - E
_ROWS_T = N // 16
_DROWS = 25
_W = 144
_NSP = N + 16
_PB = 48


def _edge_body(xs_flat, xd_flat, edges7, att2, out_flat,
               num_sp, ib0, ib1, ib2, ib3, rs_a, rs_b, rd_a, rd_b,
               ob_a, ob_b, attv, nbuf,
               sem_a, sem_b, ss_a, ss_b, sip_a, sip_b):
    c = lax.axis_index("c")
    t = lax.axis_index("s")
    z16 = jnp.zeros((16,), F32)
    mask0 = lax.iota(jnp.int32, 16) == 0
    iota16 = lax.iota(jnp.int32, 16)
    ibs = [ib0, ib1, ib2, ib3]
    rss = [rs_a, rs_b]
    rds = [rd_a, rd_b]
    obs = [ob_a, ob_b]
    sems = [sem_a, sem_b]
    sss = [ss_a, ss_b]
    sips = [sip_a, sip_b]

    def relation(r, carry0):
        def zrow(i, carry):
            for j in range(_W // 16):
                ob_a[i, 16 * j:16 * (j + 1)] = z16
            return carry

        lax.fori_loop(0, _DROWS, zrow, 0)

        def zcopy(k, carry):
            pltpu.sync_copy(ob_a.at[pl.ds(0, _DROWS)],
                            num_sp.at[pl.ds(t * _ROWS_T + k * _DROWS,
                                            _DROWS)])
            return carry

        lax.fori_loop(0, _ROWS_T // _DROWS, zcopy, 0)
        plsc.subcore_barrier()
        pltpu.sync_copy(att2.at[2 * r + c], attv)
        atts = [attv[16 * j:16 * (j + 1)] for j in range(8)]
        atts2 = [0.2 * a for a in atts]

        def fetch_idx(k, ib, sem):
            pltpu.async_copy(edges7.at[r, c, t * _NCHUNK + k], ib, sem)

        def wait_idx(ib, sem):
            pltpu.make_async_copy(edges7.at[r, c, 0], ib, sem).wait()

        def gathers(ib, rs, rd, sem):
            pltpu.async_copy(xs_flat.at[ib.at[0]], rs, sem)
            pltpu.async_copy(xd_flat.at[ib.at[1]], rd, sem)

        def wait_g(ib, rs, rd, sem):
            pltpu.make_async_copy(xs_flat.at[ib.at[0]], rs, sem).wait()
            pltpu.make_async_copy(xd_flat.at[ib.at[1]], rd, sem).wait()

        def compute(rs, rd, ob):
            @plsc.parallel_loop(0, _EC, unroll=4)
            def _edge(e):
                svals = [rs[e, 16 * j:16 * (j + 1)] for j in range(8)]
                parts = []
                for p in range(2):
                    acc = None
                    for j in range(4 * p, 4 * p + 4):
                        x = svals[j] + rd[e, 16 * j:16 * (j + 1)]
                        av = jnp.where(x >= 0.0, atts[j], atts2[j])
                        acc = x * av if acc is None else acc + x * av
                    parts.append(acc)
                exv = jnp.exp(jnp.full((16,), jnp.sum(parts[0] + parts[1])))
                for j in range(8):
                    ob[e, 16 * j:16 * (j + 1)] = exv * svals[j]
                ob[e, 128:144] = jnp.where(mask0, exv, z16)

        fetch_idx(0, ib0, sip_a)
        fetch_idx(1, ib1, sip_b)
        wait_idx(ib0, sip_a)
        gathers(ib0, rs_a, rd_a, sem_a)

        def quad(i, carry):
            for j in range(4):
                k = 4 * i + j
                nb = (j + 1) % 4
                wait_idx(ibs[nb], sips[(j + 1) % 2])
                gathers(ibs[nb], rss[nb % 2], rds[nb % 2], sems[nb % 2])
                sdesc = pltpu.make_async_copy(obs[j % 2],
                                              num_sp.at[ibs[j].at[2]],
                                              sss[j % 2])
                if j >= 2:
                    sdesc.wait()
                else:
                    @pl.when(i > 0)
                    def _():
                        sdesc.wait()

                fetch_idx(jnp.minimum(k + 2, _NCHUNK - 1),
                          ibs[(j + 2) % 4], sips[j % 2])
                wait_g(ibs[j], rss[j % 2], rds[j % 2], sems[j % 2])
                compute(rss[j % 2], rds[j % 2], obs[j % 2])
                pltpu.async_copy(obs[j % 2], num_sp.at[ibs[j].at[2]],
                                 sss[j % 2], add=True)
            return carry

        lax.fori_loop(0, _NCHUNK // 4, quad, 0)
        wait_idx(ib1, sip_b)
        wait_g(ib0, rs_a, rd_a, sem_a)
        pltpu.make_async_copy(ob_a, num_sp.at[ib2.at[2]], ss_a).wait()
        pltpu.make_async_copy(ob_b, num_sp.at[ib3.at[2]], ss_b).wait()
        plsc.subcore_barrier()

        def dump(k, carry):
            rb = t * _ROWS_T + k * _DROWS
            pltpu.sync_copy(num_sp.at[pl.ds(rb, _DROWS)],
                            ob_a.at[pl.ds(0, _DROWS)])

            def nrow(i, ncarry):
                den = ob_a[i, 128:144][0]
                inv = 1.0 / (jnp.full((16,), den) + 1e-16)
                for j in range(8):
                    nbuf[i, 16 * j:16 * (j + 1)] = \
                        ob_a[i, 16 * j:16 * (j + 1)] * inv
                return ncarry

            lax.fori_loop(0, _DROWS, nrow, 0)
            pltpu.sync_copy(nbuf,
                            out_flat.at[pl.ds((2 * r + c) * N + rb, _DROWS)])
            return carry

        lax.fori_loop(0, _ROWS_T // _DROWS, dump, 0)
        plsc.subcore_barrier()
        return carry0

    lax.fori_loop(0, 5, relation, 0)


def _edge_call(xs_flat, xd_flat, edges7, att2):
    mesh = plsc.VectorSubcoreMesh(core_axis_name="c", subcore_axis_name="s")
    f = pl.kernel(
        _edge_body,
        out_type=jax.ShapeDtypeStruct((10 * N, D), F32),
        mesh=mesh,
        compiler_params=pltpu.CompilerParams(use_tc_tiling_on_sc=False, needs_layout_passes=False),
        scratch_types=[
            pltpu.VMEM_SHARED((_NSP, _W), F32),
            pltpu.VMEM((3, _EC), jnp.int32),
            pltpu.VMEM((3, _EC), jnp.int32),
            pltpu.VMEM((3, _EC), jnp.int32),
            pltpu.VMEM((3, _EC), jnp.int32),
            pltpu.VMEM((_EC, D), F32),
            pltpu.VMEM((_EC, D), F32),
            pltpu.VMEM((_EC, D), F32),
            pltpu.VMEM((_EC, D), F32),
            pltpu.VMEM((_EC, _W), F32),
            pltpu.VMEM((_EC, _W), F32),
            pltpu.VMEM((D,), F32),
            pltpu.VMEM((_DROWS, D), F32),
            pltpu.SemaphoreType.DMA,
            pltpu.SemaphoreType.DMA,
            pltpu.SemaphoreType.DMA,
            pltpu.SemaphoreType.DMA,
            pltpu.SemaphoreType.DMA,
            pltpu.SemaphoreType.DMA,
        ],
    )
    return f(xs_flat, xd_flat, edges7, att2)




def _combine_body(num, pep, mhc, tcr, rb, wp, bp, h_all):
    def rel(r):
        return 0.5 * (num[r, 0] + num[r, 1]) + rb[r][None, :]

    def elu(x):
        return jnp.where(x > 0.0, x, jnp.exp(jnp.minimum(x, 0.0)) - 1.0)

    out_mhc = rel(0)
    out_tcr = 0.5 * (rel(1) + rel(2))
    out_pep = 0.5 * (rel(3) + rel(4))
    h_pep = elu(out_pep + pep[...])
    h_all[0] = jnp.dot(h_pep, wp[...], preferred_element_type=F32) \
        + bp[0][None, :]
    h_all[1] = elu(out_mhc + mhc[...])
    h_all[2] = elu(out_tcr + tcr[...])


def _combine_call(num4, pep, mhc, tcr, rel_bias, wp, bp):
    grid = (N // _NBLK,)
    node_spec = pl.BlockSpec((_NBLK, D), lambda i: (i, 0))
    return pl.pallas_call(
        _combine_body,
        grid=grid,
        in_specs=[
            pl.BlockSpec((5, 2, _NBLK, D), lambda i: (0, 0, i, 0)),
            node_spec, node_spec, node_spec,
            pl.BlockSpec((5, D), lambda i: (0, 0)),
            pl.BlockSpec((D, D), lambda i: (0, 0)),
            pl.BlockSpec((1, D), lambda i: (0, 0)),
        ],
        out_specs=pl.BlockSpec((3, _NBLK, D), lambda i: (0, i, 0)),
        out_shape=jax.ShapeDtypeStruct((3, N, D), F32),
    )(num4, pep, mhc, tcr, rel_bias, wp, bp)



_GC = 128
_GPW = 3 * B // 32 // _GC


def _tgather_body(table, tidx, out, ibuf, rbuf):
    c = lax.axis_index("c")
    t = lax.axis_index("s")
    wid = t * 2 + c

    def chunk(k, carry):
        base = wid * (_GPW * _GC) + k * _GC
        pltpu.sync_copy(tidx.at[pl.ds(base, _GC)], ibuf)
        pltpu.sync_copy(table.at[ibuf], rbuf)
        pltpu.sync_copy(rbuf, out.at[pl.ds(base, _GC)])
        return carry

    lax.fori_loop(0, _GPW, chunk, 0)


def _tgather_call(table_flat, tidx_flat):
    mesh = plsc.VectorSubcoreMesh(core_axis_name="c", subcore_axis_name="s")
    f = pl.kernel(
        _tgather_body,
        out_type=jax.ShapeDtypeStruct((3 * B, D), F32),
        mesh=mesh,
        compiler_params=pltpu.CompilerParams(use_tc_tiling_on_sc=False, needs_layout_passes=False),
        scratch_types=[
            pltpu.VMEM((_GC,), jnp.int32),
            pltpu.VMEM((_GC, D), F32),
        ],
    )
    return f(table_flat, tidx_flat)



_BBLK = 1024


def _mlp_body(hb, w1pm, b1pm, w2pm, b2pm, wpm, w1mt, b1mt, w2mt, b2mt,
              w1df, b1df, wdf2, scb, out):
    hpb, hmb, htb = hb[0], hb[1], hb[2]

    def mm(x, w):
        return jnp.dot(x, w, preferred_element_type=F32)

    v = jnp.maximum(mm(hpb, w1pm[:D]) + mm(hmb, w1pm[D:]) + b1pm[0][None, :],
                    0.0)
    v_pm = mm(v, w2pm[...]) + b2pm[0][None, :]
    logit_pm = jnp.sum(v_pm * wpm[0][None, :], axis=1) + scb[0, 0]
    u = jnp.maximum(mm(hmb, w1mt[:D]) + mm(htb, w1mt[D:]) + b1mt[0][None, :],
                    0.0)
    v_mt = mm(u, w2mt[...]) + b2mt[0][None, :]
    z = v_pm * v_mt
    z1 = jnp.maximum(mm(z, w1df[...]) + b1df[0][None, :], 0.0)
    logit_pmt = jnp.sum(z1 * wdf2[0][None, :], axis=1) + scb[1, 0]
    out[0] = logit_pm
    out[1] = logit_pmt


def _mlp_call(hb3, p):
    grid = (B // _BBLK,)

    def full(shape):
        nd = len(shape)
        return pl.BlockSpec(shape, lambda i, _n=nd: (0,) * _n)

    w1pm = p['f_pm']['l1']['W'].T
    b1pm = p['f_pm']['l1']['b'][None, :]
    w2pm = p['f_pm']['l2']['W'].T
    b2pm = p['f_pm']['l2']['b'][None, :]
    wpm = p['w_pm']['W']
    w1mt = p['f_mt']['l1']['W'].T
    b1mt = p['f_mt']['l1']['b'][None, :]
    w2mt = p['f_mt']['l2']['W'].T
    b2mt = p['f_mt']['l2']['b'][None, :]
    w1df = p['f_dmf']['l1']['W'].T
    b1df = p['f_dmf']['l1']['b'][None, :]
    wdf2 = p['f_dmf']['l2']['W']
    scb = jnp.stack([
        jnp.pad(p['w_pm']['b'], (0, D - 1)),
        jnp.pad(p['f_dmf']['l2']['b'], (0, D - 1)),
    ])
    return pl.pallas_call(
        _mlp_body,
        grid=grid,
        in_specs=[
            pl.BlockSpec((3, _BBLK, D), lambda i: (0, i, 0)),
            full((2 * D, D)), full((1, D)), full((D, D)), full((1, D)),
            full((1, D)),
            full((2 * D, D)), full((1, D)), full((D, D)), full((1, D)),
            full((D, D)), full((1, D)), full((1, D)), full((2, D)),
        ],
        out_specs=pl.BlockSpec((2, _BBLK), lambda i: (0, i)),
        out_shape=jax.ShapeDtypeStruct((2, B), F32),
    )(hb3, w1pm, b1pm, w2pm, b2pm, wpm, w1mt, b1mt, w2mt, b2mt,
      w1df, b1df, wdf2, scb)




def kernel(params, edge_binds, edge_presents_to, edge_contacts,
           edge_bound_by, edge_contacted_by, triplet_idx):
    p = params
    rels = p['rels']

    def heads_t(w):
        return w.reshape(H, HID, D).transpose(0, 2, 1)

    wl = jnp.stack([heads_t(rels[r]['lin_l']['W']) for r in _RELS])
    wr = jnp.stack([heads_t(rels[r]['lin_r']['W']) for r in _RELS])
    bl = jnp.stack([rels[r]['lin_l']['b'] for r in _RELS]).reshape(10, D)
    br = jnp.stack([rels[r]['lin_r']['b'] for r in _RELS]).reshape(10, D)
    att2 = jnp.stack([rels[r]['att'] for r in _RELS]).reshape(10, D)
    rel_bias = jnp.stack([rels[r]['bias'] for r in _RELS])

    xs4, xd4 = _proj_call(p['emb_pep'], p['emb_mhc'], p['emb_tcr'],
                          wl, bl, wr, br)
    xs_flat = xs4.reshape(10 * N, D)
    xd_flat = xd4.reshape(10 * N, D)

    edges = [edge_binds, edge_presents_to, edge_contacts, edge_bound_by,
             edge_contacted_by]
    e_raw = jnp.stack(edges)
    offs = (jnp.arange(5, dtype=jnp.int32) * 2)[:, None, None]
    head = jnp.arange(2, dtype=jnp.int32)[None, :, None]
    src_flat = (offs + head) * N + e_raw[:, None, 0, :]
    dst_flat = (offs + head) * N + e_raw[:, None, 1, :]
    dst_loc = jnp.broadcast_to(e_raw[:, None, 1, :], (5, 2, E))
    base = ((offs + head) * N).astype(jnp.int32)
    park = jnp.arange(_EPAD, dtype=jnp.int32)[None, None, :]
    gpad = jnp.broadcast_to(base + park % 128, (5, 2, _EPAD))
    spad = jnp.broadcast_to(N + park % 16, (5, 2, _EPAD))
    src_flat = jnp.concatenate([src_flat, gpad], axis=-1)
    dst_flat = jnp.concatenate([dst_flat, gpad], axis=-1)
    dst_loc = jnp.concatenate([dst_loc, spad], axis=-1)
    edges7 = jnp.stack([x.reshape(5, 2, 16 * _NCHUNK, _EC)
                        for x in (src_flat, dst_flat, dst_loc)], axis=3)

    num_flat = _edge_call(xs_flat, xd_flat, edges7, att2)
    num4 = num_flat.reshape(5, 2, N, D)

    h_all = _combine_call(num4, p['emb_pep'], p['emb_mhc'], p['emb_tcr'],
                          rel_bias, p['proj_pep']['W'].T,
                          p['proj_pep']['b'][None, :])
    table_flat = h_all.reshape(3 * N, D)

    tidx_flat = (triplet_idx
                 + (jnp.arange(3, dtype=jnp.int32) * N)[:, None]).reshape(-1)
    hb_flat = _tgather_call(table_flat, tidx_flat)
    hb3 = hb_flat.reshape(3, B, D)

    return _mlp_call(hb3, p)

# --- scband reference (transcript-rebuilt; emitter-appended) ---
"""Pipeline reference for scband-triplet-gatmeta-1554778161593 (READ-ONLY COPY).

The authoritative reference and input builder live on the scoring server;
editing this copy changes nothing except your own understanding.
"""

import jax, jax.numpy as jnp
import numpy as np

N = 10000
E = 160000
D = 128
HID = 128
H = 2
B = 16384
RELS = ['binds', 'presents_to', 'contacts', 'bound_by', 'contacted_by']


def setup_inputs(seed: int = 0) -> dict:
    key = jax.random.key(seed)
    keys = jax.random.split(key, 40)
    ki = iter(keys)

    def lin(i, o):
        return {'W': jax.random.normal(next(ki), (o, i), jnp.float32) * (1.0 / np.sqrt(i)),
                'b': jnp.zeros((o,), jnp.float32)}

    params = {
        'emb_pep': jax.random.normal(next(ki), (N, D), jnp.float32) * 0.1,
        'emb_mhc': jax.random.normal(next(ki), (N, D), jnp.float32) * 0.1,
        'emb_tcr': jax.random.normal(next(ki), (N, D), jnp.float32) * 0.1,
    }
    rels = {}
    for r in RELS:
        rels[r] = {'lin_l': lin(D, H * HID),
                   'lin_r': lin(D, H * HID),
                   'att': jax.random.normal(next(ki), (H, HID), jnp.float32) * (1.0 / np.sqrt(HID)),
                   'bias': jnp.zeros((HID,), jnp.float32)}
    params['rels'] = rels
    params['proj_pep'] = lin(D, HID)
    params['f_pm'] = {'l1': lin(2 * HID, HID), 'l2': lin(HID, HID)}
    params['f_mt'] = {'l1': lin(2 * HID, HID), 'l2': lin(HID, HID)}
    params['f_dmf'] = {'l1': lin(HID, HID), 'l2': lin(HID, 1)}
    params['w_pm'] = lin(HID, 1)

    inp = {'params': params}
    for r in RELS:
        inp['edge_' + r] = jax.random.randint(next(ki), (2, E), 0, N, dtype=jnp.int32)
    inp['triplet_idx'] = jax.random.randint(next(ki), (3, B), 0, N, dtype=jnp.int32)
    return inp


def _apply_lin(p, x):
    return x @ p['W'].T + p['b']


def _gatv2(rp, x_src, x_dst, edge_index):
    # PyG GATv2Conv, concat=False, add_self_loops=False, eval mode (dropout off)
    xs = _apply_lin(rp['lin_l'], x_src).reshape(-1, H, HID)
    xd = _apply_lin(rp['lin_r'], x_dst).reshape(-1, H, HID)
    src = edge_index[0]
    dst = edge_index[1]
    xj = xs[src]
    xi = xd[dst]
    e = jax.nn.leaky_relu(xj + xi, negative_slope=0.2)
    logit = jnp.sum(e * rp['att'][None, :, :], axis=-1)  # [E, H]
    nd = x_dst.shape[0]
    m = jax.ops.segment_max(logit, dst, num_segments=nd)
    m = jnp.where(jnp.isfinite(m), m, 0.0)
    ex = jnp.exp(logit - m[dst])
    den = jax.ops.segment_sum(ex, dst, num_segments=nd)
    alpha = ex / (den[dst] + 1e-16)
    out = jax.ops.segment_sum(alpha[:, :, None] * xj, dst, num_segments=nd)
    return jnp.mean(out, axis=1) + rp['bias']


def _mlp2(pp, x):
    return _apply_lin(pp['l2'], jax.nn.relu(_apply_lin(pp['l1'], x)))


def _forward(params, edge_binds, edge_presents_to, edge_contacts, edge_bound_by, edge_contacted_by, triplet_idx):
    hp0 = params['emb_pep']
    hm0 = params['emb_mhc']
    ht0 = params['emb_tcr']
    r = params['rels']
    # HeteroConv with aggr='mean', grouped by dst node type
    out_mhc = _gatv2(r['binds'], hp0, hm0, edge_binds)
    out_tcr = 0.5 * (_gatv2(r['presents_to'], hm0, ht0, edge_presents_to)
                     + _gatv2(r['contacts'], hp0, ht0, edge_contacts))
    out_pep = 0.5 * (_gatv2(r['bound_by'], hm0, hp0, edge_bound_by)
                     + _gatv2(r['contacted_by'], ht0, hp0, edge_contacted_by))
    # residual (hidden == emb_dim == 128) + ELU; dropout inactive in eval
    h_pep = jax.nn.elu(out_pep + hp0)
    h_mhc = jax.nn.elu(out_mhc + hm0)
    h_tcr = jax.nn.elu(out_tcr + ht0)
    # _project: hp dim (128) == proj_pep.in_features (128) -> apply projection
    hp = _apply_lin(params['proj_pep'], h_pep)
    hm = h_mhc
    ht = h_tcr
    p_i = triplet_idx[0]
    m_i = triplet_idx[1]
    t_i = triplet_idx[2]
    hpb = hp[p_i]
    hmb = hm[m_i]
    htb = ht[t_i]
    v_pm = _mlp2(params['f_pm'], jnp.concatenate([hpb, hmb], axis=-1))
    logit_pm = _apply_lin(params['w_pm'], v_pm)[..., 0]
    v_mt = _mlp2(params['f_mt'], jnp.concatenate([hmb, htb], axis=-1))
    logit_pmt = _mlp2(params['f_dmf'], v_pm * v_mt)[..., 0]
    return jnp.stack([logit_pm, logit_pmt], axis=0)


def reference(params, edge_binds, edge_presents_to, edge_contacts, edge_bound_by, edge_contacted_by, triplet_idx):
    return _forward(params, edge_binds, edge_presents_to, edge_contacts, edge_bound_by, edge_contacted_by, triplet_idx)

if __name__ == "__main__":
    import jax
    _d = setup_inputs()
    print(jax.jit(kernel)(*tuple(_d.values())))

</pallas_src>

<mosaic_0001>
#map = affine_map<(d0, d1) -> (0, 0)>
#map1 = affine_map<(d0, d1) -> (0, 0, 0, 0, 0)>
module attributes {stable_mosaic.version = 14 : i64} {
  func.func @_edge_body(%arg0: i32, %arg1: i32, %arg2: memref<100000x128xf32, #tpu.memory_space<hbm>>, %arg3: memref<100000x128xf32, #tpu.memory_space<hbm>>, %arg4: memref<5x2x4032x3x40xi32, #tpu.memory_space<hbm>>, %arg5: memref<10x128xf32, #tpu.memory_space<hbm>>, %arg6: memref<100000x128xf32, #tpu.memory_space<hbm>>, %arg7: memref<10016x144xf32, #tpu.memory_space<vmem_shared>>, %arg8: memref<3x40xi32, #tpu.memory_space<vmem>>, %arg9: memref<3x40xi32, #tpu.memory_space<vmem>>, %arg10: memref<3x40xi32, #tpu.memory_space<vmem>>, %arg11: memref<3x40xi32, #tpu.memory_space<vmem>>, %arg12: memref<40x128xf32, #tpu.memory_space<vmem>>, %arg13: memref<40x128xf32, #tpu.memory_space<vmem>>, %arg14: memref<40x128xf32, #tpu.memory_space<vmem>>, %arg15: memref<40x128xf32, #tpu.memory_space<vmem>>, %arg16: memref<40x144xf32, #tpu.memory_space<vmem>>, %arg17: memref<40x144xf32, #tpu.memory_space<vmem>>, %arg18: memref<128xf32, #tpu.memory_space<vmem>>, %arg19: memref<25x128xf32, #tpu.memory_space<vmem>>, %arg20: memref<!tpu.dma_semaphore, #tpu.memory_space<semaphore_mem>>, %arg21: memref<!tpu.dma_semaphore, #tpu.memory_space<semaphore_mem>>, %arg22: memref<!tpu.dma_semaphore, #tpu.memory_space<semaphore_mem>>, %arg23: memref<!tpu.dma_semaphore, #tpu.memory_space<semaphore_mem>>, %arg24: memref<!tpu.dma_semaphore, #tpu.memory_space<semaphore_mem>>, %arg25: memref<!tpu.dma_semaphore, #tpu.memory_space<semaphore_mem>>) attributes {dimension_semantics = [#tpu.dimension_semantics<core_parallel>, #tpu.dimension_semantics<subcore_parallel>], iteration_bounds = array<i64: 2, 16>, scalar_prefetch = 0 : i64, scratch_operands = 19 : i64, tpu.core_type = #tpu.core_type<sc_vector_subcore>, window_params = [{transform_indices = #map}, {transform_indices = #map}, {transform_indices = #map1}, {transform_indices = #map}, {transform_indices = #map}]} {
    %broadcast_in_dim3A = arith.constant 0.000000e+00 : f32
    %broadcast_in_dim3A_0 = vector.broadcast %broadcast_in_dim3A : f32 to vector<16xf32>
    %iota3A = tpu.iota {dimensions = array<i32: 0>} : vector<16xi32>
    %eq3A = arith.constant 0 : i32
    %eq3A_1 = vector.broadcast %eq3A : i32 to vector<16xi32>
    %eq3A_2 = arith.cmpi eq, %iota3A, %eq3A_1 : vector<16xi32>
    %iota3A_3 = tpu.iota {dimensions = array<i32: 0>} : vector<16xi32>
    %scan3A = arith.constant 0 : i32
    %scan3A_4 = arith.constant 0 : i32
    %scan3A_5 = arith.constant 5 : i32
    %scan3A_6 = arith.addi %scan3A_4, %scan3A_5 : i32
    %scan3A_7 = arith.constant 1 : i32
    scf.for %scan3A_9 = %scan3A_4 to %scan3A_6 step %scan3A_7  : i32 {
      %scan3A_10 = arith.constant 0 : i32
      %scan3A_11 = arith.constant 0 : i32
      %scan3A_12 = arith.constant 25 : i32
      %scan3A_13 = arith.addi %scan3A_11, %scan3A_12 : i32
      %scan3A_14 = arith.constant 1 : i32
      scf.for %scan3A_158 = %scan3A_11 to %scan3A_13 step %scan3A_14  : i32 {
        %swap3A = arith.index_cast %scan3A_158 : i32 to index
        %swap3A_159 = arith.constant 0 : index
        %swap3A_160 = tpu.vector_load %arg16[%swap3A, %swap3A_159] {strides = array<i32>} : memref<40x144xf32, #tpu.memory_space<vmem>>, vector<16xf32>,
        tpu.vector_store %arg16[%swap3A, %swap3A_159], %broadcast_in_dim3A_0 {strides = array<i32>} : memref<40x144xf32, #tpu.memory_space<vmem>>, vector<16xf32>,
        %swap3A_161 = arith.index_cast %scan3A_158 : i32 to index
        %swap3A_162 = arith.constant 16 : index
        %swap3A_163 = tpu.vector_load %arg16[%swap3A_161, %swap3A_162] {strides = array<i32>} : memref<40x144xf32, #tpu.memory_space<vmem>>, vector<16xf32>,
        tpu.vector_store %arg16[%swap3A_161, %swap3A_162], %broadcast_in_dim3A_0 {strides = array<i32>} : memref<40x144xf32, #tpu.memory_space<vmem>>, vector<16xf32>,
        %swap3A_164 = arith.index_cast %scan3A_158 : i32 to index
        %swap3A_165 = arith.constant 32 : index
        %swap3A_166 = tpu.vector_load %arg16[%swap3A_164, %swap3A_165] {strides = array<i32>} : memref<40x144xf32, #tpu.memory_space<vmem>>, vector<16xf32>,
        tpu.vector_store %arg16[%swap3A_164, %swap3A_165], %broadcast_in_dim3A_0 {strides = array<i32>} : memref<40x144xf32, #tpu.memory_space<vmem>>, vector<16xf32>,
        %swap3A_167 = arith.index_cast %scan3A_158 : i32 to index
        %swap3A_168 = arith.constant 48 : index
        %swap3A_169 = tpu.vector_load %arg16[%swap3A_167, %swap3A_168] {strides = array<i32>} : memref<40x144xf32, #tpu.memory_space<vmem>>, vector<16xf32>,
        tpu.vector_store %arg16[%swap3A_167, %swap3A_168], %broadcast_in_dim3A_0 {strides = array<i32>} : memref<40x144xf32, #tpu.memory_space<vmem>>, vector<16xf32>,
        %swap3A_170 = arith.index_cast %scan3A_158 : i32 to index
        %swap3A_171 = arith.constant 64 : index
        %swap3A_172 = tpu.vector_load %arg16[%swap3A_170, %swap3A_171] {strides = array<i32>} : memref<40x144xf32, #tpu.memory_space<vmem>>, vector<16xf32>,
        tpu.vector_store %arg16[%swap3A_170, %swap3A_171], %broadcast_in_dim3A_0 {strides = array<i32>} : memref<40x144xf32, #tpu.memory_space<vmem>>, vector<16xf32>,
        %swap3A_173 = arith.index_cast %scan3A_158 : i32 to index
        %swap3A_174 = arith.constant 80 : index
        %swap3A_175 = tpu.vector_load %arg16[%swap3A_173, %swap3A_174] {strides = array<i32>} : memref<40x144xf32, #tpu.memory_space<vmem>>, vector<16xf32>,
        tpu.vector_store %arg16[%swap3A_173, %swap3A_174], %broadcast_in_dim3A_0 {strides = array<i32>} : memref<40x144xf32, #tpu.memory_space<vmem>>, vector<16xf32>,
        %swap3A_176 = arith.index_cast %scan3A_158 : i32 to index
        %swap3A_177 = arith.constant 96 : index
        %swap3A_178 = tpu.vector_load %arg16[%swap3A_176, %swap3A_177] {strides = array<i32>} : memref<40x144xf32, #tpu.memory_space<vmem>>, vector<16xf32>,
        tpu.vector_store %arg16[%swap3A_176, %swap3A_177], %broadcast_in_dim3A_0 {strides = array<i32>} : memref<40x144xf32, #tpu.memory_space<vmem>>, vector<16xf32>,
        %swap3A_179 = arith.index_cast %scan3A_158 : i32 to index
        %swap3A_180 = arith.constant 112 : index
        %swap3A_181 = tpu.vector_load %arg16[%swap3A_179, %swap3A_180] {strides = array<i32>} : memref<40x144xf32, #tpu.memory_space<vmem>>, vector<16xf32>,
        tpu.vector_store %arg16[%swap3A_179, %swap3A_180], %broadcast_in_dim3A_0 {strides = array<i32>} : memref<40x144xf32, #tpu.memory_space<vmem>>, vector<16xf32>,
        %swap3A_182 = arith.index_cast %scan3A_158 : i32 to index
        %swap3A_183 = arith.constant 128 : index
        %swap3A_184 = tpu.vector_load %arg16[%swap3A_182, %swap3A_183] {strides = array<i32>} : memref<40x144xf32, #tpu.memory_space<vmem>>, vector<16xf32>,
        tpu.vector_store %arg16[%swap3A_182, %swap3A_183], %broadcast_in_dim3A_0 {strides = array<i32>} : memref<40x144xf32, #tpu.memory_space<vmem>>, vector<16xf32>,
      }
      %scan3A_15 = arith.constant 25 : i32
      %scan3A_16 = arith.constant 0 : i32
      %scan3A_17 = arith.constant 0 : i32
      %scan3A_18 = arith.constant 25 : i32
      %scan3A_19 = arith.addi %scan3A_17, %scan3A_18 : i32
      %scan3A_20 = arith.constant 1 : i32
      scf.for %scan3A_158 = %scan3A_17 to %scan3A_19 step %scan3A_20  : i32 {
        %mul3A_159 = arith.constant 625 : i32
        %mul3A_160 = arith.muli %arg1, %mul3A_159 : i32
        %mul3A_161 = arith.constant 25 : i32
        %mul3A_162 = arith.muli %scan3A_158, %mul3A_161 : i32
        %add3A_163 = arith.addi %mul3A_160, %mul3A_162 : i32
        "tpu.region"() ({
          %run_scoped3A = tpu.sem_alloc : memref<!tpu.dma_semaphore, #tpu.memory_space<semaphore_mem>>
          %dma_start3A_164 = arith.constant 0 : i32
          %dma_start3A_165 = arith.constant 0 : i32
          %dma_start3A_166 = tpu.memref_slice %arg16[%dma_start3A_164, %dma_start3A_165] : memref<40x144xf32, #tpu.memory_space<vmem>> -> memref<25x144xf32, #tpu.memory_space<vmem>>
          %dma_start3A_167 = arith.constant 0 : i32
          %dma_start3A_168 = tpu.memref_slice %arg7[%add3A_163, %dma_start3A_167] : memref<10016x144xf32, #tpu.memory_space<vmem_shared>> -> memref<25x144xf32, #tpu.memory_space<vmem_shared>>
          %dma_start3A_169 = arith.constant 0 : i32
          %dma_start3A_170 = tpu.memref_slice %arg7[%add3A_163, %dma_start3A_169] : memref<10016x144xf32, #tpu.memory_space<vmem_shared>> -> memref<25x144xf32, #tpu.memory_space<vmem_shared>>
          %dma_start3A_171 = arith.constant 0 : i32
          %dma_start3A_172 = arith.constant 0 : i32
          %dma_start3A_173 = tpu.memref_slice %arg16[%dma_start3A_171, %dma_start3A_172] : memref<40x144xf32, #tpu.memory_space<vmem>> -> memref<25x144xf32, #tpu.memory_space<vmem>>
          tpu.enqueue_dma source(%dma_start3A_173 : memref<25x144xf32, #tpu.memory_space<vmem>>) target(%dma_start3A_170 : memref<25x144xf32, #tpu.memory_space<vmem_shared>>) target_semaphore(%run_scoped3A : memref<!tpu.dma_semaphore, #tpu.memory_space<semaphore_mem>>)
          %dma_wait3A_174 = arith.constant 0 : i32
          %dma_wait3A_175 = arith.constant 0 : i32
          %dma_wait3A_176 = tpu.memref_slice %arg16[%dma_wait3A_174, %dma_wait3A_175] : memref<40x144xf32, #tpu.memory_space<vmem>> -> memref<25x144xf32, #tpu.memory_space<vmem>>
          %dma_wait3A_177 = arith.constant 0 : i32
          %dma_wait3A_178 = tpu.memref_slice %arg7[%add3A_163, %dma_wait3A_177] : memref<10016x144xf32, #tpu.memory_space<vmem_shared>> -> memref<25x144xf32, #tpu.memory_space<vmem_shared>>
          %dma_wait3A_179 = arith.constant 0 : i32
          %dma_wait3A_180 = tpu.memref_slice %arg7[%add3A_163, %dma_wait3A_179] : memref<10016x144xf32, #tpu.memory_space<vmem_shared>> -> memref<25x144xf32, #tpu.memory_space<vmem_shared>>
          %dma_wait3A_181 = arith.constant 0 : i32
          %dma_wait3A_182 = arith.constant 0 : i32
          %dma_wait3A_183 = tpu.memref_slice %arg16[%dma_wait3A_181, %dma_wait3A_182] : memref<40x144xf32, #tpu.memory_space<vmem>> -> memref<25x144xf32, #tpu.memory_space<vmem>>
          tpu.wait_dma2 semaphore(%run_scoped3A : memref<!tpu.dma_semaphore, #tpu.memory_space<semaphore_mem>>) src(%dma_wait3A_183 : memref<25x144xf32, #tpu.memory_space<vmem>>) dst(%dma_wait3A_180 : memref<25x144xf32, #tpu.memory_space<vmem_shared>>)
          tpu.yield
        }) : () -> ()
      }
      %scan3A_21 = arith.constant 25 : i32
      %barrier3A = arith.constant 0 : index
      tpu.barrier barrier_id(%barrier3A)
      %mul3A = arith.constant 2 : i32
      %mul3A_22 = arith.muli %mul3A, %scan3A_9 : i32
      %add3A = arith.addi %mul3A_22, %arg0 : i32
      "tpu.region"() ({
        %run_scoped3A = tpu.sem_alloc : memref<!tpu.dma_semaphore, #tpu.memory_space<semaphore_mem>>
        %dma_start3A_158 = arith.constant 0 : i32
        %dma_start3A_159 = tpu.memref_slice %arg5[%add3A, %dma_start3A_158] : memref<10x128xf32, #tpu.memory_space<hbm>> -> memref<1x128xf32, #tpu.memory_space<hbm>>
        %dma_start3A_160 = tpu.memref_squeeze %dma_start3A_159 : memref<1x128xf32, #tpu.memory_space<hbm>> -> memref<128xf32, #tpu.memory_space<hbm>>
        %dma_start3A_161 = arith.constant 0 : i32
        %dma_start3A_162 = tpu.memref_slice %arg5[%add3A, %dma_start3A_161] : memref<10x128xf32, #tpu.memory_space<hbm>> -> memref<1x128xf32, #tpu.memory_space<hbm>>
        %dma_start3A_163 = tpu.memref_squeeze %dma_start3A_162 : memref<1x128xf32, #tpu.memory_space<hbm>> -> memref<128xf32, #tpu.memory_space<hbm>>
        tpu.enqueue_dma source(%dma_start3A_163 : memref<128xf32, #tpu.memory_space<hbm>>) target(%arg18 : memref<128xf32, #tpu.memory_space<vmem>>) target_semaphore(%run_scoped3A : memref<!tpu.dma_semaphore, #tpu.memory_space<semaphore_mem>>)
        %dma_wait3A_164 = arith.constant 0 : i32
        %dma_wait3A_165 = tpu.memref_slice %arg5[%add3A, %dma_wait3A_164] : memref<10x128xf32, #tpu.memory_space<hbm>> -> memref<1x128xf32, #tpu.memory_space<hbm>>
        %dma_wait3A_166 = tpu.memref_squeeze %dma_wait3A_165 : memref<1x128xf32, #tpu.memory_space<hbm>> -> memref<128xf32, #tpu.memory_space<hbm>>
        %dma_wait3A_167 = arith.constant 0 : i32
        %dma_wait3A_168 = tpu.memref_slice %arg5[%add3A, %dma_wait3A_167] : memref<10x128xf32, #tpu.memory_space<hbm>> -> memref<1x128xf32, #tpu.memory_space<hbm>>
        %dma_wait3A_169 = tpu.memref_squeeze %dma_wait3A_168 : memref<1x128xf32, #tpu.memory_space<hbm>> -> memref<128xf32, #tpu.memory_space<hbm>>
        tpu.wait_dma2 semaphore(%run_scoped3A : memref<!tpu.dma_semaphore, #tpu.memory_space<semaphore_mem>>) src(%dma_wait3A_169 : memref<128xf32, #tpu.memory_space<hbm>>) dst(%arg18 : memref<128xf32, #tpu.memory_space<vmem>>)
        tpu.yield
      }) : () -> ()
      %get3A = arith.constant 0 : index
      %get3A_23 = tpu.vector_load %arg18[%get3A] {strides = array<i32>} : memref<128xf32, #tpu.memory_space<vmem>>, vector<16xf32>,
      %get3A_24 = arith.constant 16 : index
      %get3A_25 = tpu.vector_load %arg18[%get3A_24] {strides = array<i32>} : memref<128xf32, #tpu.memory_space<vmem>>, vector<16xf32>,
      %get3A_26 = arith.constant 32 : index
      %get3A_27 = tpu.vector_load %arg18[%get3A_26] {strides = array<i32>} : memref<128xf32, #tpu.memory_space<vmem>>, vector<16xf32>,
      %get3A_28 = arith.constant 48 : index
      %get3A_29 = tpu.vector_load %arg18[%get3A_28] {strides = array<i32>} : memref<128xf32, #tpu.memory_space<vmem>>, vector<16xf32>,
      %get3A_30 = arith.constant 64 : index
      %get3A_31 = tpu.vector_load %arg18[%get3A_30] {strides = array<i32>} : memref<128xf32, #tpu.memory_space<vmem>>, vector<16xf32>,
      %get3A_32 = arith.constant 80 : index
      %get3A_33 = tpu.vector_load %arg18[%get3A_32] {strides = array<i32>} : memref<128xf32, #tpu.memory_space<vmem>>, vector<16xf32>,
      %get3A_34 = arith.constant 96 : index
      %get3A_35 = tpu.vector_load %arg18[%get3A_34] {strides = array<i32>} : memref<128xf32, #tpu.memory_space<vmem>>, vector<16xf32>,
      %get3A_36 = arith.constant 112 : index
      %get3A_37 = tpu.vector_load %arg18[%get3A_36] {strides = array<i32>} : memref<128xf32, #tpu.memory_space<vmem>>, vector<16xf32>,
      %mul3A_38 = arith.constant 2.000000e-01 : f32
      %mul3A_39 = vector.broadcast %mul3A_38 : f32 to vector<16xf32>
      %mul3A_40 = arith.mulf %mul3A_39, %get3A_23 : vector<16xf32>
      %mul3A_41 = arith.constant 2.000000e-01 : f32
      %mul3A_42 = vector.broadcast %mul3A_41 : f32 to vector<16xf32>
      %mul3A_43 = arith.mulf %mul3A_42, %get3A_25 : vector<16xf32>
      %mul3A_44 = arith.constant 2.000000e-01 : f32
      %mul3A_45 = vector.broadcast %mul3A_44 : f32 to vector<16xf32>
      %mul3A_46 = arith.mulf %mul3A_45, %get3A_27 : vector<16xf32>
      %mul3A_47 = arith.constant 2.000000e-01 : f32
      %mul3A_48 = vector.broadcast %mul3A_47 : f32 to vector<16xf32>
      %mul3A_49 = arith.mulf %mul3A_48, %get3A_29 : vector<16xf32>
      %mul3A_50 = arith.constant 2.000000e-01 : f32
      %mul3A_51 = vector.broadcast %mul3A_50 : f32 to vector<16xf32>
      %mul3A_52 = arith.mulf %mul3A_51, %get3A_31 : vector<16xf32>
      %mul3A_53 = arith.constant 2.000000e-01 : f32
      %mul3A_54 = vector.broadcast %mul3A_53 : f32 to vector<16xf32>
      %mul3A_55 = arith.mulf %mul3A_54, %get3A_33 : vector<16xf32>
      %mul3A_56 = arith.constant 2.000000e-01 : f32
      %mul3A_57 = vector.broadcast %mul3A_56 : f32 to vector<16xf32>
      %mul3A_58 = arith.mulf %mul3A_57, %get3A_35 : vector<16xf32>
      %mul3A_59 = arith.constant 2.000000e-01 : f32
      %mul3A_60 = vector.broadcast %mul3A_59 : f32 to vector<16xf32>
      %mul3A_61 = arith.mulf %mul3A_60, %get3A_37 : vector<16xf32>
      %mul3A_62 = arith.constant 252 : i32
      %mul3A_63 = arith.muli %arg1, %mul3A_62 : i32
      %add3A_64 = arith.constant 0 : i32
      %add3A_65 = arith.addi %mul3A_63, %add3A_64 : i32
      %dma_start3A = arith.constant 0 : i32
      %dma_start3A_66 = arith.constant 0 : i32
      %dma_start3A_67 = tpu.memref_slice %arg4[%scan3A_9, %arg0, %add3A_65, %dma_start3A, %dma_start3A_66] : memref<5x2x4032x3x40xi32, #tpu.memory_space<hbm>> -> memref<1x1x1x3x40xi32, #tpu.memory_space<hbm>>
      %dma_start3A_68 = tpu.memref_squeeze %dma_start3A_67 : memref<1x1x1x3x40xi32, #tpu.memory_space<hbm>> -> memref<3x40xi32, #tpu.memory_space<hbm>>
      %dma_start3A_69 = arith.constant 0 : i32
      %dma_start3A_70 = arith.constant 0 : i32
      %dma_start3A_71 = tpu.memref_slice %arg4[%scan3A_9, %arg0, %add3A_65, %dma_start3A_69, %dma_start3A_70] : memref<5x2x4032x3x40xi32, #tpu.memory_space<hbm>> -> memref<1x1x1x3x40xi32, #tpu.memory_space<hbm>>
      %dma_start3A_72 = tpu.memref_squeeze %dma_start3A_71 : memref<1x1x1x3x40xi32, #tpu.memory_space<hbm>> -> memref<3x40xi32, #tpu.memory_space<hbm>>
      tpu.enqueue_dma source(%dma_start3A_72 : memref<3x40xi32, #tpu.memory_space<hbm>>) target(%arg8 : memref<3x40xi32, #tpu.memory_space<vmem>>) target_semaphore(%arg24 : memref<!tpu.dma_semaphore, #tpu.memory_space<semaphore_mem>>)
      %mul3A_73 = arith.constant 252 : i32
      %mul3A_74 = arith.muli %arg1, %mul3A_73 : i32
      %add3A_75 = arith.constant 1 : i32
      %add3A_76 = arith.addi %mul3A_74, %add3A_75 : i32
      %dma_start3A_77 = arith.constant 0 : i32
      %dma_start3A_78 = arith.constant 0 : i32
      %dma_start3A_79 = tpu.memref_slice %arg4[%scan3A_9, %arg0, %add3A_76, %dma_start3A_77, %dma_start3A_78] : memref<5x2x4032x3x40xi32, #tpu.memory_space<hbm>> -> memref<1x1x1x3x40xi32, #tpu.memory_space<hbm>>
      %dma_start3A_80 = tpu.memref_squeeze %dma_start3A_79 : memref<1x1x1x3x40xi32, #tpu.memory_space<hbm>> -> memref<3x40xi32, #tpu.memory_space<hbm>>
      %dma_start3A_81 = arith.constant 0 : i32
      %dma_start3A_82 = arith.constant 0 : i32
      %dma_start3A_83 = tpu.memref_slice %arg4[%scan3A_9, %arg0, %add3A_76, %dma_start3A_81, %dma_start3A_82] : memref<5x2x4032x3x40xi32, #tpu.memory_space<hbm>> -> memref<1x1x1x3x40xi32, #tpu.memory_space<hbm>>
      %dma_start3A_84 = tpu.memref_squeeze %dma_start3A_83 : memref<1x1x1x3x40xi32, #tpu.memory_space<hbm>> -> memref<3x40xi32, #tpu.memory_space<hbm>>
      tpu.enqueue_dma source(%dma_start3A_84 : memref<3x40xi32, #tpu.memory_space<hbm>>) target(%arg9 : memref<3x40xi32, #tpu.memory_space<vmem>>) target_semaphore(%arg25 : memref<!tpu.dma_semaphore, #tpu.memory_space<semaphore_mem>>)
      %dma_wait3A = arith.constant 0 : i32
      %dma_wait3A_85 = arith.constant 0 : i32
      %dma_wait3A_86 = arith.constant 0 : i32
      %dma_wait3A_87 = tpu.memref_slice %arg4[%scan3A_9, %arg0, %dma_wait3A, %dma_wait3A_85, %dma_wait3A_86] : memref<5x2x4032x3x40xi32, #tpu.memory_space<hbm>> -> memref<1x1x1x3x40xi32, #tpu.memory_space<hbm>>
      %dma_wait3A_88 = tpu.memref_squeeze %dma_wait3A_87 : memref<1x1x1x3x40xi32, #tpu.memory_space<hbm>> -> memref<3x40xi32, #tpu.memory_space<hbm>>
      %dma_wait3A_89 = arith.constant 0 : i32
      %dma_wait3A_90 = arith.constant 0 : i32
      %dma_wait3A_91 = tpu.memref_slice %arg4[%scan3A_9, %arg0, %dma_wait3A, %dma_wait3A_89, %dma_wait3A_90] : memref<5x2x4032x3x40xi32, #tpu.memory_space<hbm>> -> memref<1x1x1x3x40xi32, #tpu.memory_space<hbm>>
      %dma_wait3A_92 = tpu.memref_squeeze %dma_wait3A_91 : memref<1x1x1x3x40xi32, #tpu.memory_space<hbm>> -> memref<3x40xi32, #tpu.memory_space<hbm>>
      tpu.wait_dma2 semaphore(%arg24 : memref<!tpu.dma_semaphore, #tpu.memory_space<semaphore_mem>>) src(%dma_wait3A_92 : memref<3x40xi32, #tpu.memory_space<hbm>>) dst(%arg8 : memref<3x40xi32, #tpu.memory_space<vmem>>)
      %dma_start3A_93 = arith.constant 0 : i32
      %dma_start3A_94 = arith.constant 0 : i32
      %dma_start3A_95 = tpu.memref_slice %arg8[%dma_start3A_93, %dma_start3A_94] : memref<3x40xi32, #tpu.memory_space<vmem>> -> memref<1x40xi32, #tpu.memory_space<vmem>>
      %dma_start3A_96 = tpu.memref_squeeze %dma_start3A_95 : memref<1x40xi32, #tpu.memory_space<vmem>> -> memref<40xi32, #tpu.memory_space<vmem>>
      %dma_start3A_97 = arith.constant 0 : i32
      %dma_start3A_98 = arith.constant 0 : i32
      %dma_start3A_99 = tpu.memref_slice %arg2[%dma_start3A_97, %dma_start3A_98] : memref<100000x128xf32, #tpu.memory_space<hbm>> -> memref<100000x128xf32, #tpu.memory_space<hbm>>
      tpu.enqueue_indirect_dma source(%dma_start3A_99 : memref<100000x128xf32, #tpu.memory_space<hbm>>) target(%arg12 : memref<40x128xf32, #tpu.memory_space<vmem>>) offsets(%dma_start3A_96 : memref<40xi32, #tpu.memory_space<vmem>>) semaphore(%arg20 : memref<!tpu.dma_semaphore, #tpu.memory_space<semaphore_mem>>)
      %dma_start3A_100 = arith.constant 1 : i32
      %dma_start3A_101 = arith.constant 0 : i32
      %dma_start3A_102 = tpu.memref_slice %arg8[%dma_start3A_100, %dma_start3A_101] : memref<3x40xi32, #tpu.memory_space<vmem>> -> memref<1x40xi32, #tpu.memory_space<vmem>>
      %dma_start3A_103 = tpu.memref_squeeze %dma_start3A_102 : memref<1x40xi32, #tpu.memory_space<vmem>> -> memref<40xi32, #tpu.memory_space<vmem>>
      %dma_start3A_104 = arith.constant 0 : i32
      %dma_start3A_105 = arith.constant 0 : i32
      %dma_start3A_106 = tpu.memref_slice %arg3[%dma_start3A_104, %dma_start3A_105] : memref<100000x128xf32, #tpu.memory_space<hbm>> -> memref<100000x128xf32, #tpu.memory_space<hbm>>
      tpu.enqueue_indirect_dma source(%dma_start3A_106 : memref<100000x128xf32, #tpu.memory_space<hbm>>) target(%arg14 : memref<40x128xf32, #tpu.memory_space<vmem>>) offsets(%dma_start3A_103 : memref<40xi32, #tpu.memory_space<vmem>>) semaphore(%arg20 : memref<!tpu.dma_semaphore, #tpu.memory_space<semaphore_mem>>)
      %scan3A_107 = arith.constant 0 : i32
      %scan3A_108 = arith.constant 0 : i32
      %scan3A_109 = arith.constant 63 : i32
      %scan3A_110 = arith.addi %scan3A_108, %scan3A_109 : i32
      %scan3A_111 = arith.constant 1 : i32
      scf.for %scan3A_158 = %scan3A_108 to %scan3A_110 step %scan3A_111  : i32 {
        %mul3A_159 = arith.constant 4 : i32
        %mul3A_160 = arith.muli %mul3A_159, %scan3A_158 : i32
        %add3A_161 = arith.constant 0 : i32
        %add3A_162 = arith.addi %mul3A_160, %add3A_161 : i32
        %dma_wait3A_163 = arith.constant 0 : i32
        %dma_wait3A_164 = arith.constant 0 : i32
        %dma_wait3A_165 = arith.constant 0 : i32
        %dma_wait3A_166 = tpu.memref_slice %arg4[%scan3A_9, %arg0, %dma_wait3A_163, %dma_wait3A_164, %dma_wait3A_165] : memref<5x2x4032x3x40xi32, #tpu.memory_space<hbm>> -> memref<1x1x1x3x40xi32, #tpu.memory_space<hbm>>
        %dma_wait3A_167 = tpu.memref_squeeze %dma_wait3A_166 : memref<1x1x1x3x40xi32, #tpu.memory_space<hbm>> -> memref<3x40xi32, #tpu.memory_space<hbm>>
        %dma_wait3A_168 = arith.constant 0 : i32
        %dma_wait3A_169 = arith.constant 0 : i32
        %dma_wait3A_170 = tpu.memref_slice %arg4[%scan3A_9, %arg0, %dma_wait3A_163, %dma_wait3A_168, %dma_wait3A_169] : memref<5x2x4032x3x40xi32, #tpu.memory_space<hbm>> -> memref<1x1x1x3x40xi32, #tpu.memory_space<hbm>>
        %dma_wait3A_171 = tpu.memref_squeeze %dma_wait3A_170 : memref<1x1x1x3x40xi32, #tpu.memory_space<hbm>> -> memref<3x40xi32, #tpu.memory_space<hbm>>
        tpu.wait_dma2 semaphore(%arg25 : memref<!tpu.dma_semaphore, #tpu.memory_space<semaphore_mem>>) src(%dma_wait3A_171 : memref<3x40xi32, #tpu.memory_space<hbm>>) dst(%arg9 : memref<3x40xi32, #tpu.memory_space<vmem>>)
        %dma_start3A_172 = arith.constant 0 : i32
        %dma_start3A_173 = arith.constant 0 : i32
        %dma_start3A_174 = tpu.memref_slice %arg9[%dma_start3A_172, %dma_start3A_173] : memref<3x40xi32, #tpu.memory_space<vmem>> -> memref<1x40xi32, #tpu.memory_space<vmem>>
        %dma_start3A_175 = tpu.memref_squeeze %dma_start3A_174 : memref<1x40xi32, #tpu.memory_space<vmem>> -> memref<40xi32, #tpu.memory_space<vmem>>
        %dma_start3A_176 = arith.constant 0 : i32
        %dma_start3A_177 = arith.constant 0 : i32
        %dma_start3A_178 = tpu.memref_slice %arg2[%dma_start3A_176, %dma_start3A_177] : memref<100000x128xf32, #tpu.memory_space<hbm>> -> memref<100000x128xf32, #tpu.memory_space<hbm>>
        tpu.enqueue_indirect_dma source(%dma_start3A_178 : memref<100000x128xf32, #tpu.memory_space<hbm>>) target(%arg13 : memref<40x128xf32, #tpu.memory_space<vmem>>) offsets(%dma_start3A_175 : memref<40xi32, #tpu.memory_space<vmem>>) semaphore(%arg21 : memref<!tpu.dma_semaphore, #tpu.memory_space<semaphore_mem>>)
        %dma_start3A_179 = arith.constant 1 : i32
        %dma_start3A_180 = arith.constant 0 : i32
        %dma_start3A_181 = tpu.memref_slice %arg9[%dma_start3A_179, %dma_start3A_180] : memref<3x40xi32, #tpu.memory_space<vmem>> -> memref<1x40xi32, #tpu.memory_space<vmem>>
        %dma_start3A_182 = tpu.memref_squeeze %dma_start3A_181 : memref<1x40xi32, #tpu.memory_space<vmem>> -> memref<40xi32, #tpu.memory_space<vmem>>
        %dma_start3A_183 = arith.constant 0 : i32
        %dma_start3A_184 = arith.constant 0 : i32
        %dma_start3A_185 = tpu.memref_slice %arg3[%dma_start3A_183, %dma_start3A_184] : memref<100000x128xf32, #tpu.memory_space<hbm>> -> memref<100000x128xf32, #tpu.memory_space<hbm>>
        tpu.enqueue_indirect_dma source(%dma_start3A_185 : memref<100000x128xf32, #tpu.memory_space<hbm>>) target(%arg15 : memref<40x128xf32, #tpu.memory_space<vmem>>) offsets(%dma_start3A_182 : memref<40xi32, #tpu.memory_space<vmem>>) semaphore(%arg21 : memref<!tpu.dma_semaphore, #tpu.memory_space<semaphore_mem>>)
        %gt3A = arith.constant 0 : i32
        %gt3A_186 = arith.cmpi sgt, %scan3A_158, %gt3A : i32
        %convert_element_type3A = arith.extui %gt3A_186 : i1 to i32
        %cond3A = arith.constant 2 : i32
        %cond3A_187 = arith.constant 0 : i32
        %cond3A_188 = arith.cmpi ne, %convert_element_type3A, %cond3A_187 : i32
        scf.if %cond3A_188 {
          %dma_wait3A_444 = arith.constant 0 : i32
          %dma_wait3A_445 = tpu.memref_slice %arg8[%cond3A, %dma_wait3A_444] : memref<3x40xi32, #tpu.memory_space<vmem>> -> memref<1x40xi32, #tpu.memory_space<vmem>>
          %dma_wait3A_446 = tpu.memref_squeeze %dma_wait3A_445 : memref<1x40xi32, #tpu.memory_space<vmem>> -> memref<40xi32, #tpu.memory_space<vmem>>
          %dma_wait3A_447 = arith.constant 0 : i32
          %dma_wait3A_448 = arith.constant 0 : i32
          %dma_wait3A_449 = tpu.memref_slice %arg7[%dma_wait3A_447, %dma_wait3A_448] : memref<10016x144xf32, #tpu.memory_space<vmem_shared>> -> memref<10016x144xf32, #tpu.memory_space<vmem_shared>>
          tpu.wait_indirect_dma semaphore(%arg22 : memref<!tpu.dma_semaphore, #tpu.memory_space<semaphore_mem>>) src(%arg16 : memref<40x144xf32, #tpu.memory_space<vmem>>) dst(%dma_wait3A_449 : memref<10016x144xf32, #tpu.memory_space<vmem_shared>>)
        } else {
        }
        %add3A_189 = arith.constant 2 : i32
        %add3A_190 = arith.addi %add3A_162, %add3A_189 : i32
        %min3A = arith.constant 251 : i32
        %min3A_191 = arith.minsi %add3A_190, %min3A : i32
        %mul3A_192 = arith.constant 252 : i32
        %mul3A_193 = arith.muli %arg1, %mul3A_192 : i32
        %add3A_194 = arith.addi %mul3A_193, %min3A_191 : i32
        %dma_start3A_195 = arith.constant 0 : i32
        %dma_start3A_196 = arith.constant 0 : i32
        %dma_start3A_197 = tpu.memref_slice %arg4[%scan3A_9, %arg0, %add3A_194, %dma_start3A_195, %dma_start3A_196] : memref<5x2x4032x3x40xi32, #tpu.memory_space<hbm>> -> memref<1x1x1x3x40xi32, #tpu.memory_space<hbm>>
        %dma_start3A_198 = tpu.memref_squeeze %dma_start3A_197 : memref<1x1x1x3x40xi32, #tpu.memory_space<hbm>> -> memref<3x40xi32, #tpu.memory_space<hbm>>
        %dma_start3A_199 = arith.constant 0 : i32
        %dma_start3A_200 = arith.constant 0 : i32
        %dma_start3A_201 = tpu.memref_slice %arg4[%scan3A_9, %arg0, %add3A_194, %dma_start3A_199, %dma_start3A_200] : memref<5x2x4032x3x40xi32, #tpu.memory_space<hbm>> -> memref<1x1x1x3x40xi32, #tpu.memory_space<hbm>>
        %dma_start3A_202 = tpu.memref_squeeze %dma_start3A_201 : memref<1x1x1x3x40xi32, #tpu.memory_space<hbm>> -> memref<3x40xi32, #tpu.memory_space<hbm>>
        tpu.enqueue_dma source(%dma_start3A_202 : memref<3x40xi32, #tpu.memory_space<hbm>>) target(%arg10 : memref<3x40xi32, #tpu.memory_space<vmem>>) target_semaphore(%arg24 : memref<!tpu.dma_semaphore, #tpu.memory_space<semaphore_mem>>)
        %dma_wait3A_203 = arith.constant 0 : i32
        %dma_wait3A_204 = arith.constant 0 : i32
        %dma_wait3A_205 = tpu.memref_slice %arg8[%dma_wait3A_203, %dma_wait3A_204] : memref<3x40xi32, #tpu.memory_space<vmem>> -> memref<1x40xi32, #tpu.memory_space<vmem>>
        %dma_wait3A_206 = tpu.memref_squeeze %dma_wait3A_205 : memref<1x40xi32, #tpu.memory_space<vmem>> -> memref<40xi32, #tpu.memory_space<vmem>>
        %dma_wait3A_207 = arith.constant 0 : i32
        %dma_wait3A_208 = arith.constant 0 : i32
        %dma_wait3A_209 = tpu.memref_slice %arg2[%dma_wait3A_207, %dma_wait3A_208] : memref<100000x128xf32, #tpu.memory_space<hbm>> -> memref<100000x128xf32, #tpu.memory_space<hbm>>
        tpu.wait_indirect_dma semaphore(%arg20 : memref<!tpu.dma_semaphore, #tpu.memory_space<semaphore_mem>>) src(%dma_wait3A_209 : memref<100000x128xf32, #tpu.memory_space<hbm>>) dst(%arg12 : memref<40x128xf32, #tpu.memory_space<vmem>>)
        %dma_wait3A_210 = arith.constant 1 : i32
        %dma_wait3A_211 = arith.constant 0 : i32
        %dma_wait3A_212 = tpu.memref_slice %arg8[%dma_wait3A_210, %dma_wait3A_211] : memref<3x40xi32, #tpu.memory_space<vmem>> -> memref<1x40xi32, #tpu.memory_space<vmem>>
        %dma_wait3A_213 = tpu.memref_squeeze %dma_wait3A_212 : memref<1x40xi32, #tpu.memory_space<vmem>> -> memref<40xi32, #tpu.memory_space<vmem>>
        %dma_wait3A_214 = arith.constant 0 : i32
        %dma_wait3A_215 = arith.constant 0 : i32
        %dma_wait3A_216 = tpu.memref_slice %arg3[%dma_wait3A_214, %dma_wait3A_215] : memref<100000x128xf32, #tpu.memory_space<hbm>> -> memref<100000x128xf32, #tpu.memory_space<hbm>>
        tpu.wait_indirect_dma semaphore(%arg20 : memref<!tpu.dma_semaphore, #tpu.memory_space<semaphore_mem>>) src(%dma_wait3A_216 : memref<100000x128xf32, #tpu.memory_space<hbm>>) dst(%arg14 : memref<40x128xf32, #tpu.memory_space<vmem>>)
        %parallel_loop3A = arith.constant 0 : i32
        %parallel_loop3A_217 = arith.constant 40 : i32
        %parallel_loop3A_218 = arith.constant 1 : i32
        scf.for %parallel_loop3A_444 = %parallel_loop3A to %parallel_loop3A_217 step %parallel_loop3A_218  : i32 {
          %parallel_loop3A_445 = arith.index_cast %parallel_loop3A_444 : i32 to index
          %parallel_loop3A_446 = arith.constant 0 : index
          %parallel_loop3A_447 = tpu.vector_load %arg12[%parallel_loop3A_445, %parallel_loop3A_446] {strides = array<i32>} : memref<40x128xf32, #tpu.memory_space<vmem>>, vector<16xf32>,
          %parallel_loop3A_448 = arith.index_cast %parallel_loop3A_444 : i32 to index
          %parallel_loop3A_449 = arith.constant 16 : index
          %parallel_loop3A_450 = tpu.vector_load %arg12[%parallel_loop3A_448, %parallel_loop3A_449] {strides = array<i32>} : memref<40x128xf32, #tpu.memory_space<vmem>>, vector<16xf32>,
          %parallel_loop3A_451 = arith.index_cast %parallel_loop3A_444 : i32 to index
          %parallel_loop3A_452 = arith.constant 32 : index
          %parallel_loop3A_453 = tpu.vector_load %arg12[%parallel_loop3A_451, %parallel_loop3A_452] {strides = array<i32>} : memref<40x128xf32, #tpu.memory_space<vmem>>, vector<16xf32>,
          %parallel_loop3A_454 = arith.index_cast %parallel_loop3A_444 : i32 to index
          %parallel_loop3A_455 = arith.constant 48 : index
          %parallel_loop3A_456 = tpu.vector_load %arg12[%parallel_loop3A_454, %parallel_loop3A_455] {strides = array<i32>} : memref<40x128xf32, #tpu.memory_space<vmem>>, vector<16xf32>,
          %parallel_loop3A_457 = arith.index_cast %parallel_loop3A_444 : i32 to index
          %parallel_loop3A_458 = arith.constant 64 : index
          %parallel_loop3A_459 = tpu.vector_load %arg12[%parallel_loop3A_457, %parallel_loop3A_458] {strides = array<i32>} : memref<40x128xf32, #tpu.memory_space<vmem>>, vector<16xf32>,
          %parallel_loop3A_460 = arith.index_cast %parallel_loop3A_444 : i32 to index
          %parallel_loop3A_461 = arith.constant 80 : index
          %parallel_loop3A_462 = tpu.vector_load %arg12[%parallel_loop3A_460, %parallel_loop3A_461] {strides = array<i32>} : memref<40x128xf32, #tpu.memory_space<vmem>>, vector<16xf32>,
          %parallel_loop3A_463 = arith.index_cast %parallel_loop3A_444 : i32 to index
          %parallel_loop3A_464 = arith.constant 96 : index
          %parallel_loop3A_465 = tpu.vector_load %arg12[%parallel_loop3A_463, %parallel_loop3A_464] {strides = array<i32>} : memref<40x128xf32, #tpu.memory_space<vmem>>, vector<16xf32>,
          %parallel_loop3A_466 = arith.index_cast %parallel_loop3A_444 : i32 to index
          %parallel_loop3A_467 = arith.constant 112 : index
          %parallel_loop3A_468 = tpu.vector_load %arg12[%parallel_loop3A_466, %parallel_loop3A_467] {strides = array<i32>} : memref<40x128xf32, #tpu.memory_space<vmem>>, vector<16xf32>,
          %parallel_loop3A_469 = arith.index_cast %parallel_loop3A_444 : i32 to index
          %parallel_loop3A_470 = arith.constant 0 : index
          %parallel_loop3A_471 = tpu.vector_load %arg14[%parallel_loop3A_469, %parallel_loop3A_470] {strides = array<i32>} : memref<40x128xf32, #tpu.memory_space<vmem>>, vector<16xf32>,
          %parallel_loop3A_472 = arith.addf %parallel_loop3A_447, %parallel_loop3A_471 : vector<16xf32>
          %parallel_loop3A_473 = arith.constant 0.000000e+00 : f32
          %parallel_loop3A_474 = vector.broadcast %parallel_loop3A_473 : f32 to vector<16xf32>
          %parallel_loop3A_475 = arith.cmpf oge, %parallel_loop3A_472, %parallel_loop3A_474 : vector<16xf32>
          %parallel_loop3A_476 = arith.select %parallel_loop3A_475, %get3A_23, %mul3A_40 : vector<16xi1>, vector<16xf32>
          %parallel_loop3A_477 = arith.mulf %parallel_loop3A_472, %parallel_loop3A_476 : vector<16xf32>
          %parallel_loop3A_478 = arith.index_cast %parallel_loop3A_444 : i32 to index
          %parallel_loop3A_479 = arith.constant 16 : index
          %parallel_loop3A_480 = tpu.vector_load %arg14[%parallel_loop3A_478, %parallel_loop3A_479] {strides = array<i32>} : memref<40x128xf32, #tpu.memory_space<vmem>>, vector<16xf32>,
          %parallel_loop3A_481 = arith.addf %parallel_loop3A_450, %parallel_loop3A_480 : vector<16xf32>
          %parallel_loop3A_482 = arith.constant 0.000000e+00 : f32
          %parallel_loop3A_483 = vector.broadcast %parallel_loop3A_482 : f32 to vector<16xf32>
          %parallel_loop3A_484 = arith.cmpf oge, %parallel_loop3A_481, %parallel_loop3A_483 : vector<16xf32>
          %parallel_loop3A_485 = arith.select %parallel_loop3A_484, %get3A_25, %mul3A_43 : vector<16xi1>, vector<16xf32>
          %parallel_loop3A_486 = arith.mulf %parallel_loop3A_481, %parallel_loop3A_485 : vector<16xf32>
          %parallel_loop3A_487 = arith.addf %parallel_loop3A_477, %parallel_loop3A_486 : vector<16xf32>
          %parallel_loop3A_488 = arith.index_cast %parallel_loop3A_444 : i32 to index
          %parallel_loop3A_489 = arith.constant 32 : index
          %parallel_loop3A_490 = tpu.vector_load %arg14[%parallel_loop3A_488, %parallel_loop3A_489] {strides = array<i32>} : memref<40x128xf32, #tpu.memory_space<vmem>>, vector<16xf32>,
          %parallel_loop3A_491 = arith.addf %parallel_loop3A_453, %parallel_loop3A_490 : vector<16xf32>
          %parallel_loop3A_492 = arith.constant 0.000000e+00 : f32
          %parallel_loop3A_493 = vector.broadcast %parallel_loop3A_492 : f32 to vector<16xf32>
          %parallel_loop3A_494 = arith.cmpf oge, %parallel_loop3A_491, %parallel_loop3A_493 : vector<16xf32>
          %parallel_loop3A_495 = arith.select %parallel_loop3A_494, %get3A_27, %mul3A_46 : vector<16xi1>, vector<16xf32>
          %parallel_loop3A_496 = arith.mulf %parallel_loop3A_491, %parallel_loop3A_495 : vector<16xf32>
          %parallel_loop3A_497 = arith.addf %parallel_loop3A_487, %parallel_loop3A_496 : vector<16xf32>
          %parallel_loop3A_498 = arith.index_cast %parallel_loop3A_444 : i32 to index
          %parallel_loop3A_499 = arith.constant 48 : index
          %parallel_loop3A_500 = tpu.vector_load %arg14[%parallel_loop3A_498, %parallel_loop3A_499] {strides = array<i32>} : memref<40x128xf32, #tpu.memory_space<vmem>>, vector<16xf32>,
          %parallel_loop3A_501 = arith.addf %parallel_loop3A_456, %parallel_loop3A_500 : vector<16xf32>
          %parallel_loop3A_502 = arith.constant 0.000000e+00 : f32
          %parallel_loop3A_503 = vector.broadcast %parallel_loop3A_502 : f32 to vector<16xf32>
          %parallel_loop3A_504 = arith.cmpf oge, %parallel_loop3A_501, %parallel_loop3A_503 : vector<16xf32>
          %parallel_loop3A_505 = arith.select %parallel_loop3A_504, %get3A_29, %mul3A_49 : vector<16xi1>, vector<16xf32>
          %parallel_loop3A_506 = arith.mulf %parallel_loop3A_501, %parallel_loop3A_505 : vector<16xf32>
          %parallel_loop3A_507 = arith.addf %parallel_loop3A_497, %parallel_loop3A_506 : vector<16xf32>
          %parallel_loop3A_508 = arith.index_cast %parallel_loop3A_444 : i32 to index
          %parallel_loop3A_509 = arith.constant 64 : index
          %parallel_loop3A_510 = tpu.vector_load %arg14[%parallel_loop3A_508, %parallel_loop3A_509] {strides = array<i32>} : memref<40x128xf32, #tpu.memory_space<vmem>>, vector<16xf32>,
          %parallel_loop3A_511 = arith.addf %parallel_loop3A_459, %parallel_loop3A_510 : vector<16xf32>
          %parallel_loop3A_512 = arith.constant 0.000000e+00 : f32
          %parallel_loop3A_513 = vector.broadcast %parallel_loop3A_512 : f32 to vector<16xf32>
          %parallel_loop3A_514 = arith.cmpf oge, %parallel_loop3A_511, %parallel_loop3A_513 : vector<16xf32>
          %parallel_loop3A_515 = arith.select %parallel_loop3A_514, %get3A_31, %mul3A_52 : vector<16xi1>, vector<16xf32>
          %parallel_loop3A_516 = arith.mulf %parallel_loop3A_511, %parallel_loop3A_515 : vector<16xf32>
          %parallel_loop3A_517 = arith.index_cast %parallel_loop3A_444 : i32 to index
          %parallel_loop3A_518 = arith.constant 80 : index
          %parallel_loop3A_519 = tpu.vector_load %arg14[%parallel_loop3A_517, %parallel_loop3A_518] {strides = array<i32>} : memref<40x128xf32, #tpu.memory_space<vmem>>, vector<16xf32>,
          %parallel_loop3A_520 = arith.addf %parallel_loop3A_462, %parallel_loop3A_519 : vector<16xf32>
          %parallel_loop3A_521 = arith.constant 0.000000e+00 : f32
          %parallel_loop3A_522 = vector.broadcast %parallel_loop3A_521 : f32 to vector<16xf32>
          %parallel_loop3A_523 = arith.cmpf oge, %parallel_loop3A_520, %parallel_loop3A_522 : vector<16xf32>
          %parallel_loop3A_524 = arith.select %parallel_loop3A_523, %get3A_33, %mul3A_55 : vector<16xi1>, vector<16xf32>
          %parallel_loop3A_525 = arith.mulf %parallel_loop3A_520, %parallel_loop3A_524 : vector<16xf32>
          %parallel_loop3A_526 = arith.addf %parallel_loop3A_516, %parallel_loop3A_525 : vector<16xf32>
          %parallel_loop3A_527 = arith.index_cast %parallel_loop3A_444 : i32 to index
          %parallel_loop3A_528 = arith.constant 96 : index
          %parallel_loop3A_529 = tpu.vector_load %arg14[%parallel_loop3A_527, %parallel_loop3A_528] {strides = array<i32>} : memref<40x128xf32, #tpu.memory_space<vmem>>, vector<16xf32>,
          %parallel_loop3A_530 = arith.addf %parallel_loop3A_465, %parallel_loop3A_529 : vector<16xf32>
          %parallel_loop3A_531 = arith.constant 0.000000e+00 : f32
          %parallel_loop3A_532 = vector.broadcast %parallel_loop3A_531 : f32 to vector<16xf32>
          %parallel_loop3A_533 = arith.cmpf oge, %parallel_loop3A_530, %parallel_loop3A_532 : vector<16xf32>
          %parallel_loop3A_534 = arith.select %parallel_loop3A_533, %get3A_35, %mul3A_58 : vector<16xi1>, vector<16xf32>
          %parallel_loop3A_535 = arith.mulf %parallel_loop3A_530, %parallel_loop3A_534 : vector<16xf32>
          %parallel_loop3A_536 = arith.addf %parallel_loop3A_526, %parallel_loop3A_535 : vector<16xf32>
          %parallel_loop3A_537 = arith.index_cast %parallel_loop3A_444 : i32 to index
          %parallel_loop3A_538 = arith.constant 112 : index
          %parallel_loop3A_539 = tpu.vector_load %arg14[%parallel_loop3A_537, %parallel_loop3A_538] {strides = array<i32>} : memref<40x128xf32, #tpu.memory_space<vmem>>, vector<16xf32>,
          %parallel_loop3A_540 = arith.addf %parallel_loop3A_468, %parallel_loop3A_539 : vector<16xf32>
          %parallel_loop3A_541 = arith.constant 0.000000e+00 : f32
          %parallel_loop3A_542 = vector.broadcast %parallel_loop3A_541 : f32 to vector<16xf32>
          %parallel_loop3A_543 = arith.cmpf oge, %parallel_loop3A_540, %parallel_loop3A_542 : vector<16xf32>
          %parallel_loop3A_544 = arith.select %parallel_loop3A_543, %get3A_37, %mul3A_61 : vector<16xi1>, vector<16xf32>
          %parallel_loop3A_545 = arith.mulf %parallel_loop3A_540, %parallel_loop3A_544 : vector<16xf32>
          %parallel_loop3A_546 = arith.addf %parallel_loop3A_536, %parallel_loop3A_545 : vector<16xf32>
          %parallel_loop3A_547 = arith.addf %parallel_loop3A_507, %parallel_loop3A_546 : vector<16xf32>
          %parallel_loop3A_548 = arith.constant true
          %parallel_loop3A_549 = vector.broadcast %parallel_loop3A_548 : i1 to vector<16xi1>
          %parallel_loop3A_550 = tpu.scan <sum>, %parallel_loop3A_547 masked %parallel_loop3A_549 : vector<16xf32>, vector<16xi1> -> vector<16xf32>
          %parallel_loop3A_551 = vector.extract %parallel_loop3A_550[15] : f32 from vector<16xf32>
          %parallel_loop3A_552 = vector.broadcast %parallel_loop3A_551 : f32 to vector<16xf32>
          %parallel_loop3A_553 = math.exp %parallel_loop3A_552 : vector<16xf32>
          %parallel_loop3A_554 = arith.mulf %parallel_loop3A_553, %parallel_loop3A_447 : vector<16xf32>
          %parallel_loop3A_555 = arith.index_cast %parallel_loop3A_444 : i32 to index
          %parallel_loop3A_556 = arith.constant 0 : index
          %parallel_loop3A_557 = tpu.vector_load %arg16[%parallel_loop3A_555, %parallel_loop3A_556] {strides = array<i32>} : memref<40x144xf32, #tpu.memory_space<vmem>>, vector<16xf32>,
          tpu.vector_store %arg16[%parallel_loop3A_555, %parallel_loop3A_556], %parallel_loop3A_554 {strides = array<i32>} : memref<40x144xf32, #tpu.memory_space<vmem>>, vector<16xf32>,
          %parallel_loop3A_558 = arith.mulf %parallel_loop3A_553, %parallel_loop3A_450 : vector<16xf32>
          %parallel_loop3A_559 = arith.index_cast %parallel_loop3A_444 : i32 to index
          %parallel_loop3A_560 = arith.constant 16 : index
          %parallel_loop3A_561 = tpu.vector_load %arg16[%parallel_loop3A_559, %parallel_loop3A_560] {strides = array<i32>} : memref<40x144xf32, #tpu.memory_space<vmem>>, vector<16xf32>,
          tpu.vector_store %arg16[%parallel_loop3A_559, %parallel_loop3A_560], %parallel_loop3A_558 {strides = array<i32>} : memref<40x144xf32, #tpu.memory_space<vmem>>, vector<16xf32>,
          %parallel_loop3A_562 = arith.mulf %parallel_loop3A_553, %parallel_loop3A_453 : vector<16xf32>
          %parallel_loop3A_563 = arith.index_cast %parallel_loop3A_444 : i32 to index
          %parallel_loop3A_564 = arith.constant 32 : index
          %parallel_loop3A_565 = tpu.vector_load %arg16[%parallel_loop3A_563, %parallel_loop3A_564] {strides = array<i32>} : memref<40x144xf32, #tpu.memory_space<vmem>>, vector<16xf32>,
          tpu.vector_store %arg16[%parallel_loop3A_563, %parallel_loop3A_564], %parallel_loop3A_562 {strides = array<i32>} : memref<40x144xf32, #tpu.memory_space<vmem>>, vector<16xf32>,
          %parallel_loop3A_566 = arith.mulf %parallel_loop3A_553, %parallel_loop3A_456 : vector<16xf32>
          %parallel_loop3A_567 = arith.index_cast %parallel_loop3A_444 : i32 to index
          %parallel_loop3A_568 = arith.constant 48 : index
          %parallel_loop3A_569 = tpu.vector_load %arg16[%parallel_loop3A_567, %parallel_loop3A_568] {strides = array<i32>} : memref<40x144xf32, #tpu.memory_space<vmem>>, vector<16xf32>,
          tpu.vector_store %arg16[%parallel_loop3A_567, %parallel_loop3A_568], %parallel_loop3A_566 {strides = array<i32>} : memref<40x144xf32, #tpu.memory_space<vmem>>, vector<16xf32>,
          %parallel_loop3A_570 = arith.mulf %parallel_loop3A_553, %parallel_loop3A_459 : vector<16xf32>
          %parallel_loop3A_571 = arith.index_cast %parallel_loop3A_444 : i32 to index
          %parallel_loop3A_572 = arith.constant 64 : index
          %parallel_loop3A_573 = tpu.vector_load %arg16[%parallel_loop3A_571, %parallel_loop3A_572] {strides = array<i32>} : memref<40x144xf32, #tpu.memory_space<vmem>>, vector<16xf32>,
          tpu.vector_store %arg16[%parallel_loop3A_571, %parallel_loop3A_572], %parallel_loop3A_570 {strides = array<i32>} : memref<40x144xf32, #tpu.memory_space<vmem>>, vector<16xf32>,
          %parallel_loop3A_574 = arith.mulf %parallel_loop3A_553, %parallel_loop3A_462 : vector<16xf32>
          %parallel_loop3A_575 = arith.index_cast %parallel_loop3A_444 : i32 to index
          %parallel_loop3A_576 = arith.constant 80 : index
          %parallel_loop3A_577 = tpu.vector_load %arg16[%parallel_loop3A_575, %parallel_loop3A_576] {strides = array<i32>} : memref<40x144xf32, #tpu.memory_space<vmem>>, vector<16xf32>,
          tpu.vector_store %arg16[%parallel_loop3A_575, %parallel_loop3A_576], %parallel_loop3A_574 {strides = array<i32>} : memref<40x144xf32, #tpu.memory_space<vmem>>, vector<16xf32>,
          %parallel_loop3A_578 = arith.mulf %parallel_loop3A_553, %parallel_loop3A_465 : vector<16xf32>
          %parallel_loop3A_579 = arith.index_cast %parallel_loop3A_444 : i32 to index
          %parallel_loop3A_580 = arith.constant 96 : index
          %parallel_loop3A_581 = tpu.vector_load %arg16[%parallel_loop3A_579, %parallel_loop3A_580] {strides = array<i32>} : memref<40x144xf32, #tpu.memory_space<vmem>>, vector<16xf32>,
          tpu.vector_store %arg16[%parallel_loop3A_579, %parallel_loop3A_580], %parallel_loop3A_578 {strides = array<i32>} : memref<40x144xf32, #tpu.memory_space<vmem>>, vector<16xf32>,
          %parallel_loop3A_582 = arith.mulf %parallel_loop3A_553, %parallel_loop3A_468 : vector<16xf32>
          %parallel_loop3A_583 = arith.index_cast %parallel_loop3A_444 : i32 to index
          %parallel_loop3A_584 = arith.constant 112 : index
          %parallel_loop3A_585 = tpu.vector_load %arg16[%parallel_loop3A_583, %parallel_loop3A_584] {strides = array<i32>} : memref<40x144xf32, #tpu.memory_space<vmem>>, vector<16xf32>,
          tpu.vector_store %arg16[%parallel_loop3A_583, %parallel_loop3A_584], %parallel_loop3A_582 {strides = array<i32>} : memref<40x144xf32, #tpu.memory_space<vmem>>, vector<16xf32>,
          %parallel_loop3A_586 = arith.select %eq3A_2, %parallel_loop3A_553, %broadcast_in_dim3A_0 : vector<16xi1>, vector<16xf32>
          %parallel_loop3A_587 = arith.index_cast %parallel_loop3A_444 : i32 to index
          %parallel_loop3A_588 = arith.constant 128 : index
          %parallel_loop3A_589 = tpu.vector_load %arg16[%parallel_loop3A_587, %parallel_loop3A_588] {strides = array<i32>} : memref<40x144xf32, #tpu.memory_space<vmem>>, vector<16xf32>,
          tpu.vector_store %arg16[%parallel_loop3A_587, %parallel_loop3A_588], %parallel_loop3A_586 {strides = array<i32>} : memref<40x144xf32, #tpu.memory_space<vmem>>, vector<16xf32>,
        } {sc.loop_unroll_factor = 4 : i64, sc.parallel_access}
        %dma_start3A_219 = arith.constant 2 : i32
        %dma_start3A_220 = arith.constant 0 : i32
        %dma_start3A_221 = tpu.memref_slice %arg8[%dma_start3A_219, %dma_start3A_220] : memref<3x40xi32, #tpu.memory_space<vmem>> -> memref<1x40xi32, #tpu.memory_space<vmem>>
        %dma_start3A_222 = tpu.memref_squeeze %dma_start3A_221 : memref<1x40xi32, #tpu.memory_space<vmem>> -> memref<40xi32, #tpu.memory_space<vmem>>
        %dma_start3A_223 = arith.constant 0 : i32
        %dma_start3A_224 = arith.constant 0 : i32
        %dma_start3A_225 = tpu.memref_slice %arg7[%dma_start3A_223, %dma_start3A_224] : memref<10016x144xf32, #tpu.memory_space<vmem_shared>> -> memref<10016x144xf32, #tpu.memory_space<vmem_shared>>
        tpu.enqueue_indirect_dma source(%arg16 : memref<40x144xf32, #tpu.memory_space<vmem>>) target(%dma_start3A_225 : memref<10016x144xf32, #tpu.memory_space<vmem_shared>>) offsets(%dma_start3A_222 : memref<40xi32, #tpu.memory_space<vmem>>) semaphore(%arg22 : memref<!tpu.dma_semaphore, #tpu.memory_space<semaphore_mem>>) {add = true}
        %mul3A_226 = arith.constant 4 : i32
        %mul3A_227 = arith.muli %mul3A_226, %scan3A_158 : i32
        %add3A_228 = arith.constant 1 : i32
        %add3A_229 = arith.addi %mul3A_227, %add3A_228 : i32
        %dma_wait3A_230 = arith.constant 0 : i32
        %dma_wait3A_231 = arith.constant 0 : i32
        %dma_wait3A_232 = arith.constant 0 : i32
        %dma_wait3A_233 = tpu.memref_slice %arg4[%scan3A_9, %arg0, %dma_wait3A_230, %dma_wait3A_231, %dma_wait3A_232] : memref<5x2x4032x3x40xi32, #tpu.memory_space<hbm>> -> memref<1x1x1x3x40xi32, #tpu.memory_space<hbm>>
        %dma_wait3A_234 = tpu.memref_squeeze %dma_wait3A_233 : memref<1x1x1x3x40xi32, #tpu.memory_space<hbm>> -> memref<3x40xi32, #tpu.memory_space<hbm>>
        %dma_wait3A_235 = arith.constant 0 : i32
        %dma_wait3A_236 = arith.constant 0 : i32
        %dma_wait3A_237 = tpu.memref_slice %arg4[%scan3A_9, %arg0, %dma_wait3A_230, %dma_wait3A_235, %dma_wait3A_236] : memref<5x2x4032x3x40xi32, #tpu.memory_space<hbm>> -> memref<1x1x1x3x40xi32, #tpu.memory_space<hbm>>
        %dma_wait3A_238 = tpu.memref_squeeze %dma_wait3A_237 : memref<1x1x1x3x40xi32, #tpu.memory_space<hbm>> -> memref<3x40xi32, #tpu.memory_space<hbm>>
        tpu.wait_dma2 semaphore(%arg24 : memref<!tpu.dma_semaphore, #tpu.memory_space<semaphore_mem>>) src(%dma_wait3A_238 : memref<3x40xi32, #tpu.memory_space<hbm>>) dst(%arg10 : memref<3x40xi32, #tpu.memory_space<vmem>>)
        %dma_start3A_239 = arith.constant 0 : i32
        %dma_start3A_240 = arith.constant 0 : i32
        %dma_start3A_241 = tpu.memref_slice %arg10[%dma_start3A_239, %dma_start3A_240] : memref<3x40xi32, #tpu.memory_space<vmem>> -> memref<1x40xi32, #tpu.memory_space<vmem>>
        %dma_start3A_242 = tpu.memref_squeeze %dma_start3A_241 : memref<1x40xi32, #tpu.memory_space<vmem>> -> memref<40xi32, #tpu.memory_space<vmem>>
        %dma_start3A_243 = arith.constant 0 : i32
        %dma_start3A_244 = arith.constant 0 : i32
        %dma_start3A_245 = tpu.memref_slice %arg2[%dma_start3A_243, %dma_start3A_244] : memref<100000x128xf32, #tpu.memory_space<hbm>> -> memref<100000x128xf32, #tpu.memory_space<hbm>>
        tpu.enqueue_indirect_dma source(%dma_start3A_245 : memref<100000x128xf32, #tpu.memory_space<hbm>>) target(%arg12 : memref<40x128xf32, #tpu.memory_space<vmem>>) offsets(%dma_start3A_242 : memref<40xi32, #tpu.memory_space<vmem>>) semaphore(%arg20 : memref<!tpu.dma_semaphore, #tpu.memory_space<semaphore_mem>>)
        %dma_start3A_246 = arith.constant 1 : i32
        %dma_start3A_247 = arith.constant 0 : i32
        %dma_start3A_248 = tpu.memref_slice %arg10[%dma_start3A_246, %dma_start3A_247] : memref<3x40xi32, #tpu.memory_space<vmem>> -> memref<1x40xi32, #tpu.memory_space<vmem>>
        %dma_start3A_249 = tpu.memref_squeeze %dma_start3A_248 : memref<1x40xi32, #tpu.memory_space<vmem>> -> memref<40xi32, #tpu.memory_space<vmem>>
        %dma_start3A_250 = arith.constant 0 : i32
        %dma_start3A_251 = arith.constant 0 : i32
        %dma_start3A_252 = tpu.memref_slice %arg3[%dma_start3A_250, %dma_start3A_251] : memref<100000x128xf32, #tpu.memory_space<hbm>> -> memref<100000x128xf32, #tpu.memory_space<hbm>>
        tpu.enqueue_indirect_dma source(%dma_start3A_252 : memref<100000x128xf32, #tpu.memory_space<hbm>>) target(%arg14 : memref<40x128xf32, #tpu.memory_space<vmem>>) offsets(%dma_start3A_249 : memref<40xi32, #tpu.memory_space<vmem>>) semaphore(%arg20 : memref<!tpu.dma_semaphore, #tpu.memory_space<semaphore_mem>>)
        %gt3A_253 = arith.constant 0 : i32
        %gt3A_254 = arith.cmpi sgt, %scan3A_158, %gt3A_253 : i32
        %convert_element_type3A_255 = arith.extui %gt3A_254 : i1 to i32
        %cond3A_256 = arith.constant 2 : i32
        %cond3A_257 = arith.constant 0 : i32
        %cond3A_258 = arith.cmpi ne, %convert_element_type3A_255, %cond3A_257 : i32
        scf.if %cond3A_258 {
          %dma_wait3A_444 = arith.constant 0 : i32
          %dma_wait3A_445 = tpu.memref_slice %arg9[%cond3A_256, %dma_wait3A_444] : memref<3x40xi32, #tpu.memory_space<vmem>> -> memref<1x40xi32, #tpu.memory_space<vmem>>
          %dma_wait3A_446 = tpu.memref_squeeze %dma_wait3A_445 : memref<1x40xi32, #tpu.memory_space<vmem>> -> memref<40xi32, #tpu.memory_space<vmem>>
          %dma_wait3A_447 = arith.constant 0 : i32
          %dma_wait3A_448 = arith.constant 0 : i32
          %dma_wait3A_449 = tpu.memref_slice %arg7[%dma_wait3A_447, %dma_wait3A_448] : memref<10016x144xf32, #tpu.memory_space<vmem_shared>> -> memref<10016x144xf32, #tpu.memory_space<vmem_shared>>
          tpu.wait_indirect_dma semaphore(%arg23 : memref<!tpu.dma_semaphore, #tpu.memory_space<semaphore_mem>>) src(%arg17 : memref<40x144xf32, #tpu.memory_space<vmem>>) dst(%dma_wait3A_449 : memref<10016x144xf32, #tpu.memory_space<vmem_shared>>)
        } else {
        }
        %add3A_259 = arith.constant 2 : i32
        %add3A_260 = arith.addi %add3A_229, %add3A_259 : i32
        %min3A_261 = arith.constant 251 : i32
        %min3A_262 = arith.minsi %add3A_260, %min3A_261 : i32
        %mul3A_263 = arith.constant 252 : i32
        %mul3A_264 = arith.muli %arg1, %mul3A_263 : i32
        %add3A_265 = arith.addi %mul3A_264, %min3A_262 : i32
        %dma_start3A_266 = arith.constant 0 : i32
        %dma_start3A_267 = arith.constant 0 : i32
        %dma_start3A_268 = tpu.memref_slice %arg4[%scan3A_9, %arg0, %add3A_265, %dma_start3A_266, %dma_start3A_267] : memref<5x2x4032x3x40xi32, #tpu.memory_space<hbm>> -> memref<1x1x1x3x40xi32, #tpu.memory_space<hbm>>
        %dma_start3A_269 = tpu.memref_squeeze %dma_start3A_268 : memref<1x1x1x3x40xi32, #tpu.memory_space<hbm>> -> memref<3x40xi32, #tpu.memory_space<hbm>>
        %dma_start3A_270 = arith.constant 0 : i32
        %dma_start3A_271 = arith.constant 0 : i32
        %dma_start3A_272 = tpu.memref_slice %arg4[%scan3A_9, %arg0, %add3A_265, %dma_start3A_270, %dma_start3A_271] : memref<5x2x4032x3x40xi32, #tpu.memory_space<hbm>> -> memref<1x1x1x3x40xi32, #tpu.memory_space<hbm>>
        %dma_start3A_273 = tpu.memref_squeeze %dma_start3A_272 : memref<1x1x1x3x40xi32, #tpu.memory_space<hbm>> -> memref<3x40xi32, #tpu.memory_space<hbm>>
        tpu.enqueue_dma source(%dma_start3A_273 : memref<3x40xi32, #tpu.memory_space<hbm>>) target(%arg11 : memref<3x40xi32, #tpu.memory_space<vmem>>) target_semaphore(%arg25 : memref<!tpu.dma_semaphore, #tpu.memory_space<semaphore_mem>>)
        %dma_wait3A_274 = arith.constant 0 : i32
        %dma_wait3A_275 = arith.constant 0 : i32
        %dma_wait3A_276 = tpu.memref_slice %arg9[%dma_wait3A_274, %dma_wait3A_275] : memref<3x40xi32, #tpu.memory_space<vmem>> -> memref<1x40xi32, #tpu.memory_space<vmem>>
        %dma_wait3A_277 = tpu.memref_squeeze %dma_wait3A_276 : memref<1x40xi32, #tpu.memory_space<vmem>> -> memref<40xi32, #tpu.memory_space<vmem>>
        %dma_wait3A_278 = arith.constant 0 : i32
        %dma_wait3A_279 = arith.constant 0 : i32
        %dma_wait3A_280 = tpu.memref_slice %arg2[%dma_wait3A_278, %dma_wait3A_279] : memref<100000x128xf32, #tpu.memory_space<hbm>> -> memref<100000x128xf32, #tpu.memory_space<hbm>>
        tpu.wait_indirect_dma semaphore(%arg21 : memref<!tpu.dma_semaphore, #tpu.memory_space<semaphore_mem>>) src(%dma_wait3A_280 : memref<100000x128xf32, #tpu.memory_space<hbm>>) dst(%arg13 : memref<40x128xf32, #tpu.memory_space<vmem>>)
        %dma_wait3A_281 = arith.constant 1 : i32
        %dma_wait3A_282 = arith.constant 0 : i32
        %dma_wait3A_283 = tpu.memref_slice %arg9[%dma_wait3A_281, %dma_wait3A_282] : memref<3x40xi32, #tpu.memory_space<vmem>> -> memref<1x40xi32, #tpu.memory_space<vmem>>
        %dma_wait3A_284 = tpu.memref_squeeze %dma_wait3A_283 : memref<1x40xi32, #tpu.memory_space<vmem>> -> memref<40xi32, #tpu.memory_space<vmem>>
        %dma_wait3A_285 = arith.constant 0 : i32
        %dma_wait3A_286 = arith.constant 0 : i32
        %dma_wait3A_287 = tpu.memref_slice %arg3[%dma_wait3A_285, %dma_wait3A_286] : memref<100000x128xf32, #tpu.memory_space<hbm>> -> memref<100000x128xf32, #tpu.memory_space<hbm>>
        tpu.wait_indirect_dma semaphore(%arg21 : memref<!tpu.dma_semaphore, #tpu.memory_space<semaphore_mem>>) src(%dma_wait3A_287 : memref<100000x128xf32, #tpu.memory_space<hbm>>) dst(%arg15 : memref<40x128xf32, #tpu.memory_space<vmem>>)
        %parallel_loop3A_288 = arith.constant 0 : i32
        %parallel_loop3A_289 = arith.constant 40 : i32
        %parallel_loop3A_290 = arith.constant 1 : i32
        scf.for %parallel_loop3A_444 = %parallel_loop3A_288 to %parallel_loop3A_289 step %parallel_loop3A_290  : i32 {
          %parallel_loop3A_445 = arith.index_cast %parallel_loop3A_444 : i32 to index
          %parallel_loop3A_446 = arith.constant 0 : index
          %parallel_loop3A_447 = tpu.vector_load %arg13[%parallel_loop3A_445, %parallel_loop3A_446] {strides = array<i32>} : memref<40x128xf32, #tpu.memory_space<vmem>>, vector<16xf32>,
          %parallel_loop3A_448 = arith.index_cast %parallel_loop3A_444 : i32 to index
          %parallel_loop3A_449 = arith.constant 16 : index
          %parallel_loop3A_450 = tpu.vector_load %arg13[%parallel_loop3A_448, %parallel_loop3A_449] {strides = array<i32>} : memref<40x128xf32, #tpu.memory_space<vmem>>, vector<16xf32>,
          %parallel_loop3A_451 = arith.index_cast %parallel_loop3A_444 : i32 to index
          %parallel_loop3A_452 = arith.constant 32 : index
          %parallel_loop3A_453 = tpu.vector_load %arg13[%parallel_loop3A_451, %parallel_loop3A_452] {strides = array<i32>} : memref<40x128xf32, #tpu.memory_space<vmem>>, vector<16xf32>,
          %parallel_loop3A_454 = arith.index_cast %parallel_loop3A_444 : i32 to index
          %parallel_loop3A_455 = arith.constant 48 : index
          %parallel_loop3A_456 = tpu.vector_load %arg13[%parallel_loop3A_454, %parallel_loop3A_455] {strides = array<i32>} : memref<40x128xf32, #tpu.memory_space<vmem>>, vector<16xf32>,
          %parallel_loop3A_457 = arith.index_cast %parallel_loop3A_444 : i32 to index
          %parallel_loop3A_458 = arith.constant 64 : index
          %parallel_loop3A_459 = tpu.vector_load %arg13[%parallel_loop3A_457, %parallel_loop3A_458] {strides = array<i32>} : memref<40x128xf32, #tpu.memory_space<vmem>>, vector<16xf32>,
          %parallel_loop3A_460 = arith.index_cast %parallel_loop3A_444 : i32 to index
          %parallel_loop3A_461 = arith.constant 80 : index
          %parallel_loop3A_462 = tpu.vector_load %arg13[%parallel_loop3A_460, %parallel_loop3A_461] {strides = array<i32>} : memref<40x128xf32, #tpu.memory_space<vmem>>, vector<16xf32>,
          %parallel_loop3A_463 = arith.index_cast %parallel_loop3A_444 : i32 to index
          %parallel_loop3A_464 = arith.constant 96 : index
          %parallel_loop3A_465 = tpu.vector_load %arg13[%parallel_loop3A_463, %parallel_loop3A_464] {strides = array<i32>} : memref<40x128xf32, #tpu.memory_space<vmem>>, vector<16xf32>,
          %parallel_loop3A_466 = arith.index_cast %parallel_loop3A_444 : i32 to index
          %parallel_loop3A_467 = arith.constant 112 : index
          %parallel_loop3A_468 = tpu.vector_load %arg13[%parallel_loop3A_466, %parallel_loop3A_467] {strides = array<i32>} : memref<40x128xf32, #tpu.memory_space<vmem>>, vector<16xf32>,
          %parallel_loop3A_469 = arith.index_cast %parallel_loop3A_444 : i32 to index
          %parallel_loop3A_470 = arith.constant 0 : index
          %parallel_loop3A_471 = tpu.vector_load %arg15[%parallel_loop3A_469, %parallel_loop3A_470] {strides = array<i32>} : memref<40x128xf32, #tpu.memory_space<vmem>>, vector<16xf32>,
          %parallel_loop3A_472 = arith.addf %parallel_loop3A_447, %parallel_loop3A_471 : vector<16xf32>
          %parallel_loop3A_473 = arith.constant 0.000000e+00 : f32
          %parallel_loop3A_474 = vector.broadcast %parallel_loop3A_473 : f32 to vector<16xf32>
          %parallel_loop3A_475 = arith.cmpf oge, %parallel_loop3A_472, %parallel_loop3A_474 : vector<16xf32>
          %parallel_loop3A_476 = arith.select %parallel_loop3A_475, %get3A_23, %mul3A_40 : vector<16xi1>, vector<16xf32>
          %parallel_loop3A_477 = arith.mulf %parallel_loop3A_472, %parallel_loop3A_476 : vector<16xf32>
          %parallel_loop3A_478 = arith.index_cast %parallel_loop3A_444 : i32 to index
          %parallel_loop3A_479 = arith.constant 16 : index
          %parallel_loop3A_480 = tpu.vector_load %arg15[%parallel_loop3A_478, %parallel_loop3A_479] {strides = array<i32>} : memref<40x128xf32, #tpu.memory_space<vmem>>, vector<16xf32>,
          %parallel_loop3A_481 = arith.addf %parallel_loop3A_450, %parallel_loop3A_480 : vector<16xf32>
          %parallel_loop3A_482 = arith.constant 0.000000e+00 : f32
          %parallel_loop3A_483 = vector.broadcast %parallel_loop3A_482 : f32 to vector<16xf32>
          %parallel_loop3A_484 = arith.cmpf oge, %parallel_loop3A_481, %parallel_loop3A_483 : vector<16xf32>
          %parallel_loop3A_485 = arith.select %parallel_loop3A_484, %get3A_25, %mul3A_43 : vector<16xi1>, vector<16xf32>
          %parallel_loop3A_486 = arith.mulf %parallel_loop3A_481, %parallel_loop3A_485 : vector<16xf32>
          %parallel_loop3A_487 = arith.addf %parallel_loop3A_477, %parallel_loop3A_486 : vector<16xf32>
          %parallel_loop3A_488 = arith.index_cast %parallel_loop3A_444 : i32 to index
          %parallel_loop3A_489 = arith.constant 32 : index
          %parallel_loop3A_490 = tpu.vector_load %arg15[%parallel_loop3A_488, %parallel_loop3A_489] {strides = array<i32>} : memref<40x128xf32, #tpu.memory_space<vmem>>, vector<16xf32>,
          %parallel_loop3A_491 = arith.addf %parallel_loop3A_453, %parallel_loop3A_490 : vector<16xf32>
          %parallel_loop3A_492 = arith.constant 0.000000e+00 : f32
          %parallel_loop3A_493 = vector.broadcast %parallel_loop3A_492 : f32 to vector<16xf32>
          %parallel_loop3A_494 = arith.cmpf oge, %parallel_loop3A_491, %parallel_loop3A_493 : vector<16xf32>
          %parallel_loop3A_495 = arith.select %parallel_loop3A_494, %get3A_27, %mul3A_46 : vector<16xi1>, vector<16xf32>
          %parallel_loop3A_496 = arith.mulf %parallel_loop3A_491, %parallel_loop3A_495 : vector<16xf32>
          %parallel_loop3A_497 = arith.addf %parallel_loop3A_487, %parallel_loop3A_496 : vector<16xf32>
          %parallel_loop3A_498 = arith.index_cast %parallel_loop3A_444 : i32 to index
          %parallel_loop3A_499 = arith.constant 48 : index
          %parallel_loop3A_500 = tpu.vector_load %arg15[%parallel_loop3A_498, %parallel_loop3A_499] {strides = array<i32>} : memref<40x128xf32, #tpu.memory_space<vmem>>, vector<16xf32>,
          %parallel_loop3A_501 = arith.addf %parallel_loop3A_456, %parallel_loop3A_500 : vector<16xf32>
          %parallel_loop3A_502 = arith.constant 0.000000e+00 : f32
          %parallel_loop3A_503 = vector.broadcast %parallel_loop3A_502 : f32 to vector<16xf32>
          %parallel_loop3A_504 = arith.cmpf oge, %parallel_loop3A_501, %parallel_loop3A_503 : vector<16xf32>
          %parallel_loop3A_505 = arith.select %parallel_loop3A_504, %get3A_29, %mul3A_49 : vector<16xi1>, vector<16xf32>
          %parallel_loop3A_506 = arith.mulf %parallel_loop3A_501, %parallel_loop3A_505 : vector<16xf32>
          %parallel_loop3A_507 = arith.addf %parallel_loop3A_497, %parallel_loop3A_506 : vector<16xf32>
          %parallel_loop3A_508 = arith.index_cast %parallel_loop3A_444 : i32 to index
          %parallel_loop3A_509 = arith.constant 64 : index
          %parallel_loop3A_510 = tpu.vector_load %arg15[%parallel_loop3A_508, %parallel_loop3A_509] {strides = array<i32>} : memref<40x128xf32, #tpu.memory_space<vmem>>, vector<16xf32>,
          %parallel_loop3A_511 = arith.addf %parallel_loop3A_459, %parallel_loop3A_510 : vector<16xf32>
          %parallel_loop3A_512 = arith.constant 0.000000e+00 : f32
          %parallel_loop3A_513 = vector.broadcast %parallel_loop3A_512 : f32 to vector<16xf32>
          %parallel_loop3A_514 = arith.cmpf oge, %parallel_loop3A_511, %parallel_loop3A_513 : vector<16xf32>
          %parallel_loop3A_515 = arith.select %parallel_loop3A_514, %get3A_31, %mul3A_52 : vector<16xi1>, vector<16xf32>
          %parallel_loop3A_516 = arith.mulf %parallel_loop3A_511, %parallel_loop3A_515 : vector<16xf32>
          %parallel_loop3A_517 = arith.index_cast %parallel_loop3A_444 : i32 to index
          %parallel_loop3A_518 = arith.constant 80 : index
          %parallel_loop3A_519 = tpu.vector_load %arg15[%parallel_loop3A_517, %parallel_loop3A_518] {strides = array<i32>} : memref<40x128xf32, #tpu.memory_space<vmem>>, vector<16xf32>,
          %parallel_loop3A_520 = arith.addf %parallel_loop3A_462, %parallel_loop3A_519 : vector<16xf32>
          %parallel_loop3A_521 = arith.constant 0.000000e+00 : f32
          %parallel_loop3A_522 = vector.broadcast %parallel_loop3A_521 : f32 to vector<16xf32>
          %parallel_loop3A_523 = arith.cmpf oge, %parallel_loop3A_520, %parallel_loop3A_522 : vector<16xf32>
          %parallel_loop3A_524 = arith.select %parallel_loop3A_523, %get3A_33, %mul3A_55 : vector<16xi1>, vector<16xf32>
          %parallel_loop3A_525 = arith.mulf %parallel_loop3A_520, %parallel_loop3A_524 : vector<16xf32>
          %parallel_loop3A_526 = arith.addf %parallel_loop3A_516, %parallel_loop3A_525 : vector<16xf32>
          %parallel_loop3A_527 = arith.index_cast %parallel_loop3A_444 : i32 to index
          %parallel_loop3A_528 = arith.constant 96 : index
          %parallel_loop3A_529 = tpu.vector_load %arg15[%parallel_loop3A_527, %parallel_loop3A_528] {strides = array<i32>} : memref<40x128xf32, #tpu.memory_space<vmem>>, vector<16xf32>,
          %parallel_loop3A_530 = arith.addf %parallel_loop3A_465, %parallel_loop3A_529 : vector<16xf32>
          %parallel_loop3A_531 = arith.constant 0.000000e+00 : f32
          %parallel_loop3A_532 = vector.broadcast %parallel_loop3A_531 : f32 to vector<16xf32>
          %parallel_loop3A_533 = arith.cmpf oge, %parallel_loop3A_530, %parallel_loop3A_532 : vector<16xf32>
          %parallel_loop3A_534 = arith.select %parallel_loop3A_533, %get3A_35, %mul3A_58 : vector<16xi1>, vector<16xf32>
          %parallel_loop3A_535 = arith.mulf %parallel_loop3A_530, %parallel_loop3A_534 : vector<16xf32>
          %parallel_loop3A_536 = arith.addf %parallel_loop3A_526, %parallel_loop3A_535 : vector<16xf32>
          %parallel_loop3A_537 = arith.index_cast %parallel_loop3A_444 : i32 to index
          %parallel_loop3A_538 = arith.constant 112 : index
          %parallel_loop3A_539 = tpu.vector_load %arg15[%parallel_loop3A_537, %parallel_loop3A_538] {strides = array<i32>} : memref<40x128xf32, #tpu.memory_space<vmem>>, vector<16xf32>,
          %parallel_loop3A_540 = arith.addf %parallel_loop3A_468, %parallel_loop3A_539 : vector<16xf32>
          %parallel_loop3A_541 = arith.constant 0.000000e+00 : f32
          %parallel_loop3A_542 = vector.broadcast %parallel_loop3A_541 : f32 to vector<16xf32>
          %parallel_loop3A_543 = arith.cmpf oge, %parallel_loop3A_540, %parallel_loop3A_542 : vector<16xf32>
          %parallel_loop3A_544 = arith.select %parallel_loop3A_543, %get3A_37, %mul3A_61 : vector<16xi1>, vector<16xf32>
          %parallel_loop3A_545 = arith.mulf %parallel_loop3A_540, %parallel_loop3A_544 : vector<16xf32>
          %parallel_loop3A_546 = arith.addf %parallel_loop3A_536, %parallel_loop3A_545 : vector<16xf32>
          %parallel_loop3A_547 = arith.addf %parallel_loop3A_507, %parallel_loop3A_546 : vector<16xf32>
          %parallel_loop3A_548 = arith.constant true
          %parallel_loop3A_549 = vector.broadcast %parallel_loop3A_548 : i1 to vector<16xi1>
          %parallel_loop3A_550 = tpu.scan <sum>, %parallel_loop3A_547 masked %parallel_loop3A_549 : vector<16xf32>, vector<16xi1> -> vector<16xf32>
          %parallel_loop3A_551 = vector.extract %parallel_loop3A_550[15] : f32 from vector<16xf32>
          %parallel_loop3A_552 = vector.broadcast %parallel_loop3A_551 : f32 to vector<16xf32>
          %parallel_loop3A_553 = math.exp %parallel_loop3A_552 : vector<16xf32>
          %parallel_loop3A_554 = arith.mulf %parallel_loop3A_553, %parallel_loop3A_447 : vector<16xf32>
          %parallel_loop3A_555 = arith.index_cast %parallel_loop3A_444 : i32 to index
          %parallel_loop3A_556 = arith.constant 0 : index
          %parallel_loop3A_557 = tpu.vector_load %arg17[%parallel_loop3A_555, %parallel_loop3A_556] {strides = array<i32>} : memref<40x144xf32, #tpu.memory_space<vmem>>, vector<16xf32>,
          tpu.vector_store %arg17[%parallel_loop3A_555, %parallel_loop3A_556], %parallel_loop3A_554 {strides = array<i32>} : memref<40x144xf32, #tpu.memory_space<vmem>>, vector<16xf32>,
          %parallel_loop3A_558 = arith.mulf %parallel_loop3A_553, %parallel_loop3A_450 : vector<16xf32>
          %parallel_loop3A_559 = arith.index_cast %parallel_loop3A_444 : i32 to index
          %parallel_loop3A_560 = arith.constant 16 : index
          %parallel_loop3A_561 = tpu.vector_load %arg17[%parallel_loop3A_559, %parallel_loop3A_560] {strides = array<i32>} : memref<40x144xf32, #tpu.memory_space<vmem>>, vector<16xf32>,
          tpu.vector_store %arg17[%parallel_loop3A_559, %parallel_loop3A_560], %parallel_loop3A_558 {strides = array<i32>} : memref<40x144xf32, #tpu.memory_space<vmem>>, vector<16xf32>,
          %parallel_loop3A_562 = arith.mulf %parallel_loop3A_553, %parallel_loop3A_453 : vector<16xf32>
          %parallel_loop3A_563 = arith.index_cast %parallel_loop3A_444 : i32 to index
          %parallel_loop3A_564 = arith.constant 32 : index
          %parallel_loop3A_565 = tpu.vector_load %arg17[%parallel_loop3A_563, %parallel_loop3A_564] {strides = array<i32>} : memref<40x144xf32, #tpu.memory_space<vmem>>, vector<16xf32>,
          tpu.vector_store %arg17[%parallel_loop3A_563, %parallel_loop3A_564], %parallel_loop3A_562 {strides = array<i32>} : memref<40x144xf32, #tpu.memory_space<vmem>>, vector<16xf32>,
          %parallel_loop3A_566 = arith.mulf %parallel_loop3A_553, %parallel_loop3A_456 : vector<16xf32>
          %parallel_loop3A_567 = arith.index_cast %parallel_loop3A_444 : i32 to index
          %parallel_loop3A_568 = arith.constant 48 : index
          %parallel_loop3A_569 = tpu.vector_load %arg17[%parallel_loop3A_567, %parallel_loop3A_568] {strides = array<i32>} : memref<40x144xf32, #tpu.memory_space<vmem>>, vector<16xf32>,
          tpu.vector_store %arg17[%parallel_loop3A_567, %parallel_loop3A_568], %parallel_loop3A_566 {strides = array<i32>} : memref<40x144xf32, #tpu.memory_space<vmem>>, vector<16xf32>,
          %parallel_loop3A_570 = arith.mulf %parallel_loop3A_553, %parallel_loop3A_459 : vector<16xf32>
          %parallel_loop3A_571 = arith.index_cast %parallel_loop3A_444 : i32 to index
          %parallel_loop3A_572 = arith.constant 64 : index
          %parallel_loop3A_573 = tpu.vector_load %arg17[%parallel_loop3A_571, %parallel_loop3A_572] {strides = array<i32>} : memref<40x144xf32, #tpu.memory_space<vmem>>, vector<16xf32>,
          tpu.vector_store %arg17[%parallel_loop3A_571, %parallel_loop3A_572], %parallel_loop3A_570 {strides = array<i32>} : memref<40x144xf32, #tpu.memory_space<vmem>>, vector<16xf32>,
          %parallel_loop3A_574 = arith.mulf %parallel_loop3A_553, %parallel_loop3A_462 : vector<16xf32>
          %parallel_loop3A_575 = arith.index_cast %parallel_loop3A_444 : i32 to index
          %parallel_loop3A_576 = arith.constant 80 : index
          %parallel_loop3A_577 = tpu.vector_load %arg17[%parallel_loop3A_575, %parallel_loop3A_576] {strides = array<i32>} : memref<40x144xf32, #tpu.memory_space<vmem>>, vector<16xf32>,
          tpu.vector_store %arg17[%parallel_loop3A_575, %parallel_loop3A_576], %parallel_loop3A_574 {strides = array<i32>} : memref<40x144xf32, #tpu.memory_space<vmem>>, vector<16xf32>,
          %parallel_loop3A_578 = arith.mulf %parallel_loop3A_553, %parallel_loop3A_465 : vector<16xf32>
          %parallel_loop3A_579 = arith.index_cast %parallel_loop3A_444 : i32 to index
          %parallel_loop3A_580 = arith.constant 96 : index
          %parallel_loop3A_581 = tpu.vector_load %arg17[%parallel_loop3A_579, %parallel_loop3A_580] {strides = array<i32>} : memref<40x144xf32, #tpu.memory_space<vmem>>, vector<16xf32>,
          tpu.vector_store %arg17[%parallel_loop3A_579, %parallel_loop3A_580], %parallel_loop3A_578 {strides = array<i32>} : memref<40x144xf32, #tpu.memory_space<vmem>>, vector<16xf32>,
          %parallel_loop3A_582 = arith.mulf %parallel_loop3A_553, %parallel_loop3A_468 : vector<16xf32>
          %parallel_loop3A_583 = arith.index_cast %parallel_loop3A_444 : i32 to index
          %parallel_loop3A_584 = arith.constant 112 : index
          %parallel_loop3A_585 = tpu.vector_load %arg17[%parallel_loop3A_583, %parallel_loop3A_584] {strides = array<i32>} : memref<40x144xf32, #tpu.memory_space<vmem>>, vector<16xf32>,
          tpu.vector_store %arg17[%parallel_loop3A_583, %parallel_loop3A_584], %parallel_loop3A_582 {strides = array<i32>} : memref<40x144xf32, #tpu.memory_space<vmem>>, vector<16xf32>,
          %parallel_loop3A_586 = arith.select %eq3A_2, %parallel_loop3A_553, %broadcast_in_dim3A_0 : vector<16xi1>, vector<16xf32>
          %parallel_loop3A_587 = arith.index_cast %parallel_loop3A_444 : i32 to index
          %parallel_loop3A_588 = arith.constant 128 : index
          %parallel_loop3A_589 = tpu.vector_load %arg17[%parallel_loop3A_587, %parallel_loop3A_588] {strides = array<i32>} : memref<40x144xf32, #tpu.memory_space<vmem>>, vector<16xf32>,
          tpu.vector_store %arg17[%parallel_loop3A_587, %parallel_loop3A_588], %parallel_loop3A_586 {strides = array<i32>} : memref<40x144xf32, #tpu.memory_space<vmem>>, vector<16xf32>,
        } {sc.loop_unroll_factor = 4 : i64, sc.parallel_access}
        %dma_start3A_291 = arith.constant 2 : i32
        %dma_start3A_292 = arith.constant 0 : i32
        %dma_start3A_293 = tpu.memref_slice %arg9[%dma_start3A_291, %dma_start3A_292] : memref<3x40xi32, #tpu.memory_space<vmem>> -> memref<1x40xi32, #tpu.memory_space<vmem>>
        %dma_start3A_294 = tpu.memref_squeeze %dma_start3A_293 : memref<1x40xi32, #tpu.memory_space<vmem>> -> memref<40xi32, #tpu.memory_space<vmem>>
        %dma_start3A_295 = arith.constant 0 : i32
        %dma_start3A_296 = arith.constant 0 : i32
        %dma_start3A_297 = tpu.memref_slice %arg7[%dma_start3A_295, %dma_start3A_296] : memref<10016x144xf32, #tpu.memory_space<vmem_shared>> -> memref<10016x144xf32, #tpu.memory_space<vmem_shared>>
        tpu.enqueue_indirect_dma source(%arg17 : memref<40x144xf32, #tpu.memory_space<vmem>>) target(%dma_start3A_297 : memref<10016x144xf32, #tpu.memory_space<vmem_shared>>) offsets(%dma_start3A_294 : memref<40xi32, #tpu.memory_space<vmem>>) semaphore(%arg23 : memref<!tpu.dma_semaphore, #tpu.memory_space<semaphore_mem>>) {add = true}
        %mul3A_298 = arith.constant 4 : i32
        %mul3A_299 = arith.muli %mul3A_298, %scan3A_158 : i32
        %add3A_300 = arith.constant 2 : i32
        %add3A_301 = arith.addi %mul3A_299, %add3A_300 : i32
        %dma_wait3A_302 = arith.constant 0 : i32
        %dma_wait3A_303 = arith.constant 0 : i32
        %dma_wait3A_304 = arith.constant 0 : i32
        %dma_wait3A_305 = tpu.memref_slice %arg4[%scan3A_9, %arg0, %dma_wait3A_302, %dma_wait3A_303, %dma_wait3A_304] : memref<5x2x4032x3x40xi32, #tpu.memory_space<hbm>> -> memref<1x1x1x3x40xi32, #tpu.memory_space<hbm>>
        %dma_wait3A_306 = tpu.memref_squeeze %dma_wait3A_305 : memref<1x1x1x3x40xi32, #tpu.memory_space<hbm>> -> memref<3x40xi32, #tpu.memory_space<hbm>>
        %dma_wait3A_307 = arith.constant 0 : i32
        %dma_wait3A_308 = arith.constant 0 : i32
        %dma_wait3A_309 = tpu.memref_slice %arg4[%scan3A_9, %arg0, %dma_wait3A_302, %dma_wait3A_307, %dma_wait3A_308] : memref<5x2x4032x3x40xi32, #tpu.memory_space<hbm>> -> memref<1x1x1x3x40xi32, #tpu.memory_space<hbm>>
        %dma_wait3A_310 = tpu.memref_squeeze %dma_wait3A_309 : memref<1x1x1x3x40xi32, #tpu.memory_space<hbm>> -> memref<3x40xi32, #tpu.memory_space<hbm>>
        tpu.wait_dma2 semaphore(%arg25 : memref<!tpu.dma_semaphore, #tpu.memory_space<semaphore_mem>>) src(%dma_wait3A_310 : memref<3x40xi32, #tpu.memory_space<hbm>>) dst(%arg11 : memref<3x40xi32, #tpu.memory_space<vmem>>)
        %dma_start3A_311 = arith.constant 0 : i32
        %dma_start3A_312 = arith.constant 0 : i32
        %dma_start3A_313 = tpu.memref_slice %arg11[%dma_start3A_311, %dma_start3A_312] : memref<3x40xi32, #tpu.memory_space<vmem>> -> memref<1x40xi32, #tpu.memory_space<vmem>>
        %dma_start3A_314 = tpu.memref_squeeze %dma_start3A_313 : memref<1x40xi32, #tpu.memory_space<vmem>> -> memref<40xi32, #tpu.memory_space<vmem>>
        %dma_start3A_315 = arith.constant 0 : i32
        %dma_start3A_316 = arith.constant 0 : i32
        %dma_start3A_317 = tpu.memref_slice %arg2[%dma_start3A_315, %dma_start3A_316] : memref<100000x128xf32, #tpu.memory_space<hbm>> -> memref<100000x128xf32, #tpu.memory_space<hbm>>
        tpu.enqueue_indirect_dma source(%dma_start3A_317 : memref<100000x128xf32, #tpu.memory_space<hbm>>) target(%arg13 : memref<40x128xf32, #tpu.memory_space<vmem>>) offsets(%dma_start3A_314 : memref<40xi32, #tpu.memory_space<vmem>>) semaphore(%arg21 : memref<!tpu.dma_semaphore, #tpu.memory_space<semaphore_mem>>)
        %dma_start3A_318 = arith.constant 1 : i32
        %dma_start3A_319 = arith.constant 0 : i32
        %dma_start3A_320 = tpu.memref_slice %arg11[%dma_start3A_318, %dma_start3A_319] : memref<3x40xi32, #tpu.memory_space<vmem>> -> memref<1x40xi32, #tpu.memory_space<vmem>>
        %dma_start3A_321 = tpu.memref_squeeze %dma_start3A_320 : memref<1x40xi32, #tpu.memory_space<vmem>> -> memref<40xi32, #tpu.memory_space<vmem>>
        %dma_start3A_322 = arith.constant 0 : i32
        %dma_start3A_323 = arith.constant 0 : i32
        %dma_start3A_324 = tpu.memref_slice %arg3[%dma_start3A_322, %dma_start3A_323] : memref<100000x128xf32, #tpu.memory_space<hbm>> -> memref<100000x128xf32, #tpu.memory_space<hbm>>
        tpu.enqueue_indirect_dma source(%dma_start3A_324 : memref<100000x128xf32, #tpu.memory_space<hbm>>) target(%arg15 : memref<40x128xf32, #tpu.memory_space<vmem>>) offsets(%dma_start3A_321 : memref<40xi32, #tpu.memory_space<vmem>>) semaphore(%arg21 : memref<!tpu.dma_semaphore, #tpu.memory_space<semaphore_mem>>)
        %dma_wait3A_325 = arith.constant 2 : i32
        %dma_wait3A_326 = arith.constant 0 : i32
        %dma_wait3A_327 = tpu.memref_slice %arg10[%dma_wait3A_325, %dma_wait3A_326] : memref<3x40xi32, #tpu.memory_space<vmem>> -> memref<1x40xi32, #tpu.memory_space<vmem>>
        %dma_wait3A_328 = tpu.memref_squeeze %dma_wait3A_327 : memref<1x40xi32, #tpu.memory_space<vmem>> -> memref<40xi32, #tpu.memory_space<vmem>>
        %dma_wait3A_329 = arith.constant 0 : i32
        %dma_wait3A_330 = arith.constant 0 : i32
        %dma_wait3A_331 = tpu.memref_slice %arg7[%dma_wait3A_329, %dma_wait3A_330] : memref<10016x144xf32, #tpu.memory_space<vmem_shared>> -> memref<10016x144xf32, #tpu.memory_space<vmem_shared>>
        tpu.wait_indirect_dma semaphore(%arg22 : memref<!tpu.dma_semaphore, #tpu.memory_space<semaphore_mem>>) src(%arg16 : memref<40x144xf32, #tpu.memory_space<vmem>>) dst(%dma_wait3A_331 : memref<10016x144xf32, #tpu.memory_space<vmem_shared>>)
        %add3A_332 = arith.constant 2 : i32
        %add3A_333 = arith.addi %add3A_301, %add3A_332 : i32
        %min3A_334 = arith.constant 251 : i32
        %min3A_335 = arith.minsi %add3A_333, %min3A_334 : i32
        %mul3A_336 = arith.constant 252 : i32
        %mul3A_337 = arith.muli %arg1, %mul3A_336 : i32
        %add3A_338 = arith.addi %mul3A_337, %min3A_335 : i32
        %dma_start3A_339 = arith.constant 0 : i32
        %dma_start3A_340 = arith.constant 0 : i32
        %dma_start3A_341 = tpu.memref_slice %arg4[%scan3A_9, %arg0, %add3A_338, %dma_start3A_339, %dma_start3A_340] : memref<5x2x4032x3x40xi32, #tpu.memory_space<hbm>> -> memref<1x1x1x3x40xi32, #tpu.memory_space<hbm>>
        %dma_start3A_342 = tpu.memref_squeeze %dma_start3A_341 : memref<1x1x1x3x40xi32, #tpu.memory_space<hbm>> -> memref<3x40xi32, #tpu.memory_space<hbm>>
        %dma_start3A_343 = arith.constant 0 : i32
        %dma_start3A_344 = arith.constant 0 : i32
        %dma_start3A_345 = tpu.memref_slice %arg4[%scan3A_9, %arg0, %add3A_338, %dma_start3A_343, %dma_start3A_344] : memref<5x2x4032x3x40xi32, #tpu.memory_space<hbm>> -> memref<1x1x1x3x40xi32, #tpu.memory_space<hbm>>
        %dma_start3A_346 = tpu.memref_squeeze %dma_start3A_345 : memref<1x1x1x3x40xi32, #tpu.memory_space<hbm>> -> memref<3x40xi32, #tpu.memory_space<hbm>>
        tpu.enqueue_dma source(%dma_start3A_346 : memref<3x40xi32, #tpu.memory_space<hbm>>) target(%arg8 : memref<3x40xi32, #tpu.memory_space<vmem>>) target_semaphore(%arg24 : memref<!tpu.dma_semaphore, #tpu.memory_space<semaphore_mem>>)
        %dma_wait3A_347 = arith.constant 0 : i32
        %dma_wait3A_348 = arith.constant 0 : i32
        %dma_wait3A_349 = tpu.memref_slice %arg10[%dma_wait3A_347, %dma_wait3A_348] : memref<3x40xi32, #tpu.memory_space<vmem>> -> memref<1x40xi32, #tpu.memory_space<vmem>>
        %dma_wait3A_350 = tpu.memref_squeeze %dma_wait3A_349 : memref<1x40xi32, #tpu.memory_space<vmem>> -> memref<40xi32, #tpu.memory_space<vmem>>
        %dma_wait3A_351 = arith.constant 0 : i32
        %dma_wait3A_352 = arith.constant 0 : i32
        %dma_wait3A_353 = tpu.memref_slice %arg2[%dma_wait3A_351, %dma_wait3A_352] : memref<100000x128xf32, #tpu.memory_space<hbm>> -> memref<100000x128xf32, #tpu.memory_space<hbm>>
        tpu.wait_indirect_dma semaphore(%arg20 : memref<!tpu.dma_semaphore, #tpu.memory_space<semaphore_mem>>) src(%dma_wait3A_353 : memref<100000x128xf32, #tpu.memory_space<hbm>>) dst(%arg12 : memref<40x128xf32, #tpu.memory_space<vmem>>)
        %dma_wait3A_354 = arith.constant 1 : i32
        %dma_wait3A_355 = arith.constant 0 : i32
        %dma_wait3A_356 = tpu.memref_slice %arg10[%dma_wait3A_354, %dma_wait3A_355] : memref<3x40xi32, #tpu.memory_space<vmem>> -> memref<1x40xi32, #tpu.memory_space<vmem>>
        %dma_wait3A_357 = tpu.memref_squeeze %dma_wait3A_356 : memref<1x40xi32, #tpu.memory_space<vmem>> -> memref<40xi32, #tpu.memory_space<vmem>>
        %dma_wait3A_358 = arith.constant 0 : i32
        %dma_wait3A_359 = arith.constant 0 : i32
        %dma_wait3A_360 = tpu.memref_slice %arg3[%dma_wait3A_358, %dma_wait3A_359] : memref<100000x128xf32, #tpu.memory_space<hbm>> -> memref<100000x128xf32, #tpu.memory_space<hbm>>
        tpu.wait_indirect_dma semaphore(%arg20 : memref<!tpu.dma_semaphore, #tpu.memory_space<semaphore_mem>>) src(%dma_wait3A_360 : memref<100000x128xf32, #tpu.memory_space<hbm>>) dst(%arg14 : memref<40x128xf32, #tpu.memory_space<vmem>>)
        %parallel_loop3A_361 = arith.constant 0 : i32
        %parallel_loop3A_362 = arith.constant 40 : i32
        %parallel_loop3A_363 = arith.constant 1 : i32
        scf.for %parallel_loop3A_444 = %parallel_loop3A_361 to %parallel_loop3A_362 step %parallel_loop3A_363  : i32 {
          %parallel_loop3A_445 = arith.index_cast %parallel_loop3A_444 : i32 to index
          %parallel_loop3A_446 = arith.constant 0 : index
          %parallel_loop3A_447 = tpu.vector_load %arg12[%parallel_loop3A_445, %parallel_loop3A_446] {strides = array<i32>} : memref<40x128xf32, #tpu.memory_space<vmem>>, vector<16xf32>,
          %parallel_loop3A_448 = arith.index_cast %parallel_loop3A_444 : i32 to index
          %parallel_loop3A_449 = arith.constant 16 : index
          %parallel_loop3A_450 = tpu.vector_load %arg12[%parallel_loop3A_448, %parallel_loop3A_449] {strides = array<i32>} : memref<40x128xf32, #tpu.memory_space<vmem>>, vector<16xf32>,
          %parallel_loop3A_451 = arith.index_cast %parallel_loop3A_444 : i32 to index
          %parallel_loop3A_452 = arith.constant 32 : index
          %parallel_loop3A_453 = tpu.vector_load %arg12[%parallel_loop3A_451, %parallel_loop3A_452] {strides = array<i32>} : memref<40x128xf32, #tpu.memory_space<vmem>>, vector<16xf32>,
          %parallel_loop3A_454 = arith.index_cast %parallel_loop3A_444 : i32 to index
          %parallel_loop3A_455 = arith.constant 48 : index
          %parallel_loop3A_456 = tpu.vector_load %arg12[%parallel_loop3A_454, %parallel_loop3A_455] {strides = array<i32>} : memref<40x128xf32, #tpu.memory_space<vmem>>, vector<16xf32>,
          %parallel_loop3A_457 = arith.index_cast %parallel_loop3A_444 : i32 to index
          %parallel_loop3A_458 = arith.constant 64 : index
          %parallel_loop3A_459 = tpu.vector_load %arg12[%parallel_loop3A_457, %parallel_loop3A_458] {strides = array<i32>} : memref<40x128xf32, #tpu.memory_space<vmem>>, vector<16xf32>,
          %parallel_loop3A_460 = arith.index_cast %parallel_loop3A_444 : i32 to index
          %parallel_loop3A_461 = arith.constant 80 : index
          %parallel_loop3A_462 = tpu.vector_load %arg12[%parallel_loop3A_460, %parallel_loop3A_461] {strides = array<i32>} : memref<40x128xf32, #tpu.memory_space<vmem>>, vector<16xf32>,
          %parallel_loop3A_463 = arith.index_cast %parallel_loop3A_444 : i32 to index
          %parallel_loop3A_464 = arith.constant 96 : index
          %parallel_loop3A_465 = tpu.vector_load %arg12[%parallel_loop3A_463, %parallel_loop3A_464] {strides = array<i32>} : memref<40x128xf32, #tpu.memory_space<vmem>>, vector<16xf32>,
          %parallel_loop3A_466 = arith.index_cast %parallel_loop3A_444 : i32 to index
          %parallel_loop3A_467 = arith.constant 112 : index
          %parallel_loop3A_468 = tpu.vector_load %arg12[%parallel_loop3A_466, %parallel_loop3A_467] {strides = array<i32>} : memref<40x128xf32, #tpu.memory_space<vmem>>, vector<16xf32>,
          %parallel_loop3A_469 = arith.index_cast %parallel_loop3A_444 : i32 to index
          %parallel_loop3A_470 = arith.constant 0 : index
          %parallel_loop3A_471 = tpu.vector_load %arg14[%parallel_loop3A_469, %parallel_loop3A_470] {strides = array<i32>} : memref<40x128xf32, #tpu.memory_space<vmem>>, vector<16xf32>,
          %parallel_loop3A_472 = arith.addf %parallel_loop3A_447, %parallel_loop3A_471 : vector<16xf32>
          %parallel_loop3A_473 = arith.constant 0.000000e+00 : f32
          %parallel_loop3A_474 = vector.broadcast %parallel_loop3A_473 : f32 to vector<16xf32>
          %parallel_loop3A_475 = arith.cmpf oge, %parallel_loop3A_472, %parallel_loop3A_474 : vector<16xf32>
          %parallel_loop3A_476 = arith.select %parallel_loop3A_475, %get3A_23, %mul3A_40 : vector<16xi1>, vector<16xf32>
          %parallel_loop3A_477 = arith.mulf %parallel_loop3A_472, %parallel_loop3A_476 : vector<16xf32>
          %parallel_loop3A_478 = arith.index_cast %parallel_loop3A_444 : i32 to index
          %parallel_loop3A_479 = arith.constant 16 : index
          %parallel_loop3A_480 = tpu.vector_load %arg14[%parallel_loop3A_478, %parallel_loop3A_479] {strides = array<i32>} : memref<40x128xf32, #tpu.memory_space<vmem>>, vector<16xf32>,
          %parallel_loop3A_481 = arith.addf %parallel_loop3A_450, %parallel_loop3A_480 : vector<16xf32>
          %parallel_loop3A_482 = arith.constant 0.000000e+00 : f32
          %parallel_loop3A_483 = vector.broadcast %parallel_loop3A_482 : f32 to vector<16xf32>
          %parallel_loop3A_484 = arith.cmpf oge, %parallel_loop3A_481, %parallel_loop3A_483 : vector<16xf32>
          %parallel_loop3A_485 = arith.select %parallel_loop3A_484, %get3A_25, %mul3A_43 : vector<16xi1>, vector<16xf32>
          %parallel_loop3A_486 = arith.mulf %parallel_loop3A_481, %parallel_loop3A_485 : vector<16xf32>
          %parallel_loop3A_487 = arith.addf %parallel_loop3A_477, %parallel_loop3A_486 : vector<16xf32>
          %parallel_loop3A_488 = arith.index_cast %parallel_loop3A_444 : i32 to index
          %parallel_loop3A_489 = arith.constant 32 : index
          %parallel_loop3A_490 = tpu.vector_load %arg14[%parallel_loop3A_488, %parallel_loop3A_489] {strides = array<i32>} : memref<40x128xf32, #tpu.memory_space<vmem>>, vector<16xf32>,
          %parallel_loop3A_491 = arith.addf %parallel_loop3A_453, %parallel_loop3A_490 : vector<16xf32>
          %parallel_loop3A_492 = arith.constant 0.000000e+00 : f32
          %parallel_loop3A_493 = vector.broadcast %parallel_loop3A_492 : f32 to vector<16xf32>
          %parallel_loop3A_494 = arith.cmpf oge, %parallel_loop3A_491, %parallel_loop3A_493 : vector<16xf32>
          %parallel_loop3A_495 = arith.select %parallel_loop3A_494, %get3A_27, %mul3A_46 : vector<16xi1>, vector<16xf32>
          %parallel_loop3A_496 = arith.mulf %parallel_loop3A_491, %parallel_loop3A_495 : vector<16xf32>
          %parallel_loop3A_497 = arith.addf %parallel_loop3A_487, %parallel_loop3A_496 : vector<16xf32>
          %parallel_loop3A_498 = arith.index_cast %parallel_loop3A_444 : i32 to index
          %parallel_loop3A_499 = arith.constant 48 : index
          %parallel_loop3A_500 = tpu.vector_load %arg14[%parallel_loop3A_498, %parallel_loop3A_499] {strides = array<i32>} : memref<40x128xf32, #tpu.memory_space<vmem>>, vector<16xf32>,
          %parallel_loop3A_501 = arith.addf %parallel_loop3A_456, %parallel_loop3A_500 : vector<16xf32>
          %parallel_loop3A_502 = arith.constant 0.000000e+00 : f32
          %parallel_loop3A_503 = vector.broadcast %parallel_loop3A_502 : f32 to vector<16xf32>
          %parallel_loop3A_504 = arith.cmpf oge, %parallel_loop3A_501, %parallel_loop3A_503 : vector<16xf32>
          %parallel_loop3A_505 = arith.select %parallel_loop3A_504, %get3A_29, %mul3A_49 : vector<16xi1>, vector<16xf32>
          %parallel_loop3A_506 = arith.mulf %parallel_loop3A_501, %parallel_loop3A_505 : vector<16xf32>
          %parallel_loop3A_507 = arith.addf %parallel_loop3A_497, %parallel_loop3A_506 : vector<16xf32>
          %parallel_loop3A_508 = arith.index_cast %parallel_loop3A_444 : i32 to index
          %parallel_loop3A_509 = arith.constant 64 : index
          %parallel_loop3A_510 = tpu.vector_load %arg14[%parallel_loop3A_508, %parallel_loop3A_509] {strides = array<i32>} : memref<40x128xf32, #tpu.memory_space<vmem>>, vector<16xf32>,
          %parallel_loop3A_511 = arith.addf %parallel_loop3A_459, %parallel_loop3A_510 : vector<16xf32>
          %parallel_loop3A_512 = arith.constant 0.000000e+00 : f32
          %parallel_loop3A_513 = vector.broadcast %parallel_loop3A_512 : f32 to vector<16xf32>
          %parallel_loop3A_514 = arith.cmpf oge, %parallel_loop3A_511, %parallel_loop3A_513 : vector<16xf32>
          %parallel_loop3A_515 = arith.select %parallel_loop3A_514, %get3A_31, %mul3A_52 : vector<16xi1>, vector<16xf32>
          %parallel_loop3A_516 = arith.mulf %parallel_loop3A_511, %parallel_loop3A_515 : vector<16xf32>
          %parallel_loop3A_517 = arith.index_cast %parallel_loop3A_444 : i32 to index
          %parallel_loop3A_518 = arith.constant 80 : index
          %parallel_loop3A_519 = tpu.vector_load %arg14[%parallel_loop3A_517, %parallel_loop3A_518] {strides = array<i32>} : memref<40x128xf32, #tpu.memory_space<vmem>>, vector<16xf32>,
          %parallel_loop3A_520 = arith.addf %parallel_loop3A_462, %parallel_loop3A_519 : vector<16xf32>
          %parallel_loop3A_521 = arith.constant 0.000000e+00 : f32
          %parallel_loop3A_522 = vector.broadcast %parallel_loop3A_521 : f32 to vector<16xf32>
          %parallel_loop3A_523 = arith.cmpf oge, %parallel_loop3A_520, %parallel_loop3A_522 : vector<16xf32>
          %parallel_loop3A_524 = arith.select %parallel_loop3A_523, %get3A_33, %mul3A_55 : vector<16xi1>, vector<16xf32>
          %parallel_loop3A_525 = arith.mulf %parallel_loop3A_520, %parallel_loop3A_524 : vector<16xf32>
          %parallel_loop3A_526 = arith.addf %parallel_loop3A_516, %parallel_loop3A_525 : vector<16xf32>
          %parallel_loop3A_527 = arith.index_cast %parallel_loop3A_444 : i32 to index
          %parallel_loop3A_528 = arith.constant 96 : index
          %parallel_loop3A_529 = tpu.vector_load %arg14[%parallel_loop3A_527, %parallel_loop3A_528] {strides = array<i32>} : memref<40x128xf32, #tpu.memory_space<vmem>>, vector<16xf32>,
          %parallel_loop3A_530 = arith.addf %parallel_loop3A_465, %parallel_loop3A_529 : vector<16xf32>
          %parallel_loop3A_531 = arith.constant 0.000000e+00 : f32
          %parallel_loop3A_532 = vector.broadcast %parallel_loop3A_531 : f32 to vector<16xf32>
          %parallel_loop3A_533 = arith.cmpf oge, %parallel_loop3A_530, %parallel_loop3A_532 : vector<16xf32>
          %parallel_loop3A_534 = arith.select %parallel_loop3A_533, %get3A_35, %mul3A_58 : vector<16xi1>, vector<16xf32>
          %parallel_loop3A_535 = arith.mulf %parallel_loop3A_530, %parallel_loop3A_534 : vector<16xf32>
          %parallel_loop3A_536 = arith.addf %parallel_loop3A_526, %parallel_loop3A_535 : vector<16xf32>
          %parallel_loop3A_537 = arith.index_cast %parallel_loop3A_444 : i32 to index
          %parallel_loop3A_538 = arith.constant 112 : index
          %parallel_loop3A_539 = tpu.vector_load %arg14[%parallel_loop3A_537, %parallel_loop3A_538] {strides = array<i32>} : memref<40x128xf32, #tpu.memory_space<vmem>>, vector<16xf32>,
          %parallel_loop3A_540 = arith.addf %parallel_loop3A_468, %parallel_loop3A_539 : vector<16xf32>
          %parallel_loop3A_541 = arith.constant 0.000000e+00 : f32
          %parallel_loop3A_542 = vector.broadcast %parallel_loop3A_541 : f32 to vector<16xf32>
          %parallel_loop3A_543 = arith.cmpf oge, %parallel_loop3A_540, %parallel_loop3A_542 : vector<16xf32>
          %parallel_loop3A_544 = arith.select %parallel_loop3A_543, %get3A_37, %mul3A_61 : vector<16xi1>, vector<16xf32>
          %parallel_loop3A_545 = arith.mulf %parallel_loop3A_540, %parallel_loop3A_544 : vector<16xf32>
          %parallel_loop3A_546 = arith.addf %parallel_loop3A_536, %parallel_loop3A_545 : vector<16xf32>
          %parallel_loop3A_547 = arith.addf %parallel_loop3A_507, %parallel_loop3A_546 : vector<16xf32>
          %parallel_loop3A_548 = arith.constant true
          %parallel_loop3A_549 = vector.broadcast %parallel_loop3A_548 : i1 to vector<16xi1>
          %parallel_loop3A_550 = tpu.scan <sum>, %parallel_loop3A_547 masked %parallel_loop3A_549 : vector<16xf32>, vector<16xi1> -> vector<16xf32>
          %parallel_loop3A_551 = vector.extract %parallel_loop3A_550[15] : f32 from vector<16xf32>
          %parallel_loop3A_552 = vector.broadcast %parallel_loop3A_551 : f32 to vector<16xf32>
          %parallel_loop3A_553 = math.exp %parallel_loop3A_552 : vector<16xf32>
          %parallel_loop3A_554 = arith.mulf %parallel_loop3A_553, %parallel_loop3A_447 : vector<16xf32>
          %parallel_loop3A_555 = arith.index_cast %parallel_loop3A_444 : i32 to index
          %parallel_loop3A_556 = arith.constant 0 : index
          %parallel_loop3A_557 = tpu.vector_load %arg16[%parallel_loop3A_555, %parallel_loop3A_556] {strides = array<i32>} : memref<40x144xf32, #tpu.memory_space<vmem>>, vector<16xf32>,
          tpu.vector_store %arg16[%parallel_loop3A_555, %parallel_loop3A_556], %parallel_loop3A_554 {strides = array<i32>} : memref<40x144xf32, #tpu.memory_space<vmem>>, vector<16xf32>,
          %parallel_loop3A_558 = arith.mulf %parallel_loop3A_553, %parallel_loop3A_450 : vector<16xf32>
          %parallel_loop3A_559 = arith.index_cast %parallel_loop3A_444 : i32 to index
          %parallel_loop3A_560 = arith.constant 16 : index
          %parallel_loop3A_561 = tpu.vector_load %arg16[%parallel_loop3A_559, %parallel_loop3A_560] {strides = array<i32>} : memref<40x144xf32, #tpu.memory_space<vmem>>, vector<16xf32>,
          tpu.vector_store %arg16[%parallel_loop3A_559, %parallel_loop3A_560], %parallel_loop3A_558 {strides = array<i32>} : memref<40x144xf32, #tpu.memory_space<vmem>>, vector<16xf32>,
          %parallel_loop3A_562 = arith.mulf %parallel_loop3A_553, %parallel_loop3A_453 : vector<16xf32>
          %parallel_loop3A_563 = arith.index_cast %parallel_loop3A_444 : i32 to index
          %parallel_loop3A_564 = arith.constant 32 : index
          %parallel_loop3A_565 = tpu.vector_load %arg16[%parallel_loop3A_563, %parallel_loop3A_564] {strides = array<i32>} : memref<40x144xf32, #tpu.memory_space<vmem>>, vector<16xf32>,
          tpu.vector_store %arg16[%parallel_loop3A_563, %parallel_loop3A_564], %parallel_loop3A_562 {strides = array<i32>} : memref<40x144xf32, #tpu.memory_space<vmem>>, vector<16xf32>,
          %parallel_loop3A_566 = arith.mulf %parallel_loop3A_553, %parallel_loop3A_456 : vector<16xf32>
          %parallel_loop3A_567 = arith.index_cast %parallel_loop3A_444 : i32 to index
          %parallel_loop3A_568 = arith.constant 48 : index
          %parallel_loop3A_569 = tpu.vector_load %arg16[%parallel_loop3A_567, %parallel_loop3A_568] {strides = array<i32>} : memref<40x144xf32, #tpu.memory_space<vmem>>, vector<16xf32>,
          tpu.vector_store %arg16[%parallel_loop3A_567, %parallel_loop3A_568], %parallel_loop3A_566 {strides = array<i32>} : memref<40x144xf32, #tpu.memory_space<vmem>>, vector<16xf32>,
          %parallel_loop3A_570 = arith.mulf %parallel_loop3A_553, %parallel_loop3A_459 : vector<16xf32>
          %parallel_loop3A_571 = arith.index_cast %parallel_loop3A_444 : i32 to index
          %parallel_loop3A_572 = arith.constant 64 : index
          %parallel_loop3A_573 = tpu.vector_load %arg16[%parallel_loop3A_571, %parallel_loop3A_572] {strides = array<i32>} : memref<40x144xf32, #tpu.memory_space<vmem>>, vector<16xf32>,
          tpu.vector_store %arg16[%parallel_loop3A_571, %parallel_loop3A_572], %parallel_loop3A_570 {strides = array<i32>} : memref<40x144xf32, #tpu.memory_space<vmem>>, vector<16xf32>,
          %parallel_loop3A_574 = arith.mulf %parallel_loop3A_553, %parallel_loop3A_462 : vector<16xf32>
          %parallel_loop3A_575 = arith.index_cast %parallel_loop3A_444 : i32 to index
          %parallel_loop3A_576 = arith.constant 80 : index
          %parallel_loop3A_577 = tpu.vector_load %arg16[%parallel_loop3A_575, %parallel_loop3A_576] {strides = array<i32>} : memref<40x144xf32, #tpu.memory_space<vmem>>, vector<16xf32>,
          tpu.vector_store %arg16[%parallel_loop3A_575, %parallel_loop3A_576], %parallel_loop3A_574 {strides = array<i32>} : memref<40x144xf32, #tpu.memory_space<vmem>>, vector<16xf32>,
          %parallel_loop3A_578 = arith.mulf %parallel_loop3A_553, %parallel_loop3A_465 : vector<16xf32>
          %parallel_loop3A_579 = arith.index_cast %parallel_loop3A_444 : i32 to index
          %parallel_loop3A_580 = arith.constant 96 : index
          %parallel_loop3A_581 = tpu.vector_load %arg16[%parallel_loop3A_579, %parallel_loop3A_580] {strides = array<i32>} : memref<40x144xf32, #tpu.memory_space<vmem>>, vector<16xf32>,
          tpu.vector_store %arg16[%parallel_loop3A_579, %parallel_loop3A_580], %parallel_loop3A_578 {strides = array<i32>} : memref<40x144xf32, #tpu.memory_space<vmem>>, vector<16xf32>,
          %parallel_loop3A_582 = arith.mulf %parallel_loop3A_553, %parallel_loop3A_468 : vector<16xf32>
          %parallel_loop3A_583 = arith.index_cast %parallel_loop3A_444 : i32 to index
          %parallel_loop3A_584 = arith.constant 112 : index
          %parallel_loop3A_585 = tpu.vector_load %arg16[%parallel_loop3A_583, %parallel_loop3A_584] {strides = array<i32>} : memref<40x144xf32, #tpu.memory_space<vmem>>, vector<16xf32>,
          tpu.vector_store %arg16[%parallel_loop3A_583, %parallel_loop3A_584], %parallel_loop3A_582 {strides = array<i32>} : memref<40x144xf32, #tpu.memory_space<vmem>>, vector<16xf32>,
          %parallel_loop3A_586 = arith.select %eq3A_2, %parallel_loop3A_553, %broadcast_in_dim3A_0 : vector<16xi1>, vector<16xf32>
          %parallel_loop3A_587 = arith.index_cast %parallel_loop3A_444 : i32 to index
          %parallel_loop3A_588 = arith.constant 128 : index
          %parallel_loop3A_589 = tpu.vector_load %arg16[%parallel_loop3A_587, %parallel_loop3A_588] {strides = array<i32>} : memref<40x144xf32, #tpu.memory_space<vmem>>, vector<16xf32>,
          tpu.vector_store %arg16[%parallel_loop3A_587, %parallel_loop3A_588], %parallel_loop3A_586 {strides = array<i32>} : memref<40x144xf32, #tpu.memory_space<vmem>>, vector<16xf32>,
        } {sc.loop_unroll_factor = 4 : i64, sc.parallel_access}
        %dma_start3A_364 = arith.constant 2 : i32
        %dma_start3A_365 = arith.constant 0 : i32
        %dma_start3A_366 = tpu.memref_slice %arg10[%dma_start3A_364, %dma_start3A_365] : memref<3x40xi32, #tpu.memory_space<vmem>> -> memref<1x40xi32, #tpu.memory_space<vmem>>
        %dma_start3A_367 = tpu.memref_squeeze %dma_start3A_366 : memref<1x40xi32, #tpu.memory_space<vmem>> -> memref<40xi32, #tpu.memory_space<vmem>>
        %dma_start3A_368 = arith.constant 0 : i32
        %dma_start3A_369 = arith.constant 0 : i32
        %dma_start3A_370 = tpu.memref_slice %arg7[%dma_start3A_368, %dma_start3A_369] : memref<10016x144xf32, #tpu.memory_space<vmem_shared>> -> memref<10016x144xf32, #tpu.memory_space<vmem_shared>>
        tpu.enqueue_indirect_dma source(%arg16 : memref<40x144xf32, #tpu.memory_space<vmem>>) target(%dma_start3A_370 : memref<10016x144xf32, #tpu.memory_space<vmem_shared>>) offsets(%dma_start3A_367 : memref<40xi32, #tpu.memory_space<vmem>>) semaphore(%arg22 : memref<!tpu.dma_semaphore, #tpu.memory_space<semaphore_mem>>) {add = true}
        %mul3A_371 = arith.constant 4 : i32
        %mul3A_372 = arith.muli %mul3A_371, %scan3A_158 : i32
        %add3A_373 = arith.constant 3 : i32
        %add3A_374 = arith.addi %mul3A_372, %add3A_373 : i32
        %dma_wait3A_375 = arith.constant 0 : i32
        %dma_wait3A_376 = arith.constant 0 : i32
        %dma_wait3A_377 = arith.constant 0 : i32
        %dma_wait3A_378 = tpu.memref_slice %arg4[%scan3A_9, %arg0, %dma_wait3A_375, %dma_wait3A_376, %dma_wait3A_377] : memref<5x2x4032x3x40xi32, #tpu.memory_space<hbm>> -> memref<1x1x1x3x40xi32, #tpu.memory_space<hbm>>
        %dma_wait3A_379 = tpu.memref_squeeze %dma_wait3A_378 : memref<1x1x1x3x40xi32, #tpu.memory_space<hbm>> -> memref<3x40xi32, #tpu.memory_space<hbm>>
        %dma_wait3A_380 = arith.constant 0 : i32
        %dma_wait3A_381 = arith.constant 0 : i32
        %dma_wait3A_382 = tpu.memref_slice %arg4[%scan3A_9, %arg0, %dma_wait3A_375, %dma_wait3A_380, %dma_wait3A_381] : memref<5x2x4032x3x40xi32, #tpu.memory_space<hbm>> -> memref<1x1x1x3x40xi32, #tpu.memory_space<hbm>>
        %dma_wait3A_383 = tpu.memref_squeeze %dma_wait3A_382 : memref<1x1x1x3x40xi32, #tpu.memory_space<hbm>> -> memref<3x40xi32, #tpu.memory_space<hbm>>
        tpu.wait_dma2 semaphore(%arg24 : memref<!tpu.dma_semaphore, #tpu.memory_space<semaphore_mem>>) src(%dma_wait3A_383 : memref<3x40xi32, #tpu.memory_space<hbm>>) dst(%arg8 : memref<3x40xi32, #tpu.memory_space<vmem>>)
        %dma_start3A_384 = arith.constant 0 : i32
        %dma_start3A_385 = arith.constant 0 : i32
        %dma_start3A_386 = tpu.memref_slice %arg8[%dma_start3A_384, %dma_start3A_385] : memref<3x40xi32, #tpu.memory_space<vmem>> -> memref<1x40xi32, #tpu.memory_space<vmem>>
        %dma_start3A_387 = tpu.memref_squeeze %dma_start3A_386 : memref<1x40xi32, #tpu.memory_space<vmem>> -> memref<40xi32, #tpu.memory_space<vmem>>
        %dma_start3A_388 = arith.constant 0 : i32
        %dma_start3A_389 = arith.constant 0 : i32
        %dma_start3A_390 = tpu.memref_slice %arg2[%dma_start3A_388, %dma_start3A_389] : memref<100000x128xf32, #tpu.memory_space<hbm>> -> memref<100000x128xf32, #tpu.memory_space<hbm>>
        tpu.enqueue_indirect_dma source(%dma_start3A_390 : memref<100000x128xf32, #tpu.memory_space<hbm>>) target(%arg12 : memref<40x128xf32, #tpu.memory_space<vmem>>) offsets(%dma_start3A_387 : memref<40xi32, #tpu.memory_space<vmem>>) semaphore(%arg20 : memref<!tpu.dma_semaphore, #tpu.memory_space<semaphore_mem>>)
        %dma_start3A_391 = arith.constant 1 : i32
        %dma_start3A_392 = arith.constant 0 : i32
        %dma_start3A_393 = tpu.memref_slice %arg8[%dma_start3A_391, %dma_start3A_392] : memref<3x40xi32, #tpu.memory_space<vmem>> -> memref<1x40xi32, #tpu.memory_space<vmem>>
        %dma_start3A_394 = tpu.memref_squeeze %dma_start3A_393 : memref<1x40xi32, #tpu.memory_space<vmem>> -> memref<40xi32, #tpu.memory_space<vmem>>
        %dma_start3A_395 = arith.constant 0 : i32
        %dma_start3A_396 = arith.constant 0 : i32
        %dma_start3A_397 = tpu.memref_slice %arg3[%dma_start3A_395, %dma_start3A_396] : memref<100000x128xf32, #tpu.memory_space<hbm>> -> memref<100000x128xf32, #tpu.memory_space<hbm>>
        tpu.enqueue_indirect_dma source(%dma_start3A_397 : memref<100000x128xf32, #tpu.memory_space<hbm>>) target(%arg14 : memref<40x128xf32, #tpu.memory_space<vmem>>) offsets(%dma_start3A_394 : memref<40xi32, #tpu.memory_space<vmem>>) semaphore(%arg20 : memref<!tpu.dma_semaphore, #tpu.memory_space<semaphore_mem>>)
        %dma_wait3A_398 = arith.constant 2 : i32
        %dma_wait3A_399 = arith.constant 0 : i32
        %dma_wait3A_400 = tpu.memref_slice %arg11[%dma_wait3A_398, %dma_wait3A_399] : memref<3x40xi32, #tpu.memory_space<vmem>> -> memref<1x40xi32, #tpu.memory_space<vmem>>
        %dma_wait3A_401 = tpu.memref_squeeze %dma_wait3A_400 : memref<1x40xi32, #tpu.memory_space<vmem>> -> memref<40xi32, #tpu.memory_space<vmem>>
        %dma_wait3A_402 = arith.constant 0 : i32
        %dma_wait3A_403 = arith.constant 0 : i32
        %dma_wait3A_404 = tpu.memref_slice %arg7[%dma_wait3A_402, %dma_wait3A_403] : memref<10016x144xf32, #tpu.memory_space<vmem_shared>> -> memref<10016x144xf32, #tpu.memory_space<vmem_shared>>
        tpu.wait_indirect_dma semaphore(%arg23 : memref<!tpu.dma_semaphore, #tpu.memory_space<semaphore_mem>>) src(%arg17 : memref<40x144xf32, #tpu.memory_space<vmem>>) dst(%dma_wait3A_404 : memref<10016x144xf32, #tpu.memory_space<vmem_shared>>)
        %add3A_405 = arith.constant 2 : i32
        %add3A_406 = arith.addi %add3A_374, %add3A_405 : i32
        %min3A_407 = arith.constant 251 : i32
        %min3A_408 = arith.minsi %add3A_406, %min3A_407 : i32
        %mul3A_409 = arith.constant 252 : i32
        %mul3A_410 = arith.muli %arg1, %mul3A_409 : i32
        %add3A_411 = arith.addi %mul3A_410, %min3A_408 : i32
        %dma_start3A_412 = arith.constant 0 : i32
        %dma_start3A_413 = arith.constant 0 : i32
        %dma_start3A_414 = tpu.memref_slice %arg4[%scan3A_9, %arg0, %add3A_411, %dma_start3A_412, %dma_start3A_413] : memref<5x2x4032x3x40xi32, #tpu.memory_space<hbm>> -> memref<1x1x1x3x40xi32, #tpu.memory_space<hbm>>
        %dma_start3A_415 = tpu.memref_squeeze %dma_start3A_414 : memref<1x1x1x3x40xi32, #tpu.memory_space<hbm>> -> memref<3x40xi32, #tpu.memory_space<hbm>>
        %dma_start3A_416 = arith.constant 0 : i32
        %dma_start3A_417 = arith.constant 0 : i32
        %dma_start3A_418 = tpu.memref_slice %arg4[%scan3A_9, %arg0, %add3A_411, %dma_start3A_416, %dma_start3A_417] : memref<5x2x4032x3x40xi32, #tpu.memory_space<hbm>> -> memref<1x1x1x3x40xi32, #tpu.memory_space<hbm>>
        %dma_start3A_419 = tpu.memref_squeeze %dma_start3A_418 : memref<1x1x1x3x40xi32, #tpu.memory_space<hbm>> -> memref<3x40xi32, #tpu.memory_space<hbm>>
        tpu.enqueue_dma source(%dma_start3A_419 : memref<3x40xi32, #tpu.memory_space<hbm>>) target(%arg9 : memref<3x40xi32, #tpu.memory_space<vmem>>) target_semaphore(%arg25 : memref<!tpu.dma_semaphore, #tpu.memory_space<semaphore_mem>>)
        %dma_wait3A_420 = arith.constant 0 : i32
        %dma_wait3A_421 = arith.constant 0 : i32
        %dma_wait3A_422 = tpu.memref_slice %arg11[%dma_wait3A_420, %dma_wait3A_421] : memref<3x40xi32, #tpu.memory_space<vmem>> -> memref<1x40xi32, #tpu.memory_space<vmem>>
        %dma_wait3A_423 = tpu.memref_squeeze %dma_wait3A_422 : memref<1x40xi32, #tpu.memory_space<vmem>> -> memref<40xi32, #tpu.memory_space<vmem>>
        %dma_wait3A_424 = arith.constant 0 : i32
        %dma_wait3A_425 = arith.constant 0 : i32
        %dma_wait3A_426 = tpu.memref_slice %arg2[%dma_wait3A_424, %dma_wait3A_425] : memref<100000x128xf32, #tpu.memory_space<hbm>> -> memref<100000x128xf32, #tpu.memory_space<hbm>>
        tpu.wait_indirect_dma semaphore(%arg21 : memref<!tpu.dma_semaphore, #tpu.memory_space<semaphore_mem>>) src(%dma_wait3A_426 : memref<100000x128xf32, #tpu.memory_space<hbm>>) dst(%arg13 : memref<40x128xf32, #tpu.memory_space<vmem>>)
        %dma_wait3A_427 = arith.constant 1 : i32
        %dma_wait3A_428 = arith.constant 0 : i32
        %dma_wait3A_429 = tpu.memref_slice %arg11[%dma_wait3A_427, %dma_wait3A_428] : memref<3x40xi32, #tpu.memory_space<vmem>> -> memref<1x40xi32, #tpu.memory_space<vmem>>
        %dma_wait3A_430 = tpu.memref_squeeze %dma_wait3A_429 : memref<1x40xi32, #tpu.memory_space<vmem>> -> memref<40xi32, #tpu.memory_space<vmem>>
        %dma_wait3A_431 = arith.constant 0 : i32
        %dma_wait3A_432 = arith.constant 0 : i32
        %dma_wait3A_433 = tpu.memref_slice %arg3[%dma_wait3A_431, %dma_wait3A_432] : memref<100000x128xf32, #tpu.memory_space<hbm>> -> memref<100000x128xf32, #tpu.memory_space<hbm>>
        tpu.wait_indirect_dma semaphore(%arg21 : memref<!tpu.dma_semaphore, #tpu.memory_space<semaphore_mem>>) src(%dma_wait3A_433 : memref<100000x128xf32, #tpu.memory_space<hbm>>) dst(%arg15 : memref<40x128xf32, #tpu.memory_space<vmem>>)
        %parallel_loop3A_434 = arith.constant 0 : i32
        %parallel_loop3A_435 = arith.constant 40 : i32
        %parallel_loop3A_436 = arith.constant 1 : i32
        scf.for %parallel_loop3A_444 = %parallel_loop3A_434 to %parallel_loop3A_435 step %parallel_loop3A_436  : i32 {
          %parallel_loop3A_445 = arith.index_cast %parallel_loop3A_444 : i32 to index
          %parallel_loop3A_446 = arith.constant 0 : index
          %parallel_loop3A_447 = tpu.vector_load %arg13[%parallel_loop3A_445, %parallel_loop3A_446] {strides = array<i32>} : memref<40x128xf32, #tpu.memory_space<vmem>>, vector<16xf32>,
          %parallel_loop3A_448 = arith.index_cast %parallel_loop3A_444 : i32 to index
          %parallel_loop3A_449 = arith.constant 16 : index
          %parallel_loop3A_450 = tpu.vector_load %arg13[%parallel_loop3A_448, %parallel_loop3A_449] {strides = array<i32>} : memref<40x128xf32, #tpu.memory_space<vmem>>, vector<16xf32>,
          %parallel_loop3A_451 = arith.index_cast %parallel_loop3A_444 : i32 to index
          %parallel_loop3A_452 = arith.constant 32 : index
          %parallel_loop3A_453 = tpu.vector_load %arg13[%parallel_loop3A_451, %parallel_loop3A_452] {strides = array<i32>} : memref<40x128xf32, #tpu.memory_space<vmem>>, vector<16xf32>,
          %parallel_loop3A_454 = arith.index_cast %parallel_loop3A_444 : i32 to index
          %parallel_loop3A_455 = arith.constant 48 : index
          %parallel_loop3A_456 = tpu.vector_load %arg13[%parallel_loop3A_454, %parallel_loop3A_455] {strides = array<i32>} : memref<40x128xf32, #tpu.memory_space<vmem>>, vector<16xf32>,
          %parallel_loop3A_457 = arith.index_cast %parallel_loop3A_444 : i32 to index
          %parallel_loop3A_458 = arith.constant 64 : index
          %parallel_loop3A_459 = tpu.vector_load %arg13[%parallel_loop3A_457, %parallel_loop3A_458] {strides = array<i32>} : memref<40x128xf32, #tpu.memory_space<vmem>>, vector<16xf32>,
          %parallel_loop3A_460 = arith.index_cast %parallel_loop3A_444 : i32 to index
          %parallel_loop3A_461 = arith.constant 80 : index
          %parallel_loop3A_462 = tpu.vector_load %arg13[%parallel_loop3A_460, %parallel_loop3A_461] {strides = array<i32>} : memref<40x128xf32, #tpu.memory_space<vmem>>, vector<16xf32>,
          %parallel_loop3A_463 = arith.index_cast %parallel_loop3A_444 : i32 to index
          %parallel_loop3A_464 = arith.constant 96 : index
          %parallel_loop3A_465 = tpu.vector_load %arg13[%parallel_loop3A_463, %parallel_loop3A_464] {strides = array<i32>} : memref<40x128xf32, #tpu.memory_space<vmem>>, vector<16xf32>,
          %parallel_loop3A_466 = arith.index_cast %parallel_loop3A_444 : i32 to index
          %parallel_loop3A_467 = arith.constant 112 : index
          %parallel_loop3A_468 = tpu.vector_load %arg13[%parallel_loop3A_466, %parallel_loop3A_467] {strides = array<i32>} : memref<40x128xf32, #tpu.memory_space<vmem>>, vector<16xf32>,
          %parallel_loop3A_469 = arith.index_cast %parallel_loop3A_444 : i32 to index
          %parallel_loop3A_470 = arith.constant 0 : index
          %parallel_loop3A_471 = tpu.vector_load %arg15[%parallel_loop3A_469, %parallel_loop3A_470] {strides = array<i32>} : memref<40x128xf32, #tpu.memory_space<vmem>>, vector<16xf32>,
          %parallel_loop3A_472 = arith.addf %parallel_loop3A_447, %parallel_loop3A_471 : vector<16xf32>
          %parallel_loop3A_473 = arith.constant 0.000000e+00 : f32
          %parallel_loop3A_474 = vector.broadcast %parallel_loop3A_473 : f32 to vector<16xf32>
          %parallel_loop3A_475 = arith.cmpf oge, %parallel_loop3A_472, %parallel_loop3A_474 : vector<16xf32>
          %parallel_loop3A_476 = arith.select %parallel_loop3A_475, %get3A_23, %mul3A_40 : vector<16xi1>, vector<16xf32>
          %parallel_loop3A_477 = arith.mulf %parallel_loop3A_472, %parallel_loop3A_476 : vector<16xf32>
          %parallel_loop3A_478 = arith.index_cast %parallel_loop3A_444 : i32 to index
          %parallel_loop3A_479 = arith.constant 16 : index
          %parallel_loop3A_480 = tpu.vector_load %arg15[%parallel_loop3A_478, %parallel_loop3A_479] {strides = array<i32>} : memref<40x128xf32, #tpu.memory_space<vmem>>, vector<16xf32>,
          %parallel_loop3A_481 = arith.addf %parallel_loop3A_450, %parallel_loop3A_480 : vector<16xf32>
          %parallel_loop3A_482 = arith.constant 0.000000e+00 : f32
          %parallel_loop3A_483 = vector.broadcast %parallel_loop3A_482 : f32 to vector<16xf32>
          %parallel_loop3A_484 = arith.cmpf oge, %parallel_loop3A_481, %parallel_loop3A_483 : vector<16xf32>
          %parallel_loop3A_485 = arith.select %parallel_loop3A_484, %get3A_25, %mul3A_43 : vector<16xi1>, vector<16xf32>
          %parallel_loop3A_486 = arith.mulf %parallel_loop3A_481, %parallel_loop3A_485 : vector<16xf32>
          %parallel_loop3A_487 = arith.addf %parallel_loop3A_477, %parallel_loop3A_486 : vector<16xf32>
          %parallel_loop3A_488 = arith.index_cast %parallel_loop3A_444 : i32 to index
          %parallel_loop3A_489 = arith.constant 32 : index
          %parallel_loop3A_490 = tpu.vector_load %arg15[%parallel_loop3A_488, %parallel_loop3A_489] {strides = array<i32>} : memref<40x128xf32, #tpu.memory_space<vmem>>, vector<16xf32>,
          %parallel_loop3A_491 = arith.addf %parallel_loop3A_453, %parallel_loop3A_490 : vector<16xf32>
          %parallel_loop3A_492 = arith.constant 0.000000e+00 : f32
          %parallel_loop3A_493 = vector.broadcast %parallel_loop3A_492 : f32 to vector<16xf32>
          %parallel_loop3A_494 = arith.cmpf oge, %parallel_loop3A_491, %parallel_loop3A_493 : vector<16xf32>
          %parallel_loop3A_495 = arith.select %parallel_loop3A_494, %get3A_27, %mul3A_46 : vector<16xi1>, vector<16xf32>
          %parallel_loop3A_496 = arith.mulf %parallel_loop3A_491, %parallel_loop3A_495 : vector<16xf32>
          %parallel_loop3A_497 = arith.addf %parallel_loop3A_487, %parallel_loop3A_496 : vector<16xf32>
          %parallel_loop3A_498 = arith.index_cast %parallel_loop3A_444 : i32 to index
          %parallel_loop3A_499 = arith.constant 48 : index
          %parallel_loop3A_500 = tpu.vector_load %arg15[%parallel_loop3A_498, %parallel_loop3A_499] {strides = array<i32>} : memref<40x128xf32, #tpu.memory_space<vmem>>, vector<16xf32>,
          %parallel_loop3A_501 = arith.addf %parallel_loop3A_456, %parallel_loop3A_500 : vector<16xf32>
          %parallel_loop3A_502 = arith.constant 0.000000e+00 : f32
          %parallel_loop3A_503 = vector.broadcast %parallel_loop3A_502 : f32 to vector<16xf32>
          %parallel_loop3A_504 = arith.cmpf oge, %parallel_loop3A_501, %parallel_loop3A_503 : vector<16xf32>
          %parallel_loop3A_505 = arith.select %parallel_loop3A_504, %get3A_29, %mul3A_49 : vector<16xi1>, vector<16xf32>
          %parallel_loop3A_506 = arith.mulf %parallel_loop3A_501, %parallel_loop3A_505 : vector<16xf32>
          %parallel_loop3A_507 = arith.addf %parallel_loop3A_497, %parallel_loop3A_506 : vector<16xf32>
          %parallel_loop3A_508 = arith.index_cast %parallel_loop3A_444 : i32 to index
          %parallel_loop3A_509 = arith.constant 64 : index
          %parallel_loop3A_510 = tpu.vector_load %arg15[%parallel_loop3A_508, %parallel_loop3A_509] {strides = array<i32>} : memref<40x128xf32, #tpu.memory_space<vmem>>, vector<16xf32>,
          %parallel_loop3A_511 = arith.addf %parallel_loop3A_459, %parallel_loop3A_510 : vector<16xf32>
          %parallel_loop3A_512 = arith.constant 0.000000e+00 : f32
          %parallel_loop3A_513 = vector.broadcast %parallel_loop3A_512 : f32 to vector<16xf32>
          %parallel_loop3A_514 = arith.cmpf oge, %parallel_loop3A_511, %parallel_loop3A_513 : vector<16xf32>
          %parallel_loop3A_515 = arith.select %parallel_loop3A_514, %get3A_31, %mul3A_52 : vector<16xi1>, vector<16xf32>
          %parallel_loop3A_516 = arith.mulf %parallel_loop3A_511, %parallel_loop3A_515 : vector<16xf32>
          %parallel_loop3A_517 = arith.index_cast %parallel_loop3A_444 : i32 to index
          %parallel_loop3A_518 = arith.constant 80 : index
          %parallel_loop3A_519 = tpu.vector_load %arg15[%parallel_loop3A_517, %parallel_loop3A_518] {strides = array<i32>} : memref<40x128xf32, #tpu.memory_space<vmem>>, vector<16xf32>,
          %parallel_loop3A_520 = arith.addf %parallel_loop3A_462, %parallel_loop3A_519 : vector<16xf32>
          %parallel_loop3A_521 = arith.constant 0.000000e+00 : f32
          %parallel_loop3A_522 = vector.broadcast %parallel_loop3A_521 : f32 to vector<16xf32>
          %parallel_loop3A_523 = arith.cmpf oge, %parallel_loop3A_520, %parallel_loop3A_522 : vector<16xf32>
          %parallel_loop3A_524 = arith.select %parallel_loop3A_523, %get3A_33, %mul3A_55 : vector<16xi1>, vector<16xf32>
          %parallel_loop3A_525 = arith.mulf %parallel_loop3A_520, %parallel_loop3A_524 : vector<16xf32>
          %parallel_loop3A_526 = arith.addf %parallel_loop3A_516, %parallel_loop3A_525 : vector<16xf32>
          %parallel_loop3A_527 = arith.index_cast %parallel_loop3A_444 : i32 to index
          %parallel_loop3A_528 = arith.constant 96 : index
          %parallel_loop3A_529 = tpu.vector_load %arg15[%parallel_loop3A_527, %parallel_loop3A_528] {strides = array<i32>} : memref<40x128xf32, #tpu.memory_space<vmem>>, vector<16xf32>,
          %parallel_loop3A_530 = arith.addf %parallel_loop3A_465, %parallel_loop3A_529 : vector<16xf32>
          %parallel_loop3A_531 = arith.constant 0.000000e+00 : f32
          %parallel_loop3A_532 = vector.broadcast %parallel_loop3A_531 : f32 to vector<16xf32>
          %parallel_loop3A_533 = arith.cmpf oge, %parallel_loop3A_530, %parallel_loop3A_532 : vector<16xf32>
          %parallel_loop3A_534 = arith.select %parallel_loop3A_533, %get3A_35, %mul3A_58 : vector<16xi1>, vector<16xf32>
          %parallel_loop3A_535 = arith.mulf %parallel_loop3A_530, %parallel_loop3A_534 : vector<16xf32>
          %parallel_loop3A_536 = arith.addf %parallel_loop3A_526, %parallel_loop3A_535 : vector<16xf32>
          %parallel_loop3A_537 = arith.index_cast %parallel_loop3A_444 : i32 to index
          %parallel_loop3A_538 = arith.constant 112 : index
          %parallel_loop3A_539 = tpu.vector_load %arg15[%parallel_loop3A_537, %parallel_loop3A_538] {strides = array<i32>} : memref<40x128xf32, #tpu.memory_space<vmem>>, vector<16xf32>,
          %parallel_loop3A_540 = arith.addf %parallel_loop3A_468, %parallel_loop3A_539 : vector<16xf32>
          %parallel_loop3A_541 = arith.constant 0.000000e+00 : f32
          %parallel_loop3A_542 = vector.broadcast %parallel_loop3A_541 : f32 to vector<16xf32>
          %parallel_loop3A_543 = arith.cmpf oge, %parallel_loop3A_540, %parallel_loop3A_542 : vector<16xf32>
          %parallel_loop3A_544 = arith.select %parallel_loop3A_543, %get3A_37, %mul3A_61 : vector<16xi1>, vector<16xf32>
          %parallel_loop3A_545 = arith.mulf %parallel_loop3A_540, %parallel_loop3A_544 : vector<16xf32>
          %parallel_loop3A_546 = arith.addf %parallel_loop3A_536, %parallel_loop3A_545 : vector<16xf32>
          %parallel_loop3A_547 = arith.addf %parallel_loop3A_507, %parallel_loop3A_546 : vector<16xf32>
          %parallel_loop3A_548 = arith.constant true
          %parallel_loop3A_549 = vector.broadcast %parallel_loop3A_548 : i1 to vector<16xi1>
          %parallel_loop3A_550 = tpu.scan <sum>, %parallel_loop3A_547 masked %parallel_loop3A_549 : vector<16xf32>, vector<16xi1> -> vector<16xf32>
          %parallel_loop3A_551 = vector.extract %parallel_loop3A_550[15] : f32 from vector<16xf32>
          %parallel_loop3A_552 = vector.broadcast %parallel_loop3A_551 : f32 to vector<16xf32>
          %parallel_loop3A_553 = math.exp %parallel_loop3A_552 : vector<16xf32>
          %parallel_loop3A_554 = arith.mulf %parallel_loop3A_553, %parallel_loop3A_447 : vector<16xf32>
          %parallel_loop3A_555 = arith.index_cast %parallel_loop3A_444 : i32 to index
          %parallel_loop3A_556 = arith.constant 0 : index
          %parallel_loop3A_557 = tpu.vector_load %arg17[%parallel_loop3A_555, %parallel_loop3A_556] {strides = array<i32>} : memref<40x144xf32, #tpu.memory_space<vmem>>, vector<16xf32>,
          tpu.vector_store %arg17[%parallel_loop3A_555, %parallel_loop3A_556], %parallel_loop3A_554 {strides = array<i32>} : memref<40x144xf32, #tpu.memory_space<vmem>>, vector<16xf32>,
          %parallel_loop3A_558 = arith.mulf %parallel_loop3A_553, %parallel_loop3A_450 : vector<16xf32>
          %parallel_loop3A_559 = arith.index_cast %parallel_loop3A_444 : i32 to index
          %parallel_loop3A_560 = arith.constant 16 : index
          %parallel_loop3A_561 = tpu.vector_load %arg17[%parallel_loop3A_559, %parallel_loop3A_560] {strides = array<i32>} : memref<40x144xf32, #tpu.memory_space<vmem>>, vector<16xf32>,
          tpu.vector_store %arg17[%parallel_loop3A_559, %parallel_loop3A_560], %parallel_loop3A_558 {strides = array<i32>} : memref<40x144xf32, #tpu.memory_space<vmem>>, vector<16xf32>,
          %parallel_loop3A_562 = arith.mulf %parallel_loop3A_553, %parallel_loop3A_453 : vector<16xf32>
          %parallel_loop3A_563 = arith.index_cast %parallel_loop3A_444 : i32 to index
          %parallel_loop3A_564 = arith.constant 32 : index
          %parallel_loop3A_565 = tpu.vector_load %arg17[%parallel_loop3A_563, %parallel_loop3A_564] {strides = array<i32>} : memref<40x144xf32, #tpu.memory_space<vmem>>, vector<16xf32>,
          tpu.vector_store %arg17[%parallel_loop3A_563, %parallel_loop3A_564], %parallel_loop3A_562 {strides = array<i32>} : memref<40x144xf32, #tpu.memory_space<vmem>>, vector<16xf32>,
          %parallel_loop3A_566 = arith.mulf %parallel_loop3A_553, %parallel_loop3A_456 : vector<16xf32>
          %parallel_loop3A_567 = arith.index_cast %parallel_loop3A_444 : i32 to index
          %parallel_loop3A_568 = arith.constant 48 : index
          %parallel_loop3A_569 = tpu.vector_load %arg17[%parallel_loop3A_567, %parallel_loop3A_568] {strides = array<i32>} : memref<40x144xf32, #tpu.memory_space<vmem>>, vector<16xf32>,
          tpu.vector_store %arg17[%parallel_loop3A_567, %parallel_loop3A_568], %parallel_loop3A_566 {strides = array<i32>} : memref<40x144xf32, #tpu.memory_space<vmem>>, vector<16xf32>,
          %parallel_loop3A_570 = arith.mulf %parallel_loop3A_553, %parallel_loop3A_459 : vector<16xf32>
          %parallel_loop3A_571 = arith.index_cast %parallel_loop3A_444 : i32 to index
          %parallel_loop3A_572 = arith.constant 64 : index
          %parallel_loop3A_573 = tpu.vector_load %arg17[%parallel_loop3A_571, %parallel_loop3A_572] {strides = array<i32>} : memref<40x144xf32, #tpu.memory_space<vmem>>, vector<16xf32>,
          tpu.vector_store %arg17[%parallel_loop3A_571, %parallel_loop3A_572], %parallel_loop3A_570 {strides = array<i32>} : memref<40x144xf32, #tpu.memory_space<vmem>>, vector<16xf32>,
          %parallel_loop3A_574 = arith.mulf %parallel_loop3A_553, %parallel_loop3A_462 : vector<16xf32>
          %parallel_loop3A_575 = arith.index_cast %parallel_loop3A_444 : i32 to index
          %parallel_loop3A_576 = arith.constant 80 : index
          %parallel_loop3A_577 = tpu.vector_load %arg17[%parallel_loop3A_575, %parallel_loop3A_576] {strides = array<i32>} : memref<40x144xf32, #tpu.memory_space<vmem>>, vector<16xf32>,
          tpu.vector_store %arg17[%parallel_loop3A_575, %parallel_loop3A_576], %parallel_loop3A_574 {strides = array<i32>} : memref<40x144xf32, #tpu.memory_space<vmem>>, vector<16xf32>,
          %parallel_loop3A_578 = arith.mulf %parallel_loop3A_553, %parallel_loop3A_465 : vector<16xf32>
          %parallel_loop3A_579 = arith.index_cast %parallel_loop3A_444 : i32 to index
          %parallel_loop3A_580 = arith.constant 96 : index
          %parallel_loop3A_581 = tpu.vector_load %arg17[%parallel_loop3A_579, %parallel_loop3A_580] {strides = array<i32>} : memref<40x144xf32, #tpu.memory_space<vmem>>, vector<16xf32>,
          tpu.vector_store %arg17[%parallel_loop3A_579, %parallel_loop3A_580], %parallel_loop3A_578 {strides = array<i32>} : memref<40x144xf32, #tpu.memory_space<vmem>>, vector<16xf32>,
          %parallel_loop3A_582 = arith.mulf %parallel_loop3A_553, %parallel_loop3A_468 : vector<16xf32>
          %parallel_loop3A_583 = arith.index_cast %parallel_loop3A_444 : i32 to index
          %parallel_loop3A_584 = arith.constant 112 : index
          %parallel_loop3A_585 = tpu.vector_load %arg17[%parallel_loop3A_583, %parallel_loop3A_584] {strides = array<i32>} : memref<40x144xf32, #tpu.memory_space<vmem>>, vector<16xf32>,
          tpu.vector_store %arg17[%parallel_loop3A_583, %parallel_loop3A_584], %parallel_loop3A_582 {strides = array<i32>} : memref<40x144xf32, #tpu.memory_space<vmem>>, vector<16xf32>,
          %parallel_loop3A_586 = arith.select %eq3A_2, %parallel_loop3A_553, %broadcast_in_dim3A_0 : vector<16xi1>, vector<16xf32>
          %parallel_loop3A_587 = arith.index_cast %parallel_loop3A_444 : i32 to index
          %parallel_loop3A_588 = arith.constant 128 : index
          %parallel_loop3A_589 = tpu.vector_load %arg17[%parallel_loop3A_587, %parallel_loop3A_588] {strides = array<i32>} : memref<40x144xf32, #tpu.memory_space<vmem>>, vector<16xf32>,
          tpu.vector_store %arg17[%parallel_loop3A_587, %parallel_loop3A_588], %parallel_loop3A_586 {strides = array<i32>} : memref<40x144xf32, #tpu.memory_space<vmem>>, vector<16xf32>,
        } {sc.loop_unroll_factor = 4 : i64, sc.parallel_access}
        %dma_start3A_437 = arith.constant 2 : i32
        %dma_start3A_438 = arith.constant 0 : i32
        %dma_start3A_439 = tpu.memref_slice %arg11[%dma_start3A_437, %dma_start3A_438] : memref<3x40xi32, #tpu.memory_space<vmem>> -> memref<1x40xi32, #tpu.memory_space<vmem>>
        %dma_start3A_440 = tpu.memref_squeeze %dma_start3A_439 : memref<1x40xi32, #tpu.memory_space<vmem>> -> memref<40xi32, #tpu.memory_space<vmem>>
        %dma_start3A_441 = arith.constant 0 : i32
        %dma_start3A_442 = arith.constant 0 : i32
        %dma_start3A_443 = tpu.memref_slice %arg7[%dma_start3A_441, %dma_start3A_442] : memref<10016x144xf32, #tpu.memory_space<vmem_shared>> -> memref<10016x144xf32, #tpu.memory_space<vmem_shared>>
        tpu.enqueue_indirect_dma source(%arg17 : memref<40x144xf32, #tpu.memory_space<vmem>>) target(%dma_start3A_443 : memref<10016x144xf32, #tpu.memory_space<vmem_shared>>) offsets(%dma_start3A_440 : memref<40xi32, #tpu.memory_space<vmem>>) semaphore(%arg23 : memref<!tpu.dma_semaphore, #tpu.memory_space<semaphore_mem>>) {add = true}
      }
      %scan3A_112 = arith.constant 63 : i32
      %dma_wait3A_113 = arith.constant 0 : i32
      %dma_wait3A_114 = arith.constant 0 : i32
      %dma_wait3A_115 = arith.constant 0 : i32
      %dma_wait3A_116 = tpu.memref_slice %arg4[%scan3A_9, %arg0, %dma_wait3A_113, %dma_wait3A_114, %dma_wait3A_115] : memref<5x2x4032x3x40xi32, #tpu.memory_space<hbm>> -> memref<1x1x1x3x40xi32, #tpu.memory_space<hbm>>
      %dma_wait3A_117 = tpu.memref_squeeze %dma_wait3A_116 : memref<1x1x1x3x40xi32, #tpu.memory_space<hbm>> -> memref<3x40xi32, #tpu.memory_space<hbm>>
      %dma_wait3A_118 = arith.constant 0 : i32
      %dma_wait3A_119 = arith.constant 0 : i32
      %dma_wait3A_120 = tpu.memref_slice %arg4[%scan3A_9, %arg0, %dma_wait3A_113, %dma_wait3A_118, %dma_wait3A_119] : memref<5x2x4032x3x40xi32, #tpu.memory_space<hbm>> -> memref<1x1x1x3x40xi32, #tpu.memory_space<hbm>>
      %dma_wait3A_121 = tpu.memref_squeeze %dma_wait3A_120 : memref<1x1x1x3x40xi32, #tpu.memory_space<hbm>> -> memref<3x40xi32, #tpu.memory_space<hbm>>
      tpu.wait_dma2 semaphore(%arg25 : memref<!tpu.dma_semaphore, #tpu.memory_space<semaphore_mem>>) src(%dma_wait3A_121 : memref<3x40xi32, #tpu.memory_space<hbm>>) dst(%arg9 : memref<3x40xi32, #tpu.memory_space<vmem>>)
      %dma_wait3A_122 = arith.constant 0 : i32
      %dma_wait3A_123 = arith.constant 0 : i32
      %dma_wait3A_124 = tpu.memref_slice %arg8[%dma_wait3A_122, %dma_wait3A_123] : memref<3x40xi32, #tpu.memory_space<vmem>> -> memref<1x40xi32, #tpu.memory_space<vmem>>
      %dma_wait3A_125 = tpu.memref_squeeze %dma_wait3A_124 : memref<1x40xi32, #tpu.memory_space<vmem>> -> memref<40xi32, #tpu.memory_space<vmem>>
      %dma_wait3A_126 = arith.constant 0 : i32
      %dma_wait3A_127 = arith.constant 0 : i32
      %dma_wait3A_128 = tpu.memref_slice %arg2[%dma_wait3A_126, %dma_wait3A_127] : memref<100000x128xf32, #tpu.memory_space<hbm>> -> memref<100000x128xf32, #tpu.memory_space<hbm>>
      tpu.wait_indirect_dma semaphore(%arg20 : memref<!tpu.dma_semaphore, #tpu.memory_space<semaphore_mem>>) src(%dma_wait3A_128 : memref<100000x128xf32, #tpu.memory_space<hbm>>) dst(%arg12 : memref<40x128xf32, #tpu.memory_space<vmem>>)
      %dma_wait3A_129 = arith.constant 1 : i32
      %dma_wait3A_130 = arith.constant 0 : i32
      %dma_wait3A_131 = tpu.memref_slice %arg8[%dma_wait3A_129, %dma_wait3A_130] : memref<3x40xi32, #tpu.memory_space<vmem>> -> memref<1x40xi32, #tpu.memory_space<vmem>>
      %dma_wait3A_132 = tpu.memref_squeeze %dma_wait3A_131 : memref<1x40xi32, #tpu.memory_space<vmem>> -> memref<40xi32, #tpu.memory_space<vmem>>
      %dma_wait3A_133 = arith.constant 0 : i32
      %dma_wait3A_134 = arith.constant 0 : i32
      %dma_wait3A_135 = tpu.memref_slice %arg3[%dma_wait3A_133, %dma_wait3A_134] : memref<100000x128xf32, #tpu.memory_space<hbm>> -> memref<100000x128xf32, #tpu.memory_space<hbm>>
      tpu.wait_indirect_dma semaphore(%arg20 : memref<!tpu.dma_semaphore, #tpu.memory_space<semaphore_mem>>) src(%dma_wait3A_135 : memref<100000x128xf32, #tpu.memory_space<hbm>>) dst(%arg14 : memref<40x128xf32, #tpu.memory_space<vmem>>)
      %dma_wait3A_136 = arith.constant 2 : i32
      %dma_wait3A_137 = arith.constant 0 : i32
      %dma_wait3A_138 = tpu.memref_slice %arg10[%dma_wait3A_136, %dma_wait3A_137] : memref<3x40xi32, #tpu.memory_space<vmem>> -> memref<1x40xi32, #tpu.memory_space<vmem>>
      %dma_wait3A_139 = tpu.memref_squeeze %dma_wait3A_138 : memref<1x40xi32, #tpu.memory_space<vmem>> -> memref<40xi32, #tpu.memory_space<vmem>>
      %dma_wait3A_140 = arith.constant 0 : i32
      %dma_wait3A_141 = arith.constant 0 : i32
      %dma_wait3A_142 = tpu.memref_slice %arg7[%dma_wait3A_140, %dma_wait3A_141] : memref<10016x144xf32, #tpu.memory_space<vmem_shared>> -> memref<10016x144xf32, #tpu.memory_space<vmem_shared>>
      tpu.wait_indirect_dma semaphore(%arg22 : memref<!tpu.dma_semaphore, #tpu.memory_space<semaphore_mem>>) src(%arg16 : memref<40x144xf32, #tpu.memory_space<vmem>>) dst(%dma_wait3A_142 : memref<10016x144xf32, #tpu.memory_space<vmem_shared>>)
      %dma_wait3A_143 = arith.constant 2 : i32
      %dma_wait3A_144 = arith.constant 0 : i32
      %dma_wait3A_145 = tpu.memref_slice %arg11[%dma_wait3A_143, %dma_wait3A_144] : memref<3x40xi32, #tpu.memory_space<vmem>> -> memref<1x40xi32, #tpu.memory_space<vmem>>
      %dma_wait3A_146 = tpu.memref_squeeze %dma_wait3A_145 : memref<1x40xi32, #tpu.memory_space<vmem>> -> memref<40xi32, #tpu.memory_space<vmem>>
      %dma_wait3A_147 = arith.constant 0 : i32
      %dma_wait3A_148 = arith.constant 0 : i32
      %dma_wait3A_149 = tpu.memref_slice %arg7[%dma_wait3A_147, %dma_wait3A_148] : memref<10016x144xf32, #tpu.memory_space<vmem_shared>> -> memref<10016x144xf32, #tpu.memory_space<vmem_shared>>
      tpu.wait_indirect_dma semaphore(%arg23 : memref<!tpu.dma_semaphore, #tpu.memory_space<semaphore_mem>>) src(%arg17 : memref<40x144xf32, #tpu.memory_space<vmem>>) dst(%dma_wait3A_149 : memref<10016x144xf32, #tpu.memory_space<vmem_shared>>)
      %barrier3A_150 = arith.constant 0 : index
      tpu.barrier barrier_id(%barrier3A_150)
      %scan3A_151 = arith.constant 0 : i32
      %scan3A_152 = arith.constant 0 : i32
      %scan3A_153 = arith.constant 25 : i32
      %scan3A_154 = arith.addi %scan3A_152, %scan3A_153 : i32
      %scan3A_155 = arith.constant 1 : i32
      scf.for %scan3A_158 = %scan3A_152 to %scan3A_154 step %scan3A_155  : i32 {
        %mul3A_159 = arith.constant 625 : i32
        %mul3A_160 = arith.muli %arg1, %mul3A_159 : i32
        %mul3A_161 = arith.constant 25 : i32
        %mul3A_162 = arith.muli %scan3A_158, %mul3A_161 : i32
        %add3A_163 = arith.addi %mul3A_160, %mul3A_162 : i32
        "tpu.region"() ({
          %run_scoped3A = tpu.sem_alloc : memref<!tpu.dma_semaphore, #tpu.memory_space<semaphore_mem>>
          %dma_start3A_176 = arith.constant 0 : i32
          %dma_start3A_177 = arith.constant 0 : i32
          %dma_start3A_178 = tpu.memref_slice %arg16[%dma_start3A_176, %dma_start3A_177] : memref<40x144xf32, #tpu.memory_space<vmem>> -> memref<25x144xf32, #tpu.memory_space<vmem>>
          %dma_start3A_179 = arith.constant 0 : i32
          %dma_start3A_180 = tpu.memref_slice %arg7[%add3A_163, %dma_start3A_179] : memref<10016x144xf32, #tpu.memory_space<vmem_shared>> -> memref<25x144xf32, #tpu.memory_space<vmem_shared>>
          %dma_start3A_181 = arith.constant 0 : i32
          %dma_start3A_182 = arith.constant 0 : i32
          %dma_start3A_183 = tpu.memref_slice %arg16[%dma_start3A_181, %dma_start3A_182] : memref<40x144xf32, #tpu.memory_space<vmem>> -> memref<25x144xf32, #tpu.memory_space<vmem>>
          %dma_start3A_184 = arith.constant 0 : i32
          %dma_start3A_185 = tpu.memref_slice %arg7[%add3A_163, %dma_start3A_184] : memref<10016x144xf32, #tpu.memory_space<vmem_shared>> -> memref<25x144xf32, #tpu.memory_space<vmem_shared>>
          tpu.enqueue_dma source(%dma_start3A_185 : memref<25x144xf32, #tpu.memory_space<vmem_shared>>) target(%dma_start3A_183 : memref<25x144xf32, #tpu.memory_space<vmem>>) target_semaphore(%run_scoped3A : memref<!tpu.dma_semaphore, #tpu.memory_space<semaphore_mem>>)
          %dma_wait3A_186 = arith.constant 0 : i32
          %dma_wait3A_187 = arith.constant 0 : i32
          %dma_wait3A_188 = tpu.memref_slice %arg16[%dma_wait3A_186, %dma_wait3A_187] : memref<40x144xf32, #tpu.memory_space<vmem>> -> memref<25x144xf32, #tpu.memory_space<vmem>>
          %dma_wait3A_189 = arith.constant 0 : i32
          %dma_wait3A_190 = tpu.memref_slice %arg7[%add3A_163, %dma_wait3A_189] : memref<10016x144xf32, #tpu.memory_space<vmem_shared>> -> memref<25x144xf32, #tpu.memory_space<vmem_shared>>
          %dma_wait3A_191 = arith.constant 0 : i32
          %dma_wait3A_192 = arith.constant 0 : i32
          %dma_wait3A_193 = tpu.memref_slice %arg16[%dma_wait3A_191, %dma_wait3A_192] : memref<40x144xf32, #tpu.memory_space<vmem>> -> memref<25x144xf32, #tpu.memory_space<vmem>>
          %dma_wait3A_194 = arith.constant 0 : i32
          %dma_wait3A_195 = tpu.memref_slice %arg7[%add3A_163, %dma_wait3A_194] : memref<10016x144xf32, #tpu.memory_space<vmem_shared>> -> memref<25x144xf32, #tpu.memory_space<vmem_shared>>
          tpu.wait_dma2 semaphore(%run_scoped3A : memref<!tpu.dma_semaphore, #tpu.memory_space<semaphore_mem>>) src(%dma_wait3A_195 : memref<25x144xf32, #tpu.memory_space<vmem_shared>>) dst(%dma_wait3A_193 : memref<25x144xf32, #tpu.memory_space<vmem>>)
          tpu.yield
        }) : () -> ()
        %scan3A_164 = arith.constant 0 : i32
        %scan3A_165 = arith.constant 0 : i32
        %scan3A_166 = arith.constant 25 : i32
        %scan3A_167 = arith.addi %scan3A_165, %scan3A_166 : i32
        %scan3A_168 = arith.constant 1 : i32
        scf.for %scan3A_176 = %scan3A_165 to %scan3A_167 step %scan3A_168  : i32 {
          %get3A_177 = arith.index_cast %scan3A_176 : i32 to index
          %get3A_178 = arith.constant 128 : index
          %get3A_179 = tpu.vector_load %arg16[%get3A_177, %get3A_178] {strides = array<i32>} : memref<40x144xf32, #tpu.memory_space<vmem>>, vector<16xf32>,
          %slice3A = vector.extract_strided_slice %get3A_179 {offsets = [0], sizes = [1], strides = [1]} : vector<16xf32> to vector<1xf32>
          %squeeze3A = vector.extract %slice3A[0] : f32 from vector<1xf32>
          %broadcast_in_dim3A_180 = vector.broadcast %squeeze3A : f32 to vector<16xf32>
          %add3A_181 = arith.constant 1.000000e-16 : f32
          %add3A_182 = vector.broadcast %add3A_181 : f32 to vector<16xf32>
          %add3A_183 = arith.addf %broadcast_in_dim3A_180, %add3A_182 : vector<16xf32>
          %div3A = arith.constant 1.000000e+00 : f32
          %div3A_184 = vector.broadcast %div3A : f32 to vector<16xf32>
          %div3A_185 = arith.divf %div3A_184, %add3A_183 : vector<16xf32>
          %get3A_186 = arith.index_cast %scan3A_176 : i32 to index
          %get3A_187 = arith.constant 0 : index
          %get3A_188 = tpu.vector_load %arg16[%get3A_186, %get3A_187] {strides = array<i32>} : memref<40x144xf32, #tpu.memory_space<vmem>>, vector<16xf32>,
          %mul3A_189 = arith.mulf %get3A_188, %div3A_185 : vector<16xf32>
          %swap3A = arith.index_cast %scan3A_176 : i32 to index
          %swap3A_190 = arith.constant 0 : index
          %swap3A_191 = tpu.vector_load %arg19[%swap3A, %swap3A_190] {strides = array<i32>} : memref<25x128xf32, #tpu.memory_space<vmem>>, vector<16xf32>,
          tpu.vector_store %arg19[%swap3A, %swap3A_190], %mul3A_189 {strides = array<i32>} : memref<25x128xf32, #tpu.memory_space<vmem>>, vector<16xf32>,
          %get3A_192 = arith.index_cast %scan3A_176 : i32 to index
          %get3A_193 = arith.constant 16 : index
          %get3A_194 = tpu.vector_load %arg16[%get3A_192, %get3A_193] {strides = array<i32>} : memref<40x144xf32, #tpu.memory_space<vmem>>, vector<16xf32>,
          %mul3A_195 = arith.mulf %get3A_194, %div3A_185 : vector<16xf32>
          %swap3A_196 = arith.index_cast %scan3A_176 : i32 to index
          %swap3A_197 = arith.constant 16 : index
          %swap3A_198 = tpu.vector_load %arg19[%swap3A_196, %swap3A_197] {strides = array<i32>} : memref<25x128xf32, #tpu.memory_space<vmem>>, vector<16xf32>,
          tpu.vector_store %arg19[%swap3A_196, %swap3A_197], %mul3A_195 {strides = array<i32>} : memref<25x128xf32, #tpu.memory_space<vmem>>, vector<16xf32>,
          %get3A_199 = arith.index_cast %scan3A_176 : i32 to index
          %get3A_200 = arith.constant 32 : index
          %get3A_201 = tpu.vector_load %arg16[%get3A_199, %get3A_200] {strides = array<i32>} : memref<40x144xf32, #tpu.memory_space<vmem>>, vector<16xf32>,
          %mul3A_202 = arith.mulf %get3A_201, %div3A_185 : vector<16xf32>
          %swap3A_203 = arith.index_cast %scan3A_176 : i32 to index
          %swap3A_204 = arith.constant 32 : index
          %swap3A_205 = tpu.vector_load %arg19[%swap3A_203, %swap3A_204] {strides = array<i32>} : memref<25x128xf32, #tpu.memory_space<vmem>>, vector<16xf32>,
          tpu.vector_store %arg19[%swap3A_203, %swap3A_204], %mul3A_202 {strides = array<i32>} : memref<25x128xf32, #tpu.memory_space<vmem>>, vector<16xf32>,
          %get3A_206 = arith.index_cast %scan3A_176 : i32 to index
          %get3A_207 = arith.constant 48 : index
          %get3A_208 = tpu.vector_load %arg16[%get3A_206, %get3A_207] {strides = array<i32>} : memref<40x144xf32, #tpu.memory_space<vmem>>, vector<16xf32>,
          %mul3A_209 = arith.mulf %get3A_208, %div3A_185 : vector<16xf32>
          %swap3A_210 = arith.index_cast %scan3A_176 : i32 to index
          %swap3A_211 = arith.constant 48 : index
          %swap3A_212 = tpu.vector_load %arg19[%swap3A_210, %swap3A_211] {strides = array<i32>} : memref<25x128xf32, #tpu.memory_space<vmem>>, vector<16xf32>,
          tpu.vector_store %arg19[%swap3A_210, %swap3A_211], %mul3A_209 {strides = array<i32>} : memref<25x128xf32, #tpu.memory_space<vmem>>, vector<16xf32>,
          %get3A_213 = arith.index_cast %scan3A_176 : i32 to index
          %get3A_214 = arith.constant 64 : index
          %get3A_215 = tpu.vector_load %arg16[%get3A_213, %get3A_214] {strides = array<i32>} : memref<40x144xf32, #tpu.memory_space<vmem>>, vector<16xf32>,
          %mul3A_216 = arith.mulf %get3A_215, %div3A_185 : vector<16xf32>
          %swap3A_217 = arith.index_cast %scan3A_176 : i32 to index
          %swap3A_218 = arith.constant 64 : index
          %swap3A_219 = tpu.vector_load %arg19[%swap3A_217, %swap3A_218] {strides = array<i32>} : memref<25x128xf32, #tpu.memory_space<vmem>>, vector<16xf32>,
          tpu.vector_store %arg19[%swap3A_217, %swap3A_218], %mul3A_216 {strides = array<i32>} : memref<25x128xf32, #tpu.memory_space<vmem>>, vector<16xf32>,
          %get3A_220 = arith.index_cast %scan3A_176 : i32 to index
          %get3A_221 = arith.constant 80 : index
          %get3A_222 = tpu.vector_load %arg16[%get3A_220, %get3A_221] {strides = array<i32>} : memref<40x144xf32, #tpu.memory_space<vmem>>, vector<16xf32>,
          %mul3A_223 = arith.mulf %get3A_222, %div3A_185 : vector<16xf32>
          %swap3A_224 = arith.index_cast %scan3A_176 : i32 to index
          %swap3A_225 = arith.constant 80 : index
          %swap3A_226 = tpu.vector_load %arg19[%swap3A_224, %swap3A_225] {strides = array<i32>} : memref<25x128xf32, #tpu.memory_space<vmem>>, vector<16xf32>,
          tpu.vector_store %arg19[%swap3A_224, %swap3A_225], %mul3A_223 {strides = array<i32>} : memref<25x128xf32, #tpu.memory_space<vmem>>, vector<16xf32>,
          %get3A_227 = arith.index_cast %scan3A_176 : i32 to index
          %get3A_228 = arith.constant 96 : index
          %get3A_229 = tpu.vector_load %arg16[%get3A_227, %get3A_228] {strides = array<i32>} : memref<40x144xf32, #tpu.memory_space<vmem>>, vector<16xf32>,
          %mul3A_230 = arith.mulf %get3A_229, %div3A_185 : vector<16xf32>
          %swap3A_231 = arith.index_cast %scan3A_176 : i32 to index
          %swap3A_232 = arith.constant 96 : index
          %swap3A_233 = tpu.vector_load %arg19[%swap3A_231, %swap3A_232] {strides = array<i32>} : memref<25x128xf32, #tpu.memory_space<vmem>>, vector<16xf32>,
          tpu.vector_store %arg19[%swap3A_231, %swap3A_232], %mul3A_230 {strides = array<i32>} : memref<25x128xf32, #tpu.memory_space<vmem>>, vector<16xf32>,
          %get3A_234 = arith.index_cast %scan3A_176 : i32 to index
          %get3A_235 = arith.constant 112 : index
          %get3A_236 = tpu.vector_load %arg16[%get3A_234, %get3A_235] {strides = array<i32>} : memref<40x144xf32, #tpu.memory_space<vmem>>, vector<16xf32>,
          %mul3A_237 = arith.mulf %get3A_236, %div3A_185 : vector<16xf32>
          %swap3A_238 = arith.index_cast %scan3A_176 : i32 to index
          %swap3A_239 = arith.constant 112 : index
          %swap3A_240 = tpu.vector_load %arg19[%swap3A_238, %swap3A_239] {strides = array<i32>} : memref<25x128xf32, #tpu.memory_space<vmem>>, vector<16xf32>,
          tpu.vector_store %arg19[%swap3A_238, %swap3A_239], %mul3A_237 {strides = array<i32>} : memref<25x128xf32, #tpu.memory_space<vmem>>, vector<16xf32>,
        }
        %scan3A_169 = arith.constant 25 : i32
        %mul3A_170 = arith.constant 2 : i32
        %mul3A_171 = arith.muli %mul3A_170, %scan3A_9 : i32
        %add3A_172 = arith.addi %mul3A_171, %arg0 : i32
        %mul3A_173 = arith.constant 10000 : i32
        %mul3A_174 = arith.muli %add3A_172, %mul3A_173 : i32
        %add3A_175 = arith.addi %mul3A_174, %add3A_163 : i32
        "tpu.region"() ({
          %run_scoped3A = tpu.sem_alloc : memref<!tpu.dma_semaphore, #tpu.memory_space<semaphore_mem>>
          %dma_start3A_176 = arith.constant 0 : i32
          %dma_start3A_177 = tpu.memref_slice %arg6[%add3A_175, %dma_start3A_176] : memref<100000x128xf32, #tpu.memory_space<hbm>> -> memref<25x128xf32, #tpu.memory_space<hbm>>
          %dma_start3A_178 = arith.constant 0 : i32
          %dma_start3A_179 = tpu.memref_slice %arg6[%add3A_175, %dma_start3A_178] : memref<100000x128xf32, #tpu.memory_space<hbm>> -> memref<25x128xf32, #tpu.memory_space<hbm>>
          tpu.enqueue_dma source(%arg19 : memref<25x128xf32, #tpu.memory_space<vmem>>) target(%dma_start3A_179 : memref<25x128xf32, #tpu.memory_space<hbm>>) target_semaphore(%run_scoped3A : memref<!tpu.dma_semaphore, #tpu.memory_space<semaphore_mem>>)
          %dma_wait3A_180 = arith.constant 0 : i32
          %dma_wait3A_181 = tpu.memref_slice %arg6[%add3A_175, %dma_wait3A_180] : memref<100000x128xf32, #tpu.memory_space<hbm>> -> memref<25x128xf32, #tpu.memory_space<hbm>>
          %dma_wait3A_182 = arith.constant 0 : i32
          %dma_wait3A_183 = tpu.memref_slice %arg6[%add3A_175, %dma_wait3A_182] : memref<100000x128xf32, #tpu.memory_space<hbm>> -> memref<25x128xf32, #tpu.memory_space<hbm>>
          tpu.wait_dma2 semaphore(%run_scoped3A : memref<!tpu.dma_semaphore, #tpu.memory_space<semaphore_mem>>) src(%arg19 : memref<25x128xf32, #tpu.memory_space<vmem>>) dst(%dma_wait3A_183 : memref<25x128xf32, #tpu.memory_space<hbm>>)
          tpu.yield
        }) : () -> ()
      }
      %scan3A_156 = arith.constant 25 : i32
      %barrier3A_157 = arith.constant 0 : index
      tpu.barrier barrier_id(%barrier3A_157)
    }
    %scan3A_8 = arith.constant 5 : i32
    return
  }
}

#map = affine_map<(d0, d1) -> (0, 0)>
#map1 = affine_map<(d0, d1) -> (0)>
module attributes {stable_mosaic.version = 14 : i64} {
  func.func @_tgather_body(%arg0: i32, %arg1: i32, %arg2: memref<30000x128xf32, #tpu.memory_space<hbm>>, %arg3: memref<49152xi32, #tpu.memory_space<hbm>>, %arg4: memref<49152x128xf32, #tpu.memory_space<hbm>>, %arg5: memref<128xi32, #tpu.memory_space<vmem>>, %arg6: memref<128x128xf32, #tpu.memory_space<vmem>>) attributes {dimension_semantics = [#tpu.dimension_semantics<core_parallel>, #tpu.dimension_semantics<subcore_parallel>], iteration_bounds = array<i64: 2, 16>, scalar_prefetch = 0 : i64, scratch_operands = 2 : i64, tpu.core_type = #tpu.core_type<sc_vector_subcore>, window_params = [{transform_indices = #map}, {transform_indices = #map1}, {transform_indices = #map}]} {
    %mul3A = arith.constant 2 : i32
    %mul3A_0 = arith.muli %arg1, %mul3A : i32
    %add3A = arith.addi %mul3A_0, %arg0 : i32
    %scan3A = arith.constant 0 : i32
    %scan3A_1 = arith.constant 0 : i32
    %scan3A_2 = arith.constant 12 : i32
    %scan3A_3 = arith.addi %scan3A_1, %scan3A_2 : i32
    %scan3A_4 = arith.constant 1 : i32
    scf.for %scan3A_6 = %scan3A_1 to %scan3A_3 step %scan3A_4  : i32 {
      %mul3A_7 = arith.constant 1536 : i32
      %mul3A_8 = arith.muli %add3A, %mul3A_7 : i32
      %mul3A_9 = arith.constant 128 : i32
      %mul3A_10 = arith.muli %scan3A_6, %mul3A_9 : i32
      %add3A_11 = arith.addi %mul3A_8, %mul3A_10 : i32
      "tpu.region"() ({
        %run_scoped3A = tpu.sem_alloc : memref<!tpu.dma_semaphore, #tpu.memory_space<semaphore_mem>>
        %dma_start3A = tpu.memref_slice %arg3[%add3A_11] : memref<49152xi32, #tpu.memory_space<hbm>> -> memref<128xi32, #tpu.memory_space<hbm>>
        %dma_start3A_12 = tpu.memref_slice %arg3[%add3A_11] : memref<49152xi32, #tpu.memory_space<hbm>> -> memref<128xi32, #tpu.memory_space<hbm>>
        tpu.enqueue_dma source(%dma_start3A_12 : memref<128xi32, #tpu.memory_space<hbm>>) target(%arg5 : memref<128xi32, #tpu.memory_space<vmem>>) target_semaphore(%run_scoped3A : memref<!tpu.dma_semaphore, #tpu.memory_space<semaphore_mem>>)
        %dma_wait3A = tpu.memref_slice %arg3[%add3A_11] : memref<49152xi32, #tpu.memory_space<hbm>> -> memref<128xi32, #tpu.memory_space<hbm>>
        %dma_wait3A_13 = tpu.memref_slice %arg3[%add3A_11] : memref<49152xi32, #tpu.memory_space<hbm>> -> memref<128xi32, #tpu.memory_space<hbm>>
        tpu.wait_dma2 semaphore(%run_scoped3A : memref<!tpu.dma_semaphore, #tpu.memory_space<semaphore_mem>>) src(%dma_wait3A_13 : memref<128xi32, #tpu.memory_space<hbm>>) dst(%arg5 : memref<128xi32, #tpu.memory_space<vmem>>)
        tpu.yield
      }) : () -> ()
      "tpu.region"() ({
        %run_scoped3A = tpu.sem_alloc : memref<!tpu.dma_semaphore, #tpu.memory_space<semaphore_mem>>
        %dma_start3A = arith.constant 0 : i32
        %dma_start3A_12 = arith.constant 0 : i32
        %dma_start3A_13 = tpu.memref_slice %arg2[%dma_start3A, %dma_start3A_12] : memref<30000x128xf32, #tpu.memory_space<hbm>> -> memref<30000x128xf32, #tpu.memory_space<hbm>>
        tpu.enqueue_indirect_dma source(%dma_start3A_13 : memref<30000x128xf32, #tpu.memory_space<hbm>>) target(%arg6 : memref<128x128xf32, #tpu.memory_space<vmem>>) offsets(%arg5 : memref<128xi32, #tpu.memory_space<vmem>>) semaphore(%run_scoped3A : memref<!tpu.dma_semaphore, #tpu.memory_space<semaphore_mem>>)
        %dma_wait3A = arith.constant 0 : i32
        %dma_wait3A_14 = arith.constant 0 : i32
        %dma_wait3A_15 = tpu.memref_slice %arg2[%dma_wait3A, %dma_wait3A_14] : memref<30000x128xf32, #tpu.memory_space<hbm>> -> memref<30000x128xf32, #tpu.memory_space<hbm>>
        tpu.wait_indirect_dma semaphore(%run_scoped3A : memref<!tpu.dma_semaphore, #tpu.memory_space<semaphore_mem>>) src(%dma_wait3A_15 : memref<30000x128xf32, #tpu.memory_space<hbm>>) dst(%arg6 : memref<128x128xf32, #tpu.memory_space<vmem>>)
        tpu.yield
      }) : () -> ()
      "tpu.region"() ({
        %run_scoped3A = tpu.sem_alloc : memref<!tpu.dma_semaphore, #tpu.memory_space<semaphore_mem>>
        %dma_start3A = arith.constant 0 : i32
        %dma_start3A_12 = tpu.memref_slice %arg4[%add3A_11, %dma_start3A] : memref<49152x128xf32, #tpu.memory_space<hbm>> -> memref<128x128xf32, #tpu.memory_space<hbm>>
        %dma_start3A_13 = arith.constant 0 : i32
        %dma_start3A_14 = tpu.memref_slice %arg4[%add3A_11, %dma_start3A_13] : memref<49152x128xf32, #tpu.memory_space<hbm>> -> memref<128x128xf32, #tpu.memory_space<hbm>>
        tpu.enqueue_dma source(%arg6 : memref<128x128xf32, #tpu.memory_space<vmem>>) target(%dma_start3A_14 : memref<128x128xf32, #tpu.memory_space<hbm>>) target_semaphore(%run_scoped3A : memref<!tpu.dma_semaphore, #tpu.memory_space<semaphore_mem>>)
        %dma_wait3A = arith.constant 0 : i32
        %dma_wait3A_15 = tpu.memref_slice %arg4[%add3A_11, %dma_wait3A] : memref<49152x128xf32, #tpu.memory_space<hbm>> -> memref<128x128xf32, #tpu.memory_space<hbm>>
        %dma_wait3A_16 = arith.constant 0 : i32
        %dma_wait3A_17 = tpu.memref_slice %arg4[%add3A_11, %dma_wait3A_16] : memref<49152x128xf32, #tpu.memory_space<hbm>> -> memref<128x128xf32, #tpu.memory_space<hbm>>
        tpu.wait_dma2 semaphore(%run_scoped3A : memref<!tpu.dma_semaphore, #tpu.memory_space<semaphore_mem>>) src(%arg6 : memref<128x128xf32, #tpu.memory_space<vmem>>) dst(%dma_wait3A_17 : memref<128x128xf32, #tpu.memory_space<hbm>>)
        tpu.yield
      }) : () -> ()
    }
    %scan3A_5 = arith.constant 12 : i32
    return
  }
}

module attributes {stable_mosaic.version = 14 : i64} {
  func.func @_proj_body(%arg0: i32, %arg1: memref<1000x128xf32, #tpu.memory_space<vmem>>, %arg2: memref<1000x128xf32, #tpu.memory_space<vmem>>, %arg3: memref<1000x128xf32, #tpu.memory_space<vmem>>, %arg4: memref<5x2x128x128xf32, #tpu.memory_space<vmem>>, %arg5: memref<10x128xf32, #tpu.memory_space<vmem>>, %arg6: memref<5x2x128x128xf32, #tpu.memory_space<vmem>>, %arg7: memref<10x128xf32, #tpu.memory_space<vmem>>, %arg8: memref<5x2x1000x128xf32, #tpu.memory_space<vmem>>, %arg9: memref<5x2x1000x128xf32, #tpu.memory_space<vmem>>) attributes {dimension_semantics = [#tpu.dimension_semantics<arbitrary>], iteration_bounds = array<i64: 10>, scalar_prefetch = 0 : i64, scratch_operands = 0 : i64, tpu.core_type = #tpu.core_type<tc>, window_params = [{transform_indices = @transform_0, window_bounds = array<i64: 1000, 128>}, {transform_indices = @transform_1, window_bounds = array<i64: 1000, 128>}, {transform_indices = @transform_2, window_bounds = array<i64: 1000, 128>}, {pipeline_mode = #tpu.pipeline_mode<synchronous>, transform_indices = @transform_3, window_bounds = array<i64: 5, 2, 128, 128>}, {pipeline_mode = #tpu.pipeline_mode<synchronous>, transform_indices = @transform_4, window_bounds = array<i64: 10, 128>}, {pipeline_mode = #tpu.pipeline_mode<synchronous>, transform_indices = @transform_5, window_bounds = array<i64: 5, 2, 128, 128>}, {pipeline_mode = #tpu.pipeline_mode<synchronous>, transform_indices = @transform_6, window_bounds = array<i64: 10, 128>}, {transform_indices = @transform_7, window_bounds = array<i64: 5, 2, 1000, 128>}, {transform_indices = @transform_8, window_bounds = array<i64: 5, 2, 1000, 128>}]} {
    %get3A = arith.constant 0 : index
    %get3A_0 = arith.constant 0 : index
    %get3A_1 = vector.load %arg1[%get3A, %get3A_0] : memref<1000x128xf32, #tpu.memory_space<vmem>>, vector<1000x128xf32>
    %get3A_2 = arith.constant 0 : index
    %get3A_3 = arith.constant 0 : index
    %get3A_4 = vector.load %arg2[%get3A_2, %get3A_3] : memref<1000x128xf32, #tpu.memory_space<vmem>>, vector<1000x128xf32>
    %get3A_5 = arith.constant 0 : index
    %get3A_6 = arith.constant 0 : index
    %get3A_7 = vector.load %arg3[%get3A_5, %get3A_6] : memref<1000x128xf32, #tpu.memory_space<vmem>>, vector<1000x128xf32>
    %get3A_8 = arith.constant 0 : index
    %get3A_9 = arith.constant 0 : index
    %get3A_10 = arith.constant 0 : index
    %get3A_11 = arith.constant 0 : index
    %get3A_12 = vector.load %arg4[%get3A_8, %get3A_9, %get3A_10, %get3A_11] : memref<5x2x128x128xf32, #tpu.memory_space<vmem>>, vector<1x1x128x128xf32>
    %get3A_13 = vector.shape_cast %get3A_12 : vector<1x1x128x128xf32> to vector<128x128xf32>
    %dot_general3A = arith.constant dense<0.000000e+00> : vector<1000x128xf32>
    %dot_general3A_14 = tpu.matmul %get3A_1, %get3A_13, %dot_general3A {dimension_numbers = #tpu.dot_dimension_numbers<[1], [0], [0], [1], [0, 0, 1, 1], [], []>, transpose_lhs_hint = false} : vector<1000x128xf32>, vector<128x128xf32>, vector<1000x128xf32> -> vector<1000x128xf32>
    %get3A_15 = arith.constant 0 : index
    %get3A_16 = arith.constant 0 : index
    %get3A_17 = vector.load %arg5[%get3A_15, %get3A_16] : memref<10x128xf32, #tpu.memory_space<vmem>>, vector<1x128xf32>
    %get3A_18 = vector.shape_cast %get3A_17 : vector<1x128xf32> to vector<128xf32>
    %broadcast_in_dim3A = vector.shape_cast %get3A_18 : vector<128xf32> to vector<1x128xf32>
    %add3A = vector.broadcast %broadcast_in_dim3A : vector<1x128xf32> to vector<1000x128xf32>
    %add3A_19 = arith.addf %dot_general3A_14, %add3A : vector<1000x128xf32>
    %swap3A = arith.constant 0 : index
    %swap3A_20 = arith.constant 0 : index
    %swap3A_21 = arith.constant 0 : index
    %swap3A_22 = arith.constant 0 : index
    %swap3A_23 = vector.load %arg8[%swap3A, %swap3A_20, %swap3A_21, %swap3A_22] : memref<5x2x1000x128xf32, #tpu.memory_space<vmem>>, vector<1x1x1000x128xf32>
    %swap3A_24 = vector.shape_cast %swap3A_23 : vector<1x1x1000x128xf32> to vector<1000x128xf32>
    %swap3A_25 = vector.shape_cast %add3A_19 : vector<1000x128xf32> to vector<1x1x1000x128xf32>
    tpu.vector_store %arg8[%swap3A, %swap3A_20, %swap3A_21, %swap3A_22], %swap3A_25 {strides = array<i32>} : memref<5x2x1000x128xf32, #tpu.memory_space<vmem>>, vector<1x1x1000x128xf32>,
    %get3A_26 = arith.constant 0 : index
    %get3A_27 = arith.constant 0 : index
    %get3A_28 = arith.constant 0 : index
    %get3A_29 = arith.constant 0 : index
    %get3A_30 = vector.load %arg6[%get3A_26, %get3A_27, %get3A_28, %get3A_29] : memref<5x2x128x128xf32, #tpu.memory_space<vmem>>, vector<1x1x128x128xf32>
    %get3A_31 = vector.shape_cast %get3A_30 : vector<1x1x128x128xf32> to vector<128x128xf32>
    %dot_general3A_32 = arith.constant dense<0.000000e+00> : vector<1000x128xf32>
    %dot_general3A_33 = tpu.matmul %get3A_4, %get3A_31, %dot_general3A_32 {dimension_numbers = #tpu.dot_dimension_numbers<[1], [0], [0], [1], [0, 0, 1, 1], [], []>, transpose_lhs_hint = false} : vector<1000x128xf32>, vector<128x128xf32>, vector<1000x128xf32> -> vector<1000x128xf32>
    %get3A_34 = arith.constant 0 : index
    %get3A_35 = arith.constant 0 : index
    %get3A_36 = vector.load %arg7[%get3A_34, %get3A_35] : memref<10x128xf32, #tpu.memory_space<vmem>>, vector<1x128xf32>
    %get3A_37 = vector.shape_cast %get3A_36 : vector<1x128xf32> to vector<128xf32>
    %broadcast_in_dim3A_38 = vector.shape_cast %get3A_37 : vector<128xf32> to vector<1x128xf32>
    %add3A_39 = vector.broadcast %broadcast_in_dim3A_38 : vector<1x128xf32> to vector<1000x128xf32>
    %add3A_40 = arith.addf %dot_general3A_33, %add3A_39 : vector<1000x128xf32>
    %swap3A_41 = arith.constant 0 : index
    %swap3A_42 = arith.constant 0 : index
    %swap3A_43 = arith.constant 0 : index
    %swap3A_44 = arith.constant 0 : index
    %swap3A_45 = vector.load %arg9[%swap3A_41, %swap3A_42, %swap3A_43, %swap3A_44] : memref<5x2x1000x128xf32, #tpu.memory_space<vmem>>, vector<1x1x1000x128xf32>
    %swap3A_46 = vector.shape_cast %swap3A_45 : vector<1x1x1000x128xf32> to vector<1000x128xf32>
    %swap3A_47 = vector.shape_cast %add3A_40 : vector<1000x128xf32> to vector<1x1x1000x128xf32>
    tpu.vector_store %arg9[%swap3A_41, %swap3A_42, %swap3A_43, %swap3A_44], %swap3A_47 {strides = array<i32>} : memref<5x2x1000x128xf32, #tpu.memory_space<vmem>>, vector<1x1x1000x128xf32>,
    %get3A_48 = arith.constant 0 : index
    %get3A_49 = arith.constant 1 : index
    %get3A_50 = arith.constant 0 : index
    %get3A_51 = arith.constant 0 : index
    %get3A_52 = vector.load %arg4[%get3A_48, %get3A_49, %get3A_50, %get3A_51] : memref<5x2x128x128xf32, #tpu.memory_space<vmem>>, vector<1x1x128x128xf32>
    %get3A_53 = vector.shape_cast %get3A_52 : vector<1x1x128x128xf32> to vector<128x128xf32>
    %dot_general3A_54 = arith.constant dense<0.000000e+00> : vector<1000x128xf32>
    %dot_general3A_55 = tpu.matmul %get3A_1, %get3A_53, %dot_general3A_54 {dimension_numbers = #tpu.dot_dimension_numbers<[1], [0], [0], [1], [0, 0, 1, 1], [], []>, transpose_lhs_hint = false} : vector<1000x128xf32>, vector<128x128xf32>, vector<1000x128xf32> -> vector<1000x128xf32>
    %get3A_56 = arith.constant 1 : index
    %get3A_57 = arith.constant 0 : index
    %get3A_58 = vector.load %arg5[%get3A_56, %get3A_57] : memref<10x128xf32, #tpu.memory_space<vmem>>, vector<1x128xf32>
    %get3A_59 = vector.shape_cast %get3A_58 : vector<1x128xf32> to vector<128xf32>
    %broadcast_in_dim3A_60 = vector.shape_cast %get3A_59 : vector<128xf32> to vector<1x128xf32>
    %add3A_61 = vector.broadcast %broadcast_in_dim3A_60 : vector<1x128xf32> to vector<1000x128xf32>
    %add3A_62 = arith.addf %dot_general3A_55, %add3A_61 : vector<1000x128xf32>
    %swap3A_63 = arith.constant 0 : index
    %swap3A_64 = arith.constant 1 : index
    %swap3A_65 = arith.constant 0 : index
    %swap3A_66 = arith.constant 0 : index
    %swap3A_67 = vector.load %arg8[%swap3A_63, %swap3A_64, %swap3A_65, %swap3A_66] : memref<5x2x1000x128xf32, #tpu.memory_space<vmem>>, vector<1x1x1000x128xf32>
    %swap3A_68 = vector.shape_cast %swap3A_67 : vector<1x1x1000x128xf32> to vector<1000x128xf32>
    %swap3A_69 = vector.shape_cast %add3A_62 : vector<1000x128xf32> to vector<1x1x1000x128xf32>
    tpu.vector_store %arg8[%swap3A_63, %swap3A_64, %swap3A_65, %swap3A_66], %swap3A_69 {strides = array<i32>} : memref<5x2x1000x128xf32, #tpu.memory_space<vmem>>, vector<1x1x1000x128xf32>,
    %get3A_70 = arith.constant 0 : index
    %get3A_71 = arith.constant 1 : index
    %get3A_72 = arith.constant 0 : index
    %get3A_73 = arith.constant 0 : index
    %get3A_74 = vector.load %arg6[%get3A_70, %get3A_71, %get3A_72, %get3A_73] : memref<5x2x128x128xf32, #tpu.memory_space<vmem>>, vector<1x1x128x128xf32>
    %get3A_75 = vector.shape_cast %get3A_74 : vector<1x1x128x128xf32> to vector<128x128xf32>
    %dot_general3A_76 = arith.constant dense<0.000000e+00> : vector<1000x128xf32>
    %dot_general3A_77 = tpu.matmul %get3A_4, %get3A_75, %dot_general3A_76 {dimension_numbers = #tpu.dot_dimension_numbers<[1], [0], [0], [1], [0, 0, 1, 1], [], []>, transpose_lhs_hint = false} : vector<1000x128xf32>, vector<128x128xf32>, vector<1000x128xf32> -> vector<1000x128xf32>
    %get3A_78 = arith.constant 1 : index
    %get3A_79 = arith.constant 0 : index
    %get3A_80 = vector.load %arg7[%get3A_78, %get3A_79] : memref<10x128xf32, #tpu.memory_space<vmem>>, vector<1x128xf32>
    %get3A_81 = vector.shape_cast %get3A_80 : vector<1x128xf32> to vector<128xf32>
    %broadcast_in_dim3A_82 = vector.shape_cast %get3A_81 : vector<128xf32> to vector<1x128xf32>
    %add3A_83 = vector.broadcast %broadcast_in_dim3A_82 : vector<1x128xf32> to vector<1000x128xf32>
    %add3A_84 = arith.addf %dot_general3A_77, %add3A_83 : vector<1000x128xf32>
    %swap3A_85 = arith.constant 0 : index
    %swap3A_86 = arith.constant 1 : index
    %swap3A_87 = arith.constant 0 : index
    %swap3A_88 = arith.constant 0 : index
    %swap3A_89 = vector.load %arg9[%swap3A_85, %swap3A_86, %swap3A_87, %swap3A_88] : memref<5x2x1000x128xf32, #tpu.memory_space<vmem>>, vector<1x1x1000x128xf32>
    %swap3A_90 = vector.shape_cast %swap3A_89 : vector<1x1x1000x128xf32> to vector<1000x128xf32>
    %swap3A_91 = vector.shape_cast %add3A_84 : vector<1000x128xf32> to vector<1x1x1000x128xf32>
    tpu.vector_store %arg9[%swap3A_85, %swap3A_86, %swap3A_87, %swap3A_88], %swap3A_91 {strides = array<i32>} : memref<5x2x1000x128xf32, #tpu.memory_space<vmem>>, vector<1x1x1000x128xf32>,
    %get3A_92 = arith.constant 1 : index
    %get3A_93 = arith.constant 0 : index
    %get3A_94 = arith.constant 0 : index
    %get3A_95 = arith.constant 0 : index
    %get3A_96 = vector.load %arg4[%get3A_92, %get3A_93, %get3A_94, %get3A_95] : memref<5x2x128x128xf32, #tpu.memory_space<vmem>>, vector<1x1x128x128xf32>
    %get3A_97 = vector.shape_cast %get3A_96 : vector<1x1x128x128xf32> to vector<128x128xf32>
    %dot_general3A_98 = arith.constant dense<0.000000e+00> : vector<1000x128xf32>
    %dot_general3A_99 = tpu.matmul %get3A_4, %get3A_97, %dot_general3A_98 {dimension_numbers = #tpu.dot_dimension_numbers<[1], [0], [0], [1], [0, 0, 1, 1], [], []>, transpose_lhs_hint = false} : vector<1000x128xf32>, vector<128x128xf32>, vector<1000x128xf32> -> vector<1000x128xf32>
    %get3A_100 = arith.constant 2 : index
    %get3A_101 = arith.constant 0 : index
    %get3A_102 = vector.load %arg5[%get3A_100, %get3A_101] : memref<10x128xf32, #tpu.memory_space<vmem>>, vector<1x128xf32>
    %get3A_103 = vector.shape_cast %get3A_102 : vector<1x128xf32> to vector<128xf32>
    %broadcast_in_dim3A_104 = vector.shape_cast %get3A_103 : vector<128xf32> to vector<1x128xf32>
    %add3A_105 = vector.broadcast %broadcast_in_dim3A_104 : vector<1x128xf32> to vector<1000x128xf32>
    %add3A_106 = arith.addf %dot_general3A_99, %add3A_105 : vector<1000x128xf32>
    %swap3A_107 = arith.constant 1 : index
    %swap3A_108 = arith.constant 0 : index
    %swap3A_109 = arith.constant 0 : index
    %swap3A_110 = arith.constant 0 : index
    %swap3A_111 = vector.load %arg8[%swap3A_107, %swap3A_108, %swap3A_109, %swap3A_110] : memref<5x2x1000x128xf32, #tpu.memory_space<vmem>>, vector<1x1x1000x128xf32>
    %swap3A_112 = vector.shape_cast %swap3A_111 : vector<1x1x1000x128xf32> to vector<1000x128xf32>
    %swap3A_113 = vector.shape_cast %add3A_106 : vector<1000x128xf32> to vector<1x1x1000x128xf32>
    tpu.vector_store %arg8[%swap3A_107, %swap3A_108, %swap3A_109, %swap3A_110], %swap3A_113 {strides = array<i32>} : memref<5x2x1000x128xf32, #tpu.memory_space<vmem>>, vector<1x1x1000x128xf32>,
    %get3A_114 = arith.constant 1 : index
    %get3A_115 = arith.constant 0 : index
    %get3A_116 = arith.constant 0 : index
    %get3A_117 = arith.constant 0 : index
    %get3A_118 = vector.load %arg6[%get3A_114, %get3A_115, %get3A_116, %get3A_117] : memref<5x2x128x128xf32, #tpu.memory_space<vmem>>, vector<1x1x128x128xf32>
    %get3A_119 = vector.shape_cast %get3A_118 : vector<1x1x128x128xf32> to vector<128x128xf32>
    %dot_general3A_120 = arith.constant dense<0.000000e+00> : vector<1000x128xf32>
    %dot_general3A_121 = tpu.matmul %get3A_7, %get3A_119, %dot_general3A_120 {dimension_numbers = #tpu.dot_dimension_numbers<[1], [0], [0], [1], [0, 0, 1, 1], [], []>, transpose_lhs_hint = false} : vector<1000x128xf32>, vector<128x128xf32>, vector<1000x128xf32> -> vector<1000x128xf32>
    %get3A_122 = arith.constant 2 : index
    %get3A_123 = arith.constant 0 : index
    %get3A_124 = vector.load %arg7[%get3A_122, %get3A_123] : memref<10x128xf32, #tpu.memory_space<vmem>>, vector<1x128xf32>
    %get3A_125 = vector.shape_cast %get3A_124 : vector<1x128xf32> to vector<128xf32>
    %broadcast_in_dim3A_126 = vector.shape_cast %get3A_125 : vector<128xf32> to vector<1x128xf32>
    %add3A_127 = vector.broadcast %broadcast_in_dim3A_126 : vector<1x128xf32> to vector<1000x128xf32>
    %add3A_128 = arith.addf %dot_general3A_121, %add3A_127 : vector<1000x128xf32>
    %swap3A_129 = arith.constant 1 : index
    %swap3A_130 = arith.constant 0 : index
    %swap3A_131 = arith.constant 0 : index
    %swap3A_132 = arith.constant 0 : index
    %swap3A_133 = vector.load %arg9[%swap3A_129, %swap3A_130, %swap3A_131, %swap3A_132] : memref<5x2x1000x128xf32, #tpu.memory_space<vmem>>, vector<1x1x1000x128xf32>
    %swap3A_134 = vector.shape_cast %swap3A_133 : vector<1x1x1000x128xf32> to vector<1000x128xf32>
    %swap3A_135 = vector.shape_cast %add3A_128 : vector<1000x128xf32> to vector<1x1x1000x128xf32>
    tpu.vector_store %arg9[%swap3A_129, %swap3A_130, %swap3A_131, %swap3A_132], %swap3A_135 {strides = array<i32>} : memref<5x2x1000x128xf32, #tpu.memory_space<vmem>>, vector<1x1x1000x128xf32>,
    %get3A_136 = arith.constant 1 : index
    %get3A_137 = arith.constant 1 : index
    %get3A_138 = arith.constant 0 : index
    %get3A_139 = arith.constant 0 : index
    %get3A_140 = vector.load %arg4[%get3A_136, %get3A_137, %get3A_138, %get3A_139] : memref<5x2x128x128xf32, #tpu.memory_space<vmem>>, vector<1x1x128x128xf32>
    %get3A_141 = vector.shape_cast %get3A_140 : vector<1x1x128x128xf32> to vector<128x128xf32>
    %dot_general3A_142 = arith.constant dense<0.000000e+00> : vector<1000x128xf32>
    %dot_general3A_143 = tpu.matmul %get3A_4, %get3A_141, %dot_general3A_142 {dimension_numbers = #tpu.dot_dimension_numbers<[1], [0], [0], [1], [0, 0, 1, 1], [], []>, transpose_lhs_hint = false} : vector<1000x128xf32>, vector<128x128xf32>, vector<1000x128xf32> -> vector<1000x128xf32>
    %get3A_144 = arith.constant 3 : index
    %get3A_145 = arith.constant 0 : index
    %get3A_146 = vector.load %arg5[%get3A_144, %get3A_145] : memref<10x128xf32, #tpu.memory_space<vmem>>, vector<1x128xf32>
    %get3A_147 = vector.shape_cast %get3A_146 : vector<1x128xf32> to vector<128xf32>
    %broadcast_in_dim3A_148 = vector.shape_cast %get3A_147 : vector<128xf32> to vector<1x128xf32>
    %add3A_149 = vector.broadcast %broadcast_in_dim3A_148 : vector<1x128xf32> to vector<1000x128xf32>
    %add3A_150 = arith.addf %dot_general3A_143, %add3A_149 : vector<1000x128xf32>
    %swap3A_151 = arith.constant 1 : index
    %swap3A_152 = arith.constant 1 : index
    %swap3A_153 = arith.constant 0 : index
    %swap3A_154 = arith.constant 0 : index
    %swap3A_155 = vector.load %arg8[%swap3A_151, %swap3A_152, %swap3A_153, %swap3A_154] : memref<5x2x1000x128xf32, #tpu.memory_space<vmem>>, vector<1x1x1000x128xf32>
    %swap3A_156 = vector.shape_cast %swap3A_155 : vector<1x1x1000x128xf32> to vector<1000x128xf32>
    %swap3A_157 = vector.shape_cast %add3A_150 : vector<1000x128xf32> to vector<1x1x1000x128xf32>
    tpu.vector_store %arg8[%swap3A_151, %swap3A_152, %swap3A_153, %swap3A_154], %swap3A_157 {strides = array<i32>} : memref<5x2x1000x128xf32, #tpu.memory_space<vmem>>, vector<1x1x1000x128xf32>,
    %get3A_158 = arith.constant 1 : index
    %get3A_159 = arith.constant 1 : index
    %get3A_160 = arith.constant 0 : index
    %get3A_161 = arith.constant 0 : index
    %get3A_162 = vector.load %arg6[%get3A_158, %get3A_159, %get3A_160, %get3A_161] : memref<5x2x128x128xf32, #tpu.memory_space<vmem>>, vector<1x1x128x128xf32>
    %get3A_163 = vector.shape_cast %get3A_162 : vector<1x1x128x128xf32> to vector<128x128xf32>
    %dot_general3A_164 = arith.constant dense<0.000000e+00> : vector<1000x128xf32>
    %dot_general3A_165 = tpu.matmul %get3A_7, %get3A_163, %dot_general3A_164 {dimension_numbers = #tpu.dot_dimension_numbers<[1], [0], [0], [1], [0, 0, 1, 1], [], []>, transpose_lhs_hint = false} : vector<1000x128xf32>, vector<128x128xf32>, vector<1000x128xf32> -> vector<1000x128xf32>
    %get3A_166 = arith.constant 3 : index
    %get3A_167 = arith.constant 0 : index
    %get3A_168 = vector.load %arg7[%get3A_166, %get3A_167] : memref<10x128xf32, #tpu.memory_space<vmem>>, vector<1x128xf32>
    %get3A_169 = vector.shape_cast %get3A_168 : vector<1x128xf32> to vector<128xf32>
    %broadcast_in_dim3A_170 = vector.shape_cast %get3A_169 : vector<128xf32> to vector<1x128xf32>
    %add3A_171 = vector.broadcast %broadcast_in_dim3A_170 : vector<1x128xf32> to vector<1000x128xf32>
    %add3A_172 = arith.addf %dot_general3A_165, %add3A_171 : vector<1000x128xf32>
    %swap3A_173 = arith.constant 1 : index
    %swap3A_174 = arith.constant 1 : index
    %swap3A_175 = arith.constant 0 : index
    %swap3A_176 = arith.constant 0 : index
    %swap3A_177 = vector.load %arg9[%swap3A_173, %swap3A_174, %swap3A_175, %swap3A_176] : memref<5x2x1000x128xf32, #tpu.memory_space<vmem>>, vector<1x1x1000x128xf32>
    %swap3A_178 = vector.shape_cast %swap3A_177 : vector<1x1x1000x128xf32> to vector<1000x128xf32>
    %swap3A_179 = vector.shape_cast %add3A_172 : vector<1000x128xf32> to vector<1x1x1000x128xf32>
    tpu.vector_store %arg9[%swap3A_173, %swap3A_174, %swap3A_175, %swap3A_176], %swap3A_179 {strides = array<i32>} : memref<5x2x1000x128xf32, #tpu.memory_space<vmem>>, vector<1x1x1000x128xf32>,
    %get3A_180 = arith.constant 2 : index
    %get3A_181 = arith.constant 0 : index
    %get3A_182 = arith.constant 0 : index
    %get3A_183 = arith.constant 0 : index
    %get3A_184 = vector.load %arg4[%get3A_180, %get3A_181, %get3A_182, %get3A_183] : memref<5x2x128x128xf32, #tpu.memory_space<vmem>>, vector<1x1x128x128xf32>
    %get3A_185 = vector.shape_cast %get3A_184 : vector<1x1x128x128xf32> to vector<128x128xf32>
    %dot_general3A_186 = arith.constant dense<0.000000e+00> : vector<1000x128xf32>
    %dot_general3A_187 = tpu.matmul %get3A_1, %get3A_185, %dot_general3A_186 {dimension_numbers = #tpu.dot_dimension_numbers<[1], [0], [0], [1], [0, 0, 1, 1], [], []>, transpose_lhs_hint = false} : vector<1000x128xf32>, vector<128x128xf32>, vector<1000x128xf32> -> vector<1000x128xf32>
    %get3A_188 = arith.constant 4 : index
    %get3A_189 = arith.constant 0 : index
    %get3A_190 = vector.load %arg5[%get3A_188, %get3A_189] : memref<10x128xf32, #tpu.memory_space<vmem>>, vector<1x128xf32>
    %get3A_191 = vector.shape_cast %get3A_190 : vector<1x128xf32> to vector<128xf32>
    %broadcast_in_dim3A_192 = vector.shape_cast %get3A_191 : vector<128xf32> to vector<1x128xf32>
    %add3A_193 = vector.broadcast %broadcast_in_dim3A_192 : vector<1x128xf32> to vector<1000x128xf32>
    %add3A_194 = arith.addf %dot_general3A_187, %add3A_193 : vector<1000x128xf32>
    %swap3A_195 = arith.constant 2 : index
    %swap3A_196 = arith.constant 0 : index
    %swap3A_197 = arith.constant 0 : index
    %swap3A_198 = arith.constant 0 : index
    %swap3A_199 = vector.load %arg8[%swap3A_195, %swap3A_196, %swap3A_197, %swap3A_198] : memref<5x2x1000x128xf32, #tpu.memory_space<vmem>>, vector<1x1x1000x128xf32>
    %swap3A_200 = vector.shape_cast %swap3A_199 : vector<1x1x1000x128xf32> to vector<1000x128xf32>
    %swap3A_201 = vector.shape_cast %add3A_194 : vector<1000x128xf32> to vector<1x1x1000x128xf32>
    tpu.vector_store %arg8[%swap3A_195, %swap3A_196, %swap3A_197, %swap3A_198], %swap3A_201 {strides = array<i32>} : memref<5x2x1000x128xf32, #tpu.memory_space<vmem>>, vector<1x1x1000x128xf32>,
    %get3A_202 = arith.constant 2 : index
    %get3A_203 = arith.constant 0 : index
    %get3A_204 = arith.constant 0 : index
    %get3A_205 = arith.constant 0 : index
    %get3A_206 = vector.load %arg6[%get3A_202, %get3A_203, %get3A_204, %get3A_205] : memref<5x2x128x128xf32, #tpu.memory_space<vmem>>, vector<1x1x128x128xf32>
    %get3A_207 = vector.shape_cast %get3A_206 : vector<1x1x128x128xf32> to vector<128x128xf32>
    %dot_general3A_208 = arith.constant dense<0.000000e+00> : vector<1000x128xf32>
    %dot_general3A_209 = tpu.matmul %get3A_7, %get3A_207, %dot_general3A_208 {dimension_numbers = #tpu.dot_dimension_numbers<[1], [0], [0], [1], [0, 0, 1, 1], [], []>, transpose_lhs_hint = false} : vector<1000x128xf32>, vector<128x128xf32>, vector<1000x128xf32> -> vector<1000x128xf32>
    %get3A_210 = arith.constant 4 : index
    %get3A_211 = arith.constant 0 : index
    %get3A_212 = vector.load %arg7[%get3A_210, %get3A_211] : memref<10x128xf32, #tpu.memory_space<vmem>>, vector<1x128xf32>
    %get3A_213 = vector.shape_cast %get3A_212 : vector<1x128xf32> to vector<128xf32>
    %broadcast_in_dim3A_214 = vector.shape_cast %get3A_213 : vector<128xf32> to vector<1x128xf32>
    %add3A_215 = vector.broadcast %broadcast_in_dim3A_214 : vector<1x128xf32> to vector<1000x128xf32>
    %add3A_216 = arith.addf %dot_general3A_209, %add3A_215 : vector<1000x128xf32>
    %swap3A_217 = arith.constant 2 : index
    %swap3A_218 = arith.constant 0 : index
    %swap3A_219 = arith.constant 0 : index
    %swap3A_220 = arith.constant 0 : index
    %swap3A_221 = vector.load %arg9[%swap3A_217, %swap3A_218, %swap3A_219, %swap3A_220] : memref<5x2x1000x128xf32, #tpu.memory_space<vmem>>, vector<1x1x1000x128xf32>
    %swap3A_222 = vector.shape_cast %swap3A_221 : vector<1x1x1000x128xf32> to vector<1000x128xf32>
    %swap3A_223 = vector.shape_cast %add3A_216 : vector<1000x128xf32> to vector<1x1x1000x128xf32>
    tpu.vector_store %arg9[%swap3A_217, %swap3A_218, %swap3A_219, %swap3A_220], %swap3A_223 {strides = array<i32>} : memref<5x2x1000x128xf32, #tpu.memory_space<vmem>>, vector<1x1x1000x128xf32>,
    %get3A_224 = arith.constant 2 : index
    %get3A_225 = arith.constant 1 : index
    %get3A_226 = arith.constant 0 : index
    %get3A_227 = arith.constant 0 : index
    %get3A_228 = vector.load %arg4[%get3A_224, %get3A_225, %get3A_226, %get3A_227] : memref<5x2x128x128xf32, #tpu.memory_space<vmem>>, vector<1x1x128x128xf32>
    %get3A_229 = vector.shape_cast %get3A_228 : vector<1x1x128x128xf32> to vector<128x128xf32>
    %dot_general3A_230 = arith.constant dense<0.000000e+00> : vector<1000x128xf32>
    %dot_general3A_231 = tpu.matmul %get3A_1, %get3A_229, %dot_general3A_230 {dimension_numbers = #tpu.dot_dimension_numbers<[1], [0], [0], [1], [0, 0, 1, 1], [], []>, transpose_lhs_hint = false} : vector<1000x128xf32>, vector<128x128xf32>, vector<1000x128xf32> -> vector<1000x128xf32>
    %get3A_232 = arith.constant 5 : index
    %get3A_233 = arith.constant 0 : index
    %get3A_234 = vector.load %arg5[%get3A_232, %get3A_233] : memref<10x128xf32, #tpu.memory_space<vmem>>, vector<1x128xf32>
    %get3A_235 = vector.shape_cast %get3A_234 : vector<1x128xf32> to vector<128xf32>
    %broadcast_in_dim3A_236 = vector.shape_cast %get3A_235 : vector<128xf32> to vector<1x128xf32>
    %add3A_237 = vector.broadcast %broadcast_in_dim3A_236 : vector<1x128xf32> to vector<1000x128xf32>
    %add3A_238 = arith.addf %dot_general3A_231, %add3A_237 : vector<1000x128xf32>
    %swap3A_239 = arith.constant 2 : index
    %swap3A_240 = arith.constant 1 : index
    %swap3A_241 = arith.constant 0 : index
    %swap3A_242 = arith.constant 0 : index
    %swap3A_243 = vector.load %arg8[%swap3A_239, %swap3A_240, %swap3A_241, %swap3A_242] : memref<5x2x1000x128xf32, #tpu.memory_space<vmem>>, vector<1x1x1000x128xf32>
    %swap3A_244 = vector.shape_cast %swap3A_243 : vector<1x1x1000x128xf32> to vector<1000x128xf32>
    %swap3A_245 = vector.shape_cast %add3A_238 : vector<1000x128xf32> to vector<1x1x1000x128xf32>
    tpu.vector_store %arg8[%swap3A_239, %swap3A_240, %swap3A_241, %swap3A_242], %swap3A_245 {strides = array<i32>} : memref<5x2x1000x128xf32, #tpu.memory_space<vmem>>, vector<1x1x1000x128xf32>,
    %get3A_246 = arith.constant 2 : index
    %get3A_247 = arith.constant 1 : index
    %get3A_248 = arith.constant 0 : index
    %get3A_249 = arith.constant 0 : index
    %get3A_250 = vector.load %arg6[%get3A_246, %get3A_247, %get3A_248, %get3A_249] : memref<5x2x128x128xf32, #tpu.memory_space<vmem>>, vector<1x1x128x128xf32>
    %get3A_251 = vector.shape_cast %get3A_250 : vector<1x1x128x128xf32> to vector<128x128xf32>
    %dot_general3A_252 = arith.constant dense<0.000000e+00> : vector<1000x128xf32>
    %dot_general3A_253 = tpu.matmul %get3A_7, %get3A_251, %dot_general3A_252 {dimension_numbers = #tpu.dot_dimension_numbers<[1], [0], [0], [1], [0, 0, 1, 1], [], []>, transpose_lhs_hint = false} : vector<1000x128xf32>, vector<128x128xf32>, vector<1000x128xf32> -> vector<1000x128xf32>
    %get3A_254 = arith.constant 5 : index
    %get3A_255 = arith.constant 0 : index
    %get3A_256 = vector.load %arg7[%get3A_254, %get3A_255] : memref<10x128xf32, #tpu.memory_space<vmem>>, vector<1x128xf32>
    %get3A_257 = vector.shape_cast %get3A_256 : vector<1x128xf32> to vector<128xf32>
    %broadcast_in_dim3A_258 = vector.shape_cast %get3A_257 : vector<128xf32> to vector<1x128xf32>
    %add3A_259 = vector.broadcast %broadcast_in_dim3A_258 : vector<1x128xf32> to vector<1000x128xf32>
    %add3A_260 = arith.addf %dot_general3A_253, %add3A_259 : vector<1000x128xf32>
    %swap3A_261 = arith.constant 2 : index
    %swap3A_262 = arith.constant 1 : index
    %swap3A_263 = arith.constant 0 : index
    %swap3A_264 = arith.constant 0 : index
    %swap3A_265 = vector.load %arg9[%swap3A_261, %swap3A_262, %swap3A_263, %swap3A_264] : memref<5x2x1000x128xf32, #tpu.memory_space<vmem>>, vector<1x1x1000x128xf32>
    %swap3A_266 = vector.shape_cast %swap3A_265 : vector<1x1x1000x128xf32> to vector<1000x128xf32>
    %swap3A_267 = vector.shape_cast %add3A_260 : vector<1000x128xf32> to vector<1x1x1000x128xf32>
    tpu.vector_store %arg9[%swap3A_261, %swap3A_262, %swap3A_263, %swap3A_264], %swap3A_267 {strides = array<i32>} : memref<5x2x1000x128xf32, #tpu.memory_space<vmem>>, vector<1x1x1000x128xf32>,
    %get3A_268 = arith.constant 3 : index
    %get3A_269 = arith.constant 0 : index
    %get3A_270 = arith.constant 0 : index
    %get3A_271 = arith.constant 0 : index
    %get3A_272 = vector.load %arg4[%get3A_268, %get3A_269, %get3A_270, %get3A_271] : memref<5x2x128x128xf32, #tpu.memory_space<vmem>>, vector<1x1x128x128xf32>
    %get3A_273 = vector.shape_cast %get3A_272 : vector<1x1x128x128xf32> to vector<128x128xf32>
    %dot_general3A_274 = arith.constant dense<0.000000e+00> : vector<1000x128xf32>
    %dot_general3A_275 = tpu.matmul %get3A_4, %get3A_273, %dot_general3A_274 {dimension_numbers = #tpu.dot_dimension_numbers<[1], [0], [0], [1], [0, 0, 1, 1], [], []>, transpose_lhs_hint = false} : vector<1000x128xf32>, vector<128x128xf32>, vector<1000x128xf32> -> vector<1000x128xf32>
    %get3A_276 = arith.constant 6 : index
    %get3A_277 = arith.constant 0 : index
    %get3A_278 = vector.load %arg5[%get3A_276, %get3A_277] : memref<10x128xf32, #tpu.memory_space<vmem>>, vector<1x128xf32>
    %get3A_279 = vector.shape_cast %get3A_278 : vector<1x128xf32> to vector<128xf32>
    %broadcast_in_dim3A_280 = vector.shape_cast %get3A_279 : vector<128xf32> to vector<1x128xf32>
    %add3A_281 = vector.broadcast %broadcast_in_dim3A_280 : vector<1x128xf32> to vector<1000x128xf32>
    %add3A_282 = arith.addf %dot_general3A_275, %add3A_281 : vector<1000x128xf32>
    %swap3A_283 = arith.constant 3 : index
    %swap3A_284 = arith.constant 0 : index
    %swap3A_285 = arith.constant 0 : index
    %swap3A_286 = arith.constant 0 : index
    %swap3A_287 = vector.load %arg8[%swap3A_283, %swap3A_284, %swap3A_285, %swap3A_286] : memref<5x2x1000x128xf32, #tpu.memory_space<vmem>>, vector<1x1x1000x128xf32>
    %swap3A_288 = vector.shape_cast %swap3A_287 : vector<1x1x1000x128xf32> to vector<1000x128xf32>
    %swap3A_289 = vector.shape_cast %add3A_282 : vector<1000x128xf32> to vector<1x1x1000x128xf32>
    tpu.vector_store %arg8[%swap3A_283, %swap3A_284, %swap3A_285, %swap3A_286], %swap3A_289 {strides = array<i32>} : memref<5x2x1000x128xf32, #tpu.memory_space<vmem>>, vector<1x1x1000x128xf32>,
    %get3A_290 = arith.constant 3 : index
    %get3A_291 = arith.constant 0 : index
    %get3A_292 = arith.constant 0 : index
    %get3A_293 = arith.constant 0 : index
    %get3A_294 = vector.load %arg6[%get3A_290, %get3A_291, %get3A_292, %get3A_293] : memref<5x2x128x128xf32, #tpu.memory_space<vmem>>, vector<1x1x128x128xf32>
    %get3A_295 = vector.shape_cast %get3A_294 : vector<1x1x128x128xf32> to vector<128x128xf32>
    %dot_general3A_296 = arith.constant dense<0.000000e+00> : vector<1000x128xf32>
    %dot_general3A_297 = tpu.matmul %get3A_1, %get3A_295, %dot_general3A_296 {dimension_numbers = #tpu.dot_dimension_numbers<[1], [0], [0], [1], [0, 0, 1, 1], [], []>, transpose_lhs_hint = false} : vector<1000x128xf32>, vector<128x128xf32>, vector<1000x128xf32> -> vector<1000x128xf32>
    %get3A_298 = arith.constant 6 : index
    %get3A_299 = arith.constant 0 : index
    %get3A_300 = vector.load %arg7[%get3A_298, %get3A_299] : memref<10x128xf32, #tpu.memory_space<vmem>>, vector<1x128xf32>
    %get3A_301 = vector.shape_cast %get3A_300 : vector<1x128xf32> to vector<128xf32>
    %broadcast_in_dim3A_302 = vector.shape_cast %get3A_301 : vector<128xf32> to vector<1x128xf32>
    %add3A_303 = vector.broadcast %broadcast_in_dim3A_302 : vector<1x128xf32> to vector<1000x128xf32>
    %add3A_304 = arith.addf %dot_general3A_297, %add3A_303 : vector<1000x128xf32>
    %swap3A_305 = arith.constant 3 : index
    %swap3A_306 = arith.constant 0 : index
    %swap3A_307 = arith.constant 0 : index
    %swap3A_308 = arith.constant 0 : index
    %swap3A_309 = vector.load %arg9[%swap3A_305, %swap3A_306, %swap3A_307, %swap3A_308] : memref<5x2x1000x128xf32, #tpu.memory_space<vmem>>, vector<1x1x1000x128xf32>
    %swap3A_310 = vector.shape_cast %swap3A_309 : vector<1x1x1000x128xf32> to vector<1000x128xf32>
    %swap3A_311 = vector.shape_cast %add3A_304 : vector<1000x128xf32> to vector<1x1x1000x128xf32>
    tpu.vector_store %arg9[%swap3A_305, %swap3A_306, %swap3A_307, %swap3A_308], %swap3A_311 {strides = array<i32>} : memref<5x2x1000x128xf32, #tpu.memory_space<vmem>>, vector<1x1x1000x128xf32>,
    %get3A_312 = arith.constant 3 : index
    %get3A_313 = arith.constant 1 : index
    %get3A_314 = arith.constant 0 : index
    %get3A_315 = arith.constant 0 : index
    %get3A_316 = vector.load %arg4[%get3A_312, %get3A_313, %get3A_314, %get3A_315] : memref<5x2x128x128xf32, #tpu.memory_space<vmem>>, vector<1x1x128x128xf32>
    %get3A_317 = vector.shape_cast %get3A_316 : vector<1x1x128x128xf32> to vector<128x128xf32>
    %dot_general3A_318 = arith.constant dense<0.000000e+00> : vector<1000x128xf32>
    %dot_general3A_319 = tpu.matmul %get3A_4, %get3A_317, %dot_general3A_318 {dimension_numbers = #tpu.dot_dimension_numbers<[1], [0], [0], [1], [0, 0, 1, 1], [], []>, transpose_lhs_hint = false} : vector<1000x128xf32>, vector<128x128xf32>, vector<1000x128xf32> -> vector<1000x128xf32>
    %get3A_320 = arith.constant 7 : index
    %get3A_321 = arith.constant 0 : index
    %get3A_322 = vector.load %arg5[%get3A_320, %get3A_321] : memref<10x128xf32, #tpu.memory_space<vmem>>, vector<1x128xf32>
    %get3A_323 = vector.shape_cast %get3A_322 : vector<1x128xf32> to vector<128xf32>
    %broadcast_in_dim3A_324 = vector.shape_cast %get3A_323 : vector<128xf32> to vector<1x128xf32>
    %add3A_325 = vector.broadcast %broadcast_in_dim3A_324 : vector<1x128xf32> to vector<1000x128xf32>
    %add3A_326 = arith.addf %dot_general3A_319, %add3A_325 : vector<1000x128xf32>
    %swap3A_327 = arith.constant 3 : index
    %swap3A_328 = arith.constant 1 : index
    %swap3A_329 = arith.constant 0 : index
    %swap3A_330 = arith.constant 0 : index
    %swap3A_331 = vector.load %arg8[%swap3A_327, %swap3A_328, %swap3A_329, %swap3A_330] : memref<5x2x1000x128xf32, #tpu.memory_space<vmem>>, vector<1x1x1000x128xf32>
    %swap3A_332 = vector.shape_cast %swap3A_331 : vector<1x1x1000x128xf32> to vector<1000x128xf32>
    %swap3A_333 = vector.shape_cast %add3A_326 : vector<1000x128xf32> to vector<1x1x1000x128xf32>
    tpu.vector_store %arg8[%swap3A_327, %swap3A_328, %swap3A_329, %swap3A_330], %swap3A_333 {strides = array<i32>} : memref<5x2x1000x128xf32, #tpu.memory_space<vmem>>, vector<1x1x1000x128xf32>,
    %get3A_334 = arith.constant 3 : index
    %get3A_335 = arith.constant 1 : index
    %get3A_336 = arith.constant 0 : index
    %get3A_337 = arith.constant 0 : index
    %get3A_338 = vector.load %arg6[%get3A_334, %get3A_335, %get3A_336, %get3A_337] : memref<5x2x128x128xf32, #tpu.memory_space<vmem>>, vector<1x1x128x128xf32>
    %get3A_339 = vector.shape_cast %get3A_338 : vector<1x1x128x128xf32> to vector<128x128xf32>
    %dot_general3A_340 = arith.constant dense<0.000000e+00> : vector<1000x128xf32>
    %dot_general3A_341 = tpu.matmul %get3A_1, %get3A_339, %dot_general3A_340 {dimension_numbers = #tpu.dot_dimension_numbers<[1], [0], [0], [1], [0, 0, 1, 1], [], []>, transpose_lhs_hint = false} : vector<1000x128xf32>, vector<128x128xf32>, vector<1000x128xf32> -> vector<1000x128xf32>
    %get3A_342 = arith.constant 7 : index
    %get3A_343 = arith.constant 0 : index
    %get3A_344 = vector.load %arg7[%get3A_342, %get3A_343] : memref<10x128xf32, #tpu.memory_space<vmem>>, vector<1x128xf32>
    %get3A_345 = vector.shape_cast %get3A_344 : vector<1x128xf32> to vector<128xf32>
    %broadcast_in_dim3A_346 = vector.shape_cast %get3A_345 : vector<128xf32> to vector<1x128xf32>
    %add3A_347 = vector.broadcast %broadcast_in_dim3A_346 : vector<1x128xf32> to vector<1000x128xf32>
    %add3A_348 = arith.addf %dot_general3A_341, %add3A_347 : vector<1000x128xf32>
    %swap3A_349 = arith.constant 3 : index
    %swap3A_350 = arith.constant 1 : index
    %swap3A_351 = arith.constant 0 : index
    %swap3A_352 = arith.constant 0 : index
    %swap3A_353 = vector.load %arg9[%swap3A_349, %swap3A_350, %swap3A_351, %swap3A_352] : memref<5x2x1000x128xf32, #tpu.memory_space<vmem>>, vector<1x1x1000x128xf32>
    %swap3A_354 = vector.shape_cast %swap3A_353 : vector<1x1x1000x128xf32> to vector<1000x128xf32>
    %swap3A_355 = vector.shape_cast %add3A_348 : vector<1000x128xf32> to vector<1x1x1000x128xf32>
    tpu.vector_store %arg9[%swap3A_349, %swap3A_350, %swap3A_351, %swap3A_352], %swap3A_355 {strides = array<i32>} : memref<5x2x1000x128xf32, #tpu.memory_space<vmem>>, vector<1x1x1000x128xf32>,
    %get3A_356 = arith.constant 4 : index
    %get3A_357 = arith.constant 0 : index
    %get3A_358 = arith.constant 0 : index
    %get3A_359 = arith.constant 0 : index
    %get3A_360 = vector.load %arg4[%get3A_356, %get3A_357, %get3A_358, %get3A_359] : memref<5x2x128x128xf32, #tpu.memory_space<vmem>>, vector<1x1x128x128xf32>
    %get3A_361 = vector.shape_cast %get3A_360 : vector<1x1x128x128xf32> to vector<128x128xf32>
    %dot_general3A_362 = arith.constant dense<0.000000e+00> : vector<1000x128xf32>
    %dot_general3A_363 = tpu.matmul %get3A_7, %get3A_361, %dot_general3A_362 {dimension_numbers = #tpu.dot_dimension_numbers<[1], [0], [0], [1], [0, 0, 1, 1], [], []>, transpose_lhs_hint = false} : vector<1000x128xf32>, vector<128x128xf32>, vector<1000x128xf32> -> vector<1000x128xf32>
    %get3A_364 = arith.constant 8 : index
    %get3A_365 = arith.constant 0 : index
    %get3A_366 = vector.load %arg5[%get3A_364, %get3A_365] : memref<10x128xf32, #tpu.memory_space<vmem>>, vector<1x128xf32>
    %get3A_367 = vector.shape_cast %get3A_366 : vector<1x128xf32> to vector<128xf32>
    %broadcast_in_dim3A_368 = vector.shape_cast %get3A_367 : vector<128xf32> to vector<1x128xf32>
    %add3A_369 = vector.broadcast %broadcast_in_dim3A_368 : vector<1x128xf32> to vector<1000x128xf32>
    %add3A_370 = arith.addf %dot_general3A_363, %add3A_369 : vector<1000x128xf32>
    %swap3A_371 = arith.constant 4 : index
    %swap3A_372 = arith.constant 0 : index
    %swap3A_373 = arith.constant 0 : index
    %swap3A_374 = arith.constant 0 : index
    %swap3A_375 = vector.load %arg8[%swap3A_371, %swap3A_372, %swap3A_373, %swap3A_374] : memref<5x2x1000x128xf32, #tpu.memory_space<vmem>>, vector<1x1x1000x128xf32>
    %swap3A_376 = vector.shape_cast %swap3A_375 : vector<1x1x1000x128xf32> to vector<1000x128xf32>
    %swap3A_377 = vector.shape_cast %add3A_370 : vector<1000x128xf32> to vector<1x1x1000x128xf32>
    tpu.vector_store %arg8[%swap3A_371, %swap3A_372, %swap3A_373, %swap3A_374], %swap3A_377 {strides = array<i32>} : memref<5x2x1000x128xf32, #tpu.memory_space<vmem>>, vector<1x1x1000x128xf32>,
    %get3A_378 = arith.constant 4 : index
    %get3A_379 = arith.constant 0 : index
    %get3A_380 = arith.constant 0 : index
    %get3A_381 = arith.constant 0 : index
    %get3A_382 = vector.load %arg6[%get3A_378, %get3A_379, %get3A_380, %get3A_381] : memref<5x2x128x128xf32, #tpu.memory_space<vmem>>, vector<1x1x128x128xf32>
    %get3A_383 = vector.shape_cast %get3A_382 : vector<1x1x128x128xf32> to vector<128x128xf32>
    %dot_general3A_384 = arith.constant dense<0.000000e+00> : vector<1000x128xf32>
    %dot_general3A_385 = tpu.matmul %get3A_1, %get3A_383, %dot_general3A_384 {dimension_numbers = #tpu.dot_dimension_numbers<[1], [0], [0], [1], [0, 0, 1, 1], [], []>, transpose_lhs_hint = false} : vector<1000x128xf32>, vector<128x128xf32>, vector<1000x128xf32> -> vector<1000x128xf32>
    %get3A_386 = arith.constant 8 : index
    %get3A_387 = arith.constant 0 : index
    %get3A_388 = vector.load %arg7[%get3A_386, %get3A_387] : memref<10x128xf32, #tpu.memory_space<vmem>>, vector<1x128xf32>
    %get3A_389 = vector.shape_cast %get3A_388 : vector<1x128xf32> to vector<128xf32>
    %broadcast_in_dim3A_390 = vector.shape_cast %get3A_389 : vector<128xf32> to vector<1x128xf32>
    %add3A_391 = vector.broadcast %broadcast_in_dim3A_390 : vector<1x128xf32> to vector<1000x128xf32>
    %add3A_392 = arith.addf %dot_general3A_385, %add3A_391 : vector<1000x128xf32>
    %swap3A_393 = arith.constant 4 : index
    %swap3A_394 = arith.constant 0 : index
    %swap3A_395 = arith.constant 0 : index
    %swap3A_396 = arith.constant 0 : index
    %swap3A_397 = vector.load %arg9[%swap3A_393, %swap3A_394, %swap3A_395, %swap3A_396] : memref<5x2x1000x128xf32, #tpu.memory_space<vmem>>, vector<1x1x1000x128xf32>
    %swap3A_398 = vector.shape_cast %swap3A_397 : vector<1x1x1000x128xf32> to vector<1000x128xf32>
    %swap3A_399 = vector.shape_cast %add3A_392 : vector<1000x128xf32> to vector<1x1x1000x128xf32>
    tpu.vector_store %arg9[%swap3A_393, %swap3A_394, %swap3A_395, %swap3A_396], %swap3A_399 {strides = array<i32>} : memref<5x2x1000x128xf32, #tpu.memory_space<vmem>>, vector<1x1x1000x128xf32>,
    %get3A_400 = arith.constant 4 : index
    %get3A_401 = arith.constant 1 : index
    %get3A_402 = arith.constant 0 : index
    %get3A_403 = arith.constant 0 : index
    %get3A_404 = vector.load %arg4[%get3A_400, %get3A_401, %get3A_402, %get3A_403] : memref<5x2x128x128xf32, #tpu.memory_space<vmem>>, vector<1x1x128x128xf32>
    %get3A_405 = vector.shape_cast %get3A_404 : vector<1x1x128x128xf32> to vector<128x128xf32>
    %dot_general3A_406 = arith.constant dense<0.000000e+00> : vector<1000x128xf32>
    %dot_general3A_407 = tpu.matmul %get3A_7, %get3A_405, %dot_general3A_406 {dimension_numbers = #tpu.dot_dimension_numbers<[1], [0], [0], [1], [0, 0, 1, 1], [], []>, transpose_lhs_hint = false} : vector<1000x128xf32>, vector<128x128xf32>, vector<1000x128xf32> -> vector<1000x128xf32>
    %get3A_408 = arith.constant 9 : index
    %get3A_409 = arith.constant 0 : index
    %get3A_410 = vector.load %arg5[%get3A_408, %get3A_409] : memref<10x128xf32, #tpu.memory_space<vmem>>, vector<1x128xf32>
    %get3A_411 = vector.shape_cast %get3A_410 : vector<1x128xf32> to vector<128xf32>
    %broadcast_in_dim3A_412 = vector.shape_cast %get3A_411 : vector<128xf32> to vector<1x128xf32>
    %add3A_413 = vector.broadcast %broadcast_in_dim3A_412 : vector<1x128xf32> to vector<1000x128xf32>
    %add3A_414 = arith.addf %dot_general3A_407, %add3A_413 : vector<1000x128xf32>
    %swap3A_415 = arith.constant 4 : index
    %swap3A_416 = arith.constant 1 : index
    %swap3A_417 = arith.constant 0 : index
    %swap3A_418 = arith.constant 0 : index
    %swap3A_419 = vector.load %arg8[%swap3A_415, %swap3A_416, %swap3A_417, %swap3A_418] : memref<5x2x1000x128xf32, #tpu.memory_space<vmem>>, vector<1x1x1000x128xf32>
    %swap3A_420 = vector.shape_cast %swap3A_419 : vector<1x1x1000x128xf32> to vector<1000x128xf32>
    %swap3A_421 = vector.shape_cast %add3A_414 : vector<1000x128xf32> to vector<1x1x1000x128xf32>
    tpu.vector_store %arg8[%swap3A_415, %swap3A_416, %swap3A_417, %swap3A_418], %swap3A_421 {strides = array<i32>} : memref<5x2x1000x128xf32, #tpu.memory_space<vmem>>, vector<1x1x1000x128xf32>,
    %get3A_422 = arith.constant 4 : index
    %get3A_423 = arith.constant 1 : index
    %get3A_424 = arith.constant 0 : index
    %get3A_425 = arith.constant 0 : index
    %get3A_426 = vector.load %arg6[%get3A_422, %get3A_423, %get3A_424, %get3A_425] : memref<5x2x128x128xf32, #tpu.memory_space<vmem>>, vector<1x1x128x128xf32>
    %get3A_427 = vector.shape_cast %get3A_426 : vector<1x1x128x128xf32> to vector<128x128xf32>
    %dot_general3A_428 = arith.constant dense<0.000000e+00> : vector<1000x128xf32>
    %dot_general3A_429 = tpu.matmul %get3A_1, %get3A_427, %dot_general3A_428 {dimension_numbers = #tpu.dot_dimension_numbers<[1], [0], [0], [1], [0, 0, 1, 1], [], []>, transpose_lhs_hint = false} : vector<1000x128xf32>, vector<128x128xf32>, vector<1000x128xf32> -> vector<1000x128xf32>
    %get3A_430 = arith.constant 9 : index
    %get3A_431 = arith.constant 0 : index
    %get3A_432 = vector.load %arg7[%get3A_430, %get3A_431] : memref<10x128xf32, #tpu.memory_space<vmem>>, vector<1x128xf32>
    %get3A_433 = vector.shape_cast %get3A_432 : vector<1x128xf32> to vector<128xf32>
    %broadcast_in_dim3A_434 = vector.shape_cast %get3A_433 : vector<128xf32> to vector<1x128xf32>
    %add3A_435 = vector.broadcast %broadcast_in_dim3A_434 : vector<1x128xf32> to vector<1000x128xf32>
    %add3A_436 = arith.addf %dot_general3A_429, %add3A_435 : vector<1000x128xf32>
    %swap3A_437 = arith.constant 4 : index
    %swap3A_438 = arith.constant 1 : index
    %swap3A_439 = arith.constant 0 : index
    %swap3A_440 = arith.constant 0 : index
    %swap3A_441 = vector.load %arg9[%swap3A_437, %swap3A_438, %swap3A_439, %swap3A_440] : memref<5x2x1000x128xf32, #tpu.memory_space<vmem>>, vector<1x1x1000x128xf32>
    %swap3A_442 = vector.shape_cast %swap3A_441 : vector<1x1x1000x128xf32> to vector<1000x128xf32>
    %swap3A_443 = vector.shape_cast %add3A_436 : vector<1000x128xf32> to vector<1x1x1000x128xf32>
    tpu.vector_store %arg9[%swap3A_437, %swap3A_438, %swap3A_439, %swap3A_440], %swap3A_443 {strides = array<i32>} : memref<5x2x1000x128xf32, #tpu.memory_space<vmem>>, vector<1x1x1000x128xf32>,
    return
  }
  func.func @transform_0(%arg0: i32) -> (i32, i32) {
    %c0_i32 = arith.constant 0 : i32
    %c0_i32_0 = arith.constant 0 : i32
    return %arg0, %c0_i32 : i32, i32
  }
  func.func @transform_1(%arg0: i32) -> (i32, i32) {
    %c0_i32 = arith.constant 0 : i32
    %c0_i32_0 = arith.constant 0 : i32
    return %arg0, %c0_i32 : i32, i32
  }
  func.func @transform_2(%arg0: i32) -> (i32, i32) {
    %c0_i32 = arith.constant 0 : i32
    %c0_i32_0 = arith.constant 0 : i32
    return %arg0, %c0_i32 : i32, i32
  }
  func.func @transform_3(%arg0: i32) -> (i32, i32, i32, i32) {
    %c0_i32 = arith.constant 0 : i32
    %c0_i32_0 = arith.constant 0 : i32
    %c0_i32_1 = arith.constant 0 : i32
    %c0_i32_2 = arith.constant 0 : i32
    %c0_i32_3 = arith.constant 0 : i32
    return %c0_i32, %c0_i32_0, %c0_i32_1, %c0_i32_2 : i32, i32, i32, i32
  }
  func.func @transform_4(%arg0: i32) -> (i32, i32) {
    %c0_i32 = arith.constant 0 : i32
    %c0_i32_0 = arith.constant 0 : i32
    %c0_i32_1 = arith.constant 0 : i32
    return %c0_i32, %c0_i32_0 : i32, i32
  }
  func.func @transform_5(%arg0: i32) -> (i32, i32, i32, i32) {
    %c0_i32 = arith.constant 0 : i32
    %c0_i32_0 = arith.constant 0 : i32
    %c0_i32_1 = arith.constant 0 : i32
    %c0_i32_2 = arith.constant 0 : i32
    %c0_i32_3 = arith.constant 0 : i32
    return %c0_i32, %c0_i32_0, %c0_i32_1, %c0_i32_2 : i32, i32, i32, i32
  }
  func.func @transform_6(%arg0: i32) -> (i32, i32) {
    %c0_i32 = arith.constant 0 : i32
    %c0_i32_0 = arith.constant 0 : i32
    %c0_i32_1 = arith.constant 0 : i32
    return %c0_i32, %c0_i32_0 : i32, i32
  }
  func.func @transform_7(%arg0: i32) -> (i32, i32, i32, i32) {
    %c0_i32 = arith.constant 0 : i32
    %c0_i32_0 = arith.constant 0 : i32
    %c0_i32_1 = arith.constant 0 : i32
    %c0_i32_2 = arith.constant 0 : i32
    return %c0_i32, %c0_i32_0, %arg0, %c0_i32_1 : i32, i32, i32, i32
  }
  func.func @transform_8(%arg0: i32) -> (i32, i32, i32, i32) {
    %c0_i32 = arith.constant 0 : i32
    %c0_i32_0 = arith.constant 0 : i32
    %c0_i32_1 = arith.constant 0 : i32
    %c0_i32_2 = arith.constant 0 : i32
    return %c0_i32, %c0_i32_0, %arg0, %c0_i32_1 : i32, i32, i32, i32
  }
}

module attributes {stable_mosaic.version = 14 : i64} {
  func.func @_combine_body(%arg0: i32, %arg1: memref<5x2x1000x128xf32, #tpu.memory_space<vmem>>, %arg2: memref<1000x128xf32, #tpu.memory_space<vmem>>, %arg3: memref<1000x128xf32, #tpu.memory_space<vmem>>, %arg4: memref<1000x128xf32, #tpu.memory_space<vmem>>, %arg5: memref<5x128xf32, #tpu.memory_space<vmem>>, %arg6: memref<128x128xf32, #tpu.memory_space<vmem>>, %arg7: memref<1x128xf32, #tpu.memory_space<vmem>>, %arg8: memref<3x1000x128xf32, #tpu.memory_space<vmem>>) attributes {dimension_semantics = [#tpu.dimension_semantics<arbitrary>], iteration_bounds = array<i64: 10>, scalar_prefetch = 0 : i64, scratch_operands = 0 : i64, tpu.core_type = #tpu.core_type<tc>, window_params = [{transform_indices = @transform_0, window_bounds = array<i64: 5, 2, 1000, 128>}, {transform_indices = @transform_1, window_bounds = array<i64: 1000, 128>}, {transform_indices = @transform_2, window_bounds = array<i64: 1000, 128>}, {transform_indices = @transform_3, window_bounds = array<i64: 1000, 128>}, {pipeline_mode = #tpu.pipeline_mode<synchronous>, transform_indices = @transform_4, window_bounds = array<i64: 5, 128>}, {pipeline_mode = #tpu.pipeline_mode<synchronous>, transform_indices = @transform_5, window_bounds = array<i64: 128, 128>}, {pipeline_mode = #tpu.pipeline_mode<synchronous>, transform_indices = @transform_6, window_bounds = array<i64: 1, 128>}, {transform_indices = @transform_7, window_bounds = array<i64: 3, 1000, 128>}]} {
    %get3A = arith.constant 0 : index
    %get3A_0 = arith.constant 0 : index
    %get3A_1 = arith.constant 0 : index
    %get3A_2 = arith.constant 0 : index
    %get3A_3 = vector.load %arg1[%get3A, %get3A_0, %get3A_1, %get3A_2] : memref<5x2x1000x128xf32, #tpu.memory_space<vmem>>, vector<1x1x1000x128xf32>
    %get3A_4 = vector.shape_cast %get3A_3 : vector<1x1x1000x128xf32> to vector<1000x128xf32>
    %get3A_5 = arith.constant 0 : index
    %get3A_6 = arith.constant 1 : index
    %get3A_7 = arith.constant 0 : index
    %get3A_8 = arith.constant 0 : index
    %get3A_9 = vector.load %arg1[%get3A_5, %get3A_6, %get3A_7, %get3A_8] : memref<5x2x1000x128xf32, #tpu.memory_space<vmem>>, vector<1x1x1000x128xf32>
    %get3A_10 = vector.shape_cast %get3A_9 : vector<1x1x1000x128xf32> to vector<1000x128xf32>
    %add3A = arith.addf %get3A_4, %get3A_10 : vector<1000x128xf32>
    %mul3A = arith.constant 5.000000e-01 : f32
    %mul3A_11 = vector.broadcast %mul3A : f32 to vector<1000x128xf32>
    %mul3A_12 = arith.mulf %mul3A_11, %add3A : vector<1000x128xf32>
    %get3A_13 = arith.constant 0 : index
    %get3A_14 = arith.constant 0 : index
    %get3A_15 = vector.load %arg5[%get3A_13, %get3A_14] : memref<5x128xf32, #tpu.memory_space<vmem>>, vector<1x128xf32>
    %get3A_16 = vector.shape_cast %get3A_15 : vector<1x128xf32> to vector<128xf32>
    %broadcast_in_dim3A = vector.shape_cast %get3A_16 : vector<128xf32> to vector<1x128xf32>
    %add3A_17 = vector.broadcast %broadcast_in_dim3A : vector<1x128xf32> to vector<1000x128xf32>
    %add3A_18 = arith.addf %mul3A_12, %add3A_17 : vector<1000x128xf32>
    %get3A_19 = arith.constant 1 : index
    %get3A_20 = arith.constant 0 : index
    %get3A_21 = arith.constant 0 : index
    %get3A_22 = arith.constant 0 : index
    %get3A_23 = vector.load %arg1[%get3A_19, %get3A_20, %get3A_21, %get3A_22] : memref<5x2x1000x128xf32, #tpu.memory_space<vmem>>, vector<1x1x1000x128xf32>
    %get3A_24 = vector.shape_cast %get3A_23 : vector<1x1x1000x128xf32> to vector<1000x128xf32>
    %get3A_25 = arith.constant 1 : index
    %get3A_26 = arith.constant 1 : index
    %get3A_27 = arith.constant 0 : index
    %get3A_28 = arith.constant 0 : index
    %get3A_29 = vector.load %arg1[%get3A_25, %get3A_26, %get3A_27, %get3A_28] : memref<5x2x1000x128xf32, #tpu.memory_space<vmem>>, vector<1x1x1000x128xf32>
    %get3A_30 = vector.shape_cast %get3A_29 : vector<1x1x1000x128xf32> to vector<1000x128xf32>
    %add3A_31 = arith.addf %get3A_24, %get3A_30 : vector<1000x128xf32>
    %mul3A_32 = arith.constant 5.000000e-01 : f32
    %mul3A_33 = vector.broadcast %mul3A_32 : f32 to vector<1000x128xf32>
    %mul3A_34 = arith.mulf %mul3A_33, %add3A_31 : vector<1000x128xf32>
    %get3A_35 = arith.constant 1 : index
    %get3A_36 = arith.constant 0 : index
    %get3A_37 = vector.load %arg5[%get3A_35, %get3A_36] : memref<5x128xf32, #tpu.memory_space<vmem>>, vector<1x128xf32>
    %get3A_38 = vector.shape_cast %get3A_37 : vector<1x128xf32> to vector<128xf32>
    %broadcast_in_dim3A_39 = vector.shape_cast %get3A_38 : vector<128xf32> to vector<1x128xf32>
    %add3A_40 = vector.broadcast %broadcast_in_dim3A_39 : vector<1x128xf32> to vector<1000x128xf32>
    %add3A_41 = arith.addf %mul3A_34, %add3A_40 : vector<1000x128xf32>
    %get3A_42 = arith.constant 2 : index
    %get3A_43 = arith.constant 0 : index
    %get3A_44 = arith.constant 0 : index
    %get3A_45 = arith.constant 0 : index
    %get3A_46 = vector.load %arg1[%get3A_42, %get3A_43, %get3A_44, %get3A_45] : memref<5x2x1000x128xf32, #tpu.memory_space<vmem>>, vector<1x1x1000x128xf32>
    %get3A_47 = vector.shape_cast %get3A_46 : vector<1x1x1000x128xf32> to vector<1000x128xf32>
    %get3A_48 = arith.constant 2 : index
    %get3A_49 = arith.constant 1 : index
    %get3A_50 = arith.constant 0 : index
    %get3A_51 = arith.constant 0 : index
    %get3A_52 = vector.load %arg1[%get3A_48, %get3A_49, %get3A_50, %get3A_51] : memref<5x2x1000x128xf32, #tpu.memory_space<vmem>>, vector<1x1x1000x128xf32>
    %get3A_53 = vector.shape_cast %get3A_52 : vector<1x1x1000x128xf32> to vector<1000x128xf32>
    %add3A_54 = arith.addf %get3A_47, %get3A_53 : vector<1000x128xf32>
    %mul3A_55 = arith.constant 5.000000e-01 : f32
    %mul3A_56 = vector.broadcast %mul3A_55 : f32 to vector<1000x128xf32>
    %mul3A_57 = arith.mulf %mul3A_56, %add3A_54 : vector<1000x128xf32>
    %get3A_58 = arith.constant 2 : index
    %get3A_59 = arith.constant 0 : index
    %get3A_60 = vector.load %arg5[%get3A_58, %get3A_59] : memref<5x128xf32, #tpu.memory_space<vmem>>, vector<1x128xf32>
    %get3A_61 = vector.shape_cast %get3A_60 : vector<1x128xf32> to vector<128xf32>
    %broadcast_in_dim3A_62 = vector.shape_cast %get3A_61 : vector<128xf32> to vector<1x128xf32>
    %add3A_63 = vector.broadcast %broadcast_in_dim3A_62 : vector<1x128xf32> to vector<1000x128xf32>
    %add3A_64 = arith.addf %mul3A_57, %add3A_63 : vector<1000x128xf32>
    %add3A_65 = arith.addf %add3A_41, %add3A_64 : vector<1000x128xf32>
    %mul3A_66 = arith.constant 5.000000e-01 : f32
    %mul3A_67 = vector.broadcast %mul3A_66 : f32 to vector<1000x128xf32>
    %mul3A_68 = arith.mulf %mul3A_67, %add3A_65 : vector<1000x128xf32>
    %get3A_69 = arith.constant 3 : index
    %get3A_70 = arith.constant 0 : index
    %get3A_71 = arith.constant 0 : index
    %get3A_72 = arith.constant 0 : index
    %get3A_73 = vector.load %arg1[%get3A_69, %get3A_70, %get3A_71, %get3A_72] : memref<5x2x1000x128xf32, #tpu.memory_space<vmem>>, vector<1x1x1000x128xf32>
    %get3A_74 = vector.shape_cast %get3A_73 : vector<1x1x1000x128xf32> to vector<1000x128xf32>
    %get3A_75 = arith.constant 3 : index
    %get3A_76 = arith.constant 1 : index
    %get3A_77 = arith.constant 0 : index
    %get3A_78 = arith.constant 0 : index
    %get3A_79 = vector.load %arg1[%get3A_75, %get3A_76, %get3A_77, %get3A_78] : memref<5x2x1000x128xf32, #tpu.memory_space<vmem>>, vector<1x1x1000x128xf32>
    %get3A_80 = vector.shape_cast %get3A_79 : vector<1x1x1000x128xf32> to vector<1000x128xf32>
    %add3A_81 = arith.addf %get3A_74, %get3A_80 : vector<1000x128xf32>
    %mul3A_82 = arith.constant 5.000000e-01 : f32
    %mul3A_83 = vector.broadcast %mul3A_82 : f32 to vector<1000x128xf32>
    %mul3A_84 = arith.mulf %mul3A_83, %add3A_81 : vector<1000x128xf32>
    %get3A_85 = arith.constant 3 : index
    %get3A_86 = arith.constant 0 : index
    %get3A_87 = vector.load %arg5[%get3A_85, %get3A_86] : memref<5x128xf32, #tpu.memory_space<vmem>>, vector<1x128xf32>
    %get3A_88 = vector.shape_cast %get3A_87 : vector<1x128xf32> to vector<128xf32>
    %broadcast_in_dim3A_89 = vector.shape_cast %get3A_88 : vector<128xf32> to vector<1x128xf32>
    %add3A_90 = vector.broadcast %broadcast_in_dim3A_89 : vector<1x128xf32> to vector<1000x128xf32>
    %add3A_91 = arith.addf %mul3A_84, %add3A_90 : vector<1000x128xf32>
    %get3A_92 = arith.constant 4 : index
    %get3A_93 = arith.constant 0 : index
    %get3A_94 = arith.constant 0 : index
    %get3A_95 = arith.constant 0 : index
    %get3A_96 = vector.load %arg1[%get3A_92, %get3A_93, %get3A_94, %get3A_95] : memref<5x2x1000x128xf32, #tpu.memory_space<vmem>>, vector<1x1x1000x128xf32>
    %get3A_97 = vector.shape_cast %get3A_96 : vector<1x1x1000x128xf32> to vector<1000x128xf32>
    %get3A_98 = arith.constant 4 : index
    %get3A_99 = arith.constant 1 : index
    %get3A_100 = arith.constant 0 : index
    %get3A_101 = arith.constant 0 : index
    %get3A_102 = vector.load %arg1[%get3A_98, %get3A_99, %get3A_100, %get3A_101] : memref<5x2x1000x128xf32, #tpu.memory_space<vmem>>, vector<1x1x1000x128xf32>
    %get3A_103 = vector.shape_cast %get3A_102 : vector<1x1x1000x128xf32> to vector<1000x128xf32>
    %add3A_104 = arith.addf %get3A_97, %get3A_103 : vector<1000x128xf32>
    %mul3A_105 = arith.constant 5.000000e-01 : f32
    %mul3A_106 = vector.broadcast %mul3A_105 : f32 to vector<1000x128xf32>
    %mul3A_107 = arith.mulf %mul3A_106, %add3A_104 : vector<1000x128xf32>
    %get3A_108 = arith.constant 4 : index
    %get3A_109 = arith.constant 0 : index
    %get3A_110 = vector.load %arg5[%get3A_108, %get3A_109] : memref<5x128xf32, #tpu.memory_space<vmem>>, vector<1x128xf32>
    %get3A_111 = vector.shape_cast %get3A_110 : vector<1x128xf32> to vector<128xf32>
    %broadcast_in_dim3A_112 = vector.shape_cast %get3A_111 : vector<128xf32> to vector<1x128xf32>
    %add3A_113 = vector.broadcast %broadcast_in_dim3A_112 : vector<1x128xf32> to vector<1000x128xf32>
    %add3A_114 = arith.addf %mul3A_107, %add3A_113 : vector<1000x128xf32>
    %add3A_115 = arith.addf %add3A_91, %add3A_114 : vector<1000x128xf32>
    %mul3A_116 = arith.constant 5.000000e-01 : f32
    %mul3A_117 = vector.broadcast %mul3A_116 : f32 to vector<1000x128xf32>
    %mul3A_118 = arith.mulf %mul3A_117, %add3A_115 : vector<1000x128xf32>
    %get3A_119 = arith.constant 0 : index
    %get3A_120 = arith.constant 0 : index
    %get3A_121 = vector.load %arg2[%get3A_119, %get3A_120] : memref<1000x128xf32, #tpu.memory_space<vmem>>, vector<1000x128xf32>
    %add3A_122 = arith.addf %mul3A_118, %get3A_121 : vector<1000x128xf32>
    %gt3A = arith.constant 0.000000e+00 : f32
    %gt3A_123 = vector.broadcast %gt3A : f32 to vector<1000x128xf32>
    %gt3A_124 = arith.cmpf ogt, %add3A_122, %gt3A_123 : vector<1000x128xf32>
    %min3A = arith.constant 0.000000e+00 : f32
    %min3A_125 = vector.broadcast %min3A : f32 to vector<1000x128xf32>
    %min3A_126 = arith.minimumf %add3A_122, %min3A_125 : vector<1000x128xf32>
    %exp3A = math.exp %min3A_126 : vector<1000x128xf32>
    %sub3A = arith.constant 1.000000e+00 : f32
    %sub3A_127 = vector.broadcast %sub3A : f32 to vector<1000x128xf32>
    %sub3A_128 = arith.subf %exp3A, %sub3A_127 : vector<1000x128xf32>
    %select_n3A = arith.select %gt3A_124, %add3A_122, %sub3A_128 : vector<1000x128xi1>, vector<1000x128xf32>
    %get3A_129 = arith.constant 0 : index
    %get3A_130 = arith.constant 0 : index
    %get3A_131 = vector.load %arg6[%get3A_129, %get3A_130] : memref<128x128xf32, #tpu.memory_space<vmem>>, vector<128x128xf32>
    %dot_general3A = arith.constant dense<0.000000e+00> : vector<1000x128xf32>
    %dot_general3A_132 = tpu.matmul %select_n3A, %get3A_131, %dot_general3A {dimension_numbers = #tpu.dot_dimension_numbers<[1], [0], [0], [1], [0, 0, 1, 1], [], []>, transpose_lhs_hint = false} : vector<1000x128xf32>, vector<128x128xf32>, vector<1000x128xf32> -> vector<1000x128xf32>
    %get3A_133 = arith.constant 0 : index
    %get3A_134 = arith.constant 0 : index
    %get3A_135 = vector.load %arg7[%get3A_133, %get3A_134] : memref<1x128xf32, #tpu.memory_space<vmem>>, vector<1x128xf32>
    %get3A_136 = vector.shape_cast %get3A_135 : vector<1x128xf32> to vector<128xf32>
    %broadcast_in_dim3A_137 = vector.shape_cast %get3A_136 : vector<128xf32> to vector<1x128xf32>
    %add3A_138 = vector.broadcast %broadcast_in_dim3A_137 : vector<1x128xf32> to vector<1000x128xf32>
    %add3A_139 = arith.addf %dot_general3A_132, %add3A_138 : vector<1000x128xf32>
    %swap3A = arith.constant 0 : index
    %swap3A_140 = arith.constant 0 : index
    %swap3A_141 = arith.constant 0 : index
    %swap3A_142 = vector.load %arg8[%swap3A, %swap3A_140, %swap3A_141] : memref<3x1000x128xf32, #tpu.memory_space<vmem>>, vector<1x1000x128xf32>
    %swap3A_143 = vector.shape_cast %swap3A_142 : vector<1x1000x128xf32> to vector<1000x128xf32>
    %swap3A_144 = vector.shape_cast %add3A_139 : vector<1000x128xf32> to vector<1x1000x128xf32>
    tpu.vector_store %arg8[%swap3A, %swap3A_140, %swap3A_141], %swap3A_144 {strides = array<i32>} : memref<3x1000x128xf32, #tpu.memory_space<vmem>>, vector<1x1000x128xf32>,
    %get3A_145 = arith.constant 0 : index
    %get3A_146 = arith.constant 0 : index
    %get3A_147 = vector.load %arg3[%get3A_145, %get3A_146] : memref<1000x128xf32, #tpu.memory_space<vmem>>, vector<1000x128xf32>
    %add3A_148 = arith.addf %add3A_18, %get3A_147 : vector<1000x128xf32>
    %gt3A_149 = arith.constant 0.000000e+00 : f32
    %gt3A_150 = vector.broadcast %gt3A_149 : f32 to vector<1000x128xf32>
    %gt3A_151 = arith.cmpf ogt, %add3A_148, %gt3A_150 : vector<1000x128xf32>
    %min3A_152 = arith.constant 0.000000e+00 : f32
    %min3A_153 = vector.broadcast %min3A_152 : f32 to vector<1000x128xf32>
    %min3A_154 = arith.minimumf %add3A_148, %min3A_153 : vector<1000x128xf32>
    %exp3A_155 = math.exp %min3A_154 : vector<1000x128xf32>
    %sub3A_156 = arith.constant 1.000000e+00 : f32
    %sub3A_157 = vector.broadcast %sub3A_156 : f32 to vector<1000x128xf32>
    %sub3A_158 = arith.subf %exp3A_155, %sub3A_157 : vector<1000x128xf32>
    %select_n3A_159 = arith.select %gt3A_151, %add3A_148, %sub3A_158 : vector<1000x128xi1>, vector<1000x128xf32>
    %swap3A_160 = arith.constant 1 : index
    %swap3A_161 = arith.constant 0 : index
    %swap3A_162 = arith.constant 0 : index
    %swap3A_163 = vector.load %arg8[%swap3A_160, %swap3A_161, %swap3A_162] : memref<3x1000x128xf32, #tpu.memory_space<vmem>>, vector<1x1000x128xf32>
    %swap3A_164 = vector.shape_cast %swap3A_163 : vector<1x1000x128xf32> to vector<1000x128xf32>
    %swap3A_165 = vector.shape_cast %select_n3A_159 : vector<1000x128xf32> to vector<1x1000x128xf32>
    tpu.vector_store %arg8[%swap3A_160, %swap3A_161, %swap3A_162], %swap3A_165 {strides = array<i32>} : memref<3x1000x128xf32, #tpu.memory_space<vmem>>, vector<1x1000x128xf32>,
    %get3A_166 = arith.constant 0 : index
    %get3A_167 = arith.constant 0 : index
    %get3A_168 = vector.load %arg4[%get3A_166, %get3A_167] : memref<1000x128xf32, #tpu.memory_space<vmem>>, vector<1000x128xf32>
    %add3A_169 = arith.addf %mul3A_68, %get3A_168 : vector<1000x128xf32>
    %gt3A_170 = arith.constant 0.000000e+00 : f32
    %gt3A_171 = vector.broadcast %gt3A_170 : f32 to vector<1000x128xf32>
    %gt3A_172 = arith.cmpf ogt, %add3A_169, %gt3A_171 : vector<1000x128xf32>
    %min3A_173 = arith.constant 0.000000e+00 : f32
    %min3A_174 = vector.broadcast %min3A_173 : f32 to vector<1000x128xf32>
    %min3A_175 = arith.minimumf %add3A_169, %min3A_174 : vector<1000x128xf32>
    %exp3A_176 = math.exp %min3A_175 : vector<1000x128xf32>
    %sub3A_177 = arith.constant 1.000000e+00 : f32
    %sub3A_178 = vector.broadcast %sub3A_177 : f32 to vector<1000x128xf32>
    %sub3A_179 = arith.subf %exp3A_176, %sub3A_178 : vector<1000x128xf32>
    %select_n3A_180 = arith.select %gt3A_172, %add3A_169, %sub3A_179 : vector<1000x128xi1>, vector<1000x128xf32>
    %swap3A_181 = arith.constant 2 : index
    %swap3A_182 = arith.constant 0 : index
    %swap3A_183 = arith.constant 0 : index
    %swap3A_184 = vector.load %arg8[%swap3A_181, %swap3A_182, %swap3A_183] : memref<3x1000x128xf32, #tpu.memory_space<vmem>>, vector<1x1000x128xf32>
    %swap3A_185 = vector.shape_cast %swap3A_184 : vector<1x1000x128xf32> to vector<1000x128xf32>
    %swap3A_186 = vector.shape_cast %select_n3A_180 : vector<1000x128xf32> to vector<1x1000x128xf32>
    tpu.vector_store %arg8[%swap3A_181, %swap3A_182, %swap3A_183], %swap3A_186 {strides = array<i32>} : memref<3x1000x128xf32, #tpu.memory_space<vmem>>, vector<1x1000x128xf32>,
    return
  }
  func.func @transform_0(%arg0: i32) -> (i32, i32, i32, i32) {
    %c0_i32 = arith.constant 0 : i32
    %c0_i32_0 = arith.constant 0 : i32
    %c0_i32_1 = arith.constant 0 : i32
    %c0_i32_2 = arith.constant 0 : i32
    return %c0_i32, %c0_i32_0, %arg0, %c0_i32_1 : i32, i32, i32, i32
  }
  func.func @transform_1(%arg0: i32) -> (i32, i32) {
    %c0_i32 = arith.constant 0 : i32
    %c0_i32_0 = arith.constant 0 : i32
    return %arg0, %c0_i32 : i32, i32
  }
  func.func @transform_2(%arg0: i32) -> (i32, i32) {
    %c0_i32 = arith.constant 0 : i32
    %c0_i32_0 = arith.constant 0 : i32
    return %arg0, %c0_i32 : i32, i32
  }
  func.func @transform_3(%arg0: i32) -> (i32, i32) {
    %c0_i32 = arith.constant 0 : i32
    %c0_i32_0 = arith.constant 0 : i32
    return %arg0, %c0_i32 : i32, i32
  }
  func.func @transform_4(%arg0: i32) -> (i32, i32) {
    %c0_i32 = arith.constant 0 : i32
    %c0_i32_0 = arith.constant 0 : i32
    %c0_i32_1 = arith.constant 0 : i32
    return %c0_i32, %c0_i32_0 : i32, i32
  }
  func.func @transform_5(%arg0: i32) -> (i32, i32) {
    %c0_i32 = arith.constant 0 : i32
    %c0_i32_0 = arith.constant 0 : i32
    %c0_i32_1 = arith.constant 0 : i32
    return %c0_i32, %c0_i32_0 : i32, i32
  }
  func.func @transform_6(%arg0: i32) -> (i32, i32) {
    %c0_i32 = arith.constant 0 : i32
    %c0_i32_0 = arith.constant 0 : i32
    %c0_i32_1 = arith.constant 0 : i32
    return %c0_i32, %c0_i32_0 : i32, i32
  }
  func.func @transform_7(%arg0: i32) -> (i32, i32, i32) {
    %c0_i32 = arith.constant 0 : i32
    %c0_i32_0 = arith.constant 0 : i32
    %c0_i32_1 = arith.constant 0 : i32
    return %c0_i32, %arg0, %c0_i32_0 : i32, i32, i32
  }
}

module attributes {stable_mosaic.version = 14 : i64} {
  func.func @_mlp_body(%arg0: i32, %arg1: memref<3x1024x128xf32, #tpu.memory_space<vmem>>, %arg2: memref<256x128xf32, #tpu.memory_space<vmem>>, %arg3: memref<1x128xf32, #tpu.memory_space<vmem>>, %arg4: memref<128x128xf32, #tpu.memory_space<vmem>>, %arg5: memref<1x128xf32, #tpu.memory_space<vmem>>, %arg6: memref<1x128xf32, #tpu.memory_space<vmem>>, %arg7: memref<256x128xf32, #tpu.memory_space<vmem>>, %arg8: memref<1x128xf32, #tpu.memory_space<vmem>>, %arg9: memref<128x128xf32, #tpu.memory_space<vmem>>, %arg10: memref<1x128xf32, #tpu.memory_space<vmem>>, %arg11: memref<128x128xf32, #tpu.memory_space<vmem>>, %arg12: memref<1x128xf32, #tpu.memory_space<vmem>>, %arg13: memref<1x128xf32, #tpu.memory_space<vmem>>, %arg14: memref<2x128xf32, #tpu.memory_space<vmem>>, %arg15: memref<2x1024xf32, #tpu.memory_space<vmem>>) attributes {dimension_semantics = [#tpu.dimension_semantics<arbitrary>], iteration_bounds = array<i64: 16>, scalar_prefetch = 0 : i64, scratch_operands = 0 : i64, tpu.core_type = #tpu.core_type<tc>, window_params = [{transform_indices = @transform_0, window_bounds = array<i64: 3, 1024, 128>}, {pipeline_mode = #tpu.pipeline_mode<synchronous>, transform_indices = @transform_1, window_bounds = array<i64: 256, 128>}, {pipeline_mode = #tpu.pipeline_mode<synchronous>, transform_indices = @transform_2, window_bounds = array<i64: 1, 128>}, {pipeline_mode = #tpu.pipeline_mode<synchronous>, transform_indices = @transform_3, window_bounds = array<i64: 128, 128>}, {pipeline_mode = #tpu.pipeline_mode<synchronous>, transform_indices = @transform_4, window_bounds = array<i64: 1, 128>}, {pipeline_mode = #tpu.pipeline_mode<synchronous>, transform_indices = @transform_5, window_bounds = array<i64: 1, 128>}, {pipeline_mode = #tpu.pipeline_mode<synchronous>, transform_indices = @transform_6, window_bounds = array<i64: 256, 128>}, {pipeline_mode = #tpu.pipeline_mode<synchronous>, transform_indices = @transform_7, window_bounds = array<i64: 1, 128>}, {pipeline_mode = #tpu.pipeline_mode<synchronous>, transform_indices = @transform_8, window_bounds = array<i64: 128, 128>}, {pipeline_mode = #tpu.pipeline_mode<synchronous>, transform_indices = @transform_9, window_bounds = array<i64: 1, 128>}, {pipeline_mode = #tpu.pipeline_mode<synchronous>, transform_indices = @transform_10, window_bounds = array<i64: 128, 128>}, {pipeline_mode = #tpu.pipeline_mode<synchronous>, transform_indices = @transform_11, window_bounds = array<i64: 1, 128>}, {pipeline_mode = #tpu.pipeline_mode<synchronous>, transform_indices = @transform_12, window_bounds = array<i64: 1, 128>}, {pipeline_mode = #tpu.pipeline_mode<synchronous>, transform_indices = @transform_13, window_bounds = array<i64: 2, 128>}, {transform_indices = @transform_14, window_bounds = array<i64: 2, 1024>}]} {
    %get3A = arith.constant 0 : index
    %get3A_0 = arith.constant 0 : index
    %get3A_1 = arith.constant 0 : index
    %get3A_2 = vector.load %arg1[%get3A, %get3A_0, %get3A_1] : memref<3x1024x128xf32, #tpu.memory_space<vmem>>, vector<1x1024x128xf32>
    %get3A_3 = vector.shape_cast %get3A_2 : vector<1x1024x128xf32> to vector<1024x128xf32>
    %get3A_4 = arith.constant 1 : index
    %get3A_5 = arith.constant 0 : index
    %get3A_6 = arith.constant 0 : index
    %get3A_7 = vector.load %arg1[%get3A_4, %get3A_5, %get3A_6] : memref<3x1024x128xf32, #tpu.memory_space<vmem>>, vector<1x1024x128xf32>
    %get3A_8 = vector.shape_cast %get3A_7 : vector<1x1024x128xf32> to vector<1024x128xf32>
    %get3A_9 = arith.constant 2 : index
    %get3A_10 = arith.constant 0 : index
    %get3A_11 = arith.constant 0 : index
    %get3A_12 = vector.load %arg1[%get3A_9, %get3A_10, %get3A_11] : memref<3x1024x128xf32, #tpu.memory_space<vmem>>, vector<1x1024x128xf32>
    %get3A_13 = vector.shape_cast %get3A_12 : vector<1x1024x128xf32> to vector<1024x128xf32>
    %get3A_14 = arith.constant 0 : index
    %get3A_15 = arith.constant 0 : index
    %get3A_16 = vector.load %arg2[%get3A_14, %get3A_15] : memref<256x128xf32, #tpu.memory_space<vmem>>, vector<128x128xf32>
    %dot_general3A = arith.constant dense<0.000000e+00> : vector<1024x128xf32>
    %dot_general3A_17 = tpu.matmul %get3A_3, %get3A_16, %dot_general3A {dimension_numbers = #tpu.dot_dimension_numbers<[1], [0], [0], [1], [0, 0, 1, 1], [], []>, transpose_lhs_hint = false} : vector<1024x128xf32>, vector<128x128xf32>, vector<1024x128xf32> -> vector<1024x128xf32>
    %get3A_18 = arith.constant 128 : index
    %get3A_19 = arith.constant 0 : index
    %get3A_20 = vector.load %arg2[%get3A_18, %get3A_19] : memref<256x128xf32, #tpu.memory_space<vmem>>, vector<128x128xf32>
    %dot_general3A_21 = arith.constant dense<0.000000e+00> : vector<1024x128xf32>
    %dot_general3A_22 = tpu.matmul %get3A_8, %get3A_20, %dot_general3A_21 {dimension_numbers = #tpu.dot_dimension_numbers<[1], [0], [0], [1], [0, 0, 1, 1], [], []>, transpose_lhs_hint = false} : vector<1024x128xf32>, vector<128x128xf32>, vector<1024x128xf32> -> vector<1024x128xf32>
    %add3A = arith.addf %dot_general3A_17, %dot_general3A_22 : vector<1024x128xf32>
    %get3A_23 = arith.constant 0 : index
    %get3A_24 = arith.constant 0 : index
    %get3A_25 = vector.load %arg3[%get3A_23, %get3A_24] : memref<1x128xf32, #tpu.memory_space<vmem>>, vector<1x128xf32>
    %get3A_26 = vector.shape_cast %get3A_25 : vector<1x128xf32> to vector<128xf32>
    %broadcast_in_dim3A = vector.shape_cast %get3A_26 : vector<128xf32> to vector<1x128xf32>
    %add3A_27 = vector.broadcast %broadcast_in_dim3A : vector<1x128xf32> to vector<1024x128xf32>
    %add3A_28 = arith.addf %add3A, %add3A_27 : vector<1024x128xf32>
    %max3A = arith.constant 0.000000e+00 : f32
    %max3A_29 = vector.broadcast %max3A : f32 to vector<1024x128xf32>
    %max3A_30 = arith.maximumf %add3A_28, %max3A_29 : vector<1024x128xf32>
    %get3A_31 = arith.constant 0 : index
    %get3A_32 = arith.constant 0 : index
    %get3A_33 = vector.load %arg4[%get3A_31, %get3A_32] : memref<128x128xf32, #tpu.memory_space<vmem>>, vector<128x128xf32>
    %dot_general3A_34 = arith.constant dense<0.000000e+00> : vector<1024x128xf32>
    %dot_general3A_35 = tpu.matmul %max3A_30, %get3A_33, %dot_general3A_34 {dimension_numbers = #tpu.dot_dimension_numbers<[1], [0], [0], [1], [0, 0, 1, 1], [], []>, transpose_lhs_hint = false} : vector<1024x128xf32>, vector<128x128xf32>, vector<1024x128xf32> -> vector<1024x128xf32>
    %get3A_36 = arith.constant 0 : index
    %get3A_37 = arith.constant 0 : index
    %get3A_38 = vector.load %arg5[%get3A_36, %get3A_37] : memref<1x128xf32, #tpu.memory_space<vmem>>, vector<1x128xf32>
    %get3A_39 = vector.shape_cast %get3A_38 : vector<1x128xf32> to vector<128xf32>
    %broadcast_in_dim3A_40 = vector.shape_cast %get3A_39 : vector<128xf32> to vector<1x128xf32>
    %add3A_41 = vector.broadcast %broadcast_in_dim3A_40 : vector<1x128xf32> to vector<1024x128xf32>
    %add3A_42 = arith.addf %dot_general3A_35, %add3A_41 : vector<1024x128xf32>
    %get3A_43 = arith.constant 0 : index
    %get3A_44 = arith.constant 0 : index
    %get3A_45 = vector.load %arg6[%get3A_43, %get3A_44] : memref<1x128xf32, #tpu.memory_space<vmem>>, vector<1x128xf32>
    %get3A_46 = vector.shape_cast %get3A_45 : vector<1x128xf32> to vector<128xf32>
    %broadcast_in_dim3A_47 = vector.shape_cast %get3A_46 : vector<128xf32> to vector<1x128xf32>
    %mul3A = vector.broadcast %broadcast_in_dim3A_47 : vector<1x128xf32> to vector<1024x128xf32>
    %mul3A_48 = arith.mulf %add3A_42, %mul3A : vector<1024x128xf32>
    %reduce_sum3A = arith.constant dense<0.000000e+00> : vector<1024xf32>
    %reduce_sum3A_49 = vector.multi_reduction <add>, %mul3A_48, %reduce_sum3A [1] : vector<1024x128xf32> to vector<1024xf32>
    %get3A_50 = arith.constant 0 : index
    %get3A_51 = arith.constant 0 : index
    %get3A_52 = vector.load %arg14[%get3A_50, %get3A_51] : memref<2x128xf32, #tpu.memory_space<vmem>>, vector<1x1xf32>
    %get3A_53 = vector.extract %get3A_52[0, 0] : f32 from vector<1x1xf32>
    %add3A_54 = vector.broadcast %get3A_53 : f32 to vector<1024xf32>
    %add3A_55 = arith.addf %reduce_sum3A_49, %add3A_54 : vector<1024xf32>
    %get3A_56 = arith.constant 0 : index
    %get3A_57 = arith.constant 0 : index
    %get3A_58 = vector.load %arg7[%get3A_56, %get3A_57] : memref<256x128xf32, #tpu.memory_space<vmem>>, vector<128x128xf32>
    %dot_general3A_59 = arith.constant dense<0.000000e+00> : vector<1024x128xf32>
    %dot_general3A_60 = tpu.matmul %get3A_8, %get3A_58, %dot_general3A_59 {dimension_numbers = #tpu.dot_dimension_numbers<[1], [0], [0], [1], [0, 0, 1, 1], [], []>, transpose_lhs_hint = false} : vector<1024x128xf32>, vector<128x128xf32>, vector<1024x128xf32> -> vector<1024x128xf32>
    %get3A_61 = arith.constant 128 : index
    %get3A_62 = arith.constant 0 : index
    %get3A_63 = vector.load %arg7[%get3A_61, %get3A_62] : memref<256x128xf32, #tpu.memory_space<vmem>>, vector<128x128xf32>
    %dot_general3A_64 = arith.constant dense<0.000000e+00> : vector<1024x128xf32>
    %dot_general3A_65 = tpu.matmul %get3A_13, %get3A_63, %dot_general3A_64 {dimension_numbers = #tpu.dot_dimension_numbers<[1], [0], [0], [1], [0, 0, 1, 1], [], []>, transpose_lhs_hint = false} : vector<1024x128xf32>, vector<128x128xf32>, vector<1024x128xf32> -> vector<1024x128xf32>
    %add3A_66 = arith.addf %dot_general3A_60, %dot_general3A_65 : vector<1024x128xf32>
    %get3A_67 = arith.constant 0 : index
    %get3A_68 = arith.constant 0 : index
    %get3A_69 = vector.load %arg8[%get3A_67, %get3A_68] : memref<1x128xf32, #tpu.memory_space<vmem>>, vector<1x128xf32>
    %get3A_70 = vector.shape_cast %get3A_69 : vector<1x128xf32> to vector<128xf32>
    %broadcast_in_dim3A_71 = vector.shape_cast %get3A_70 : vector<128xf32> to vector<1x128xf32>
    %add3A_72 = vector.broadcast %broadcast_in_dim3A_71 : vector<1x128xf32> to vector<1024x128xf32>
    %add3A_73 = arith.addf %add3A_66, %add3A_72 : vector<1024x128xf32>
    %max3A_74 = arith.constant 0.000000e+00 : f32
    %max3A_75 = vector.broadcast %max3A_74 : f32 to vector<1024x128xf32>
    %max3A_76 = arith.maximumf %add3A_73, %max3A_75 : vector<1024x128xf32>
    %get3A_77 = arith.constant 0 : index
    %get3A_78 = arith.constant 0 : index
    %get3A_79 = vector.load %arg9[%get3A_77, %get3A_78] : memref<128x128xf32, #tpu.memory_space<vmem>>, vector<128x128xf32>
    %dot_general3A_80 = arith.constant dense<0.000000e+00> : vector<1024x128xf32>
    %dot_general3A_81 = tpu.matmul %max3A_76, %get3A_79, %dot_general3A_80 {dimension_numbers = #tpu.dot_dimension_numbers<[1], [0], [0], [1], [0, 0, 1, 1], [], []>, transpose_lhs_hint = false} : vector<1024x128xf32>, vector<128x128xf32>, vector<1024x128xf32> -> vector<1024x128xf32>
    %get3A_82 = arith.constant 0 : index
    %get3A_83 = arith.constant 0 : index
    %get3A_84 = vector.load %arg10[%get3A_82, %get3A_83] : memref<1x128xf32, #tpu.memory_space<vmem>>, vector<1x128xf32>
    %get3A_85 = vector.shape_cast %get3A_84 : vector<1x128xf32> to vector<128xf32>
    %broadcast_in_dim3A_86 = vector.shape_cast %get3A_85 : vector<128xf32> to vector<1x128xf32>
    %add3A_87 = vector.broadcast %broadcast_in_dim3A_86 : vector<1x128xf32> to vector<1024x128xf32>
    %add3A_88 = arith.addf %dot_general3A_81, %add3A_87 : vector<1024x128xf32>
    %mul3A_89 = arith.mulf %add3A_42, %add3A_88 : vector<1024x128xf32>
    %get3A_90 = arith.constant 0 : index
    %get3A_91 = arith.constant 0 : index
    %get3A_92 = vector.load %arg11[%get3A_90, %get3A_91] : memref<128x128xf32, #tpu.memory_space<vmem>>, vector<128x128xf32>
    %dot_general3A_93 = arith.constant dense<0.000000e+00> : vector<1024x128xf32>
    %dot_general3A_94 = tpu.matmul %mul3A_89, %get3A_92, %dot_general3A_93 {dimension_numbers = #tpu.dot_dimension_numbers<[1], [0], [0], [1], [0, 0, 1, 1], [], []>, transpose_lhs_hint = false} : vector<1024x128xf32>, vector<128x128xf32>, vector<1024x128xf32> -> vector<1024x128xf32>
    %get3A_95 = arith.constant 0 : index
    %get3A_96 = arith.constant 0 : index
    %get3A_97 = vector.load %arg12[%get3A_95, %get3A_96] : memref<1x128xf32, #tpu.memory_space<vmem>>, vector<1x128xf32>
    %get3A_98 = vector.shape_cast %get3A_97 : vector<1x128xf32> to vector<128xf32>
    %broadcast_in_dim3A_99 = vector.shape_cast %get3A_98 : vector<128xf32> to vector<1x128xf32>
    %add3A_100 = vector.broadcast %broadcast_in_dim3A_99 : vector<1x128xf32> to vector<1024x128xf32>
    %add3A_101 = arith.addf %dot_general3A_94, %add3A_100 : vector<1024x128xf32>
    %max3A_102 = arith.constant 0.000000e+00 : f32
    %max3A_103 = vector.broadcast %max3A_102 : f32 to vector<1024x128xf32>
    %max3A_104 = arith.maximumf %add3A_101, %max3A_103 : vector<1024x128xf32>
    %get3A_105 = arith.constant 0 : index
    %get3A_106 = arith.constant 0 : index
    %get3A_107 = vector.load %arg13[%get3A_105, %get3A_106] : memref<1x128xf32, #tpu.memory_space<vmem>>, vector<1x128xf32>
    %get3A_108 = vector.shape_cast %get3A_107 : vector<1x128xf32> to vector<128xf32>
    %broadcast_in_dim3A_109 = vector.shape_cast %get3A_108 : vector<128xf32> to vector<1x128xf32>
    %mul3A_110 = vector.broadcast %broadcast_in_dim3A_109 : vector<1x128xf32> to vector<1024x128xf32>
    %mul3A_111 = arith.mulf %max3A_104, %mul3A_110 : vector<1024x128xf32>
    %reduce_sum3A_112 = arith.constant dense<0.000000e+00> : vector<1024xf32>
    %reduce_sum3A_113 = vector.multi_reduction <add>, %mul3A_111, %reduce_sum3A_112 [1] : vector<1024x128xf32> to vector<1024xf32>
    %get3A_114 = arith.constant 1 : index
    %get3A_115 = arith.constant 0 : index
    %get3A_116 = vector.load %arg14[%get3A_114, %get3A_115] : memref<2x128xf32, #tpu.memory_space<vmem>>, vector<1x1xf32>
    %get3A_117 = vector.extract %get3A_116[0, 0] : f32 from vector<1x1xf32>
    %add3A_118 = vector.broadcast %get3A_117 : f32 to vector<1024xf32>
    %add3A_119 = arith.addf %reduce_sum3A_113, %add3A_118 : vector<1024xf32>
    %swap3A = arith.constant 0 : index
    %swap3A_120 = arith.constant 0 : index
    %swap3A_121 = vector.load %arg15[%swap3A, %swap3A_120] : memref<2x1024xf32, #tpu.memory_space<vmem>>, vector<1x1024xf32>
    %swap3A_122 = vector.shape_cast %swap3A_121 : vector<1x1024xf32> to vector<1024xf32>
    %swap3A_123 = vector.shape_cast %add3A_55 : vector<1024xf32> to vector<1x1024xf32>
    tpu.vector_store %arg15[%swap3A, %swap3A_120], %swap3A_123 {strides = array<i32>} : memref<2x1024xf32, #tpu.memory_space<vmem>>, vector<1x1024xf32>,
    %swap3A_124 = arith.constant 1 : index
    %swap3A_125 = arith.constant 0 : index
    %swap3A_126 = vector.load %arg15[%swap3A_124, %swap3A_125] : memref<2x1024xf32, #tpu.memory_space<vmem>>, vector<1x1024xf32>
    %swap3A_127 = vector.shape_cast %swap3A_126 : vector<1x1024xf32> to vector<1024xf32>
    %swap3A_128 = vector.shape_cast %add3A_119 : vector<1024xf32> to vector<1x1024xf32>
    tpu.vector_store %arg15[%swap3A_124, %swap3A_125], %swap3A_128 {strides = array<i32>} : memref<2x1024xf32, #tpu.memory_space<vmem>>, vector<1x1024xf32>,
    return
  }
  func.func @transform_0(%arg0: i32) -> (i32, i32, i32) {
    %c0_i32 = arith.constant 0 : i32
    %c0_i32_0 = arith.constant 0 : i32
    %c0_i32_1 = arith.constant 0 : i32
    return %c0_i32, %arg0, %c0_i32_0 : i32, i32, i32
  }
  func.func @transform_1(%arg0: i32) -> (i32, i32) {
    %c0_i32 = arith.constant 0 : i32
    %c0_i32_0 = arith.constant 0 : i32
    %c0_i32_1 = arith.constant 0 : i32
    return %c0_i32, %c0_i32_0 : i32, i32
  }
  func.func @transform_2(%arg0: i32) -> (i32, i32) {
    %c0_i32 = arith.constant 0 : i32
    %c0_i32_0 = arith.constant 0 : i32
    %c0_i32_1 = arith.constant 0 : i32
    return %c0_i32, %c0_i32_0 : i32, i32
  }
  func.func @transform_3(%arg0: i32) -> (i32, i32) {
    %c0_i32 = arith.constant 0 : i32
    %c0_i32_0 = arith.constant 0 : i32
    %c0_i32_1 = arith.constant 0 : i32
    return %c0_i32, %c0_i32_0 : i32, i32
  }
  func.func @transform_4(%arg0: i32) -> (i32, i32) {
    %c0_i32 = arith.constant 0 : i32
    %c0_i32_0 = arith.constant 0 : i32
    %c0_i32_1 = arith.constant 0 : i32
    return %c0_i32, %c0_i32_0 : i32, i32
  }
  func.func @transform_5(%arg0: i32) -> (i32, i32) {
    %c0_i32 = arith.constant 0 : i32
    %c0_i32_0 = arith.constant 0 : i32
    %c0_i32_1 = arith.constant 0 : i32
    return %c0_i32, %c0_i32_0 : i32, i32
  }
  func.func @transform_6(%arg0: i32) -> (i32, i32) {
    %c0_i32 = arith.constant 0 : i32
    %c0_i32_0 = arith.constant 0 : i32
    %c0_i32_1 = arith.constant 0 : i32
    return %c0_i32, %c0_i32_0 : i32, i32
  }
  func.func @transform_7(%arg0: i32) -> (i32, i32) {
    %c0_i32 = arith.constant 0 : i32
    %c0_i32_0 = arith.constant 0 : i32
    %c0_i32_1 = arith.constant 0 : i32
    return %c0_i32, %c0_i32_0 : i32, i32
  }
  func.func @transform_8(%arg0: i32) -> (i32, i32) {
    %c0_i32 = arith.constant 0 : i32
    %c0_i32_0 = arith.constant 0 : i32
    %c0_i32_1 = arith.constant 0 : i32
    return %c0_i32, %c0_i32_0 : i32, i32
  }
  func.func @transform_9(%arg0: i32) -> (i32, i32) {
    %c0_i32 = arith.constant 0 : i32
    %c0_i32_0 = arith.constant 0 : i32
    %c0_i32_1 = arith.constant 0 : i32
    return %c0_i32, %c0_i32_0 : i32, i32
  }
  func.func @transform_10(%arg0: i32) -> (i32, i32) {
    %c0_i32 = arith.constant 0 : i32
    %c0_i32_0 = arith.constant 0 : i32
    %c0_i32_1 = arith.constant 0 : i32
    return %c0_i32, %c0_i32_0 : i32, i32
  }
  func.func @transform_11(%arg0: i32) -> (i32, i32) {
    %c0_i32 = arith.constant 0 : i32
    %c0_i32_0 = arith.constant 0 : i32
    %c0_i32_1 = arith.constant 0 : i32
    return %c0_i32, %c0_i32_0 : i32, i32
  }
  func.func @transform_12(%arg0: i32) -> (i32, i32) {
    %c0_i32 = arith.constant 0 : i32
    %c0_i32_0 = arith.constant 0 : i32
    %c0_i32_1 = arith.constant 0 : i32
    return %c0_i32, %c0_i32_0 : i32, i32
  }
  func.func @transform_13(%arg0: i32) -> (i32, i32) {
    %c0_i32 = arith.constant 0 : i32
    %c0_i32_0 = arith.constant 0 : i32
    %c0_i32_1 = arith.constant 0 : i32
    return %c0_i32, %c0_i32_0 : i32, i32
  }
  func.func @transform_14(%arg0: i32) -> (i32, i32) {
    %c0_i32 = arith.constant 0 : i32
    %c0_i32_0 = arith.constant 0 : i32
    return %c0_i32, %arg0 : i32, i32
  }
}

</mosaic_0001>

<sc_bundles>
// kernel: kernel.10.cloned.1.call-start
scs
__scs_entry_jumppad:
0x0: {  	(pc) =	sbr.rel $0x88, $3  }
0x1: {  	(tag) =	ssettag $0x0;
	lr =	simm.s32 $0x1  }
0x2: {  	[smem:$0x3F6A] =	sst lr;
	_ =	strace $0xD0000000  }
0x3: {  	_ = 	snop  }
0x4: {  	_ = 	snop  }
0x5: {  	_ = 	snop  }
0x6: {  	_ = 	snop  }
0x7: {  	_ = 	snop  }
__scs_overlays_trampoline_lowered:
0x8: {  	[smem:$0x3F79] =	sst s0  }
0x9: {  	[smem:$0x3F7A] =	sst s1  }
0xa: {  	[smem:$0x3F7B] =	sst s2  }
0xb: {  	[smem:$0x3F7C] =	sst s3  }
0xc: {  	[smem:$0x3F7D] =	sst s4  }
0xd: {  	[smem:$0x3F7E] =	sst s5  }
0xe: {  	[smem:$0x3F7F] =	sst s6  }
0xf: {  	[smem:$0x3F80] =	sst s7  }
0x10: {  	[smem:$0x3F81] =	sst s8  }
0x11: {  	[smem:$0x3F82] =	sst s9;
	s0 =	simm.s32 @!p0 $0x0  }
0x12: {  	s1 =	sld [smem:$0x3F68];
	s0 =	simm.s32 @p0 $0x1  }
0x13: {  	[smem:$0x3F83] =	sst s0;
	s0 =	simm.s32 @!p1 $0x0  }
0x14: {  	s2 =	sld [smem:$0x3F67];
	s0 =	simm.s32 @p1 $0x1  }
0x15: {  	[smem:$0x3F84] =	sst s0;
	s0 =	simm.s32 @!p2 $0x0  }
0x16: {  	s3 =	sld [smem:$0x3FDB];
	s0 =	simm.s32 @p2 $0x1  }
0x17: {  	s4 =	simm.s32 $0x1BF5;
	[smem:$0x3F86] =	sst s0  }
0x18: {  	s0 =	sld [smem:$0x3F69];
	_ =	swait.ge [sflag:s4], $0x0  }
0x19: {  	s7 =	sld [smem:$0x3F6A]  }
0x1a: {  	s8 =	sadd.s32 $0xFFFFE003, lr  }
0x1b: {  	s9 =	sadd.s32 $0xFFFFFEF7, lr;
	s5 =	simm.s32 $0xFFFFFFFF;
	p2 =	slt.u32 s8, $0xFFFFF086  }
0x1c: {  	p1 =	slt.u32 s9, $0xF7A;
	s5 =	simm.s32 @!p2 $0x0  }
0x1d: {  	s5 =	simm.s32 @p1 $0x1;
	p0 =	seq.s32 s7, s2  }
0x1e: {  	s7 =	smul.u32 @!p0 $0xF7A, s2;
	p2 =	seq.s32 @!p0 s5, $0x0  }
0x1f: {  	s9 =	smul.u32 $0xF7A, s1;
	s8 =	simm.s32 @!p0 $0x1BF5;
	p2 =	por !p2, p0  }
0x20: {  	[sflag:s8] =	ssyncset.s32 @!p0 $0xFFFFF086;
	s6 =	sadd.s32 @!p0 s3, s7;
	s7 =	simm.s32 @!p0 $0x108  }
0x21: {  	s3 =	sadd.s32 s3, s9;
	s6 =	sadd.s32 @!p0 $0x88, s6;
	s7 =	simm.s32 @p2 $0x1082  }
0x22: {  	[simem:s7], [sflag:s8] =	dma.local @!p0 [hbm:s6], $0xF7A  }
0x23: {  	s9 =	sor.u32 $0xD0000000, s2;
	s6 =	simm.s32 $0x108;
	_ =	swait.ge @!p0 [sflag:s8], $0x0  }
0x24: {  	s3 =	sadd.s32 $0x88, s3;
	s6 =	simm.s32 @!p1 $0x1082;
	[sflag:s4] =	ssyncset.s32 $0xFFFFF086  }
0x25: {  	[simem:s6], [sflag:s4] =	dma.local [hbm:s3], $0xF7A  }
0x26: {  	[smem:$0x3F6A] =	sst s1;
	(tag) =	ssettag s2;
	_ =	strace s9  }
0x27: {  	s1 =	sld [smem:$0x3F7A]  }
0x28: {  	s2 =	sld [smem:$0x3F7B]  }
0x29: {  	s4 =	sld [smem:$0x3F7D]  }
0x2a: {  	p0 =	seq.s32 s5, $0x0;
	s5 =	sld [smem:$0x3F7E]  }
0x2b: {  	s6 =	sld [smem:$0x3F7F]  }
0x2c: {  	s7 =	sld [smem:$0x3F80]  }
0x2d: {  	s3 =	simm.s32 $0x108;
	s8 =	sld [smem:$0x3F81]  }
0x2e: {  	s3 =	simm.s32 @!p0 $0x1082;
	s9 =	sld [smem:$0x3F82]  }
0x2f: {  	lr =	sadd.s32 s0, s3;
	s0 =	sld [smem:$0x3F79]  }
0x30: {  	s3 =	sld [smem:$0x3F7C]  }
0x31: {  	[smem:$0x3F85] =	sst s10  }
0x32: {  	s10 =	sld [smem:$0x3F83];
	_ =	sdelay $0x3  }
0x33: {  	p0 =	seq.s32 s10, $0x1;
	s10 =	sld [smem:$0x3F85];
	_ =	sdelay $0x3  }
0x34: {  	[smem:$0x3F85] =	sst s10  }
0x35: {  	s10 =	sld [smem:$0x3F84];
	_ =	sdelay $0x3  }
0x36: {  	p1 =	seq.s32 s10, $0x1;
	s10 =	sld [smem:$0x3F85];
	_ =	sdelay $0x3  }
0x37: {  	[smem:$0x3F85] =	sst s10  }
0x38: {  	s10 =	sld [smem:$0x3F86]  }
0x39: {  	_ = 	snop;
	(pc) =	sbr.ind lr, $3  }
0x3a: {  	_ = 	snop  }
0x3b: {  	_ = 	snop  }
0x3c: {  	p2 =	seq.s32 s10, $0x1;
	s10 =	sld [smem:$0x3F85]  }
0x3d: {  	_ =	shalt  }
0x3e: {  	_ =	shalt  }
0x3f: {  	_ =	shalt  }
0x40: {  	_ =	shalt  }
0x41: {  	_ =	shalt  }
0x42: {  	_ =	shalt  }
0x43: {  	_ =	shalt  }
0x44: {  	_ =	shalt  }
0x45: {  	_ =	shalt  }
0x46: {  	_ =	shalt  }
0x47: {  	_ =	shalt  }
0x48: {  	_ =	shalt  }
0x49: {  	_ =	shalt  }
0x4a: {  	_ =	shalt  }
0x4b: {  	_ =	shalt  }
0x4c: {  	_ =	shalt  }
0x4d: {  	_ =	shalt  }
0x4e: {  	_ =	shalt  }
0x4f: {  	_ =	shalt  }
0x50: {  	_ =	shalt  }
0x51: {  	_ =	shalt  }
0x52: {  	_ =	shalt  }
0x53: {  	_ =	shalt  }
0x54: {  	_ =	shalt  }
0x55: {  	_ =	shalt  }
0x56: {  	_ =	shalt  }
0x57: {  	_ =	shalt  }
0x58: {  	_ =	shalt  }
0x59: {  	_ =	shalt  }
0x5a: {  	_ =	shalt  }
0x5b: {  	_ =	shalt  }
0x5c: {  	_ =	shalt  }
0x5d: {  	_ =	shalt  }
0x5e: {  	_ =	shalt  }
0x5f: {  	_ =	shalt  }
0x60: {  	_ =	shalt  }
0x61: {  	_ =	shalt  }
0x62: {  	_ =	shalt  }
0x63: {  	_ =	shalt  }
0x64: {  	_ =	shalt  }
0x65: {  	_ =	shalt  }
0x66: {  	_ =	shalt  }
0x67: {  	_ =	shalt  }
0x68: {  	_ =	shalt  }
0x69: {  	_ =	shalt  }
0x6a: {  	_ =	shalt  }
0x6b: {  	_ =	shalt  }
0x6c: {  	_ =	shalt  }
0x6d: {  	_ =	shalt  }
0x6e: {  	_ =	shalt  }
0x6f: {  	_ =	shalt  }
0x70: {  	_ =	shalt  }
0x71: {  	_ =	shalt  }
0x72: {  	_ =	shalt  }
0x73: {  	_ =	shalt  }
0x74: {  	_ =	shalt  }
0x75: {  	_ =	shalt  }
0x76: {  	_ =	shalt  }
0x77: {  	_ =	shalt  }
0x78: {  	_ =	shalt  }
0x79: {  	_ =	shalt  }
0x7a: {  	_ =	shalt  }
0x7b: {  	_ =	shalt  }
0x7c: {  	_ =	shalt  }
0x7d: {  	_ =	shalt  }
0x7e: {  	_ =	shalt  }
0x7f: {  	_ =	shalt  }
0x80: {  	_ =	shalt  }
0x81: {  	_ =	shalt  }
0x82: {  	_ =	shalt  }
0x83: {  	_ =	shalt  }
0x84: {  	_ =	shalt  }
0x85: {  	_ =	shalt  }
0x86: {  	_ =	shalt  }
0x87: {  	_ =	shalt  }
.Lfunc_end0:
.L_simem_size_0:
called_computation.1_lowered:
.L_overlay_start_0:
0x88: {  	s2 =	sld [smem:$0x3FD9]  }
0x89: {  	s3 =	sld [smem:$0x3FFE];
	_ =	sdelay $0x1  }
0x8a: {  	s1 =	srdreg.scid  }
0x8b: {  	s0 =	sand.u32 $0x1, s1  }
0x8c: {  	s16 =	sshll.u32 s0, $0xA;
	s2 =	sadd.s32 s3, s2  }
0x8d: {  	s2 =	sadd.s32 s2, s16  }
0x8e: {  	[smem:$0x3F91] =	sst s2  }
0x8f: {  	_ = 	snop  }
0x90: {  	(tm) =	ssettm $0x1  }
0x91: {  	s17 =	sld [smem:$0x3FFB];
	_ =	sdelay $0x3  }
0x92: {  	_ =	strace s17  }
0x93: {  	s2 =	sld [smem:$0x3FFC];
	_ =	sdelay $0x3  }
0x94: {  	_ =	strace s2  }
0x95: {  	s2 =	sld [smem:$0x3FFD];
	_ =	sdelay $0x3  }
0x96: {  	_ =	strace s2  }
0x97: {  	_ =	strace $0x8FFFFFFF  }
0x98: {  	s18 =	sld [smem:$0x3FDB];
	_ =	sdelay $0x1  }
0x99: {  	s19 =	simm.s32 $_scs_section_size  }
0x9a: {  	s4 =	simm.s32 $_size__tile_overlayer_lowered;
	s5 =	simm.s32 $_tile_overlayer_lowered  }
0x9b: {  	s22 =	simm.s32 $0x1BFF;
	s21 =	sshll.u32 s5, $0x1;
	s2 =	sadd.s32 s19, s18  }
0x9c: {  	s6 =	simm.s32 $0x0;
	s20 =	sshll.u32 s4, $0x1;
	s4 =	sadd.s32 s21, s2  }
0x9d: {  	[timem:s6], [sflag:s22] =	dma.local [hbm:s4], s20  }
0x9e: {  	_ =	swait.ge [sflag:s22], s20  }
0x9f: {  	s3 =	ssub.s32 $0x0, s20;
	[sflag:s22] =	ssyncset.done $0x0  }
0xa0: {  	[sflag:s22] =	ssyncadd.s32 s3;
	_ =	sdelay $0x1  }
0xa1: {  	s23 =	simm.s32 $0x1B8B  }
0xa2: {  	_ =	swait.ge [sflag:s23], $0x1  }
0xa3: {  	[sflag:s23] =	ssyncset.done $0x0  }
0xa4: {  	s25 =	simm.s32 $0x1B8E;
	s24 =	sld [smem:$0x3FFE];
	[sflag:s23] =	ssyncadd.s32 $0xFFFFFFFF  }
0xa5: {  	s26 =	simm.s32 $execute0_lowered;
	[smem:$0x3FD2] =	sst s25  }
0xa6: {  	s4 =	sshll.u32 s26, $0x1;
	_ =	strace $0x80000049;
	[dreg:$0x1] =	wrdreg $0xFFFFFFFF  }
0xa7: {  	s28 =	simm.s32 $_size_execute0_lowered;
	s2 =	sadd.s32 s2, s4;
	[dreg:$0x0] =	wrdreg $0x0  }
0xa8: {  	s4 =	sshll.u32 s28, $0x1;
	[dreg:$0x2] =	wrdreg s2  }
0xa9: {  	[dreg:$0x3] =	wrdreg s4  }
0xaa: {  	[dreg:$0x4] =	wrdreg $0xC0  }
0xab: {  	_ =	task [dreg:s6], $0x5FFFF  }
0xac: {  	[dreg:$0x1] =	wrdreg $0xFFFFFFFF  }
0xad: {  	[dreg:$0x0] =	wrdreg $0x60  }
0xae: {  	[dreg:$0x2] =	wrdreg s24  }
0xaf: {  	[dreg:$0x3] =	wrdreg $0x9  }
0xb0: {  	_ =	task.clear_ibuf [dreg:s6], $0x4FFFF;
	_ =	strace $0x90000049  }
0xb1: {  	s29 =	simm.s32 $0x9;
	_ =	strace $0x8000004B  }
0xb2: {  	_ =	swait.ge [sflag:s29], $0x1  }
0xb3: {  	[sflag:s29] =	ssyncadd.s32 $0xFFFFFFFF  }
0xb4: {  	_ =	strace $0x9000004B  }
0xb5: {  	_ =	sfence  }
0xb6: {  	s30 =	sld [smem:$0x0];
	_ =	sdelay $0x2  }
0xb7: {  	s31 =	sshll.u32 s1, $0xD;
	s1 =	sshrl.u32 s1, $0x2  }
0xb8: {  	s3 =	sand.u32 $0x4000, s31;
	s1 =	sadd.s32 s1, s30  }
0xb9: {  	s0 =	sor.u32 s3, s0;
	s1 =	sshll.u32 s1, $0x11  }
0xba: {  	s0 =	sor.u32 s1, s0  }
0xbb: {  	s0 =	sadd.s32 $0x8F2B, s0  }
0xbc: {  	[sflag:s0] =	ssyncadd.remote.s32 $0x1  }
0xbd: {  	_ =	sfence.sel $0xFFFF  }
0xbe: {  	[dreg:$0x0] =	wrdreg $0xFFFFFFFF;
	(pc) =	sbr.abs _section_cstart, $3  }
0xbf: {  	[dreg:$0x1] =	wrdreg $0xFFFFFFFF  }
0xc0: {  	_ =	task.clear_ibuf [dreg:s6], $0x2FFFF;
	_ =	strace $0x9FFFFFFF  }
0xc1: {  	(tm) =	ssettm $0x7FFFFFFF  }
tec
execute0_lowered:
.L_overlay_start_1:
0x0: {  	(tag) =	ssettag $0x1  }
0x1: {  	s4 =	rddreg [dreg:$0x0]  }
0x2: {  	s0 =	rddreg [dreg:$0x1];
	s1 =	stileid.u32  }
0x3: {  	s3 =	srdreg.scid;
	s2 =	simm.s32 $0x0;
	s6 =	smul.u32 $0xC00, s1  }
0x4: {  	s5 =	sand.u32 $0x1, s3;
	[smem:$0x7FF] =	sst s2;
	s8 =	smul.u32 $0xC000, s1  }
0x5: {  	s3 =	sadd.s32 $0x9200, s4;
	s7 =	smul.u32 $0x600, s5;
	s30 =	ssub.s32 $0x2, s5  }
0x6: {  	_ =	strace $0x8000004A;
	s5 =	smul.u32 $0x6000, s5;
	s9 =	sshrl.u32 s30, $0x1  }
0x7: {  	s8 =	sadd.s32 s8, s4;
	s6 =	sadd.s32 s7, s6;
	s31 =	ssub.s32 s30, s9  }
0x8: {  	s5 =	sadd.s32 s5, s8;
	s7 =	simm.s32 $0x1;
	s6 =	sshrl.u32 s6, $0x3  }
0x9: {  	s8 =	simm.s32 $0x80;
	s9 =	simm.s32 $0x0;
	s6 =	sadd.s32 s6, s4  }
0xa: {  	s5 =	sadd.s32 $0x7E600, s5;
	s4 =	smax.u32 s31, $0x1;
	s6 =	sadd.s32 $0x530C00, s6  }
.LBB2_1:
0xb: {  	s10 =	sadd.s32 $0x0, s6  }
0xc: {  	[tilespmem:s2], [sflag:$0x1] =	stream.linear.gather [hbm4b:s10+s2], $0x80, $0x38;
	[tilespmem:$0x4080] =	vst v63  }
0xd: {  	_ =	swait.ge [sflag:s7], $0x80  }
0xe: {  	[sflag:s7] =	ssyncset.done $0x0  }
0xf: {  	[sflag:s7] =	ssyncadd.s32 $0xFFFFFF80  }
0x10: {  	[tilespmem:s8], [sflag:$0x1] =	stream.indirect.gather [hbm4b:s3+s8], $0x80, s2, s8, $0xb8;
	[tilespmem:$0x4080] =	vst v63  }
0x11: {  	_ =	swait.ge [sflag:s7], $0x4000  }
0x12: {  	[sflag:s7] =	ssyncset.done $0x0  }
0x13: {  	[sflag:s7] =	ssyncadd.s32 $0xFFFFC000  }
0x14: {  	[hbm4b:s5+s2] =	stream.linear.scatter [tilespmem:s8], [sflag:$0x1], $0x4000, $0x38;
	[tilespmem:$0x4080] =	vst v63  }
0x15: {  	s11 =	simm.s32 $0x10;
	_ =	swait.ge [sflag:s7], $0x4000  }
0x16: {  	s12 =	simm.s32 $0x20;
	s10 =	sadd.s32 $0x800, s5;
	[sflag:s7] =	ssyncset.done $0x0  }
.LBB2_2:
0x17: {  	s13 =	sadd.s32 s11, s6  }
0x18: {  	[sflag:s7] =	ssyncadd.s32 $0xFFFFC000;
	s11 =	smov.u32 s12;
	s14 =	sadd.s32 $0x10, s12  }
0x19: {  	[tilespmem:s2], [sflag:$0x1] =	stream.linear.gather [hbm4b:s13+s2], $0x80, $0x38;
	[tilespmem:$0x4080] =	vst v63  }
0x1a: {  	p0 =	sne.s32 s12, $0xB0;
	_ =	swait.ge [sflag:s7], $0x80  }
0x1b: {  	[sflag:s7] =	ssyncset.done $0x0  }
0x1c: {  	[sflag:s7] =	ssyncadd.s32 $0xFFFFFF80  }
0x1d: {  	[tilespmem:s8], [sflag:$0x1] =	stream.indirect.gather [hbm4b:s3+s8], $0x80, s2, s8, $0xb8;
	[tilespmem:$0x4080] =	vst v63  }
0x1e: {  	_ =	swait.ge [sflag:s7], $0x4000  }
.Ltmp0:
0x1f: {  	[sflag:s7] =	ssyncset.done $0x0;
	(pc) =	sbr.rel @p0 .LBB2_2-.Ltmp0, $4  }
0x20: {  	[sflag:s7] =	ssyncadd.s32 $0xFFFFC000  }
0x21: {  	[hbm4b:s10+s2] =	stream.linear.scatter [tilespmem:s8], [sflag:$0x1], $0x4000, $0x38;
	[tilespmem:$0x4080] =	vst v63  }
0x22: {  	_ =	swait.ge [sflag:s7], $0x4000  }
0x23: {  	s12 =	smov.u32 s14;
	s10 =	sadd.s32 $0x800, s10;
	[sflag:s7] =	ssyncset.done $0x0  }
0x24: {  	s11 =	sadd.s32 s11, s6;
	[sflag:s7] =	ssyncadd.s32 $0xFFFFC000  }
0x25: {  	[tilespmem:s2], [sflag:$0x1] =	stream.linear.gather [hbm4b:s11+s2], $0x80, $0x38;
	[tilespmem:$0x4080] =	vst v63  }
0x26: {  	_ =	swait.ge [sflag:s7], $0x80  }
0x27: {  	[sflag:s7] =	ssyncset.done $0x0  }
0x28: {  	[sflag:s7] =	ssyncadd.s32 $0xFFFFFF80  }
0x29: {  	[tilespmem:s8], [sflag:$0x1] =	stream.indirect.gather [hbm4b:s3+s8], $0x80, s2, s8, $0xb8;
	[tilespmem:$0x4080] =	vst v63  }
0x2a: {  	s9 =	sadd.s32 $0x1, s9;
	_ =	swait.ge [sflag:s7], $0x4000  }
0x2b: {  	p0 =	sne.s32 s9, s4;
	[sflag:s7] =	ssyncset.done $0x0  }
.Ltmp1:
0x2c: {  	[sflag:s7] =	ssyncadd.s32 $0xFFFFC000;
	(pc) =	sbr.rel @p0 .LBB2_1-.Ltmp1, $4  }
0x2d: {  	[hbm4b:s10+s2] =	stream.linear.scatter [tilespmem:s8], [sflag:$0x1], $0x4000, $0x38;
	[tilespmem:$0x4080] =	vst v63  }
0x2e: {  	_ =	swait.ge [sflag:s7], $0x4000  }
0x2f: {  	[sflag:s7] =	ssyncset.done $0x0  }
0x30: {  	[sflag:s7] =	ssyncadd.s32 $0xFFFFC000  }
0x31: {  	_ =	sfence.sel $0x180000  }
0x32: {  	[bflag:$0x0] =	sbarrier.arrive $0xFFFF  }
0x33: {  	p0 =	sne.s32 s1, $0x0;
	_ =	strace $0x9000004A  }
0x34: {  	s0 =	sadd.s32 @!p0 $0x100000, s0;
	[bflag:$0x2] =	sbarrier.arrive $0xFFFF  }
0x35: {  	[sflag:s0] =	ssyncadd.tile.s32 @!p0 $0x1;
	_ =	shalt  }
.Lfunc_end2:
_tile_overlayer_lowered:
.L_overlay_start_2:
0x36: {  	(tag) =	ssettag $0x2  }
0x37: {  	s0 =	rddreg [dreg:$0x0];
	s2 =	stileid.u32  }
0x38: {  	s1 =	rddreg [dreg:$0x1];
	p0 =	sne.s32 s2, $0x0  }
0x39: {  	s3 =	rddreg [dreg:$0x2];
	[bflag:$0x3] =	sbarrier.arrive $0xFFFF;
	s2 =	simm.s32 @!p0 $0x1C01  }
0x3a: {  	[timem:s3], [sflag:s2] =	dma.local @!p0 [hbm:s0], s1  }
0x3b: {  	s0 =	simm.s32 @!p0 $0x1  }
0x3c: {  	_ =	swait.ge @!p0 [sflag:s0], s1  }
0x3d: {  	s1 =	ssub.s32 @!p0 $0x0, s1;
	[sflag:s0] =	ssyncset.done @!p0 $0x0  }
0x3e: {  	[sflag:s0] =	ssyncadd.s32 @!p0 s1  }
0x3f: {  	[bflag:$0x3] =	sbarrier.arrive $0xFFFF  }
0x40: {  	_ =	shalt  }

// kernel: kernel.7.cloned.1.call-start
scs
__scs_entry_jumppad:
0x0: {  	(pc) =	sbr.rel $0x88, $3  }
0x1: {  	(tag) =	ssettag $0x0;
	lr =	simm.s32 $0x1  }
0x2: {  	[smem:$0x3F6A] =	sst lr;
	_ =	strace $0xD0000000  }
0x3: {  	_ = 	snop  }
0x4: {  	_ = 	snop  }
0x5: {  	_ = 	snop  }
0x6: {  	_ = 	snop  }
0x7: {  	_ = 	snop  }
__scs_overlays_trampoline_lowered:
0x8: {  	[smem:$0x3F79] =	sst s0  }
0x9: {  	[smem:$0x3F7A] =	sst s1  }
0xa: {  	[smem:$0x3F7B] =	sst s2  }
0xb: {  	[smem:$0x3F7C] =	sst s3  }
0xc: {  	[smem:$0x3F7D] =	sst s4  }
0xd: {  	[smem:$0x3F7E] =	sst s5  }
0xe: {  	[smem:$0x3F7F] =	sst s6  }
0xf: {  	[smem:$0x3F80] =	sst s7  }
0x10: {  	[smem:$0x3F81] =	sst s8  }
0x11: {  	[smem:$0x3F82] =	sst s9;
	s0 =	simm.s32 @!p0 $0x0  }
0x12: {  	s1 =	sld [smem:$0x3F68];
	s0 =	simm.s32 @p0 $0x1  }
0x13: {  	[smem:$0x3F83] =	sst s0;
	s0 =	simm.s32 @!p1 $0x0  }
0x14: {  	s2 =	sld [smem:$0x3F67];
	s0 =	simm.s32 @p1 $0x1  }
0x15: {  	[smem:$0x3F84] =	sst s0;
	s0 =	simm.s32 @!p2 $0x0  }
0x16: {  	s3 =	sld [smem:$0x3FDB];
	s0 =	simm.s32 @p2 $0x1  }
0x17: {  	s4 =	simm.s32 $0x1BF5;
	[smem:$0x3F86] =	sst s0  }
0x18: {  	s0 =	sld [smem:$0x3F69];
	_ =	swait.ge [sflag:s4], $0x0  }
0x19: {  	s7 =	sld [smem:$0x3F6A]  }
0x1a: {  	s8 =	sadd.s32 $0xFFFFE003, lr  }
0x1b: {  	s9 =	sadd.s32 $0xFFFFFEF7, lr;
	s5 =	simm.s32 $0xFFFFFFFF;
	p2 =	slt.u32 s8, $0xFFFFF086  }
0x1c: {  	p1 =	slt.u32 s9, $0xF7A;
	s5 =	simm.s32 @!p2 $0x0  }
0x1d: {  	s5 =	simm.s32 @p1 $0x1;
	p0 =	seq.s32 s7, s2  }
0x1e: {  	s7 =	smul.u32 @!p0 $0xF7A, s2;
	p2 =	seq.s32 @!p0 s5, $0x0  }
0x1f: {  	s9 =	smul.u32 $0xF7A, s1;
	s8 =	simm.s32 @!p0 $0x1BF5;
	p2 =	por !p2, p0  }
0x20: {  	[sflag:s8] =	ssyncset.s32 @!p0 $0xFFFFF086;
	s6 =	sadd.s32 @!p0 s3, s7;
	s7 =	simm.s32 @!p0 $0x108  }
0x21: {  	s3 =	sadd.s32 s3, s9;
	s6 =	sadd.s32 @!p0 $0x88, s6;
	s7 =	simm.s32 @p2 $0x1082  }
0x22: {  	[simem:s7], [sflag:s8] =	dma.local @!p0 [hbm:s6], $0xF7A  }
0x23: {  	s9 =	sor.u32 $0xD0000000, s2;
	s6 =	simm.s32 $0x108;
	_ =	swait.ge @!p0 [sflag:s8], $0x0  }
0x24: {  	s3 =	sadd.s32 $0x88, s3;
	s6 =	simm.s32 @!p1 $0x1082;
	[sflag:s4] =	ssyncset.s32 $0xFFFFF086  }
0x25: {  	[simem:s6], [sflag:s4] =	dma.local [hbm:s3], $0xF7A  }
0x26: {  	[smem:$0x3F6A] =	sst s1;
	(tag) =	ssettag s2;
	_ =	strace s9  }
0x27: {  	s1 =	sld [smem:$0x3F7A]  }
0x28: {  	s2 =	sld [smem:$0x3F7B]  }
0x29: {  	s4 =	sld [smem:$0x3F7D]  }
0x2a: {  	p0 =	seq.s32 s5, $0x0;
	s5 =	sld [smem:$0x3F7E]  }
0x2b: {  	s6 =	sld [smem:$0x3F7F]  }
0x2c: {  	s7 =	sld [smem:$0x3F80]  }
0x2d: {  	s3 =	simm.s32 $0x108;
	s8 =	sld [smem:$0x3F81]  }
0x2e: {  	s3 =	simm.s32 @!p0 $0x1082;
	s9 =	sld [smem:$0x3F82]  }
0x2f: {  	lr =	sadd.s32 s0, s3;
	s0 =	sld [smem:$0x3F79]  }
0x30: {  	s3 =	sld [smem:$0x3F7C]  }
0x31: {  	[smem:$0x3F85] =	sst s10  }
0x32: {  	s10 =	sld [smem:$0x3F83];
	_ =	sdelay $0x3  }
0x33: {  	p0 =	seq.s32 s10, $0x1;
	s10 =	sld [smem:$0x3F85];
	_ =	sdelay $0x3  }
0x34: {  	[smem:$0x3F85] =	sst s10  }
0x35: {  	s10 =	sld [smem:$0x3F84];
	_ =	sdelay $0x3  }
0x36: {  	p1 =	seq.s32 s10, $0x1;
	s10 =	sld [smem:$0x3F85];
	_ =	sdelay $0x3  }
0x37: {  	[smem:$0x3F85] =	sst s10  }
0x38: {  	s10 =	sld [smem:$0x3F86]  }
0x39: {  	_ = 	snop;
	(pc) =	sbr.ind lr, $3  }
0x3a: {  	_ = 	snop  }
0x3b: {  	_ = 	snop  }
0x3c: {  	p2 =	seq.s32 s10, $0x1;
	s10 =	sld [smem:$0x3F85]  }
0x3d: {  	_ =	shalt  }
0x3e: {  	_ =	shalt  }
0x3f: {  	_ =	shalt  }
0x40: {  	_ =	shalt  }
0x41: {  	_ =	shalt  }
0x42: {  	_ =	shalt  }
0x43: {  	_ =	shalt  }
0x44: {  	_ =	shalt  }
0x45: {  	_ =	shalt  }
0x46: {  	_ =	shalt  }
0x47: {  	_ =	shalt  }
0x48: {  	_ =	shalt  }
0x49: {  	_ =	shalt  }
0x4a: {  	_ =	shalt  }
0x4b: {  	_ =	shalt  }
0x4c: {  	_ =	shalt  }
0x4d: {  	_ =	shalt  }
0x4e: {  	_ =	shalt  }
0x4f: {  	_ =	shalt  }
0x50: {  	_ =	shalt  }
0x51: {  	_ =	shalt  }
0x52: {  	_ =	shalt  }
0x53: {  	_ =	shalt  }
0x54: {  	_ =	shalt  }
0x55: {  	_ =	shalt  }
0x56: {  	_ =	shalt  }
0x57: {  	_ =	shalt  }
0x58: {  	_ =	shalt  }
0x59: {  	_ =	shalt  }
0x5a: {  	_ =	shalt  }
0x5b: {  	_ =	shalt  }
0x5c: {  	_ =	shalt  }
0x5d: {  	_ =	shalt  }
0x5e: {  	_ =	shalt  }
0x5f: {  	_ =	shalt  }
0x60: {  	_ =	shalt  }
0x61: {  	_ =	shalt  }
0x62: {  	_ =	shalt  }
0x63: {  	_ =	shalt  }
0x64: {  	_ =	shalt  }
0x65: {  	_ =	shalt  }
0x66: {  	_ =	shalt  }
0x67: {  	_ =	shalt  }
0x68: {  	_ =	shalt  }
0x69: {  	_ =	shalt  }
0x6a: {  	_ =	shalt  }
0x6b: {  	_ =	shalt  }
0x6c: {  	_ =	shalt  }
0x6d: {  	_ =	shalt  }
0x6e: {  	_ =	shalt  }
0x6f: {  	_ =	shalt  }
0x70: {  	_ =	shalt  }
0x71: {  	_ =	shalt  }
0x72: {  	_ =	shalt  }
0x73: {  	_ =	shalt  }
0x74: {  	_ =	shalt  }
0x75: {  	_ =	shalt  }
0x76: {  	_ =	shalt  }
0x77: {  	_ =	shalt  }
0x78: {  	_ =	shalt  }
0x79: {  	_ =	shalt  }
0x7a: {  	_ =	shalt  }
0x7b: {  	_ =	shalt  }
0x7c: {  	_ =	shalt  }
0x7d: {  	_ =	shalt  }
0x7e: {  	_ =	shalt  }
0x7f: {  	_ =	shalt  }
0x80: {  	_ =	shalt  }
0x81: {  	_ =	shalt  }
0x82: {  	_ =	shalt  }
0x83: {  	_ =	shalt  }
0x84: {  	_ =	shalt  }
0x85: {  	_ =	shalt  }
0x86: {  	_ =	shalt  }
0x87: {  	_ =	shalt  }
.Lfunc_end0:
.L_simem_size_0:
called_computation_lowered:
.L_overlay_start_0:
0x88: {  	s2 =	sld [smem:$0x3FD9]  }
0x89: {  	s3 =	sld [smem:$0x3FFE];
	_ =	sdelay $0x1  }
0x8a: {  	s1 =	srdreg.scid  }
0x8b: {  	s0 =	sand.u32 $0x1, s1  }
0x8c: {  	s17 =	sshll.u32 s0, $0xA;
	s2 =	sadd.s32 s3, s2  }
0x8d: {  	s2 =	sadd.s32 s2, s17  }
0x8e: {  	[smem:$0x3F91] =	sst s2  }
0x8f: {  	_ = 	snop  }
0x90: {  	s2 =	sld [smem:$0x3FD0];
	(tm) =	ssettm $0x1  }
0x91: {  	s18 =	sld [smem:$0x3FFB];
	_ =	sdelay $0x3  }
0x92: {  	_ =	strace s18  }
0x93: {  	s3 =	sld [smem:$0x3FFC];
	_ =	sdelay $0x3  }
0x94: {  	_ =	strace s3  }
0x95: {  	s3 =	sld [smem:$0x3FFD];
	_ =	sdelay $0x3  }
0x96: {  	_ =	strace s3  }
0x97: {  	_ =	strace $0x8FFFFFFF  }
0x98: {  	s19 =	sld [smem:$0x3FDB];
	_ =	sdelay $0x1  }
0x99: {  	s4 =	simm.s32 $_scs_section_size  }
0x9a: {  	s5 =	simm.s32 $_size__tile_overlayer_lowered;
	s6 =	simm.s32 $_tile_overlayer_lowered  }
0x9b: {  	s22 =	simm.s32 $0x1BFF;
	s21 =	sshll.u32 s6, $0x1;
	s3 =	sadd.s32 s4, s19  }
0x9c: {  	s7 =	simm.s32 $0x0;
	s20 =	sshll.u32 s5, $0x1;
	s5 =	sadd.s32 s21, s3  }
0x9d: {  	[timem:s7], [sflag:s22] =	dma.local [hbm:s5], s20  }
0x9e: {  	_ =	swait.ge [sflag:s22], s20  }
0x9f: {  	s4 =	ssub.s32 $0x0, s20;
	[sflag:s22] =	ssyncset.done $0x0  }
0xa0: {  	[sflag:s22] =	ssyncadd.s32 s4;
	_ =	sdelay $0x1  }
0xa1: {  	s23 =	simm.s32 $0x1B8B  }
0xa2: {  	_ =	swait.ge [sflag:s23], $0x1  }
0xa3: {  	[sflag:s23] =	ssyncset.done $0x0  }
0xa4: {  	s25 =	simm.s32 $0x1B8E;
	s24 =	sld [smem:$0x3FFE];
	[sflag:s23] =	ssyncadd.s32 $0xFFFFFFFF  }
0xa5: {  	s26 =	simm.s32 $execute0_lowered;
	[smem:$0x3FD2] =	sst s25  }
0xa6: {  	s5 =	sshll.u32 s26, $0x1;
	_ =	strace $0x80000046;
	[dreg:$0x1] =	wrdreg $0xFFFFFFFF  }
0xa7: {  	s28 =	simm.s32 $_size_execute0_lowered;
	s3 =	sadd.s32 s3, s5;
	[dreg:$0x0] =	wrdreg $0x0  }
0xa8: {  	s5 =	sshll.u32 s28, $0x1;
	[dreg:$0x2] =	wrdreg s3  }
0xa9: {  	[dreg:$0x3] =	wrdreg s5  }
0xaa: {  	[dreg:$0x4] =	wrdreg $0xC0  }
0xab: {  	_ =	task [dreg:s7], $0x5FFFF  }
0xac: {  	[dreg:$0x1] =	wrdreg $0xFFFFFFFF  }
0xad: {  	[dreg:$0x0] =	wrdreg $0x60  }
0xae: {  	[dreg:$0x2] =	wrdreg s24  }
0xaf: {  	[dreg:$0x3] =	wrdreg s2  }
0xb0: {  	[dreg:$0x4] =	wrdreg $0x0  }
0xb1: {  	[dreg:$0x5] =	wrdreg $0x9  }
0xb2: {  	_ =	task.clear_ibuf [dreg:s7], $0x6FFFF;
	_ =	strace $0x90000046  }
0xb3: {  	s29 =	simm.s32 $0x9;
	_ =	strace $0x80000048  }
0xb4: {  	_ =	swait.ge [sflag:s29], $0x1  }
0xb5: {  	[sflag:s29] =	ssyncadd.s32 $0xFFFFFFFF  }
0xb6: {  	_ =	strace $0x90000048  }
0xb7: {  	_ =	sfence  }
0xb8: {  	s30 =	sld [smem:$0x0];
	_ =	sdelay $0x2  }
0xb9: {  	s31 =	sshll.u32 s1, $0xD;
	s1 =	sshrl.u32 s1, $0x2  }
0xba: {  	s3 =	sand.u32 $0x4000, s31;
	s1 =	sadd.s32 s1, s30  }
0xbb: {  	s0 =	sor.u32 s3, s0;
	s1 =	sshll.u32 s1, $0x11  }
0xbc: {  	s0 =	sor.u32 s1, s0  }
0xbd: {  	s0 =	sadd.s32 $0x8F2B, s0  }
0xbe: {  	[sflag:s0] =	ssyncadd.remote.s32 $0x1  }
0xbf: {  	_ =	sfence.sel $0xFFFF  }
0xc0: {  	[dreg:$0x0] =	wrdreg $0xFFFFFFFF;
	(pc) =	sbr.abs _section_cstart, $3  }
0xc1: {  	[dreg:$0x1] =	wrdreg $0xFFFFFFFF  }
0xc2: {  	_ =	task.clear_ibuf [dreg:s7], $0x2FFFF;
	_ =	strace $0x9FFFFFFF  }
0xc3: {  	(tm) =	ssettm $0x7FFFFFFF  }
tec
execute0_lowered:
.L_overlay_start_1:
0x0: {  	(tag) =	ssettag $0x1  }
0x1: {  	s0 =	rddreg [dreg:$0x0]  }
0x2: {  	s3 =	rddreg [dreg:$0x2];
	s4 =	simm.s32 $0x0;
	s5 =	stileid.u32  }
0x3: {  	s1 =	srdreg.scid;
	s28 =	simm.s32 $0x16200;
	s30 =	simm.s32 $0x18A00  }
0x4: {  	s31 =	simm.s32 $0x6;
	s14 =	simm.s32 $0x16188;
	s12 =	simm.s32 $0x2  }
0x5: {  	s10 =	simm.s32 $0x1C880;
	[smem:$0x7FF] =	sst s4;
	s29 =	smul.u32 $0x271, s5  }
0x6: {  	s6 =	sadd.s32 $0x9CE00, s0;
	s2 =	sand.u32 $0x1, s1;
	s7 =	smul.u32 $0xFC, s5  }
0x7: {  	s9 =	sadd.s32 $0x223800, s0;
	s11 =	sadd.s32 $0x9200, s0;
	s8 =	smul.u32 $0x7620, s5  }
0x8: {  	s0 =	sadd.s32 $0x3AA200, s0;
	_ =	strace $0x80000047;
	[dreg:$0x5] =	wrdreg s2  }
0x9: {  	s21 =	smul.u32 $0x57E40, s5;
	s5 =	simm.s32 $0x0;
	[dreg:$0x8] =	wrdreg s0  }
0xa: {  	s1 =	ssub.s32 $0x2, s2;
	s2 =	smul.u32 $0x76200, s2;
	[dreg:$0x7] =	wrdreg s8  }
0xb: {  	s19 =	sshrl.u32 s1, $0x1;
	s22 =	sadd.s32 $0x78, s8;
	[dreg:$0x4] =	wrdreg s29  }
0xc: {  	s23 =	sor.u32 $0x2, s7;
	s24 =	sadd.s32 $0x4, s7;
	[dreg:$0x6] =	wrdreg s2  }
0xd: {  	s18 =	smov.u32 s7;
	s25 =	sadd.s32 $0x5, s7;
	[dreg:$0x9] =	wrdreg s22  }
0xe: {  	s26 =	sshrl.u32 s21, $0x2;
	s21 =	simm.s32 $0x7;
	[dreg:$0xa] =	wrdreg s23  }
0xf: {  	s7 =	simm.s32 $0x4;
	s20 =	ssub.s32 s1, s19;
	[dreg:$0xb] =	wrdreg s24  }
0x10: {  	[dreg:$0xc] =	wrdreg s25;
	s19 =	sadd.s32 s26, s3;
	s23 =	simm.s32 $0x16020  }
0x11: {  	s24 =	simm.s32 $0x16098;
	s25 =	simm.s32 $0x5;
	s26 =	simm.s32 $0x28  }
0x12: {  	s1 =	simm.s32 $0x16110;
	s22 =	simm.s32 $0x1;
	s0 =	smax.u32 s20, $0x1  }
0x13: {  	v0 =	vimm.f32 $0.0e+00;
	vm0 =	vmmov $0x1;
	s2 =	simm.s32 $0x3;
	s20 =	simm.s32 $0x1B200;
	[dreg:$0xd] =	wrdreg s0  }
.LBB2_1:
0x14: {  	[dreg:$0xe] =	wrdreg s5;
	s8 =	simm.s32 $0x0  }
.LBB2_2:
0x15: {  	s0 =	simm.s32 $0x0;
	s5 =	simm.s32 $0x240  }
.LBB2_3:
0x16: {  	p0 =	sne.s32 s5, $0x3600;
	[tilespmem:s0+$0x1B280] =	vst v0  }
0x17: {  	[tilespmem:s0+$0x1B200] =	vst v0  }
0x18: {  	[tilespmem:s0+$0x1B210] =	vst v0  }
0x19: {  	[tilespmem:s0+$0x1B220] =	vst v0  }
.Ltmp0:
0x1a: {  	[tilespmem:s0+$0x1B230] =	vst v0;
	(pc) =	sbr.rel @p0 .LBB2_3-.Ltmp0, $4  }
0x1b: {  	[tilespmem:s0+$0x1B240] =	vst v0  }
0x1c: {  	[tilespmem:s0+$0x1B250] =	vst v0  }
0x1d: {  	[tilespmem:s0+$0x1B260] =	vst v0  }
0x1e: {  	[tilespmem:s0+$0x1B270] =	vst v0;
	s0 =	sshra.s32 s5, $0x2;
	s5 =	sadd.s32 $0x240, s5  }
0x1f: {  	[tilespmem:s0+$0x1B280] =	vst v0  }
0x20: {  	[tilespmem:s0+$0x1B200] =	vst v0  }
0x21: {  	[tilespmem:s0+$0x1B210] =	vst v0  }
0x22: {  	[tilespmem:s0+$0x1B220] =	vst v0  }
0x23: {  	[tilespmem:s0+$0x1B230] =	vst v0  }
0x24: {  	[tilespmem:s0+$0x1B240] =	vst v0  }
0x25: {  	[tilespmem:s0+$0x1B250] =	vst v0  }
0x26: {  	[tilespmem:s0+$0x1B260] =	vst v0  }
0x27: {  	[tilespmem:s0+$0x1B270] =	vst v0;
	s29 =	sadd.s32 $0x0, s19  }
0x28: {  	[spmem:s29] =	stream.linear.scatter [tilespmem:s20], [sflag:$0x7], $0xE10, $0x38;
	[tilespmem:$0x1EC00] =	vst v63  }
0x29: {  	s0 =	simm.s32 $0x3840;
	_ =	swait.ge [sflag:s21], $0xE10  }
.LBB2_5:
0x2a: {  	s5 =	sshra.s32 s0, $0x2;
	[sflag:s21] =	ssyncset.done $0x0;
	p0 =	sne.s32 s0, $0x54600  }
.Ltmp1:
0x2b: {  	s5 =	sadd.s32 s5, s19;
	[sflag:s21] =	ssyncadd.s32 $0xFFFFF1F0;
	(pc) =	sbr.rel @p0 .LBB2_5-.Ltmp1, $3  }
0x2c: {  	[spmem:s5] =	stream.linear.scatter [tilespmem:s20], [sflag:$0x7], $0xE10, $0x38;
	[tilespmem:$0x1EC00] =	vst v63  }
0x2d: {  	s0 =	sadd.s32 $0x3840, s0;
	_ =	sdelay $0x1  }
0x2e: {  	_ =	swait.ge [sflag:s21], $0xE10  }
0x2f: {  	s0 =	sshll.u32 s8, $0x1;
	s5 =	rddreg [dreg:$0x5]  }
0x30: {  	[sflag:s21] =	ssyncset.done $0x0;
	s0 =	sor.u32 s5, s0  }
0x31: {  	[sflag:s21] =	ssyncadd.s32 $0xFFFFF1F0;
	[dreg:$0x10] =	wrdreg s0  }
0x32: {  	[bflag:$0x0] =	sbarrier.arrive $0xFFFF  }
0x33: {  	s0 =	sshll.u32 s0, $0x4;
	s16 =	rddreg [dreg:$0x1]  }
0x34: {  	s29 =	simm.s32 $0x0;
	s17 =	simm.s32 $0x1DF00;
	s0 =	sadd.s32 s16, s0  }
0x35: {  	[tilespmem:s17], [sflag:$0x7] =	stream.linear.gather [hbm4b:s0+s29], $0x80, $0x38;
	[tilespmem:$0x1EC00] =	vst v63  }
0x36: {  	_ =	swait.ge [sflag:s21], $0x80  }
0x37: {  	[sflag:s21] =	ssyncset.done $0x0  }
0x38: {  	[sflag:s21] =	ssyncadd.s32 $0xFFFFFF80  }
0x39: {  	v22 =	vld [tilespmem:$0x1DF00]  }
0x3a: {  	[dreg:$0xf] =	wrdreg s8;
	s8 =	smul.u32 $0xEC400, s8;
	v21 =	vld [tilespmem:$0x1DF10]  }
0x3b: {  	s13 =	rddreg [dreg:$0x6];
	v24 =	vld [tilespmem:$0x1DF20]  }
0x3c: {  	s15 =	rddreg [dreg:$0x7];
	s5 =	sadd.s32 s13, s8;
	v20 =	vld [tilespmem:$0x1DF30]  }
0x3d: {  	v23 =	vld [tilespmem:$0x1DF40];
	s0 =	sadd.s32 s15, s5  }
0x3e: {  	v25 =	vld [tilespmem:$0x1DF50];
	s0 =	sshrl.u32 s0, $0x3  }
0x3f: {  	s16 =	rddreg [dreg:$0x9];
	v16 =	vld [tilespmem:$0x1DF60];
	s0 =	sadd.s32 s11, s0  }
0x40: {  	v0 =	vld [tilespmem:$0x1DF70];
	[tilespmem:s23], [sflag:$0x5] =	stream.linear.gather [hbm4b:s0+s29], $0x78, $0x38  }
0x41: {  	s0 =	sadd.s32 s16, s5  }
0x42: {  	s0 =	sshrl.u32 s0, $0x3  }
0x43: {  	s0 =	sadd.s32 s11, s0  }
0x44: {  	[tilespmem:s24], [sflag:$0x6] =	stream.linear.gather [hbm4b:s0+s29], $0x78, $0x38;
	[tilespmem:$0x1EC00] =	vst v63  }
0x45: {  	_ =	swait.ge [sflag:s25], $0x78  }
0x46: {  	[tilespmem:$0x1FF00] =	vst v0  }
0x47: {  	[tilespmem:$0x1FF20] =	vst v22  }
0x48: {  	[tilespmem:$0x1FF30] =	vst v21  }
0x49: {  	[tilespmem:$0x1FF40] =	vst v24  }
0x4a: {  	[tilespmem:$0x1FF50] =	vst v20  }
0x4b: {  	v26 =	vmul.f32 $2.000000030e-01, v25;
	[tilespmem:$0x1FF60] =	vst v23  }
0x4c: {  	v28 =	vmul.f32 $2.000000030e-01, v20;
	[tilespmem:$0x1FF70] =	vst v25  }
0x4d: {  	v17 =	vmul.f32 $2.000000030e-01, v24;
	[tilespmem:$0x1FF80] =	vst v26  }
0x4e: {  	v29 =	vmul.f32 $2.000000030e-01, v16;
	[tilespmem:$0x1FF90] =	vst v28  }
0x4f: {  	v33 =	vmul.f32 $2.000000030e-01, v22;
	[tilespmem:$0x1FFA0] =	vst v17  }
0x50: {  	v53 =	vmul.f32 $2.000000030e-01, v23;
	[tilespmem:$0x1FFB0] =	vst v29  }
0x51: {  	v59 =	vmul.f32 $2.000000030e-01, v21;
	[tilespmem:$0x1FFC0] =	vst v33  }
0x52: {  	[tilespmem:$0x1FFD0] =	vst v53  }
0x53: {  	[sflag:s25] =	ssyncset.done $0x0;
	[tilespmem:$0x1FFE0] =	vst v59  }
0x54: {  	v0 =	vmul.f32 $2.000000030e-01, v0;
	[tilespmem:$0x1FFF0] =	vst v16;
	[sflag:s25] =	ssyncadd.s32 $0xFFFFFF88  }
0x55: {  	[tilespmem:s28], [sflag:$0x1] =	stream.indirect.gather [hbm4b:s6+s26], $0x80, s23, s26, $0xb8;
	[tilespmem:$0x1EC00] =	vst v63  }
0x56: {  	s17 =	simm.s32 $0x16048;
	[tilespmem:$0x1FF10] =	vst v0  }
0x57: {  	[tilespmem:s30], [sflag:$0x1] =	stream.indirect.gather [hbm4b:s9+s26], $0x80, s17, s26, $0xb8;
	[tilespmem:$0x1EC00] =	vst v63  }
.LBB2_7:
0x58: {  	_ =	swait.ge [sflag:s31], $0x78  }
0x59: {  	[sflag:s31] =	ssyncset.done $0x0  }
0x5a: {  	s0 =	simm.s32 $0x17600;
	[sflag:s31] =	ssyncadd.s32 $0xFFFFFF88  }
0x5b: {  	[tilespmem:s0], [sflag:$0x2] =	stream.indirect.gather [hbm4b:s6+s26], $0x80, s24, s26, $0xb8;
	[tilespmem:$0x1EC00] =	vst v63  }
0x5c: {  	s17 =	simm.s32 $0x160C0;
	s13 =	simm.s32 $0x19E00  }
0x5d: {  	[tilespmem:s13], [sflag:$0x2] =	stream.indirect.gather [hbm4b:s9+s26], $0x80, s17, s26, $0xb8;
	[tilespmem:$0x1EC00] =	vst v63  }
0x5e: {  	s8 =	sshll.u32 s29, $0x2;
	s13 =	rddreg [dreg:$0xa]  }
0x5f: {  	s0 =	sadd.s32 s8, s13  }
0x60: {  	p0 =	seq.s32 s29, $0x0;
	s0 =	smul.u32 $0x78, s0  }
0x61: {  	s13 =	simm.s32 @!p0 $0x3  }
0x62: {  	_ =	swait.ge @!p0 [sflag:s13], $0x1680;
	s0 =	sadd.s32 s5, s0  }
0x63: {  	[sflag:s13] =	ssyncset.done @!p0 $0x0;
	s0 =	sshrl.u32 s0, $0x3  }
0x64: {  	[sflag:s13] =	ssyncadd.s32 @!p0 $0xFFFFE980;
	s0 =	sadd.s32 s11, s0  }
0x65: {  	[tilespmem:s1], [sflag:$0x5] =	stream.linear.gather [hbm4b:s0+s4], $0x78, $0x38;
	[tilespmem:$0x1EC00] =	vst v63  }
0x66: {  	_ =	swait.ge [sflag:s22], $0x1400  }
0x67: {  	[sflag:s22] =	ssyncset.done $0x0  }
0x68: {  	[sflag:s22] =	ssyncadd.s32 $0xFFFFEC00  }
0x69: {  	_ =	swait.ge [sflag:s22], $0x1400  }
0x6a: {  	[sflag:s22] =	ssyncset.done $0x0  }
0x6b: {  	s15 =	simm.s32 $0x16300;
	[sflag:s22] =	ssyncadd.s32 $0xFFFFEC00  }
0x6c: {  	v13 =	vld [tilespmem:s15+$0xB0];
	_ =	sdelay $0x4  }
0x6d: {  	[tilespmem:$0x1FE50] =	vst v13  }
0x6e: {  	v19 =	vld [tilespmem:s15+$0xF0];
	_ =	sdelay $0x4  }
0x6f: {  	[tilespmem:$0x1FE20] =	vst v19  }
0x70: {  	v18 =	vld [tilespmem:s15+$0xA0];
	_ =	sdelay $0x2  }
0x71: {  	s16 =	simm.s32 $0x18B00  }
0x72: {  	v0 =	vld [tilespmem:s16+$0xB0]  }
0x73: {  	v1 =	vld [tilespmem:s16+$0xF0];
	[tilespmem:$0x1FE40] =	vst v18  }
0x74: {  	v12 =	vld [tilespmem:s15+$0xE0];
	_ =	sdelay $0x4  }
0x75: {  	[tilespmem:$0x1FE90] =	vst v12  }
0x76: {  	v27 =	vld [tilespmem:s15+$0x90];
	_ =	sdelay $0x2  }
0x77: {  	v2 =	vld [tilespmem:s16+$0xA0]  }
0x78: {  	v3 =	vld [tilespmem:s16+$0xE0]  }
0x79: {  	v62 =	vld [tilespmem:s15+$0x80];
	[tilespmem:$0x1FE30] =	vst v27  }
0x7a: {  	v15 =	vld [tilespmem:s15+$0xC0];
	_ =	sdelay $0x4  }
0x7b: {  	[tilespmem:$0x1FE60] =	vst v15  }
0x7c: {  	v14 =	vld [tilespmem:s15+$0xD0];
	_ =	sdelay $0x4  }
0x7d: {  	[tilespmem:$0x1FE70] =	vst v14  }
0x7e: {  	v42 =	vld [tilespmem:s15+$0xFFFFFF10];
	_ =	sdelay $0x1  }
0x7f: {  	v4 =	vld [tilespmem:s16+$0x80]  }
0x80: {  	v5 =	vld [tilespmem:s16+$0x90]  }
0x81: {  	v6 =	vld [tilespmem:s16+$0xC0]  }
0x82: {  	v7 =	vld [tilespmem:s16+$0xD0];
	[tilespmem:$0x1FED0] =	vst v42  }
0x83: {  	v39 =	vld [tilespmem:s15+$0xFFFFFF40]  }
0x84: {  	v41 =	vld [tilespmem:s15+$0xFFFFFF50]  }
0x85: {  	v8 =	vld [tilespmem:s16+$0xFFFFFF00]  }
0x86: {  	v9 =	vld [tilespmem:s16+$0xFFFFFF10]  }
0x87: {  	v10 =	vld [tilespmem:s16+$0xFFFFFF40]  }
0x88: {  	v11 =	vld [tilespmem:s16+$0xFFFFFF50]  }
0x89: {  	v36 =	vld [tilespmem:s15+$0xFFFFFF80]  }
0x8a: {  	v38 =	vld [tilespmem:s15+$0xFFFFFF90]  }
0x8b: {  	v32 =	vld [tilespmem:s15+$0xFFFFFFC0]  }
0x8c: {  	v35 =	vld [tilespmem:s15+$0xFFFFFFD0]  }
0x8d: {  	v3 =	vadd.f32 v3, v12;
	v12 =	vld [tilespmem:s16+$0xFFFFFF80]  }
0x8e: {  	v0 =	vadd.f32 v0, v13;
	v13 =	vld [tilespmem:s16+$0xFFFFFF90]  }
0x8f: {  	v1 =	vadd.f32 v1, v19;
	v7 =	vadd.f32 v7, v14;
	v14 =	vld [tilespmem:s16+$0xFFFFFFC0]  }
0x90: {  	v2 =	vadd.f32 v2, v18;
	v6 =	vadd.f32 v6, v15;
	v15 =	vld [tilespmem:s16+$0xFFFFFFD0]  }
0x91: {  	v4 =	vadd.f32 v4, v62;
	v5 =	vadd.f32 v5, v27;
	v37 =	vld [tilespmem:s15+$0x0]  }
0x92: {  	vm1 =	vge.f32 v0, $0.0e+00;
	vm4 =	vge.f32 v2, $0.0e+00;
	vm5 =	vge.f32 v3, $0.0e+00;
	v40 =	vld [tilespmem:s15+$0x10]  }
0x93: {  	v31 =	vld [tilespmem:s15+$0x40];
	vm3 =	vge.f32 v4, $0.0e+00;
	vm6 =	vge.f32 v5, $0.0e+00;
	vm7 =	vge.f32 v6, $0.0e+00  }
0x94: {  	v34 =	vld [tilespmem:s15+$0x50];
	vm8 =	vge.f32 v7, $0.0e+00;
	v18 =	vsel vm3, v22, v33;
	v19 =	vsel vm6, v21, v59  }
0x95: {  	v30 =	vmovc v26;
	v55 =	vld [tilespmem:s15+$0xFFFFFF00];
	v27 =	vsel vm7, v23, v53;
	v5 =	vmul.f32 v19, v5;
	v19 =	vsel vm4, v24, v17  }
0x96: {  	v4 =	vmul.f32 v18, v4;
	v18 =	vsel vm8, v25, v26;
	v6 =	vmul.f32 v27, v6;
	v26 =	vmovc v17;
	v17 =	vld [tilespmem:$0x1FF00]  }
0x97: {  	v27 =	vsel vm1, v20, v28;
	v7 =	vmul.f32 v18, v7;
	v2 =	vmul.f32 v19, v2;
	v18 =	vld [tilespmem:$0x1FF10]  }
0x98: {  	v0 =	vmul.f32 v27, v0;
	v27 =	vld [tilespmem:s16+$0x10];
	v4 =	vadd.f32 v5, v4;
	v19 =	vmovc v28;
	v28 =	vsel vm5, v16, v29  }
0x99: {  	v5 =	vadd.f32 v7, v6;
	v6 =	vld [tilespmem:s16+$0x0];
	v3 =	vmul.f32 v28, v3  }
0x9a: {  	v2 =	vadd.f32 v2, v4;
	v4 =	vld [tilespmem:s16+$0x40]  }
0x9b: {  	v3 =	vadd.f32 v3, v5;
	v5 =	vadd.f32 v10, v39;
	v10 =	vld [tilespmem:s16+$0x50];
	[tilespmem:$0x1FEC0] =	vst v55  }
0x9c: {  	[tilespmem:$0x1FD40] =	vst v36  }
0x9d: {  	v43 =	vld [tilespmem:s15+$0xFFFFFF20];
	_ =	sdelay $0x1  }
0x9e: {  	vm2 =	vge.f32 v1, $0.0e+00  }
0x9f: {  	v15 =	vadd.f32 v15, v35;
	v7 =	vadd.f32 v9, v42;
	v9 =	vsel vm2, v17, v18  }
0xa0: {  	v0 =	vadd.f32 v0, v2;
	v2 =	vadd.f32 v12, v36;
	v1 =	vmul.f32 v9, v1;
	[tilespmem:$0x1FD50] =	vst v38  }
0xa1: {  	v9 =	vadd.f32 v11, v41;
	v11 =	vadd.f32 v13, v38;
	vm2 =	vge.f32 v5, $0.0e+00;
	[tilespmem:$0x1FEE0] =	vst v43  }
0xa2: {  	v1 =	vadd.f32 v1, v3;
	v3 =	vsel vm2, v23, v53;
	vm2 =	vge.f32 v2, $0.0e+00;
	v56 =	vld [tilespmem:s15+$0xFFFFFF60];
	[tilespmem:$0x1FD60] =	vst v32  }
0xa3: {  	v12 =	vadd.f32 v14, v32;
	vm3 =	vge.f32 v9, $0.0e+00;
	v14 =	vsel vm2, v22, v33;
	v13 =	vld [tilespmem:s16+$0xFFFFFF20];
	[tilespmem:$0x1FD70] =	vst v35  }
0xa4: {  	vm2 =	vge.f32 v11, $0.0e+00;
	v3 =	vmul.f32 v3, v5;
	v0 =	vadd.f32 v1, v0;
	v32 =	vmovc v29;
	v29 =	vld [tilespmem:s16+$0xFFFFFF60]  }
0xa5: {  	v1 =	vsel vm3, v25, v30;
	v28 =	vsel vm2, v21, v59;
	vm2 =	vge.f32 v12, $0.0e+00;
	v57 =	vld [tilespmem:s15+$0xFFFFFFA0]  }
0xa6: {  	v5 =	vsel vm2, v23, v53;
	vm2 =	vge.f32 v15, $0.0e+00;
	v1 =	vmul.f32 v1, v9;
	v58 =	vld [tilespmem:s15+$0xFFFFFFE0]  }
0xa7: {  	v2 =	vmul.f32 v14, v2;
	v9 =	vsel vm2, v25, v30;
	v14 =	vld [tilespmem:s16+$0xFFFFFFA0]  }
0xa8: {  	v1 =	vadd.f32 v1, v3;
	v3 =	vmul.f32 v9, v15;
	v9 =	vld [tilespmem:s16+$0xFFFFFFE0];
	[tilespmem:$0x1FD80] =	vst v37  }
0xa9: {  	v60 =	vld [tilespmem:s15+$0x20];
	[tilespmem:$0x1FD90] =	vst v40  }
0xaa: {  	v45 =	vld [tilespmem:s15+$0xFFFFFF30];
	_ =	sdelay $0x1  }
0xab: {  	vm1 =	vge.f32 v7, $0.0e+00;
	v11 =	vmul.f32 v28, v11  }
0xac: {  	v6 =	vadd.f32 v6, v37;
	v4 =	vadd.f32 v4, v31;
	v5 =	vmul.f32 v5, v12  }
0xad: {  	v12 =	vsel vm1, v21, v59;
	v2 =	vadd.f32 v11, v2;
	v11 =	vadd.f32 v27, v40;
	v27 =	vld [tilespmem:s15+$0x60];
	[tilespmem:$0x1FDA0] =	vst v34  }
0xae: {  	vm1 =	vge.f32 v6, $0.0e+00;
	v3 =	vadd.f32 v3, v5;
	v5 =	vadd.f32 v8, v55;
	[tilespmem:$0x1FEF0] =	vst v45  }
0xaf: {  	v10 =	vadd.f32 v10, v34;
	v7 =	vmul.f32 v12, v7;
	v8 =	vsel vm1, v22, v33;
	v42 =	vld [tilespmem:s15+$0xFFFFFF70]  }
0xb0: {  	vm1 =	vge.f32 v11, $0.0e+00;
	vm2 =	vge.f32 v5, $0.0e+00;
	v13 =	vadd.f32 v13, v43;
	v15 =	vld [tilespmem:s16+$0xFFFFFF30];
	[tilespmem:$0x1FDB0] =	vst v56  }
0xb1: {  	v28 =	vmovc v31;
	v12 =	vsel vm1, v21, v59;
	v31 =	vsel vm2, v22, v33;
	v29 =	vadd.f32 v29, v56;
	v61 =	vld [tilespmem:s16+$0xFFFFFF70]  }
0xb2: {  	v6 =	vmul.f32 v8, v6;
	v5 =	vmul.f32 v31, v5;
	vm2 =	vge.f32 v13, $0.0e+00;
	v44 =	vld [tilespmem:s15+$0xFFFFFFB0];
	[tilespmem:$0x1FDC0] =	vst v57  }
0xb3: {  	v14 =	vadd.f32 v14, v57;
	v8 =	vsel vm2, v24, v26;
	vm2 =	vge.f32 v29, $0.0e+00;
	v63 =	vld [tilespmem:s15+$0xFFFFFFF0]  }
0xb4: {  	v5 =	vadd.f32 v7, v5;
	v7 =	vsel vm2, v16, v32;
	v8 =	vmul.f32 v8, v13;
	v13 =	vld [tilespmem:s16+$0xFFFFFFB0];
	[tilespmem:$0x1FDD0] =	vst v58  }
0xb5: {  	v9 =	vadd.f32 v9, v58;
	vm2 =	vge.f32 v14, $0.0e+00;
	v7 =	vmul.f32 v7, v29;
	v31 =	vld [tilespmem:s16+$0xFFFFFFF0]  }
0xb6: {  	v5 =	vadd.f32 v8, v5;
	v8 =	vsel vm2, v24, v26;
	v48 =	vld [tilespmem:s16+$0x20];
	v15 =	vadd.f32 v15, v45  }
0xb7: {  	s17 =	simm.s32 $0x16500;
	vm2 =	vge.f32 v9, $0.0e+00;
	v49 =	vld [tilespmem:s16+$0x60];
	v8 =	vmul.f32 v8, v14;
	v29 =	vadd.f32 v61, v42  }
0xb8: {  	v14 =	vsel vm2, v16, v32;
	v1 =	vadd.f32 v7, v1;
	v46 =	vld [tilespmem:s17+$0xF0];
	vm3 =	vge.f32 v15, $0.0e+00  }
0xb9: {  	v50 =	vld [tilespmem:s15+$0x30];
	v13 =	vadd.f32 v13, v44;
	v51 =	vsel vm3, v20, v19;
	vm2 =	vge.f32 v29, $0.0e+00  }
0xba: {  	v52 =	vld [tilespmem:s15+$0x70];
	v31 =	vadd.f32 v31, v63;
	v7 =	vmul.f32 v51, v15;
	v54 =	vsel vm2, v17, v18  }
0xbb: {  	v9 =	vmul.f32 v14, v9;
	v2 =	vadd.f32 v8, v2;
	v8 =	vld [tilespmem:s16+$0x70];
	v14 =	vmul.f32 v54, v29  }
0xbc: {  	(xrf2) =	vadd.scan.msk.f32 $0xffff, v0;
	v15 =	vld [tilespmem:s16+$0x30];
	vm2 =	vge.f32 v13, $0.0e+00;
	vm3 =	vge.f32 v31, $0.0e+00;
	v7 =	vadd.f32 v7, v5  }
0xbd: {  	s13 =	simm.s32 $0x18D00;
	v29 =	vld [tilespmem:s17+$0xB0];
	[tilespmem:$0x1FEB0] =	vst v46;
	v55 =	vsel vm3, v17, v18;
	v1 =	vadd.f32 v14, v1;
	v14 =	vsel vm2, v20, v19  }
0xbe: {  	v0 =	vadd.f32 v9, v3;
	v9 =	vmul.f32 v55, v31;
	v3 =	vmul.f32 v14, v13;
	v13 =	vld [tilespmem:s13+$0xB0];
	[tilespmem:$0x1FDE0] =	vst v60  }
0xbf: {  	vm1 =	vge.f32 v4, $0.0e+00;
	v35 =	vadd.f32 v48, v60;
	v1 =	vadd.f32 v1, v7;
	v7 =	vld [tilespmem:s13+$0xF0]  }
0xc0: {  	v14 =	vsel vm1, v23, v53;
	vm1 =	vge.f32 v10, $0.0e+00;
	v0 =	vadd.f32 v9, v0;
	v34 =	vld [tilespmem:s17+$0xA0]  }
0xc1: {  	v9 =	vmul.f32 v12, v11;
	v5 =	vld [tilespmem:s17+$0xE0];
	[tilespmem:$0x1FDF0] =	vst v27;
	v2 =	vadd.f32 v3, v2;
	v3 =	vsel vm1, v25, v30  }
0xc2: {  	v8 =	vadd.f32 v8, v52;
	v4 =	vmul.f32 v14, v4;
	v3 =	vmul.f32 v3, v10;
	v10 =	vld [tilespmem:s13+$0xE0]  }
0xc3: {  	(xrf2) =	vadd.scan.msk.f32 $0xffff, v1;
	v1 =	vadd.f32 v49, v27;
	v0 =	vadd.f32 v0, v2;
	v2 =	vld [tilespmem:s13+$0xA0];
	[tilespmem:$0x1FE00] =	vst v52  }
0xc4: {  	v11 =	vadd.f32 v15, v50;
	vm1 =	vge.f32 v35, $0.0e+00;
	v6 =	vadd.f32 v9, v6;
	v40 =	vld [tilespmem:s17+$0x80]  }
0xc5: {  	v9 =	vsel vm1, v24, v26;
	vm1 =	vge.f32 v1, $0.0e+00;
	v38 =	vld [tilespmem:s17+$0x90];
	(xrf2) =	vadd.scan.msk.f32 $0xffff, v0;
	v0 =	vadd.f32 v3, v4  }
0xc6: {  	v36 =	vld [tilespmem:s17+$0xC0];
	v3 =	vmul.f32 v9, v35;
	v4 =	vsel vm1, v16, v32;
	vm1 =	vge.f32 v11, $0.0e+00  }
0xc7: {  	vm2 =	vge.f32 v8, $0.0e+00;
	v37 =	vld [tilespmem:s17+$0xD0];
	v1 =	vmul.f32 v4, v1;
	v4 =	vsel vm1, v20, v19  }
0xc8: {  	v48 =	vld [tilespmem:s17+$0xFFFFFF40];
	v3 =	vadd.f32 v3, v6;
	v6 =	vsel vm2, v17, v18;
	v10 =	vadd.f32 v10, v5  }
0xc9: {  	v9, _, _ =	vpop (xrf2);
	v0 =	vadd.f32 v1, v0;
	v1 =	vmul.f32 v4, v11;
	v4 =	vmul.f32 v6, v8;
	v6 =	vld [tilespmem:s13+$0x80]  }
0xca: {  	v8 =	vmul.f32 $1.442695020e+00, v9;
	v9 =	vld [tilespmem:s13+$0x90]  }
0xcb: {  	v11 =	vld [tilespmem:s13+$0xD0];
	v2 =	vadd.f32 v2, v34;
	vm12 =	vge.f32 v10, $0.0e+00  }
0xcc: {  	v1 =	vadd.f32 v1, v3;
	v0 =	vadd.f32 v4, v0;
	v3 =	vld [tilespmem:s13+$0xC0];
	v4 =	vbroadcast v8, $0xF  }
0xcd: {  	v35 =	vld [tilespmem:s17+$0xFFFFFF10];
	[tilespmem:$0x1FE10] =	vst v5;
	vm4 =	vge.f32 v2, $0.0e+00;
	v61 =	vsel vm12, v16, v32  }
0xce: {  	v12 =	vld [tilespmem:s13+$0xFFFFFF00];
	v58 =	vsel vm4, v24, v26;
	v8, _, _ =	vpop (xrf2);
	v0 =	vadd.f32 v0, v1;
	(erf) = vpow2.f32 v4  }
0xcf: {  	v14 =	vld [tilespmem:s13+$0xFFFFFF40];
	v4 =	vadd.f32 v7, v46;
	v1 =	vmul.f32 $1.442695020e+00, v8;
	v8 =	vadd.f32 v13, v29  }
0xd0: {  	v15 =	vld [tilespmem:s13+$0xFFFFFF50];
	v2 =	vmul.f32 v58, v2;
	v6 =	vadd.f32 v6, v40;
	v9 =	vadd.f32 v9, v38  }
0xd1: {  	v49 =	vld [tilespmem:s17+$0xFFFFFF80];
	v11 =	vadd.f32 v11, v37;
	v1 =	vbroadcast v1, $0xF;
	v3 =	vadd.f32 v3, v36  }
0xd2: {  	v51 =	vld [tilespmem:s17+$0xFFFFFF90];
	v7, _, _ =	vpop (xrf2);
	vm1 =	vge.f32 v8, $0.0e+00;
	vm3 =	vge.f32 v6, $0.0e+00;
	vm13 =	vge.f32 v9, $0.0e+00  }
0xd3: {  	v52 =	vld [tilespmem:s17+$0xFFFFFFD0];
	vm15 =	vge.f32 v11, $0.0e+00;
	v7 =	vmul.f32 $1.442695020e+00, v7;
	v56 =	vsel vm3, v22, v33  }
0xd4: {  	v43 =	vmovc v63;
	v13 =	vld [tilespmem:s13+$0xFFFFFF10];
	v47 =	vsel vm13, v21, v59;
	v57 =	vsel vm15, v25, v30;
	vm14 =	vge.f32 v3, $0.0e+00  }
0xd5: {  	v31 =	vmovc v50;
	v63 =	vld [tilespmem:s13+$0xFFFFFF90];
	v6 =	vmul.f32 v56, v6;
	v9 =	vmul.f32 v47, v9;
	v50 =	vsel vm14, v23, v53  }
0xd6: {  	v46 =	vld [tilespmem:s17+$0xFFFFFF50];
	v60 =	vsel vm1, v20, v19;
	v11 =	vmul.f32 v57, v11;
	v3 =	vmul.f32 v50, v3  }
0xd7: {  	v54 =	vld [tilespmem:s17+$0x0];
	vm2 =	vge.f32 v4, $0.0e+00;
	v8 =	vmul.f32 v60, v8;
	(erf) = vpow2.f32 v1  }
0xd8: {  	v55 =	vld [tilespmem:s17+$0x10];
	v6 =	vadd.f32 v9, v6;
	v9 =	vmul.f32 v61, v10;
	v3 =	vadd.f32 v11, v3  }
0xd9: {  	v1 =	vbroadcast v7, $0xF;
	v10 =	vld [tilespmem:s13+$0xFFFFFF80];
	v11 =	vadd.f32 v13, v35;
	v13 =	vsel vm2, v17, v18  }
0xda: {  	v45 =	vld [tilespmem:s17+$0xFFFFFF00];
	v2 =	vadd.f32 v2, v6;
	v4 =	vmul.f32 v13, v4;
	v3 =	vadd.f32 v9, v3  }
0xdb: {  	v50 =	vld [tilespmem:s17+$0xFFFFFFC0];
	(erf) = vpow2.f32 v1;
	v1 =	vadd.f32 v15, v46  }
0xdc: {  	v6 =	vld [tilespmem:s13+$0xFFFFFFC0];
	v2 =	vadd.f32 v8, v2;
	v3 =	vadd.f32 v4, v3  }
0xdd: {  	v7 =	vadd.f32 v14, v48;
	vm2 =	vge.f32 v1, $0.0e+00;
	v9 =	vld [tilespmem:s13+$0xFFFFFFD0]  }
0xde: {  	vm1 =	vge.f32 v11, $0.0e+00;
	v8 =	vadd.f32 v10, v49;
	v10 =	vld [tilespmem:s13+$0x0];
	v2 =	vadd.f32 v3, v2  }
0xdf: {  	v58 =	vld [tilespmem:s17+$0xFFFFFF60];
	(xrf2) =	vadd.scan.msk.f32 $0xffff, v0;
	v13 =	vsel vm2, v25, v30;
	v4 =	vsel vm1, v21, v59;
	vm1 =	vge.f32 v7, $0.0e+00  }
0xe0: {  	v56 =	vld [tilespmem:s17+$0x40];
	v1 =	vmul.f32 v13, v1;
	v0 =	vsel vm1, v23, v53;
	vm1 =	vge.f32 v8, $0.0e+00;
	(xrf2) =	vadd.scan.msk.f32 $0xffff, v2  }
0xe1: {  	v6 =	vadd.f32 v6, v50;
	v4 =	vmul.f32 v4, v11;
	v3 =	vadd.f32 v63, v51;
	v2 =	vld [tilespmem:s13+$0x10]  }
0xe2: {  	v57 =	vld [tilespmem:s17+$0x50];
	v14 =	vsel vm1, v22, v33;
	v0 =	vmul.f32 v0, v7;
	v9 =	vadd.f32 v9, v52  }
0xe3: {  	v47 =	vld [tilespmem:s17+$0xFFFFFF20];
	v8 =	vmul.f32 v14, v8;
	vm1 =	vge.f32 v3, $0.0e+00;
	v10 =	vadd.f32 v10, v54  }
0xe4: {  	v60 =	vld [tilespmem:s17+$0xFFFFFFA0];
	v5 =	vadd.f32 v1, v0;
	v7 =	vsel vm1, v21, v59;
	vm1 =	vge.f32 v6, $0.0e+00  }
0xe5: {  	v14 =	vld [tilespmem:s13+$0x50];
	v11 =	vsel vm1, v23, v53;
	vm1 =	vge.f32 v9, $0.0e+00;
	v3 =	vmul.f32 v7, v3  }
0xe6: {  	v61 =	vld [tilespmem:s17+$0xFFFFFFE0];
	v13 =	vsel vm1, v25, v30;
	v6 =	vmul.f32 v11, v6;
	v2 =	vadd.f32 v2, v55  }
0xe7: {  	v7 =	vld [tilespmem:s13+$0x40];
	vm1 =	vge.f32 v10, $0.0e+00;
	v0 =	vmul.f32 v13, v9;
	v9 =	vadd.f32 v12, v45  }
0xe8: {  	v1 =	vld [tilespmem:s13+$0xFFFFFFE0];
	v3 =	vadd.f32 v3, v8;
	v8 =	vsel vm1, v22, v33;
	vm2 =	vge.f32 v2, $0.0e+00  }
0xe9: {  	v11 =	vld [tilespmem:s13+$0xFFFFFF20];
	v8 =	vmul.f32 v8, v10;
	v10, _, _ =	vpop (xrf2);
	vm1 =	vge.f32 v9, $0.0e+00;
	v12 =	vsel vm2, v21, v59  }
0xea: {  	v13 =	vadd.f32 v14, v57;
	v15 =	vsel vm1, v22, v33;
	v2 =	vmul.f32 v12, v2;
	v12 =	vld [tilespmem:s13+$0xFFFFFF60];
	v14, _, _ =	vpop (xrf2)  }
0xeb: {  	v6 =	vadd.f32 v0, v6;
	v0 =	vmul.f32 v15, v9;
	v9 =	vmul.f32 $1.442695020e+00, v14;
	v14 =	vld [tilespmem:s13+$0xFFFFFFA0]  }
0xec: {  	v7 =	vadd.f32 v7, v56  }
0xed: {  	v1 =	vadd.f32 v1, v61;
	vm2 =	vge.f32 v13, $0.0e+00  }
0xee: {  	v11 =	vadd.f32 v11, v47;
	vm1 =	vge.f32 v7, $0.0e+00;
	v33 =	vsel vm2, v25, v30  }
0xef: {  	v63 =	vld [tilespmem:s17+$0x20];
	v15 =	vsel vm1, v23, v53;
	v9 =	vbroadcast v9, $0xF;
	v12 =	vadd.f32 v12, v58  }
0xf0: {  	v0 =	vadd.f32 v4, v0;
	vm1 =	vge.f32 v11, $0.0e+00;
	v4 =	vadd.f32 v14, v60;
	v14 =	vld [tilespmem:s13+$0x20]  }
0xf1: {  	(erf) = vpow2.f32 v9;
	v9 =	vsel vm1, v24, v26;
	vm2 =	vge.f32 v12, $0.0e+00  }
0xf2: {  	v2 =	vadd.f32 v2, v8;
	v9 =	vmul.f32 v9, v11;
	v8 =	vsel vm2, v16, v32  }
0xf3: {  	v10 =	vmul.f32 $1.442695020e+00, v10;
	v8 =	vmul.f32 v8, v12;
	vm1 =	vge.f32 v4, $0.0e+00  }
0xf4: {  	v53 =	vadd.f32 v9, v0;
	v12 =	vsel vm1, v24, v26;
	vm1 =	vge.f32 v1, $0.0e+00  }
0xf5: {  	v9 =	vbroadcast v10, $0xF;
	v10 =	vadd.f32 v14, v63;
	v14 =	vsel vm1, v16, v32  }
0xf6: {  	v59 =	vld [tilespmem:s17+$0x60];
	v1 =	vmul.f32 v14, v1  }
0xf7: {  	v13 =	vmul.f32 v33, v13;
	v7 =	vmul.f32 v15, v7;
	v11 =	vld [tilespmem:s13+$0x60]  }
0xf8: {  	v33 =	vadd.f32 v1, v6;
	v1 =	vld [tilespmem:$0x1FE20]  }
0xf9: {  	v7 =	vadd.f32 v13, v7  }
0xfa: {  	v4 =	vmul.f32 v12, v4  }
0xfb: {  	[tilespmem:$0x1FE80] =	vst v7;
	v5 =	vadd.f32 v8, v5  }
0xfc: {  	v27 =	vld [tilespmem:s17+$0xFFFFFF30];
	v30 =	vadd.f32 v4, v3;
	v4 =	vadd.f32 v11, v59;
	v11 =	vpop (erf)  }
0xfd: {  	v0 =	vld [tilespmem:s17+$0xFFFFFF70];
	v6 =	vmul.f32 v11, v1  }
0xfe: {  	s16 =	simm.s32 $0x1B320;
	v12 =	vld [tilespmem:s13+$0xFFFFFF30];
	[tilespmem:$0x1FEA0] =	vst v5  }
0xff: {  	[tilespmem:s16+$0x100] =	vst v6  }
0x100: {  	vm1 =	vge.f32 v10, $0.0e+00;
	v5 =	vld [tilespmem:$0x1FE30]  }
0x101: {  	(erf) = vpow2.f32 v9;
	v1 =	vsel vm1, v24, v26  }
0x102: {  	v9 =	vmul.f32 v1, v10;
	v10 =	vmul.f32 v11, v62  }
0x103: {  	vm1 =	vge.f32 v4, $0.0e+00  }
0x104: {  	v15 =	vsel vm1, v16, v32;
	[tilespmem:s16+$0x90] =	vst v10  }
0x105: {  	v6 =	vmul.f32 v11, v5;
	v5 =	vmul.f32 v15, v4;
	v4 =	vld [tilespmem:$0x1FE40];
	_ =	sdelay $0x2  }
0x106: {  	v3 =	vld [tilespmem:s13+$0xFFFFFF70];
	_ =	sdelay $0x1  }
0x107: {  	v10 =	vmul.f32 v11, v4  }
0x108: {  	[tilespmem:s16+$0xA0] =	vst v6  }
0x109: {  	v9 =	vadd.f32 v9, v2;
	v2 =	vld [tilespmem:$0x1FE50];
	[tilespmem:s16+$0xB0] =	vst v10  }
0x10a: {  	v4 =	vadd.f32 v3, v0;
	v3 =	vld [tilespmem:$0x1FE60];
	_ =	sdelay $0x3  }
0x10b: {  	v2 =	vmul.f32 v11, v2  }
0x10c: {  	v6 =	vmul.f32 v11, v3  }
0x10d: {  	[tilespmem:s16+$0xC0] =	vst v2  }
0x10e: {  	vm2 =	vge.f32 v4, $0.0e+00;
	v2 =	vld [tilespmem:$0x1FE70];
	[tilespmem:s16+$0xD0] =	vst v6  }
0x10f: {  	v3 =	vsel vm2, v17, v18;
	v6 =	vld [tilespmem:$0x1FE80]  }
0x110: {  	v8 =	vmul.f32 v3, v4;
	v3 =	vld [tilespmem:$0x1FE90]  }
0x111: {  	v12 =	vadd.f32 v12, v27;
	_ =	sdelay $0x1  }
0x112: {  	vm1 =	vge.f32 v12, $0.0e+00  }
0x113: {  	v10 =	vsel vm1, v20, v19;
	v7 =	vmul.f32 v11, v2  }
0x114: {  	v12 =	vmul.f32 v10, v12;
	v10 =	vadd.f32 v5, v6;
	v5 =	vmul.f32 v11, v3  }
0x115: {  	[tilespmem:s16+$0xE0] =	vst v7  }
0x116: {  	[tilespmem:s16+$0xF0] =	vst v5  }
0x117: {  	v5 =	vld [tilespmem:$0x1FEA0];
	_ =	sdelay $0x4  }
0x118: {  	v16 =	vadd.f32 v12, v53;
	v53 =	vadd.f32 v8, v5;
	v5 =	vnsel vm0, $0x0, v11  }
0x119: {  	[tilespmem:s16+$0x110] =	vst v5  }
0x11a: {  	v5 =	vld [tilespmem:$0x1FEB0]  }
0x11b: {  	v1 =	vld [tilespmem:s17+$0xFFFFFFB0]  }
0x11c: {  	v15 =	vld [tilespmem:s13+$0xFFFFFFB0];
	v6 =	vpop (erf)  }
0x11d: {  	v3 =	vpop (erf);
	v14 =	vnsel vm0, $0x0, v6  }
0x11e: {  	v7 =	vpop (erf);
	[tilespmem:s16+$0xFFFFFF60] =	vst v14  }
0x11f: {  	v8 =	vmul.f32 v7, v5;
	v5 =	vld [tilespmem:$0x1FEC0];
	_ =	sdelay $0x1  }
0x120: {  	v13 =	vld [tilespmem:s13+$0xFFFFFFF0];
	v15 =	vadd.f32 v15, v1  }
0x121: {  	v62 =	vld [tilespmem:s17+$0xFFFFFFF0]  }
0x122: {  	s15 =	simm.s32 $0x1B560;
	vm1 =	vge.f32 v15, $0.0e+00  }
0x123: {  	[tilespmem:s15+$0x100] =	vst v8;
	v14 =	vmul.f32 v6, v5;
	v5 =	vsel vm1, v20, v19  }
0x124: {  	v12 =	vmul.f32 v5, v15;
	v5 =	vld [tilespmem:$0x1FED0];
	_ =	sdelay $0x1  }
0x125: {  	v11 =	vadd.f32 v13, v62;
	_ =	sdelay $0x1  }
0x126: {  	vm2 =	vge.f32 v11, $0.0e+00  }
0x127: {  	[tilespmem:s16+$0xFFFFFEE0] =	vst v14;
	v15 =	vmul.f32 v6, v5;
	v5 =	vsel vm2, v17, v18  }
0x128: {  	v14 =	vmul.f32 v5, v11;
	v5 =	vld [tilespmem:$0x1FEE0];
	_ =	sdelay $0x1  }
0x129: {  	v4 =	vld [tilespmem:s17+$0x70]  }
0x12a: {  	v13 =	vld [tilespmem:s13+$0x70]  }
0x12b: {  	v26 =	vld [tilespmem:s13+$0x30]  }
0x12c: {  	v2 =	vld [tilespmem:s17+$0x30];
	v8 =	vmul.f32 v6, v5  }
0x12d: {  	[tilespmem:s16+$0xFFFFFEF0] =	vst v15  }
0x12e: {  	[tilespmem:s16+$0xFFFFFF00] =	vst v8  }
0x12f: {  	v11 =	vadd.f32 v13, v4;
	v13 =	vadd.f32 v14, v33;
	v14 =	vld [tilespmem:$0x1FEF0];
	_ =	sdelay $0x1  }
0x130: {  	v5 =	vadd.f32 v26, v2  }
0x131: {  	v16 =	vadd.f32 v53, v16  }
0x132: {  	v12 =	vadd.f32 v12, v30;
	vm1 =	vge.f32 v5, $0.0e+00  }
0x133: {  	s0 =	simm.s32 $0x16700;
	s17 =	simm.s32 $0x4;
	(xrf2) =	vadd.scan.msk.f32 $0xffff, v16;
	v8 =	vpop (erf);
	v15 =	vmul.f32 v6, v14;
	v14 =	vsel vm1, v20, v19;
	vm1 =	vge.f32 v11, $0.0e+00  }
.LBB2_8:
0x134: {  	v16 =	vld [tilespmem:s0+$0xB0]  }
0x135: {  	[tilespmem:$0x1FD30] =	vst v27;
	v27 =	vld [tilespmem:$0x1FF00]  }
0x136: {  	v30 =	vld [tilespmem:$0x1FF10]  }
0x137: {  	v14 =	vmul.f32 v14, v5;
	v5 =	vld [tilespmem:s0+$0xF0]  }
0x138: {  	v32 =	vmul.f32 v3, v44;
	v44 =	vld [tilespmem:s0+$0xE0]  }
0x139: {  	v26 =	vld [tilespmem:$0x1FD90]  }
0x13a: {  	v14 =	vadd.f32 v14, v9;
	v9 =	vld [tilespmem:$0x1FDB0]  }
0x13b: {  	v53 =	vmov v50;
	v50 =	vld [tilespmem:s0+$0x90]  }
0x13c: {  	[tilespmem:$0x1FD10] =	vst v45;
	s13 =	sadd.s32 $0x200, s13;
	v45 =	vmov v48;
	v48 =	vmov v51;
	v51 =	vmul.f32 v8, v28;
	v28 =	vld [tilespmem:$0x1FDA0]  }
0x13d: {  	[tilespmem:s16+$0xFFFFFF10] =	vst v15;
	v15 =	vmul.f32 v6, v39;
	v18 =	vld [tilespmem:s13+$0xF0];
	v17 =	vsel vm1, v27, v30  }
0x13e: {  	v39 =	vld [tilespmem:s13+$0x80];
	v19 =	vmul.f32 v17, v11  }
0x13f: {  	[tilespmem:s16+$0xFFFFFF20] =	vst v15;
	v15 =	vmul.f32 v6, v9;
	v9 =	vld [tilespmem:$0x1FD40]  }
0x140: {  	[tilespmem:s16+$0xFFFFFFA0] =	vst v32;
	v32 =	vld [tilespmem:$0x1FFA0];
	v10 =	vadd.f32 v19, v10  }
0x141: {  	[tilespmem:$0x1FD20] =	vst v47;
	v12 =	vadd.f32 v13, v12;
	v13 =	vmul.f32 v6, v41;
	v41 =	vld [tilespmem:s0+$0xA0];
	v6 =	vmul.f32 v6, v42  }
0x142: {  	[tilespmem:s16+$0x40] =	vst v51;
	v14 =	vadd.f32 v10, v14;
	v10 =	vld [tilespmem:$0x1FD60]  }
0x143: {  	[tilespmem:s16+$0xFFFFFF50] =	vst v6;
	v6 =	vld [tilespmem:$0x1FDD0]  }
0x144: {  	(xrf2) =	vadd.scan.msk.f32 $0xffff, v12;
	[tilespmem:s16+$0xFFFFFF30] =	vst v13;
	v11 =	vmov v46;
	v12 =	vmul.f32 v3, v9;
	v9 =	vld [tilespmem:$0x1FD50]  }
0x145: {  	v17 =	vld [tilespmem:s13+$0xB0];
	[tilespmem:$0x1FD00] =	vst v11  }
0x146: {  	[tilespmem:s16+$0xFFFFFF40] =	vst v15;
	(xrf2) =	vadd.scan.msk.f32 $0xffff, v14;
	v14 =	vld [tilespmem:$0x1FD80]  }
0x147: {  	[tilespmem:$0x1FD60] =	vst v53;
	v15 =	vmul.f32 v3, v10;
	v10 =	vld [tilespmem:$0x1FD70]  }
0x148: {  	v42 =	vld [tilespmem:s13+$0xE0];
	[tilespmem:$0x1FD50] =	vst v48;
	v6 =	vmul.f32 v3, v6  }
0x149: {  	[tilespmem:s16+$0xFFFFFF70] =	vst v12;
	v33 =	vmul.f32 v3, v9;
	v9 =	vld [tilespmem:$0x1FDC0]  }
0x14a: {  	v19 =	vld [tilespmem:s13+$0xA0];
	[tilespmem:s16+$0xFFFFFFD0] =	vst v6  }
0x14b: {  	v53 =	vmov v0;
	v0 =	vld [tilespmem:$0x1FE10];
	v14 =	vmul.f32 v8, v14;
	[tilespmem:s16+$0xFFFFFFB0] =	vst v15  }
0x14c: {  	v48 =	vld [tilespmem:s0+$0x80];
	[tilespmem:s16+$0xFFFFFF80] =	vst v33;
	v46 =	vmul.f32 v3, v10;
	v10 =	vmov v49;
	v49 =	vmul.f32 v8, v26;
	v26, _, _ =	vpop (xrf2)  }
0x14d: {  	v12 =	vld [tilespmem:$0x1FDE0];
	[tilespmem:s16+$0x0] =	vst v14;
	v33 =	vmul.f32 $1.442695020e+00, v26  }
0x14e: {  	v6 =	vld [tilespmem:s13+$0xD0];
	[tilespmem:$0x1FD40] =	vst v10;
	v26 =	vmovc v57;
	v13 =	vmul.f32 v3, v9;
	v9 =	vnsel vm0, $0x0, v3;
	v3 =	vmul.f32 v3, v43  }
0x14f: {  	v43 =	vmul.f32 v8, v31;
	v31 =	vmovc v52;
	v52 =	vmul.f32 v8, v28;
	v28 =	vmov v54;
	v54 =	vld [tilespmem:s0+$0xC0];
	[tilespmem:$0x1FDA0] =	vst v26  }
0x150: {  	v47 =	vmov v56;
	v56 =	vmul.f32 v7, v40;
	v40, _, _ =	vpop (xrf2);
	v26 =	vld [tilespmem:$0x1FE00];
	[tilespmem:s16+$0xFFFFFFC0] =	vst v46  }
0x151: {  	v15 =	vmovc v59;
	v59 =	vmul.f32 v7, v34;
	v34 =	vmovc v41;
	v46 =	vmul.f32 $1.442695020e+00, v40;
	v40 =	vmov v48;
	v48 =	vld [tilespmem:s0+$0xFFFFFF40];
	[tilespmem:s16+$0x10] =	vst v49  }
0x152: {  	v14 =	vadd.f32 v19, v34;
	[tilespmem:$0x1FD70] =	vst v31;
	v19 =	vadd.f32 v39, v40;
	v39 =	vld [tilespmem:$0x1FFE0]  }
0x153: {  	[tilespmem:s16+$0xFFFFFF90] =	vst v13;
	v13 =	vld [tilespmem:$0x1FDF0]  }
0x154: {  	[tilespmem:$0x1FDF0] =	vst v15;
	v15 =	vld [tilespmem:s13+$0x90]  }
0x155: {  	[tilespmem:s16+$0xFFFFFFE0] =	vst v3;
	v31 =	vmov v55;
	v55 =	vld [tilespmem:s0+$0xD0]  }
0x156: {  	[tilespmem:$0x1FD80] =	vst v28;
	v49 =	vld [tilespmem:s0+$0xFFFFFF80]  }
0x157: {  	[tilespmem:s16+$0x30] =	vst v43;
	v51 =	vld [tilespmem:s0+$0xFFFFFF90]  }
0x158: {  	[tilespmem:s16+$0x50] =	vst v52;
	v52 =	vld [tilespmem:s0+$0xFFFFFFD0]  }
0x159: {  	v11 =	vnsel vm0, $0x0, v8;
	v12 =	vmul.f32 v8, v12;
	v28 =	vmovc v61;
	[tilespmem:$0x1FD90] =	vst v31;
	v43 =	vmov v62;
	v62 =	vld [tilespmem:$0x1FFD0]  }
0x15a: {  	v10 =	vnsel vm0, $0x0, v7;
	v61 =	vmul.f32 v7, v36;
	[tilespmem:$0x1FDD0] =	vst v28;
	v28 =	vld [tilespmem:$0x1FF80];
	v57 =	vmul.f32 v8, v26  }
0x15b: {  	v26 =	vmovc v63;
	v13 =	vmul.f32 v8, v13;
	v8 =	vmovc v60;
	v60 =	vmul.f32 v7, v29;
	v29 =	vmov v16;
	v16 =	vld [tilespmem:s13+$0xC0]  }
0x15c: {  	v63 =	vmul.f32 v7, v37;
	v31 =	vmovc v58;
	v58 =	vmul.f32 v7, v38;
	[tilespmem:$0x1FDE0] =	vst v26;
	v38 =	vmov v50;
	v26 =	vld [tilespmem:$0x1FF90]  }
0x15d: {  	v36 =	vmovc v54;
	v54 =	vmul.f32 v7, v0;
	v7 =	vmovc v44;
	v44 =	vmov v1;
	v1 =	vadd.f32 v15, v38;
	v15 =	vld [tilespmem:s13+$0xFFFFFF10]  }
0x15e: {  	v18 =	vadd.f32 v18, v5;
	v37 =	vmovc v55;
	v55 =	vadd.f32 v42, v7;
	v42 =	vmov v35;
	v35 =	vld [tilespmem:$0x1FFC0]  }
0x15f: {  	[tilespmem:$0x1FDC0] =	vst v8;
	v8 =	vbroadcast v33, $0xF;
	v3 =	vadd.f32 v17, v29;
	v17 =	vbroadcast v46, $0xF;
	v46 =	vld [tilespmem:s0+$0xFFFFFF50]  }
0x160: {  	vm1 =	vge.f32 v18, $0.0e+00;
	[tilespmem:s16+$0x20] =	vst v12;
	vm4 =	vge.f32 v14, $0.0e+00;
	v33 =	vld [tilespmem:$0x1FFB0];
	v12 =	vadd.f32 v16, v36  }
0x161: {  	vm3 =	vge.f32 v19, $0.0e+00;
	[tilespmem:$0x1FDB0] =	vst v31;
	v31 =	vmovc v2;
	v2 =	vmovc v4;
	v4 =	vld [tilespmem:s13+$0xFFFFFF50];
	vm6 =	vge.f32 v1, $0.0e+00;
	(erf) = vpow2.f32 v8  }
0x162: {  	[tilespmem:s16+$0x60] =	vst v13;
	v8 =	vld [tilespmem:s0+$0xFFFFFF10];
	(erf) = vpow2.f32 v17;
	v17 =	vsel vm6, v21, v39;
	vm7 =	vge.f32 v12, $0.0e+00  }
0x163: {  	[tilespmem:$0x1FE00] =	vst v2;
	v2 =	vld [tilespmem:s13+$0xFFFFFF40];
	v1 =	vmul.f32 v17, v1;
	v13 =	vsel vm3, v22, v35;
	v41 =	vsel vm7, v23, v62  }
0x164: {  	v0, _, _ =	vpop (xrf2);
	v16 =	vadd.f32 v6, v37;
	v13 =	vmul.f32 v13, v19;
	v12 =	vmul.f32 v41, v12;
	v41 =	vld [tilespmem:$0x1FFF0]  }
0x165: {  	v50 =	vld [tilespmem:s0+$0xFFFFFFC0];
	[tilespmem:$0x1FE10] =	vst v7;
	v7 =	vmul.f32 $1.442695020e+00, v0;
	vm2 =	vge.f32 v3, $0.0e+00;
	v19 =	vsel vm4, v24, v32  }
0x166: {  	[tilespmem:s15+$0x90] =	vst v56;
	v56 =	vld [tilespmem:s13+$0xFFFFFF80];
	vm8 =	vge.f32 v16, $0.0e+00;
	v14 =	vmul.f32 v19, v14;
	v1 =	vadd.f32 v1, v13  }
0x167: {  	[tilespmem:s15+$0xD0] =	vst v61;
	v61 =	vld [tilespmem:s13+$0xFFFFFFC0];
	vm5 =	vge.f32 v55, $0.0e+00;
	v4 =	vadd.f32 v4, v46;
	v17 =	vsel vm8, v25, v28  }
0x168: {  	v15 =	vadd.f32 v15, v8;
	v16 =	vmul.f32 v17, v16;
	v1 =	vadd.f32 v14, v1;
	v14 =	vld [tilespmem:s13+$0xFFFFFFD0]  }
0x169: {  	[tilespmem:s16+$0x70] =	vst v57;
	v0 =	vld [tilespmem:s13+$0xFFFFFF00];
	v2 =	vadd.f32 v2, v48;
	v17 =	vsel vm2, v20, v26;
	v19 =	vsel vm5, v41, v33  }
0x16a: {  	[tilespmem:s15+$0xF0] =	vst v54;
	vm2 =	vge.f32 v4, $0.0e+00;
	v12 =	vadd.f32 v16, v12;
	v16 =	vld [tilespmem:s13+$0xFFFFFF90];
	v13 =	vmul.f32 v19, v55  }
0x16b: {  	[tilespmem:s15+$0x110] =	vst v10;
	v54 =	vld [tilespmem:s0+$0x0];
	v17 =	vmul.f32 v17, v3;
	v10 =	vsel vm2, v25, v28;
	v19 =	vsel vm1, v27, v30  }
0x16c: {  	v20 =	vld [tilespmem:s0+$0xFFFFFF00];
	[tilespmem:s16+$0xFFFFFFF0] =	vst v9;
	v9 =	vadd.f32 v56, v49;
	v12 =	vadd.f32 v13, v12;
	v13 =	vmul.f32 v19, v18  }
0x16d: {  	v1 =	vadd.f32 v17, v1;
	vm1 =	vge.f32 v15, $0.0e+00;
	v55 =	vld [tilespmem:s0+$0x10];
	[tilespmem:s16+$0x80] =	vst v11;
	v14 =	vadd.f32 v14, v52  }
0x16e: {  	v56 =	vld [tilespmem:s0+$0x40];
	v18 =	vsel vm1, v21, v39;
	vm1 =	vge.f32 v2, $0.0e+00;
	v12 =	vadd.f32 v13, v12  }
0x16f: {  	v57 =	vld [tilespmem:s0+$0x50];
	v11 =	vsel vm1, v23, v62;
	vm1 =	vge.f32 v9, $0.0e+00;
	v13 =	vadd.f32 v16, v51  }
0x170: {  	v17 =	vld [tilespmem:s13+$0x0];
	v16 =	vsel vm1, v22, v35;
	v1 =	vadd.f32 v12, v1;
	v12 =	vadd.f32 v61, v50  }
0x171: {  	v19 =	vld [tilespmem:s13+$0x40];
	v2 =	vmul.f32 v11, v2;
	v9 =	vmul.f32 v16, v9;
	vm1 =	vge.f32 v13, $0.0e+00  }
0x172: {  	v6 =	vpop (erf);
	(xrf2) =	vadd.scan.msk.f32 $0xffff, v1;
	v1 =	vmul.f32 v18, v15;
	v15 =	vsel vm1, v21, v39;
	vm1 =	vge.f32 v12, $0.0e+00;
	v18 =	vld [tilespmem:s13+$0x10]  }
0x173: {  	v16 =	vld [tilespmem:s13+$0x50];
	v11 =	vsel vm1, v23, v62;
	v13 =	vmul.f32 v15, v13;
	v15 =	vnsel vm0, $0x0, v6  }
0x174: {  	v4 =	vmul.f32 v10, v4;
	vm1 =	vge.f32 v14, $0.0e+00;
	v12 =	vmul.f32 v11, v12;
	v11 =	vld [tilespmem:s0+$0xFFFFFF20];
	[tilespmem:s15+$0xFFFFFF60] =	vst v15  }
0x175: {  	[tilespmem:s15+$0xA0] =	vst v58;
	v0 =	vadd.f32 v0, v20;
	v10 =	vsel vm1, v25, v28;
	v58 =	vld [tilespmem:s0+$0xFFFFFF60]  }
0x176: {  	v2 =	vadd.f32 v4, v2;
	v4 =	vmul.f32 v10, v14;
	v10 =	vadd.f32 v17, v54;
	v14 =	vld [tilespmem:s13+$0xFFFFFF20]  }
0x177: {  	vm2 =	vge.f32 v0, $0.0e+00;
	v9 =	vadd.f32 v13, v9;
	v15 =	vld [tilespmem:s13+$0xFFFFFF60];
	v13 =	vadd.f32 v18, v55  }
0x178: {  	v4 =	vadd.f32 v4, v12;
	vm1 =	vge.f32 v10, $0.0e+00;
	v12 =	vadd.f32 v19, v56  }
0x179: {  	[tilespmem:s15+$0xC0] =	vst v60;
	v60 =	vld [tilespmem:s0+$0xFFFFFFA0];
	v16 =	vadd.f32 v16, v57;
	v17 =	vsel vm1, v22, v35;
	vm1 =	vge.f32 v13, $0.0e+00  }
0x17a: {  	v61 =	vld [tilespmem:s0+$0xFFFFFFE0];
	v10 =	vmul.f32 v17, v10;
	v18 =	vsel vm1, v21, v39;
	vm1 =	vge.f32 v12, $0.0e+00  }
0x17b: {  	v39 =	vmovc v45;
	v45 =	vsel vm2, v22, v35;
	v14 =	vadd.f32 v14, v11;
	v17 =	vsel vm1, v23, v62;
	v62 =	vld [tilespmem:s13+$0xFFFFFFA0]  }
0x17c: {  	v22 =	vld [tilespmem:s13+$0xFFFFFFE0];
	v15 =	vadd.f32 v15, v58;
	vm1 =	vge.f32 v16, $0.0e+00;
	v0 =	vmul.f32 v45, v0;
	v19, _, _ =	vpop (xrf2)  }
0x17d: {  	v21 =	vsel vm1, v25, v28;
	vm1 =	vge.f32 v14, $0.0e+00;
	v19 =	vmul.f32 $1.442695020e+00, v19  }
0x17e: {  	[tilespmem:s15+$0xE0] =	vst v63;
	v63 =	vld [tilespmem:s0+$0x20];
	v13 =	vmul.f32 v18, v13;
	v12 =	vmul.f32 v17, v12;
	v17 =	vsel vm1, v24, v32  }
0x17f: {  	v1 =	vadd.f32 v1, v0;
	v14 =	vmul.f32 v17, v14;
	v18 =	vbroadcast v19, $0xF;
	v19 =	vld [tilespmem:s13+$0x20]  }
0x180: {  	v16 =	vmul.f32 v21, v16;
	v10 =	vadd.f32 v13, v10;
	v21 =	vadd.f32 v62, v60  }
0x181: {  	vm1 =	vge.f32 v15, $0.0e+00;
	v17 =	vadd.f32 v22, v61;
	v14 =	vadd.f32 v14, v1  }
0x182: {  	v3 =	vpop (erf);
	(erf) = vpow2.f32 v18;
	v18 =	vsel vm1, v41, v33;
	vm1 =	vge.f32 v21, $0.0e+00  }
0x183: {  	v13 =	vmul.f32 v18, v15;
	v1 =	vsel vm1, v24, v32;
	vm1 =	vge.f32 v17, $0.0e+00  }
0x184: {  	v18 =	vmul.f32 v1, v21;
	v21 =	vsel vm1, v41, v33;
	v19 =	vadd.f32 v19, v63  }
0x185: {  	v13 =	vadd.f32 v13, v2;
	v2 =	vmul.f32 v21, v17  }
0x186: {  	vm1 =	vge.f32 v19, $0.0e+00  }
0x187: {  	v22 =	vadd.f32 v2, v4;
	v2 =	vsel vm1, v24, v32  }
0x188: {  	[tilespmem:s15+$0xB0] =	vst v59;
	v59 =	vld [tilespmem:s0+$0x60];
	v18 =	vadd.f32 v18, v9;
	v9 =	vmul.f32 v2, v19  }
0x189: {  	v23 =	vld [tilespmem:s0+$0xFFFFFF30]  }
0x18a: {  	v9 =	vadd.f32 v9, v10;
	v10 =	vld [tilespmem:$0x1FD10]  }
0x18b: {  	v28 =	vmov v47;
	v47 =	vld [tilespmem:s13+$0x60]  }
0x18c: {  	v15 =	vld [tilespmem:s13+$0xFFFFFF30];
	_ =	sdelay $0x1  }
0x18d: {  	v7 =	vbroadcast v7, $0xF  }
0x18e: {  	v19 =	vmul.f32 v6, v10;
	v10 =	vld [tilespmem:$0x1FF50]  }
0x18f: {  	v17 =	vadd.f32 v47, v59  }
0x190: {  	v0 =	vld [tilespmem:s0+$0xFFFFFF70];
	v15 =	vadd.f32 v15, v23  }
0x191: {  	v12 =	vadd.f32 v16, v12;
	v16 =	vld [tilespmem:s13+$0xFFFFFF70];
	(erf) = vpow2.f32 v7;
	vm1 =	vge.f32 v17, $0.0e+00;
	v7 =	vpop (erf)  }
0x192: {  	v4 =	vsel vm1, v41, v33;
	vm1 =	vge.f32 v15, $0.0e+00;
	v5 =	vmul.f32 v7, v5  }
0x193: {  	s16 =	smov.u32 s15;
	s15 =	sadd.s32 $0x240, s15;
	v25 =	vld [tilespmem:s13+$0x30];
	v45 =	vmov v20;
	v20 =	vsel vm1, v10, v26  }
0x194: {  	v62 =	vld [tilespmem:s0+$0xFFFFFFF0];
	[tilespmem:s15+$0x100] =	vst v5;
	v5 =	vmul.f32 v20, v15  }
0x195: {  	v1 =	vld [tilespmem:s0+$0xFFFFFFB0]  }
0x196: {  	v16 =	vadd.f32 v16, v0;
	v14 =	vadd.f32 v5, v14;
	v5 =	vld [tilespmem:$0x1FD20]  }
0x197: {  	v21 =	vld [tilespmem:s13+$0xFFFFFFB0];
	v17 =	vmul.f32 v4, v17  }
0x198: {  	v24 =	vld [tilespmem:s13+$0xFFFFFFF0];
	vm1 =	vge.f32 v16, $0.0e+00  }
0x199: {  	v41 =	vld [tilespmem:$0x1FD00];
	v10 =	vadd.f32 v17, v12;
	v12 =	vsel vm1, v27, v30  }
0x19a: {  	v2 =	vld [tilespmem:s0+$0x30];
	v12 =	vmul.f32 v12, v16  }
0x19b: {  	v20 =	vmul.f32 v6, v5;
	v5 =	vld [tilespmem:$0x1FF50]  }
0x19c: {  	v47 =	vmov v11;
	v4 =	vld [tilespmem:s0+$0x70];
	[tilespmem:s16+$0xFFFFFEE0] =	vst v19;
	v19 =	vmul.f32 v6, v42;
	v11 =	vadd.f32 v12, v13  }
0x19d: {  	v17 =	vld [tilespmem:s13+$0x70];
	v15 =	vadd.f32 v21, v1  }
0x19e: {  	s17 =	sadd.s32 $0x4, s17;
	[tilespmem:s16+$0xFFFFFEF0] =	vst v19;
	v16 =	vadd.f32 v24, v62;
	v19 =	vadd.f32 v11, v14;
	v14 =	vld [tilespmem:$0x1FD30]  }
0x19f: {  	p1 =	slt.u32 s17, $0x24;
	vm1 =	vge.f32 v15, $0.0e+00;
	[tilespmem:s16+$0xFFFFFF00] =	vst v20;
	v20 =	vld [tilespmem:$0x1FF50]  }
.Ltmp2:
0x1a0: {  	v21 =	vld [tilespmem:$0x1FF30];
	v5 =	vsel vm1, v5, v26;
	vm1 =	vge.f32 v16, $0.0e+00;
	(pc) =	sbr.rel @p1 .LBB2_8-.Ltmp2, $4  }
0x1a1: {  	v24 =	vld [tilespmem:$0x1FF40];
	v12 =	vmul.f32 v5, v15;
	v13 =	vsel vm1, v27, v30;
	v5 =	vadd.f32 v25, v2  }
0x1a2: {  	v35 =	vmov v8;
	v8 =	vpop (erf);
	v11 =	vadd.f32 v17, v4;
	v25 =	vld [tilespmem:$0x1FF70];
	v13 =	vmul.f32 v13, v16  }
0x1a3: {  	v15 =	vmul.f32 v6, v14;
	v27 =	vmovc v23;
	v23 =	vld [tilespmem:$0x1FF60];
	v12 =	vadd.f32 v12, v18;
	vm1 =	vge.f32 v5, $0.0e+00  }
0x1a4: {  	s0 =	sadd.s32 $0x200, s0;
	v42 =	vmovc v53;
	(xrf2) =	vadd.scan.msk.f32 $0xffff, v19;
	v13 =	vadd.f32 v13, v22;
	v22 =	vld [tilespmem:$0x1FF20];
	v14 =	vsel vm1, v20, v26;
	vm1 =	vge.f32 v11, $0.0e+00  }
0x1a5: {  	v16 =	vmul.f32 v6, v39  }
0x1a6: {  	[tilespmem:s16+$0xFFFFFF10] =	vst v15  }
0x1a7: {  	[tilespmem:s16+$0xFFFFFF20] =	vst v16  }
0x1a8: {  	v16 =	vld [tilespmem:$0x1FDB0];
	_ =	sdelay $0x3  }
0x1a9: {  	v15 =	vmul.f32 v6, v41  }
0x1aa: {  	v16 =	vmul.f32 v6, v16  }
0x1ab: {  	[tilespmem:s16+$0xFFFFFF30] =	vst v15;
	v6 =	vmul.f32 v6, v42  }
0x1ac: {  	v15 =	vld [tilespmem:$0x1FD40];
	[tilespmem:s16+$0xFFFFFF40] =	vst v16  }
0x1ad: {  	v16 =	vld [tilespmem:$0x1FD50];
	[tilespmem:s16+$0xFFFFFF50] =	vst v6  }
0x1ae: {  	v6 =	vld [tilespmem:$0x1FDC0];
	_ =	sdelay $0x2  }
0x1af: {  	v15 =	vmul.f32 v3, v15  }
0x1b0: {  	v16 =	vmul.f32 v3, v16  }
0x1b1: {  	[tilespmem:s16+$0xFFFFFF70] =	vst v15;
	v6 =	vmul.f32 v3, v6  }
0x1b2: {  	[tilespmem:s16+$0xFFFFFF80] =	vst v16  }
0x1b3: {  	v15 =	vmul.f32 v3, v44;
	v16 =	vld [tilespmem:$0x1FD60];
	[tilespmem:s16+$0xFFFFFF90] =	vst v6  }
0x1b4: {  	v6 =	vld [tilespmem:$0x1FD70]  }
0x1b5: {  	[tilespmem:s16+$0xFFFFFFA0] =	vst v15  }
0x1b6: {  	v15 =	vld [tilespmem:$0x1FDD0];
	_ =	sdelay $0x1  }
0x1b7: {  	v16 =	vmul.f32 v3, v16  }
0x1b8: {  	v6 =	vmul.f32 v3, v6  }
0x1b9: {  	[tilespmem:s16+$0xFFFFFFB0] =	vst v16  }
0x1ba: {  	v15 =	vmul.f32 v3, v15;
	[tilespmem:s16+$0xFFFFFFC0] =	vst v6  }
0x1bb: {  	v16 =	vmul.f32 v3, v43;
	v6 =	vadd.f32 v13, v12;
	v12 =	vld [tilespmem:$0x1FD80]  }
0x1bc: {  	[tilespmem:s16+$0xFFFFFFD0] =	vst v15  }
0x1bd: {  	v13 =	vld [tilespmem:$0x1FD90];
	[tilespmem:s16+$0xFFFFFFE0] =	vst v16  }
0x1be: {  	(xrf2) =	vadd.scan.msk.f32 $0xffff, v6;
	v6 =	vld [tilespmem:$0x1FDE0];
	_ =	sdelay $0x1  }
0x1bf: {  	v12 =	vmul.f32 v8, v12;
	_ =	sdelay $0x1  }
0x1c0: {  	v13 =	vmul.f32 v8, v13;
	[tilespmem:s16+$0x0] =	vst v12  }
0x1c1: {  	v6 =	vmul.f32 v8, v6;
	v53 =	vld [tilespmem:$0x1FF00]  }
0x1c2: {  	v17 =	vld [tilespmem:$0x1FF10];
	[tilespmem:s16+$0x10] =	vst v13  }
0x1c3: {  	[tilespmem:s16+$0x20] =	vst v6  }
0x1c4: {  	v6 =	vld [tilespmem:$0x1FDA0];
	_ =	sdelay $0x2  }
0x1c5: {  	v5 =	vmul.f32 v14, v5;
	v14 =	vmul.f32 v8, v31;
	v12 =	vsel vm1, v53, v17  }
0x1c6: {  	v13 =	vmul.f32 v8, v28;
	v11 =	vmul.f32 v12, v11  }
0x1c7: {  	[tilespmem:s16+$0x30] =	vst v14;
	v6 =	vmul.f32 v8, v6  }
0x1c8: {  	v5 =	vadd.f32 v5, v9;
	v9 =	vadd.f32 v11, v10;
	v10 =	vld [tilespmem:$0x1FDF0];
	[tilespmem:s16+$0x40] =	vst v13  }
0x1c9: {  	v12, _, _ =	vpop (xrf2);
	v11 =	vld [tilespmem:$0x1FE00];
	[tilespmem:s16+$0x50] =	vst v6;
	v6 =	vmul.f32 v7, v40  }
0x1ca: {  	v12 =	vmul.f32 $1.442695020e+00, v12;
	v5 =	vadd.f32 v9, v5;
	v9 =	vmul.f32 v7, v38  }
0x1cb: {  	[tilespmem:s15+$0x90] =	vst v6;
	v6 =	vmul.f32 v7, v29  }
0x1cc: {  	v12 =	vbroadcast v12, $0xF;
	(xrf2) =	vadd.scan.msk.f32 $0xffff, v5;
	v5 =	vmul.f32 v7, v34;
	[tilespmem:s15+$0xA0] =	vst v9  }
0x1cd: {  	v10 =	vmul.f32 v8, v10;
	[tilespmem:s15+$0xC0] =	vst v6  }
0x1ce: {  	(erf) = vpow2.f32 v12;
	v11 =	vmul.f32 v8, v11;
	[tilespmem:s15+$0xB0] =	vst v5  }
0x1cf: {  	[tilespmem:s16+$0x60] =	vst v10  }
0x1d0: {  	v9, _, _ =	vpop (xrf2);
	[tilespmem:s16+$0x70] =	vst v11  }
0x1d1: {  	v5 =	vmul.f32 $1.442695020e+00, v9;
	v6 =	vld [tilespmem:$0x1FE10]  }
0x1d2: {  	v10 =	vmul.f32 v7, v36  }
0x1d3: {  	v9 =	vmul.f32 v7, v37;
	v5 =	vbroadcast v5, $0xF  }
0x1d4: {  	[tilespmem:s15+$0xD0] =	vst v10  }
0x1d5: {  	v3 =	vnsel vm0, $0x0, v3;
	[tilespmem:s15+$0xE0] =	vst v9  }
0x1d6: {  	[tilespmem:s16+$0xFFFFFFF0] =	vst v3;
	v3 =	vnsel vm0, $0x0, v7;
	(erf) = vpow2.f32 v5;
	v6 =	vmul.f32 v7, v6  }
0x1d7: {  	[tilespmem:s15+$0x110] =	vst v3;
	v5 =	vpop (erf)  }
0x1d8: {  	v7, _, _ =	vpop (xrf2);
	v3 =	vnsel vm0, $0x0, v5;
	[tilespmem:s15+$0xF0] =	vst v6  }
0x1d9: {  	v7 =	vmul.f32 $1.442695020e+00, v7;
	v0 =	vmul.f32 v5, v0;
	v6 =	vnsel vm0, $0x0, v8;
	[tilespmem:s15+$0xFFFFFF60] =	vst v3  }
0x1da: {  	v3 =	vmul.f32 v5, v35;
	[tilespmem:s16+$0x80] =	vst v6  }
0x1db: {  	v6 =	vmul.f32 v5, v45;
	v7 =	vbroadcast v7, $0xF;
	[tilespmem:s15+$0xFFFFFF50] =	vst v0  }
0x1dc: {  	[tilespmem:s15+$0xFFFFFEF0] =	vst v3;
	v3 =	vmul.f32 v5, v27  }
0x1dd: {  	[tilespmem:s15+$0xFFFFFEE0] =	vst v6;
	v6 =	vmul.f32 v5, v47  }
0x1de: {  	[tilespmem:s15+$0xFFFFFF10] =	vst v3;
	v3 =	vmul.f32 v5, v46  }
0x1df: {  	(erf) = vpow2.f32 v7;
	[tilespmem:s15+$0xFFFFFF00] =	vst v6;
	v6 =	vmul.f32 v5, v48;
	v7 =	vpop (erf)  }
0x1e0: {  	[tilespmem:s15+$0xFFFFFF30] =	vst v3;
	v3 =	vmul.f32 v7, v49  }
0x1e1: {  	v0 =	vmul.f32 v7, v60;
	[tilespmem:s15+$0xFFFFFF20] =	vst v6  }
0x1e2: {  	v1 =	vmul.f32 v7, v1;
	[tilespmem:s15+$0xFFFFFF70] =	vst v3  }
0x1e3: {  	v6 =	vmul.f32 v5, v58;
	[tilespmem:s15+$0xFFFFFF90] =	vst v0  }
0x1e4: {  	v5 =	vmul.f32 v7, v51;
	v3 =	vmul.f32 v7, v50;
	[tilespmem:s15+$0xFFFFFFA0] =	vst v1  }
0x1e5: {  	[tilespmem:s15+$0xFFFFFF40] =	vst v6  }
0x1e6: {  	v0 =	vmul.f32 v7, v52;
	[tilespmem:s15+$0xFFFFFF80] =	vst v5  }
0x1e7: {  	v1 =	vmul.f32 v7, v61;
	[tilespmem:s15+$0xFFFFFFB0] =	vst v3  }
0x1e8: {  	v5 =	vmul.f32 v7, v62;
	[tilespmem:s15+$0xFFFFFFC0] =	vst v0;
	v3 =	vpop (erf)  }
0x1e9: {  	[tilespmem:s15+$0xFFFFFFD0] =	vst v1;
	v0 =	vmul.f32 v3, v54  }
0x1ea: {  	[tilespmem:s15+$0xFFFFFFE0] =	vst v5;
	v1 =	vmul.f32 v3, v55  }
0x1eb: {  	v5 =	vmul.f32 v3, v63;
	[tilespmem:s15+$0x0] =	vst v0  }
0x1ec: {  	v0 =	vmul.f32 v3, v2;
	[tilespmem:s15+$0x10] =	vst v1  }
0x1ed: {  	v1 =	vmul.f32 v3, v56;
	[tilespmem:s15+$0x20] =	vst v5  }
0x1ee: {  	v2 =	vmul.f32 v3, v57;
	[tilespmem:s15+$0x30] =	vst v0  }
0x1ef: {  	v0 =	vmul.f32 v3, v59;
	[tilespmem:s15+$0x40] =	vst v1  }
0x1f0: {  	v1 =	vmul.f32 v3, v4;
	[tilespmem:s15+$0x50] =	vst v2  }
0x1f1: {  	[tilespmem:s15+$0x60] =	vst v0  }
0x1f2: {  	v0 =	vnsel vm0, $0x0, v7;
	[tilespmem:s15+$0x70] =	vst v1  }
0x1f3: {  	v1 =	vnsel vm0, $0x0, v3;
	[tilespmem:s15+$0xFFFFFFF0] =	vst v0  }
0x1f4: {  	s0 =	simm.s32 $0x16070;
	[tilespmem:s15+$0x80] =	vst v1  }
0x1f5: {  	[spmem:s3] =	stream.indirect.scatter.add.f32 [tilespmem:s20], [sflag:$0x3], $0x90, s0, s26, $0xb8;
	[tilespmem:$0x1EC00] =	vst v63  }
0x1f6: {  	_ =	swait.ge [sflag:s25], $0x78  }
0x1f7: {  	[sflag:s25] =	ssyncset.done $0x0  }
0x1f8: {  	s13 =	sadd.s32 s8, s18;
	[sflag:s25] =	ssyncadd.s32 $0xFFFFFF88  }
0x1f9: {  	[tilespmem:s28], [sflag:$0x1] =	stream.indirect.gather [hbm4b:s6+s26], $0x80, s1, s26, $0xb8;
	[tilespmem:$0x1EC00] =	vst v63  }
0x1fa: {  	s0 =	smul.u32 $0x78, s13;
	s13 =	simm.s32 $0x16138  }
0x1fb: {  	[tilespmem:s30], [sflag:$0x1] =	stream.indirect.gather [hbm4b:s9+s26], $0x80, s13, s26, $0xb8;
	[tilespmem:$0x1EC00] =	vst v63  }
0x1fc: {  	s0 =	sadd.s32 s5, s0;
	s13 =	simm.s32 @!p0 $0x4  }
0x1fd: {  	s0 =	sadd.s32 $0x168, s0;
	_ =	swait.ge @!p0 [sflag:s13], $0x1680  }
0x1fe: {  	s0 =	sshrl.u32 s0, $0x3;
	[sflag:s13] =	ssyncset.done @!p0 $0x0  }
0x1ff: {  	s0 =	sadd.s32 s11, s0;
	[sflag:s13] =	ssyncadd.s32 @!p0 $0xFFFFE980  }
0x200: {  	[tilespmem:s14], [sflag:$0x6] =	stream.linear.gather [hbm4b:s0+s4], $0x78, $0x38;
	[tilespmem:$0x1EC00] =	vst v63  }
0x201: {  	_ =	swait.ge [sflag:s12], $0x1400  }
0x202: {  	[sflag:s12] =	ssyncset.done $0x0  }
0x203: {  	[sflag:s12] =	ssyncadd.s32 $0xFFFFEC00  }
0x204: {  	_ =	swait.ge [sflag:s12], $0x1400  }
0x205: {  	[sflag:s12] =	ssyncset.done $0x0  }
0x206: {  	s15 =	simm.s32 $0x17700;
	[sflag:s12] =	ssyncadd.s32 $0xFFFFEC00  }
0x207: {  	v13 =	vld [tilespmem:s15+$0xB0];
	_ =	sdelay $0x4  }
0x208: {  	[tilespmem:$0x1FC80] =	vst v13  }
0x209: {  	v18 =	vld [tilespmem:s15+$0xF0];
	_ =	sdelay $0x4  }
0x20a: {  	[tilespmem:$0x1FC50] =	vst v18  }
0x20b: {  	v16 =	vld [tilespmem:s15+$0xA0];
	_ =	sdelay $0x2  }
0x20c: {  	s16 =	simm.s32 $0x19F00  }
0x20d: {  	v0 =	vld [tilespmem:s16+$0xB0]  }
0x20e: {  	v1 =	vld [tilespmem:s16+$0xF0];
	[tilespmem:$0x1FC70] =	vst v16  }
0x20f: {  	v12 =	vld [tilespmem:s15+$0xE0];
	_ =	sdelay $0x4  }
0x210: {  	[tilespmem:$0x1FCB0] =	vst v12  }
0x211: {  	v19 =	vld [tilespmem:s15+$0x90];
	_ =	sdelay $0x2  }
0x212: {  	v2 =	vld [tilespmem:s16+$0xA0]  }
0x213: {  	v3 =	vld [tilespmem:s16+$0xE0]  }
0x214: {  	v62 =	vld [tilespmem:s15+$0x80];
	[tilespmem:$0x1FC60] =	vst v19  }
0x215: {  	v15 =	vld [tilespmem:s15+$0xC0];
	_ =	sdelay $0x4  }
0x216: {  	[tilespmem:$0x1FC90] =	vst v15  }
0x217: {  	v14 =	vld [tilespmem:s15+$0xD0]  }
0x218: {  	v30 =	vld [tilespmem:$0x1FFC0]  }
0x219: {  	v33 =	vld [tilespmem:$0x1FFE0]  }
0x21a: {  	v32 =	vld [tilespmem:$0x1FFD0]  }
0x21b: {  	v26 =	vld [tilespmem:$0x1FFA0]  }
0x21c: {  	v28 =	vld [tilespmem:$0x1FFB0];
	[tilespmem:$0x1FCA0] =	vst v14  }
0x21d: {  	v52 =	vld [tilespmem:s15+$0xFFFFFF10]  }
0x21e: {  	v39 =	vld [tilespmem:$0x1FFF0]  }
0x21f: {  	v4 =	vld [tilespmem:s16+$0x80]  }
0x220: {  	v5 =	vld [tilespmem:s16+$0x90]  }
0x221: {  	v6 =	vld [tilespmem:s16+$0xC0]  }
0x222: {  	v7 =	vld [tilespmem:s16+$0xD0];
	[tilespmem:$0x1FCD0] =	vst v52  }
0x223: {  	v41 =	vld [tilespmem:s15+$0xFFFFFF40]  }
0x224: {  	v54 =	vld [tilespmem:s15+$0xFFFFFF50]  }
0x225: {  	v8 =	vld [tilespmem:s16+$0xFFFFFF00]  }
0x226: {  	v9 =	vld [tilespmem:s16+$0xFFFFFF10]  }
0x227: {  	v10 =	vld [tilespmem:s16+$0xFFFFFF40]  }
0x228: {  	v11 =	vld [tilespmem:s16+$0xFFFFFF50]  }
0x229: {  	v55 =	vld [tilespmem:s15+$0xFFFFFF80]  }
0x22a: {  	v56 =	vld [tilespmem:s15+$0xFFFFFF90]  }
0x22b: {  	v29 =	vld [tilespmem:s15+$0xFFFFFFC0]  }
0x22c: {  	v0 =	vadd.f32 v0, v13;
	v57 =	vld [tilespmem:s15+$0xFFFFFFD0]  }
0x22d: {  	v3 =	vadd.f32 v3, v12;
	v5 =	vadd.f32 v5, v19;
	v12 =	vld [tilespmem:s16+$0xFFFFFF80]  }
0x22e: {  	v1 =	vadd.f32 v1, v18;
	v6 =	vadd.f32 v6, v15;
	v13 =	vld [tilespmem:s16+$0xFFFFFF90]  }
0x22f: {  	v4 =	vadd.f32 v4, v62;
	v7 =	vadd.f32 v7, v14;
	v14 =	vld [tilespmem:s16+$0xFFFFFFC0];
	vm6 =	vge.f32 v5, $0.0e+00  }
0x230: {  	v2 =	vadd.f32 v2, v16;
	v15 =	vld [tilespmem:s16+$0xFFFFFFD0];
	vm7 =	vge.f32 v6, $0.0e+00;
	v18 =	vsel vm6, v21, v33  }
0x231: {  	vm3 =	vge.f32 v4, $0.0e+00;
	v19 =	vsel vm7, v23, v32;
	v5 =	vmul.f32 v18, v5;
	v18 =	vld [tilespmem:$0x1FF80]  }
0x232: {  	v16 =	vsel vm3, v22, v30;
	v6 =	vmul.f32 v19, v6;
	v19 =	vld [tilespmem:$0x1FF90]  }
0x233: {  	vm4 =	vge.f32 v2, $0.0e+00;
	v58 =	vld [tilespmem:s15+$0x0];
	v4 =	vmul.f32 v16, v4  }
0x234: {  	v27 =	vsel vm4, v24, v26;
	v59 =	vld [tilespmem:s15+$0x10]  }
0x235: {  	v2 =	vmul.f32 v27, v2;
	v31 =	vld [tilespmem:s15+$0x40];
	vm8 =	vge.f32 v7, $0.0e+00;
	v4 =	vadd.f32 v5, v4  }
0x236: {  	vm1 =	vge.f32 v0, $0.0e+00;
	v60 =	vld [tilespmem:s15+$0x50];
	v16 =	vsel vm8, v25, v18  }
0x237: {  	v2 =	vadd.f32 v2, v4;
	v4 =	vld [tilespmem:s16+$0x40];
	v7 =	vmul.f32 v16, v7;
	v16 =	vsel vm1, v20, v19  }
0x238: {  	v0 =	vmul.f32 v16, v0;
	v16 =	vld [tilespmem:s16+$0x10]  }
0x239: {  	v5 =	vadd.f32 v7, v6;
	v6 =	vld [tilespmem:s16+$0x0];
	[tilespmem:$0x1FB40] =	vst v54  }
0x23a: {  	vm5 =	vge.f32 v3, $0.0e+00;
	v61 =	vld [tilespmem:s15+$0xFFFFFF00]  }
0x23b: {  	v27 =	vsel vm5, v39, v28  }
0x23c: {  	v3 =	vmul.f32 v27, v3;
	_ =	sdelay $0x1  }
0x23d: {  	v3 =	vadd.f32 v3, v5;
	v5 =	vadd.f32 v10, v41;
	v10 =	vld [tilespmem:s16+$0x50];
	[tilespmem:$0x1FB50] =	vst v55  }
0x23e: {  	[tilespmem:$0x1FCC0] =	vst v61  }
0x23f: {  	v63 =	vld [tilespmem:s15+$0xFFFFFF20]  }
0x240: {  	vm2 =	vge.f32 v1, $0.0e+00  }
0x241: {  	v7 =	vadd.f32 v9, v52;
	v9 =	vsel vm2, v53, v17  }
0x242: {  	v15 =	vadd.f32 v15, v57;
	v1 =	vmul.f32 v9, v1;
	v9 =	vadd.f32 v11, v54  }
0x243: {  	v0 =	vadd.f32 v0, v2;
	v2 =	vadd.f32 v12, v55;
	[tilespmem:$0x1FB60] =	vst v56  }
0x244: {  	v11 =	vadd.f32 v13, v56;
	v1 =	vadd.f32 v1, v3;
	[tilespmem:$0x1FCE0] =	vst v63  }
0x245: {  	v12 =	vadd.f32 v14, v29;
	vm3 =	vge.f32 v9, $0.0e+00;
	vm2 =	vge.f32 v5, $0.0e+00;
	v48 =	vld [tilespmem:s15+$0xFFFFFF60];
	[tilespmem:$0x1FB70] =	vst v29  }
0x246: {  	v3 =	vsel vm2, v23, v32;
	vm2 =	vge.f32 v2, $0.0e+00;
	v0 =	vadd.f32 v1, v0;
	v13 =	vld [tilespmem:s16+$0xFFFFFF20];
	[tilespmem:$0x1FB80] =	vst v57  }
0x247: {  	v1 =	vsel vm3, v25, v18;
	v14 =	vsel vm2, v22, v30;
	vm2 =	vge.f32 v11, $0.0e+00;
	v29 =	vld [tilespmem:s16+$0xFFFFFF60]  }
0x248: {  	v3 =	vmul.f32 v3, v5;
	v27 =	vsel vm2, v21, v33;
	vm2 =	vge.f32 v12, $0.0e+00;
	v49 =	vld [tilespmem:s15+$0xFFFFFFA0]  }
0x249: {  	v1 =	vmul.f32 v1, v9;
	v5 =	vsel vm2, v23, v32;
	vm2 =	vge.f32 v15, $0.0e+00;
	v50 =	vld [tilespmem:s15+$0xFFFFFFE0]  }
0x24a: {  	v2 =	vmul.f32 v14, v2;
	v9 =	vsel vm2, v25, v18;
	v14 =	vld [tilespmem:s16+$0xFFFFFFA0]  }
0x24b: {  	v1 =	vadd.f32 v1, v3;
	v3 =	vmul.f32 v9, v15;
	v9 =	vld [tilespmem:s16+$0xFFFFFFE0];
	[tilespmem:$0x1FB90] =	vst v58  }
0x24c: {  	v51 =	vld [tilespmem:s15+$0x20];
	[tilespmem:$0x1FBA0] =	vst v59  }
0x24d: {  	v11 =	vmul.f32 v27, v11;
	v27 =	vld [tilespmem:s15+$0x60];
	[tilespmem:$0x1FBB0] =	vst v31  }
0x24e: {  	v52 =	vld [tilespmem:s15+$0xFFFFFF30];
	_ =	sdelay $0x2  }
0x24f: {  	v4 =	vadd.f32 v4, v31;
	v5 =	vmul.f32 v5, v12  }
0x250: {  	vm1 =	vge.f32 v7, $0.0e+00;
	v6 =	vadd.f32 v6, v58;
	v10 =	vadd.f32 v10, v60;
	[tilespmem:$0x1FBC0] =	vst v60  }
0x251: {  	v12 =	vsel vm1, v21, v33;
	v3 =	vadd.f32 v3, v5;
	v5 =	vadd.f32 v8, v61;
	[tilespmem:$0x1FCF0] =	vst v52  }
0x252: {  	vm1 =	vge.f32 v6, $0.0e+00;
	v2 =	vadd.f32 v11, v2;
	v11 =	vadd.f32 v16, v59;
	v54 =	vld [tilespmem:s15+$0xFFFFFF70]  }
0x253: {  	v7 =	vmul.f32 v12, v7;
	vm2 =	vge.f32 v5, $0.0e+00;
	v13 =	vadd.f32 v13, v63;
	v15 =	vld [tilespmem:s16+$0xFFFFFF30];
	[tilespmem:$0x1FBD0] =	vst v48  }
0x254: {  	v8 =	vsel vm1, v22, v30;
	vm1 =	vge.f32 v11, $0.0e+00;
	v16 =	vsel vm2, v22, v30;
	v31 =	vld [tilespmem:s16+$0xFFFFFF70]  }
0x255: {  	v5 =	vmul.f32 v16, v5;
	v29 =	vadd.f32 v29, v48;
	vm2 =	vge.f32 v13, $0.0e+00;
	v44 =	vld [tilespmem:s15+$0xFFFFFFB0];
	[tilespmem:$0x1FBE0] =	vst v49  }
0x256: {  	v6 =	vmul.f32 v8, v6;
	v14 =	vadd.f32 v14, v49;
	v8 =	vsel vm2, v24, v26;
	v42 =	vld [tilespmem:s15+$0xFFFFFFF0]  }
0x257: {  	v5 =	vadd.f32 v7, v5;
	vm2 =	vge.f32 v29, $0.0e+00;
	v8 =	vmul.f32 v8, v13;
	v13 =	vld [tilespmem:s16+$0xFFFFFFB0];
	[tilespmem:$0x1FBF0] =	vst v50  }
0x258: {  	v9 =	vadd.f32 v9, v50;
	v7 =	vsel vm2, v39, v28;
	vm2 =	vge.f32 v14, $0.0e+00;
	v16 =	vld [tilespmem:s16+$0xFFFFFFF0]  }
0x259: {  	v7 =	vmul.f32 v7, v29;
	v5 =	vadd.f32 v8, v5;
	v8 =	vsel vm2, v24, v26;
	v55 =	vld [tilespmem:s16+$0x20]  }
0x25a: {  	v12 =	vsel vm1, v21, v33;
	vm1 =	vge.f32 v4, $0.0e+00;
	v8 =	vmul.f32 v8, v14;
	v56 =	vld [tilespmem:s16+$0x60];
	[tilespmem:$0x1FC00] =	vst v54  }
0x25b: {  	vm2 =	vge.f32 v9, $0.0e+00;
	v1 =	vadd.f32 v7, v1;
	v15 =	vadd.f32 v15, v52;
	v57 =	vld [tilespmem:s15+$0x70]  }
0x25c: {  	v14 =	vsel vm2, v39, v28;
	v2 =	vadd.f32 v8, v2;
	v29 =	vadd.f32 v31, v54;
	v8 =	vld [tilespmem:s16+$0x70]  }
0x25d: {  	v9 =	vmul.f32 v14, v9;
	vm3 =	vge.f32 v15, $0.0e+00;
	v13 =	vadd.f32 v13, v44  }
0x25e: {  	v31 =	vsel vm3, v20, v19;
	vm2 =	vge.f32 v29, $0.0e+00;
	v16 =	vadd.f32 v16, v42  }
0x25f: {  	s17 =	simm.s32 $0x17900;
	(xrf2) =	vadd.scan.msk.f32 $0xffff, v0;
	v0 =	vadd.f32 v9, v3;
	v43 =	vld [tilespmem:s15+$0x30];
	v7 =	vmul.f32 v31, v15;
	v31 =	vsel vm2, v53, v17  }
0x260: {  	v58 =	vld [tilespmem:s17+$0xF0];
	vm2 =	vge.f32 v13, $0.0e+00;
	v14 =	vmul.f32 v31, v29;
	vm3 =	vge.f32 v16, $0.0e+00  }
0x261: {  	v15 =	vld [tilespmem:s16+$0x30];
	v7 =	vadd.f32 v7, v5;
	v31 =	vsel vm3, v53, v17;
	v8 =	vadd.f32 v8, v57  }
0x262: {  	s13 =	simm.s32 $0x1A100;
	v5 =	vld [tilespmem:s17+$0xB0];
	v1 =	vadd.f32 v14, v1;
	v14 =	vsel vm2, v20, v19;
	v9 =	vmul.f32 v31, v16  }
0x263: {  	v16 =	vadd.f32 v55, v51;
	v3 =	vmul.f32 v14, v13;
	v13 =	vld [tilespmem:s13+$0xB0];
	v14 =	vsel vm1, v23, v32;
	[tilespmem:$0x1FC10] =	vst v51  }
0x264: {  	vm1 =	vge.f32 v10, $0.0e+00;
	v1 =	vadd.f32 v1, v7;
	v7 =	vld [tilespmem:s13+$0xF0];
	v0 =	vadd.f32 v9, v0  }
0x265: {  	v34 =	vld [tilespmem:s17+$0xA0];
	v9 =	vmul.f32 v12, v11;
	v4 =	vmul.f32 v14, v4;
	v2 =	vadd.f32 v3, v2  }
0x266: {  	v31 =	vld [tilespmem:s17+$0xE0];
	v11 =	vadd.f32 v15, v43;
	v3 =	vsel vm1, v25, v18;
	(xrf2) =	vadd.scan.msk.f32 $0xffff, v1;
	v1 =	vadd.f32 v56, v27  }
0x267: {  	vm1 =	vge.f32 v16, $0.0e+00;
	v3 =	vmul.f32 v3, v10;
	v10 =	vld [tilespmem:s13+$0xE0];
	v0 =	vadd.f32 v0, v2  }
0x268: {  	v6 =	vadd.f32 v9, v6;
	v9 =	vsel vm1, v24, v26;
	v2 =	vld [tilespmem:s13+$0xA0];
	[tilespmem:$0x1FC20] =	vst v57;
	vm1 =	vge.f32 v1, $0.0e+00  }
0x269: {  	v40 =	vld [tilespmem:s17+$0x80];
	(xrf2) =	vadd.scan.msk.f32 $0xffff, v0;
	v0 =	vadd.f32 v3, v4;
	v3 =	vmul.f32 v9, v16;
	v4 =	vsel vm1, v39, v28  }
0x26a: {  	vm2 =	vge.f32 v8, $0.0e+00;
	v38 =	vld [tilespmem:s17+$0x90];
	vm1 =	vge.f32 v11, $0.0e+00;
	v1 =	vmul.f32 v4, v1  }
0x26b: {  	v36 =	vld [tilespmem:s17+$0xC0];
	v4 =	vsel vm1, v20, v19;
	v3 =	vadd.f32 v3, v6;
	v6 =	vsel vm2, v53, v17  }
0x26c: {  	v37 =	vld [tilespmem:s17+$0xD0];
	v9, _, _ =	vpop (xrf2);
	v10 =	vadd.f32 v10, v31;
	v0 =	vadd.f32 v1, v0;
	v1 =	vmul.f32 v4, v11  }
0x26d: {  	v4 =	vmul.f32 v6, v8;
	v6 =	vld [tilespmem:s13+$0x80];
	v8 =	vmul.f32 $1.442695020e+00, v9  }
0x26e: {  	v9 =	vld [tilespmem:s13+$0x90];
	v2 =	vadd.f32 v2, v34;
	vm12 =	vge.f32 v10, $0.0e+00  }
0x26f: {  	v11 =	vld [tilespmem:s13+$0xD0];
	v1 =	vadd.f32 v1, v3;
	v0 =	vadd.f32 v4, v0;
	v4 =	vbroadcast v8, $0xF  }
0x270: {  	v3 =	vld [tilespmem:s13+$0xC0];
	[tilespmem:$0x1FC30] =	vst v5;
	vm4 =	vge.f32 v2, $0.0e+00;
	v63 =	vsel vm12, v39, v28  }
0x271: {  	v48 =	vld [tilespmem:s17+$0xFFFFFF40];
	v61 =	vsel vm4, v24, v26;
	v8, _, _ =	vpop (xrf2);
	v0 =	vadd.f32 v0, v1;
	(erf) = vpow2.f32 v4  }
0x272: {  	v46 =	vld [tilespmem:s17+$0xFFFFFF50];
	v4 =	vadd.f32 v7, v58;
	v1 =	vmul.f32 $1.442695020e+00, v8;
	v8 =	vadd.f32 v13, v5  }
0x273: {  	v12 =	vld [tilespmem:s13+$0xFFFFFF00];
	v2 =	vmul.f32 v61, v2;
	v6 =	vadd.f32 v6, v40;
	v9 =	vadd.f32 v9, v38  }
0x274: {  	v14 =	vld [tilespmem:s13+$0xFFFFFF40];
	v11 =	vadd.f32 v11, v37;
	vm2 =	vge.f32 v4, $0.0e+00;
	v1 =	vbroadcast v1, $0xF  }
0x275: {  	v15 =	vld [tilespmem:s13+$0xFFFFFF50];
	v7, _, _ =	vpop (xrf2);
	v3 =	vadd.f32 v3, v36;
	vm3 =	vge.f32 v6, $0.0e+00;
	vm13 =	vge.f32 v9, $0.0e+00  }
0x276: {  	v5 =	vld [tilespmem:s17+$0xFFFFFF10];
	vm15 =	vge.f32 v11, $0.0e+00;
	v7 =	vmul.f32 $1.442695020e+00, v7;
	v16 =	vsel vm3, v22, v30  }
0x277: {  	v13 =	vld [tilespmem:s13+$0xFFFFFF10];
	v59 =	vsel vm13, v21, v33;
	vm14 =	vge.f32 v3, $0.0e+00;
	v6 =	vmul.f32 v16, v6  }
0x278: {  	v49 =	vld [tilespmem:s17+$0xFFFFFF80];
	v9 =	vmul.f32 v59, v9;
	v16 =	vsel vm15, v25, v18;
	v60 =	vsel vm14, v23, v32  }
0x279: {  	v51 =	vld [tilespmem:s17+$0xFFFFFF90];
	vm1 =	vge.f32 v8, $0.0e+00;
	v11 =	vmul.f32 v16, v11;
	v3 =	vmul.f32 v60, v3  }
0x27a: {  	v50 =	vld [tilespmem:s17+$0xFFFFFFC0];
	(erf) = vpow2.f32 v1;
	v16 =	vsel vm1, v20, v19;
	v1 =	vbroadcast v7, $0xF  }
0x27b: {  	v52 =	vld [tilespmem:s17+$0xFFFFFFD0];
	v6 =	vadd.f32 v9, v6;
	v9 =	vmul.f32 v63, v10;
	v3 =	vadd.f32 v11, v3  }
0x27c: {  	v10 =	vld [tilespmem:s13+$0xFFFFFF80];
	v8 =	vmul.f32 v16, v8;
	v11 =	vadd.f32 v13, v5;
	v13 =	vsel vm2, v53, v17  }
0x27d: {  	v54 =	vld [tilespmem:s17+$0x0];
	v2 =	vadd.f32 v2, v6;
	v4 =	vmul.f32 v13, v4;
	v3 =	vadd.f32 v9, v3  }
0x27e: {  	v16 =	vld [tilespmem:s13+$0xFFFFFF90];
	(erf) = vpow2.f32 v1;
	v1 =	vadd.f32 v15, v46  }
0x27f: {  	v6 =	vld [tilespmem:s13+$0xFFFFFFC0];
	v2 =	vadd.f32 v8, v2;
	v3 =	vadd.f32 v4, v3  }
0x280: {  	v7 =	vadd.f32 v14, v48;
	vm2 =	vge.f32 v1, $0.0e+00;
	vm1 =	vge.f32 v11, $0.0e+00;
	v9 =	vld [tilespmem:s13+$0xFFFFFFD0]  }
0x281: {  	v55 =	vld [tilespmem:s17+$0x10];
	v13 =	vsel vm2, v25, v18;
	v8 =	vadd.f32 v10, v49;
	v2 =	vadd.f32 v3, v2  }
0x282: {  	(xrf2) =	vadd.scan.msk.f32 $0xffff, v0;
	v10 =	vld [tilespmem:s13+$0x0];
	v1 =	vmul.f32 v13, v1;
	v4 =	vsel vm1, v21, v33;
	vm1 =	vge.f32 v7, $0.0e+00  }
0x283: {  	v45 =	vmovc v5;
	v5 =	vld [tilespmem:s17+$0xFFFFFF00];
	v0 =	vsel vm1, v23, v32;
	vm1 =	vge.f32 v8, $0.0e+00;
	v3 =	vadd.f32 v16, v51;
	(xrf2) =	vadd.scan.msk.f32 $0xffff, v2  }
0x284: {  	v6 =	vadd.f32 v6, v50;
	v4 =	vmul.f32 v4, v11;
	v14 =	vsel vm1, v22, v30;
	v2 =	vld [tilespmem:s13+$0x10]  }
0x285: {  	v57 =	vld [tilespmem:s17+$0x50];
	v0 =	vmul.f32 v0, v7;
	v9 =	vadd.f32 v9, v52;
	vm1 =	vge.f32 v3, $0.0e+00  }
0x286: {  	v8 =	vmul.f32 v14, v8;
	v14 =	vld [tilespmem:s13+$0x50];
	v7 =	vsel vm1, v21, v33;
	vm1 =	vge.f32 v6, $0.0e+00  }
0x287: {  	v56 =	vld [tilespmem:s17+$0x40];
	v10 =	vadd.f32 v10, v54;
	v11 =	vsel vm1, v23, v32;
	vm1 =	vge.f32 v9, $0.0e+00  }
0x288: {  	v47 =	vld [tilespmem:s17+$0xFFFFFF20];
	v1 =	vadd.f32 v1, v0;
	v3 =	vmul.f32 v7, v3;
	v13 =	vsel vm1, v25, v18  }
0x289: {  	v7 =	vld [tilespmem:s13+$0x40];
	[tilespmem:$0x1FC40] =	vst v5;
	v6 =	vmul.f32 v11, v6;
	vm1 =	vge.f32 v10, $0.0e+00;
	v2 =	vadd.f32 v2, v55  }
0x28a: {  	v11 =	vld [tilespmem:s13+$0xFFFFFF20];
	v0 =	vmul.f32 v13, v9;
	v9 =	vadd.f32 v12, v5;
	v3 =	vadd.f32 v3, v8  }
0x28b: {  	v35 =	vmovc v27;
	v27 =	vmovc v58;
	v58 =	vld [tilespmem:s17+$0xFFFFFF60];
	v8 =	vsel vm1, v22, v30;
	v13 =	vadd.f32 v14, v57;
	vm2 =	vge.f32 v2, $0.0e+00  }
0x28c: {  	v60 =	vld [tilespmem:s17+$0xFFFFFFA0];
	v8 =	vmul.f32 v8, v10;
	v10, _, _ =	vpop (xrf2);
	vm1 =	vge.f32 v9, $0.0e+00;
	v12 =	vsel vm2, v21, v33  }
0x28d: {  	v6 =	vadd.f32 v0, v6;
	v15 =	vsel vm1, v22, v30;
	v2 =	vmul.f32 v12, v2;
	v12 =	vld [tilespmem:s13+$0xFFFFFF60];
	v14, _, _ =	vpop (xrf2)  }
0x28e: {  	v7 =	vadd.f32 v7, v56;
	v0 =	vmul.f32 v15, v9;
	v9 =	vmul.f32 $1.442695020e+00, v14;
	v14 =	vld [tilespmem:s13+$0xFFFFFFA0]  }
0x28f: {  	v61 =	vld [tilespmem:s17+$0xFFFFFFE0];
	v10 =	vmul.f32 $1.442695020e+00, v10;
	vm2 =	vge.f32 v13, $0.0e+00  }
0x290: {  	v11 =	vadd.f32 v11, v47;
	v33 =	vld [tilespmem:s13+$0xFFFFFFE0];
	vm1 =	vge.f32 v7, $0.0e+00;
	v16 =	vsel vm2, v25, v18  }
0x291: {  	v15 =	vsel vm1, v23, v32;
	v13 =	vmul.f32 v16, v13;
	v0 =	vadd.f32 v4, v0  }
0x292: {  	v63 =	vld [tilespmem:s17+$0x20];
	vm1 =	vge.f32 v11, $0.0e+00;
	v9 =	vbroadcast v9, $0xF;
	v12 =	vadd.f32 v12, v58  }
0x293: {  	v7 =	vmul.f32 v15, v7;
	v2 =	vadd.f32 v2, v8;
	v4 =	vadd.f32 v14, v60;
	v14 =	vld [tilespmem:s13+$0x20]  }
0x294: {  	(erf) = vpow2.f32 v9;
	v9 =	vsel vm1, v24, v26;
	vm2 =	vge.f32 v12, $0.0e+00  }
0x295: {  	v9 =	vmul.f32 v9, v11;
	v11 =	vadd.f32 v33, v61;
	v8 =	vsel vm2, v39, v28  }
0x296: {  	v16 =	vadd.f32 v13, v7;
	v8 =	vmul.f32 v8, v12;
	vm1 =	vge.f32 v4, $0.0e+00  }
0x297: {  	v32 =	vadd.f32 v9, v0;
	v13 =	vsel vm1, v24, v26;
	vm1 =	vge.f32 v11, $0.0e+00  }
0x298: {  	v9 =	vbroadcast v10, $0xF;
	v10 =	vadd.f32 v14, v63;
	v14 =	vsel vm1, v39, v28  }
0x299: {  	v15 =	vadd.f32 v8, v1;
	v1 =	vmul.f32 v14, v11  }
0x29a: {  	v59 =	vld [tilespmem:s17+$0x60]  }
0x29b: {  	v30 =	vadd.f32 v1, v6;
	v1 =	vld [tilespmem:$0x1FC50]  }
0x29c: {  	v12 =	vld [tilespmem:s13+$0x60];
	_ =	sdelay $0x1  }
0x29d: {  	v29 =	vmov v53;
	v53 =	vld [tilespmem:s17+$0xFFFFFF30]  }
0x29e: {  	v4 =	vmul.f32 v13, v4;
	v13 =	vld [tilespmem:s13+$0xFFFFFF30];
	v11 =	vpop (erf)  }
0x29f: {  	(erf) = vpow2.f32 v9;
	vm1 =	vge.f32 v10, $0.0e+00;
	v6 =	vmul.f32 v11, v1  }
0x2a0: {  	s16 =	simm.s32 $0x1C9A0;
	v18 =	vadd.f32 v4, v3;
	v4 =	vadd.f32 v12, v59;
	v1 =	vsel vm1, v24, v26  }
0x2a1: {  	v9 =	vmul.f32 v1, v10;
	v10 =	vmul.f32 v11, v62;
	[tilespmem:s16+$0x100] =	vst v6  }
0x2a2: {  	vm1 =	vge.f32 v4, $0.0e+00;
	v5 =	vld [tilespmem:$0x1FC60]  }
0x2a3: {  	v12 =	vadd.f32 v13, v53;
	v13 =	vsel vm1, v39, v28;
	[tilespmem:s16+$0x90] =	vst v10  }
0x2a4: {  	v7 =	vmul.f32 v13, v4;
	v4 =	vld [tilespmem:$0x1FC70];
	_ =	sdelay $0x1  }
0x2a5: {  	v0 =	vld [tilespmem:s17+$0xFFFFFF70]  }
0x2a6: {  	v3 =	vld [tilespmem:s13+$0xFFFFFF70];
	v6 =	vmul.f32 v11, v5;
	_ =	sdelay $0x1  }
0x2a7: {  	v10 =	vmul.f32 v11, v4;
	[tilespmem:s16+$0xA0] =	vst v6  }
0x2a8: {  	v9 =	vadd.f32 v9, v2;
	v2 =	vld [tilespmem:$0x1FC80]  }
0x2a9: {  	[tilespmem:s16+$0xB0] =	vst v10  }
0x2aa: {  	v4 =	vadd.f32 v3, v0;
	v3 =	vld [tilespmem:$0x1FC90];
	_ =	sdelay $0x2  }
0x2ab: {  	v2 =	vmul.f32 v11, v2;
	_ =	sdelay $0x1  }
0x2ac: {  	v6 =	vmul.f32 v11, v3;
	[tilespmem:s16+$0xC0] =	vst v2  }
0x2ad: {  	vm1 =	vge.f32 v12, $0.0e+00;
	vm2 =	vge.f32 v4, $0.0e+00;
	v2 =	vld [tilespmem:$0x1FCA0]  }
0x2ae: {  	v10 =	vsel vm1, v20, v19;
	v3 =	vsel vm2, v29, v17;
	[tilespmem:s16+$0xD0] =	vst v6  }
0x2af: {  	v12 =	vmul.f32 v10, v12;
	v10 =	vadd.f32 v7, v16;
	v7 =	vmul.f32 v3, v4;
	v3 =	vld [tilespmem:$0x1FCB0];
	_ =	sdelay $0x1  }
0x2b0: {  	v6 =	vpop (erf)  }
0x2b1: {  	v14 =	vnsel vm0, $0x0, v6;
	v5 =	vmul.f32 v11, v2  }
0x2b2: {  	v1 =	vld [tilespmem:s17+$0xFFFFFFB0];
	[tilespmem:s16+$0xFFFFFF60] =	vst v14  }
0x2b3: {  	v13 =	vld [tilespmem:s13+$0xFFFFFFB0];
	v16 =	vmul.f32 v11, v3;
	v11 =	vnsel vm0, $0x0, v11;
	[tilespmem:s16+$0xE0] =	vst v5  }
0x2b4: {  	[tilespmem:s16+$0x110] =	vst v11  }
0x2b5: {  	[tilespmem:s16+$0xF0] =	vst v16  }
0x2b6: {  	v5 =	vld [tilespmem:$0x1FCC0]  }
0x2b7: {  	v26 =	vadd.f32 v12, v32;
	v3 =	vpop (erf)  }
0x2b8: {  	v8 =	vld [tilespmem:s13+$0xFFFFFFF0];
	v12 =	vadd.f32 v13, v1;
	v15 =	vadd.f32 v7, v15;
	v7 =	vpop (erf)  }
0x2b9: {  	v62 =	vld [tilespmem:s17+$0xFFFFFFF0];
	v11 =	vmul.f32 v7, v27  }
0x2ba: {  	s15 =	simm.s32 $0x1CBE0;
	vm1 =	vge.f32 v12, $0.0e+00  }
0x2bb: {  	[tilespmem:s15+$0x100] =	vst v11;
	v14 =	vmul.f32 v6, v5;
	v5 =	vsel vm1, v20, v19  }
0x2bc: {  	v12 =	vmul.f32 v5, v12;
	v5 =	vld [tilespmem:$0x1FCD0];
	_ =	sdelay $0x1  }
0x2bd: {  	v8 =	vadd.f32 v8, v62;
	_ =	sdelay $0x1  }
0x2be: {  	vm2 =	vge.f32 v8, $0.0e+00  }
0x2bf: {  	[tilespmem:s16+$0xFFFFFEE0] =	vst v14;
	v11 =	vmul.f32 v6, v5;
	v5 =	vsel vm2, v29, v17  }
0x2c0: {  	v8 =	vmul.f32 v5, v8;
	v5 =	vld [tilespmem:$0x1FCE0];
	_ =	sdelay $0x2  }
0x2c1: {  	v28 =	vld [tilespmem:s13+$0x30]  }
0x2c2: {  	v13 =	vld [tilespmem:s13+$0x70]  }
0x2c3: {  	v2 =	vld [tilespmem:s17+$0x30];
	v14 =	vmul.f32 v6, v5  }
0x2c4: {  	v4 =	vld [tilespmem:s17+$0x70];
	[tilespmem:s16+$0xFFFFFEF0] =	vst v11  }
0x2c5: {  	[tilespmem:s16+$0xFFFFFF00] =	vst v14  }
0x2c6: {  	v14 =	vld [tilespmem:$0x1FCF0];
	_ =	sdelay $0x1  }
0x2c7: {  	v5 =	vadd.f32 v28, v2  }
0x2c8: {  	v16 =	vadd.f32 v15, v26;
	v11 =	vadd.f32 v13, v4  }
0x2c9: {  	v12 =	vadd.f32 v12, v18;
	v13 =	vadd.f32 v8, v30;
	vm1 =	vge.f32 v5, $0.0e+00  }
0x2ca: {  	s0 =	simm.s32 $0x17B00;
	s17 =	simm.s32 $0x4;
	(xrf2) =	vadd.scan.msk.f32 $0xffff, v16;
	v8 =	vpop (erf);
	v15 =	vmul.f32 v6, v14;
	v14 =	vsel vm1, v20, v19;
	vm1 =	vge.f32 v11, $0.0e+00  }
.LBB2_10:
0x2cb: {  	v16 =	vld [tilespmem:s0+$0xB0]  }
0x2cc: {  	v27 =	vld [tilespmem:$0x1FF00]  }
0x2cd: {  	v30 =	vld [tilespmem:$0x1FF10]  }
0x2ce: {  	v14 =	vmul.f32 v14, v5;
	v5 =	vld [tilespmem:s0+$0xF0]  }
0x2cf: {  	v32 =	vmul.f32 v3, v44;
	v44 =	vld [tilespmem:s0+$0xE0]  }
0x2d0: {  	v26 =	vld [tilespmem:$0x1FBA0]  }
0x2d1: {  	v14 =	vadd.f32 v14, v9;
	v9 =	vld [tilespmem:$0x1FBD0]  }
0x2d2: {  	v17 =	vmov v48;
	v48 =	vld [tilespmem:s0+$0x80];
	v18 =	vsel vm1, v27, v30  }
0x2d3: {  	v29 =	vmov v50;
	v50 =	vld [tilespmem:s0+$0x90];
	v19 =	vmul.f32 v18, v11  }
0x2d4: {  	s13 =	sadd.s32 $0x200, s13;
	[tilespmem:s16+$0xFFFFFF10] =	vst v15;
	v12 =	vadd.f32 v13, v12;
	v13 =	vld [tilespmem:$0x1FB40];
	v15 =	vmul.f32 v6, v41  }
0x2d5: {  	[tilespmem:$0x1FB30] =	vst v17;
	v17 =	vld [tilespmem:s13+$0xB0];
	v10 =	vadd.f32 v19, v10  }
0x2d6: {  	[tilespmem:s16+$0xFFFFFF20] =	vst v15;
	v15 =	vmul.f32 v6, v9;
	v9 =	vld [tilespmem:$0x1FC00]  }
0x2d7: {  	v14 =	vadd.f32 v10, v14;
	v10 =	vld [tilespmem:$0x1FB70]  }
0x2d8: {  	v43 =	vmul.f32 v8, v43;
	[tilespmem:s16+$0xFFFFFFA0] =	vst v32;
	v32 =	vld [tilespmem:$0x1FFA0]  }
0x2d9: {  	v41 =	vld [tilespmem:s0+$0xA0]  }
0x2da: {  	[tilespmem:s16+$0x30] =	vst v43;
	v18 =	vld [tilespmem:s13+$0xF0];
	v11 =	vmov v46  }
0x2db: {  	v13 =	vmul.f32 v6, v13;
	[tilespmem:$0x1FB40] =	vst v11;
	v6 =	vmul.f32 v6, v9;
	v9 =	vld [tilespmem:$0x1FB50]  }
0x2dc: {  	v28 =	vmov v52;
	[tilespmem:s16+$0xFFFFFF40] =	vst v15;
	v15 =	vmul.f32 v3, v10;
	v10 =	vld [tilespmem:$0x1FB80]  }
0x2dd: {  	[tilespmem:$0x1FB80] =	vst v28;
	v28 =	vld [tilespmem:$0x1FBB0]  }
0x2de: {  	v39 =	vmov v51;
	[tilespmem:s16+$0xFFFFFF30] =	vst v13;
	v19 =	vld [tilespmem:s13+$0xA0]  }
0x2df: {  	[tilespmem:s16+$0xFFFFFF50] =	vst v6;
	v6 =	vld [tilespmem:$0x1FBF0]  }
0x2e0: {  	(xrf2) =	vadd.scan.msk.f32 $0xffff, v12;
	v12 =	vmul.f32 v3, v9;
	v9 =	vld [tilespmem:$0x1FB60];
	[tilespmem:$0x1FB60] =	vst v39  }
0x2e1: {  	(xrf2) =	vadd.scan.msk.f32 $0xffff, v14;
	v14 =	vld [tilespmem:$0x1FB90];
	v39 =	vmov v55;
	[tilespmem:s16+$0xFFFFFFB0] =	vst v15  }
0x2e2: {  	v55 =	vmov v56;
	[tilespmem:$0x1FBA0] =	vst v39;
	v51 =	vmul.f32 v8, v28;
	v28 =	vld [tilespmem:$0x1FBC0]  }
0x2e3: {  	v43 =	vmov v2;
	v2 =	vmov v4;
	v4 =	vld [tilespmem:s13+$0xFFFFFF50];
	[tilespmem:$0x1FBB0] =	vst v55  }
0x2e4: {  	v55 =	vld [tilespmem:s0+$0xD0];
	[tilespmem:s16+$0xFFFFFF70] =	vst v12;
	v15 =	vmov v63  }
0x2e5: {  	v6 =	vmul.f32 v3, v6;
	v12 =	vld [tilespmem:$0x1FC10];
	v39 =	vmov v58;
	[tilespmem:$0x1FC10] =	vst v15  }
0x2e6: {  	v46 =	vmul.f32 v3, v10;
	v10 =	vmov v49;
	v15 =	vld [tilespmem:s13+$0x90];
	[tilespmem:$0x1FBD0] =	vst v39  }
0x2e7: {  	v49 =	vmul.f32 v8, v26;
	v26, _, _ =	vpop (xrf2);
	v39 =	vld [tilespmem:s13+$0x80];
	[tilespmem:s16+$0xFFFFFFD0] =	vst v6;
	v52 =	vmul.f32 v8, v28;
	v28 =	vmov v54  }
0x2e8: {  	v6 =	vld [tilespmem:s13+$0xD0];
	[tilespmem:$0x1FB90] =	vst v28;
	v28 =	vmul.f32 $1.442695020e+00, v26;
	v26 =	vmov v57  }
0x2e9: {  	[tilespmem:$0x1FBC0] =	vst v26;
	v26 =	vld [tilespmem:$0x1FC20]  }
0x2ea: {  	[tilespmem:$0x1FB70] =	vst v29;
	v56 =	vmul.f32 v7, v40;
	v40, _, _ =	vpop (xrf2);
	v33 =	vmul.f32 v3, v9;
	v9 =	vld [tilespmem:$0x1FBE0]  }
0x2eb: {  	v14 =	vmul.f32 v8, v14;
	[tilespmem:s16+$0xFFFFFFC0] =	vst v46;
	v46 =	vmul.f32 $1.442695020e+00, v40;
	v40 =	vmov v48;
	v48 =	vld [tilespmem:s0+$0xFFFFFF40]  }
0x2ec: {  	[tilespmem:s16+$0xFFFFFF80] =	vst v33;
	v33 =	vld [tilespmem:$0x1FFB0]  }
0x2ed: {  	v29 =	vmovc v47;
	v47 =	vmovc v45;
	v45 =	vmov v59;
	v59 =	vmul.f32 v7, v34;
	v34 =	vmov v41;
	[tilespmem:s16+$0x0] =	vst v14;
	v54 =	vld [tilespmem:s0+$0xC0]  }
0x2ee: {  	v14 =	vadd.f32 v19, v34;
	v19 =	vadd.f32 v39, v40;
	v39 =	vld [tilespmem:$0x1FFE0];
	v57 =	vmul.f32 v8, v26;
	v26 =	vmovc v61  }
0x2ef: {  	v13 =	vmul.f32 v3, v9;
	[tilespmem:$0x1FBF0] =	vst v26;
	v26 =	vld [tilespmem:$0x1FC30]  }
0x2f0: {  	v9 =	vnsel vm0, $0x0, v3;
	v3 =	vmul.f32 v3, v42;
	v42 =	vld [tilespmem:s13+$0xE0];
	[tilespmem:$0x1FC20] =	vst v2  }
0x2f1: {  	v2 =	vld [tilespmem:s13+$0xFFFFFF40];
	[tilespmem:s16+$0xFFFFFF90] =	vst v13  }
0x2f2: {  	v13 =	vmul.f32 v8, v35;
	[tilespmem:s16+$0xFFFFFFE0] =	vst v3;
	v35 =	vld [tilespmem:$0x1FFC0]  }
0x2f3: {  	v18 =	vadd.f32 v18, v5;
	[tilespmem:s16+$0x10] =	vst v49;
	v49 =	vld [tilespmem:s0+$0xFFFFFF80]  }
0x2f4: {  	v11 =	vnsel vm0, $0x0, v8;
	v12 =	vmul.f32 v8, v12;
	v8 =	vmovc v60;
	v60 =	vmul.f32 v7, v26;
	v26 =	vmovc v16;
	v16 =	vld [tilespmem:s13+$0xC0]  }
0x2f5: {  	vm1 =	vge.f32 v18, $0.0e+00;
	v63 =	vmul.f32 v7, v37;
	v58 =	vmul.f32 v7, v38;
	v38 =	vmovc v50;
	[tilespmem:s16+$0x40] =	vst v51;
	v51 =	vld [tilespmem:s0+$0xFFFFFF90]  }
0x2f6: {  	v37 =	vmovc v55;
	v50 =	vld [tilespmem:s0+$0xFFFFFFC0];
	v61 =	vmul.f32 v7, v36;
	v36 =	vmovc v54;
	v54 =	vmul.f32 v7, v31;
	v31 =	vmov v44  }
0x2f7: {  	[tilespmem:s16+$0x20] =	vst v12;
	v44 =	vmovc v1;
	v1 =	vadd.f32 v15, v38;
	v55 =	vadd.f32 v42, v31;
	v42 =	vmov v62;
	v62 =	vld [tilespmem:$0x1FFD0]  }
0x2f8: {  	vm4 =	vge.f32 v14, $0.0e+00;
	vm3 =	vge.f32 v19, $0.0e+00;
	v15 =	vld [tilespmem:s13+$0xFFFFFF10];
	[tilespmem:$0x1FBE0] =	vst v8;
	v8 =	vbroadcast v28, $0xF  }
0x2f9: {  	v3 =	vmovc v0;
	[tilespmem:s16+$0x60] =	vst v13;
	v28 =	vld [tilespmem:$0x1FF80];
	vm6 =	vge.f32 v1, $0.0e+00;
	v13 =	vsel vm3, v22, v35;
	v12 =	vadd.f32 v16, v36  }
0x2fa: {  	[tilespmem:$0x1FC00] =	vst v3;
	(erf) = vpow2.f32 v8;
	v8 =	vld [tilespmem:s0+$0xFFFFFF10];
	v3 =	vadd.f32 v17, v26;
	v17 =	vbroadcast v46, $0xF  }
0x2fb: {  	v13 =	vmul.f32 v13, v19;
	v19 =	vsel vm4, v24, v32;
	v46 =	vld [tilespmem:s0+$0xFFFFFF50];
	vm7 =	vge.f32 v12, $0.0e+00  }
0x2fc: {  	[tilespmem:$0x1FC30] =	vst v26;
	v26 =	vld [tilespmem:$0x1FF90];
	(erf) = vpow2.f32 v17;
	v17 =	vsel vm6, v21, v39;
	v41 =	vsel vm7, v23, v62  }
0x2fd: {  	[tilespmem:$0x1FB50] =	vst v10;
	v1 =	vmul.f32 v17, v1;
	v16 =	vadd.f32 v6, v37;
	v12 =	vmul.f32 v41, v12;
	v41 =	vld [tilespmem:$0x1FFF0]  }
0x2fe: {  	v10 =	vnsel vm0, $0x0, v7;
	[tilespmem:s16+$0x50] =	vst v52;
	v52 =	vld [tilespmem:s0+$0xFFFFFFD0];
	v0, _, _ =	vpop (xrf2);
	v2 =	vadd.f32 v2, v48;
	v14 =	vmul.f32 v19, v14  }
0x2ff: {  	v7 =	vmul.f32 $1.442695020e+00, v0;
	v0 =	vld [tilespmem:s13+$0xFFFFFF00];
	v1 =	vadd.f32 v1, v13;
	vm8 =	vge.f32 v16, $0.0e+00  }
0x300: {  	vm5 =	vge.f32 v55, $0.0e+00;
	[tilespmem:s15+$0x90] =	vst v56;
	v56 =	vld [tilespmem:s13+$0xFFFFFF80];
	vm2 =	vge.f32 v3, $0.0e+00;
	v17 =	vsel vm8, v25, v28  }
0x301: {  	[tilespmem:s16+$0x70] =	vst v57;
	v4 =	vadd.f32 v4, v46;
	v1 =	vadd.f32 v14, v1;
	v14 =	vld [tilespmem:s13+$0xFFFFFFD0];
	v16 =	vmul.f32 v17, v16  }
0x302: {  	[tilespmem:s15+$0xD0] =	vst v61;
	v61 =	vld [tilespmem:s13+$0xFFFFFFC0];
	v15 =	vadd.f32 v15, v8;
	v17 =	vsel vm2, v20, v26;
	v19 =	vsel vm5, v41, v33  }
0x303: {  	[tilespmem:s15+$0xF0] =	vst v54;
	vm2 =	vge.f32 v4, $0.0e+00;
	v12 =	vadd.f32 v16, v12;
	v16 =	vld [tilespmem:s13+$0xFFFFFF90];
	v13 =	vmul.f32 v19, v55  }
0x304: {  	v54 =	vld [tilespmem:s0+$0x0];
	[tilespmem:s15+$0x110] =	vst v10;
	v17 =	vmul.f32 v17, v3;
	v10 =	vsel vm2, v25, v28;
	v19 =	vsel vm1, v27, v30  }
0x305: {  	v20 =	vld [tilespmem:s0+$0xFFFFFF00];
	[tilespmem:s16+$0xFFFFFFF0] =	vst v9;
	v9 =	vadd.f32 v56, v49;
	v12 =	vadd.f32 v13, v12;
	v13 =	vmul.f32 v19, v18  }
0x306: {  	v1 =	vadd.f32 v17, v1;
	v14 =	vadd.f32 v14, v52;
	vm1 =	vge.f32 v15, $0.0e+00;
	v55 =	vld [tilespmem:s0+$0x10];
	[tilespmem:s16+$0x80] =	vst v11  }
0x307: {  	v56 =	vld [tilespmem:s0+$0x40];
	v18 =	vsel vm1, v21, v39;
	vm1 =	vge.f32 v2, $0.0e+00;
	v12 =	vadd.f32 v13, v12  }
0x308: {  	v57 =	vld [tilespmem:s0+$0x50];
	v11 =	vsel vm1, v23, v62;
	vm1 =	vge.f32 v9, $0.0e+00;
	v13 =	vadd.f32 v16, v51  }
0x309: {  	v17 =	vld [tilespmem:s13+$0x0];
	v16 =	vsel vm1, v22, v35;
	v1 =	vadd.f32 v12, v1;
	v12 =	vadd.f32 v61, v50  }
0x30a: {  	v19 =	vld [tilespmem:s13+$0x40];
	v2 =	vmul.f32 v11, v2;
	v9 =	vmul.f32 v16, v9;
	vm1 =	vge.f32 v13, $0.0e+00  }
0x30b: {  	v6 =	vpop (erf);
	(xrf2) =	vadd.scan.msk.f32 $0xffff, v1;
	v1 =	vmul.f32 v18, v15;
	v15 =	vsel vm1, v21, v39;
	vm1 =	vge.f32 v12, $0.0e+00;
	v18 =	vld [tilespmem:s13+$0x10]  }
0x30c: {  	v16 =	vld [tilespmem:s13+$0x50];
	v11 =	vsel vm1, v23, v62;
	v13 =	vmul.f32 v15, v13;
	v15 =	vnsel vm0, $0x0, v6  }
0x30d: {  	v4 =	vmul.f32 v10, v4;
	vm1 =	vge.f32 v14, $0.0e+00;
	v12 =	vmul.f32 v11, v12;
	v11 =	vld [tilespmem:s0+$0xFFFFFF20];
	[tilespmem:s15+$0xFFFFFF60] =	vst v15  }
0x30e: {  	[tilespmem:s15+$0xA0] =	vst v58;
	v0 =	vadd.f32 v0, v20;
	v10 =	vsel vm1, v25, v28;
	v58 =	vld [tilespmem:s0+$0xFFFFFF60]  }
0x30f: {  	v2 =	vadd.f32 v4, v2;
	v4 =	vmul.f32 v10, v14;
	v10 =	vadd.f32 v17, v54;
	v14 =	vld [tilespmem:s13+$0xFFFFFF20]  }
0x310: {  	vm2 =	vge.f32 v0, $0.0e+00;
	v9 =	vadd.f32 v13, v9;
	v15 =	vld [tilespmem:s13+$0xFFFFFF60];
	v13 =	vadd.f32 v18, v55  }
0x311: {  	v4 =	vadd.f32 v4, v12;
	vm1 =	vge.f32 v10, $0.0e+00;
	v12 =	vadd.f32 v19, v56  }
0x312: {  	[tilespmem:s15+$0xC0] =	vst v60;
	v60 =	vld [tilespmem:s0+$0xFFFFFFA0];
	v16 =	vadd.f32 v16, v57;
	v17 =	vsel vm1, v22, v35;
	vm1 =	vge.f32 v13, $0.0e+00  }
0x313: {  	v61 =	vld [tilespmem:s0+$0xFFFFFFE0];
	v10 =	vmul.f32 v17, v10;
	v18 =	vsel vm1, v21, v39;
	vm1 =	vge.f32 v12, $0.0e+00  }
0x314: {  	v39 =	vsel vm2, v22, v35;
	v14 =	vadd.f32 v14, v11;
	v17 =	vsel vm1, v23, v62;
	v62 =	vld [tilespmem:s13+$0xFFFFFFA0]  }
0x315: {  	v22 =	vld [tilespmem:s13+$0xFFFFFFE0];
	v15 =	vadd.f32 v15, v58;
	vm1 =	vge.f32 v16, $0.0e+00;
	v0 =	vmul.f32 v39, v0;
	v19, _, _ =	vpop (xrf2)  }
0x316: {  	v21 =	vsel vm1, v25, v28;
	vm1 =	vge.f32 v14, $0.0e+00;
	v19 =	vmul.f32 $1.442695020e+00, v19  }
0x317: {  	[tilespmem:s15+$0xE0] =	vst v63;
	v63 =	vld [tilespmem:s0+$0x20];
	v13 =	vmul.f32 v18, v13;
	v12 =	vmul.f32 v17, v12;
	v17 =	vsel vm1, v24, v32  }
0x318: {  	v1 =	vadd.f32 v1, v0;
	v14 =	vmul.f32 v17, v14;
	v18 =	vbroadcast v19, $0xF;
	v19 =	vld [tilespmem:s13+$0x20]  }
0x319: {  	v16 =	vmul.f32 v21, v16;
	v10 =	vadd.f32 v13, v10;
	v21 =	vadd.f32 v62, v60  }
0x31a: {  	vm1 =	vge.f32 v15, $0.0e+00;
	v17 =	vadd.f32 v22, v61;
	v14 =	vadd.f32 v14, v1  }
0x31b: {  	v3 =	vpop (erf);
	(erf) = vpow2.f32 v18;
	v18 =	vsel vm1, v41, v33;
	vm1 =	vge.f32 v21, $0.0e+00  }
0x31c: {  	v13 =	vmul.f32 v18, v15;
	v1 =	vsel vm1, v24, v32;
	vm1 =	vge.f32 v17, $0.0e+00  }
0x31d: {  	v18 =	vmul.f32 v1, v21;
	v21 =	vsel vm1, v41, v33;
	v19 =	vadd.f32 v19, v63  }
0x31e: {  	v13 =	vadd.f32 v13, v2;
	v2 =	vmul.f32 v21, v17  }
0x31f: {  	vm1 =	vge.f32 v19, $0.0e+00  }
0x320: {  	v22 =	vadd.f32 v2, v4;
	v2 =	vsel vm1, v24, v32  }
0x321: {  	v18 =	vadd.f32 v18, v9;
	v9 =	vmul.f32 v2, v19  }
0x322: {  	[tilespmem:s15+$0xB0] =	vst v59;
	v59 =	vld [tilespmem:s0+$0x60]  }
0x323: {  	v9 =	vadd.f32 v9, v10;
	v10 =	vld [tilespmem:$0x1FC40]  }
0x324: {  	v35 =	vmov v45;
	v45 =	vld [tilespmem:s13+$0x60]  }
0x325: {  	v23 =	vld [tilespmem:s0+$0xFFFFFF30]  }
0x326: {  	v15 =	vld [tilespmem:s13+$0xFFFFFF30];
	_ =	sdelay $0x1  }
0x327: {  	v7 =	vbroadcast v7, $0xF;
	v25 =	vld [tilespmem:s13+$0x30];
	v19 =	vmul.f32 v6, v10;
	v10 =	vmov v20  }
0x328: {  	[tilespmem:$0x1FC40] =	vst v10;
	v10 =	vld [tilespmem:$0x1FF50]  }
0x329: {  	v0 =	vld [tilespmem:s0+$0xFFFFFF70];
	v17 =	vadd.f32 v45, v59  }
0x32a: {  	v12 =	vadd.f32 v16, v12;
	v16 =	vld [tilespmem:s13+$0xFFFFFF70];
	v15 =	vadd.f32 v15, v23  }
0x32b: {  	v62 =	vld [tilespmem:s0+$0xFFFFFFF0];
	(erf) = vpow2.f32 v7;
	vm1 =	vge.f32 v17, $0.0e+00;
	v7 =	vpop (erf)  }
0x32c: {  	v1 =	vld [tilespmem:s0+$0xFFFFFFB0];
	v4 =	vsel vm1, v41, v33;
	vm1 =	vge.f32 v15, $0.0e+00;
	v5 =	vmul.f32 v7, v5  }
0x32d: {  	s16 =	smov.u32 s15;
	s15 =	sadd.s32 $0x240, s15;
	v21 =	vld [tilespmem:s13+$0xFFFFFFB0];
	v20 =	vsel vm1, v10, v26  }
0x32e: {  	v24 =	vld [tilespmem:s13+$0xFFFFFFF0];
	[tilespmem:s15+$0x100] =	vst v5;
	v5 =	vmul.f32 v20, v15  }
0x32f: {  	v16 =	vadd.f32 v16, v0;
	v2 =	vld [tilespmem:s0+$0x30];
	v17 =	vmul.f32 v4, v17  }
0x330: {  	v14 =	vadd.f32 v5, v14;
	v5 =	vld [tilespmem:$0x1FF50]  }
0x331: {  	v4 =	vld [tilespmem:s0+$0x70];
	vm1 =	vge.f32 v16, $0.0e+00;
	v10 =	vadd.f32 v17, v12  }
0x332: {  	v17 =	vld [tilespmem:s13+$0x70];
	v12 =	vsel vm1, v27, v30;
	v15 =	vadd.f32 v21, v1;
	v20 =	vmul.f32 v6, v29  }
0x333: {  	s17 =	sadd.s32 $0x4, s17;
	v41 =	vld [tilespmem:$0x1FB30];
	[tilespmem:s16+$0xFFFFFEE0] =	vst v19;
	v12 =	vmul.f32 v12, v16;
	v16 =	vadd.f32 v24, v62  }
0x334: {  	p0 =	slt.u32 s17, $0x24;
	v19 =	vmul.f32 v6, v47;
	vm1 =	vge.f32 v15, $0.0e+00;
	[tilespmem:s16+$0xFFFFFF00] =	vst v20;
	v20 =	vld [tilespmem:$0x1FF50]  }
.Ltmp3:
0x335: {  	v47 =	vmovc v11;
	v21 =	vld [tilespmem:$0x1FF30];
	v11 =	vadd.f32 v12, v13;
	v5 =	vsel vm1, v5, v26;
	vm1 =	vge.f32 v16, $0.0e+00;
	(pc) =	sbr.rel @p0 .LBB2_10-.Ltmp3, $4  }
0x336: {  	v24 =	vld [tilespmem:$0x1FF40];
	v12 =	vmul.f32 v5, v15;
	v13 =	vsel vm1, v27, v30;
	v5 =	vadd.f32 v25, v2  }
0x337: {  	[tilespmem:s16+$0xFFFFFEF0] =	vst v19;
	v19 =	vadd.f32 v11, v14;
	v11 =	vadd.f32 v17, v4;
	v25 =	vld [tilespmem:$0x1FF70];
	v13 =	vmul.f32 v13, v16  }
0x338: {  	v45 =	vmovc v8;
	v15 =	vmul.f32 v6, v53;
	v53 =	vmovc v23;
	v23 =	vld [tilespmem:$0x1FF60];
	v12 =	vadd.f32 v12, v18;
	vm1 =	vge.f32 v5, $0.0e+00  }
0x339: {  	s0 =	sadd.s32 $0x200, s0;
	v8 =	vpop (erf);
	(xrf2) =	vadd.scan.msk.f32 $0xffff, v19;
	v13 =	vadd.f32 v13, v22;
	v22 =	vld [tilespmem:$0x1FF20];
	v14 =	vsel vm1, v20, v26;
	vm1 =	vge.f32 v11, $0.0e+00  }
0x33a: {  	v16 =	vmul.f32 v6, v41  }
0x33b: {  	[tilespmem:s16+$0xFFFFFF10] =	vst v15  }
0x33c: {  	v15 =	vld [tilespmem:$0x1FB40];
	[tilespmem:s16+$0xFFFFFF20] =	vst v16  }
0x33d: {  	v16 =	vld [tilespmem:$0x1FBD0]  }
0x33e: {  	v17 =	vld [tilespmem:$0x1FC00];
	_ =	sdelay $0x2  }
0x33f: {  	v15 =	vmul.f32 v6, v15  }
0x340: {  	v16 =	vmul.f32 v6, v16  }
0x341: {  	v6 =	vmul.f32 v6, v17;
	[tilespmem:s16+$0xFFFFFF30] =	vst v15  }
0x342: {  	v15 =	vld [tilespmem:$0x1FB50];
	[tilespmem:s16+$0xFFFFFF40] =	vst v16  }
0x343: {  	v16 =	vld [tilespmem:$0x1FB60];
	[tilespmem:s16+$0xFFFFFF50] =	vst v6  }
0x344: {  	v6 =	vld [tilespmem:$0x1FBE0];
	_ =	sdelay $0x2  }
0x345: {  	v15 =	vmul.f32 v3, v15  }
0x346: {  	v16 =	vmul.f32 v3, v16  }
0x347: {  	[tilespmem:s16+$0xFFFFFF70] =	vst v15;
	v6 =	vmul.f32 v3, v6  }
0x348: {  	[tilespmem:s16+$0xFFFFFF80] =	vst v16  }
0x349: {  	v15 =	vmul.f32 v3, v44;
	v16 =	vld [tilespmem:$0x1FB70];
	[tilespmem:s16+$0xFFFFFF90] =	vst v6  }
0x34a: {  	v6 =	vld [tilespmem:$0x1FB80]  }
0x34b: {  	[tilespmem:s16+$0xFFFFFFA0] =	vst v15  }
0x34c: {  	v15 =	vld [tilespmem:$0x1FBF0];
	_ =	sdelay $0x1  }
0x34d: {  	v16 =	vmul.f32 v3, v16  }
0x34e: {  	v6 =	vmul.f32 v3, v6  }
0x34f: {  	[tilespmem:s16+$0xFFFFFFB0] =	vst v16  }
0x350: {  	v15 =	vmul.f32 v3, v15;
	[tilespmem:s16+$0xFFFFFFC0] =	vst v6  }
0x351: {  	v6 =	vadd.f32 v13, v12;
	v12 =	vld [tilespmem:$0x1FB90]  }
0x352: {  	[tilespmem:s16+$0xFFFFFFD0] =	vst v15  }
0x353: {  	v13 =	vld [tilespmem:$0x1FBA0];
	_ =	sdelay $0x1  }
0x354: {  	v16 =	vmul.f32 v3, v42  }
0x355: {  	v12 =	vmul.f32 v8, v12  }
0x356: {  	[tilespmem:s16+$0xFFFFFFE0] =	vst v16  }
0x357: {  	(xrf2) =	vadd.scan.msk.f32 $0xffff, v6;
	v6 =	vld [tilespmem:$0x1FC10];
	v13 =	vmul.f32 v8, v13;
	[tilespmem:s16+$0x0] =	vst v12  }
0x358: {  	v44 =	vld [tilespmem:$0x1FF00]  }
0x359: {  	v17 =	vld [tilespmem:$0x1FF10];
	[tilespmem:s16+$0x10] =	vst v13  }
0x35a: {  	v13 =	vld [tilespmem:$0x1FBB0];
	_ =	sdelay $0x1  }
0x35b: {  	v6 =	vmul.f32 v8, v6;
	_ =	sdelay $0x1  }
0x35c: {  	v5 =	vmul.f32 v14, v5;
	v14 =	vmul.f32 v8, v43;
	[tilespmem:s16+$0x20] =	vst v6  }
0x35d: {  	v6 =	vld [tilespmem:$0x1FBC0];
	v12 =	vsel vm1, v44, v17;
	v13 =	vmul.f32 v8, v13  }
0x35e: {  	[tilespmem:s16+$0x30] =	vst v14;
	v11 =	vmul.f32 v12, v11  }
0x35f: {  	[tilespmem:s16+$0x40] =	vst v13  }
0x360: {  	v5 =	vadd.f32 v5, v9;
	v9 =	vadd.f32 v11, v10;
	v11 =	vld [tilespmem:$0x1FC20];
	_ =	sdelay $0x1  }
0x361: {  	v6 =	vmul.f32 v8, v6  }
0x362: {  	v12, _, _ =	vpop (xrf2);
	v10 =	vmul.f32 v8, v35  }
0x363: {  	v12 =	vmul.f32 $1.442695020e+00, v12;
	[tilespmem:s16+$0x50] =	vst v6;
	v6 =	vmul.f32 v7, v40;
	v5 =	vadd.f32 v9, v5  }
0x364: {  	[tilespmem:s16+$0x60] =	vst v10;
	v9 =	vmul.f32 v7, v38;
	v11 =	vmul.f32 v8, v11  }
0x365: {  	v12 =	vbroadcast v12, $0xF;
	[tilespmem:s15+$0x90] =	vst v6;
	(xrf2) =	vadd.scan.msk.f32 $0xffff, v5  }
0x366: {  	[tilespmem:s16+$0x70] =	vst v11  }
0x367: {  	v5 =	vmul.f32 v7, v34;
	(erf) = vpow2.f32 v12;
	v6 =	vld [tilespmem:$0x1FC30]  }
0x368: {  	[tilespmem:s15+$0xA0] =	vst v9;
	v9, _, _ =	vpop (xrf2)  }
0x369: {  	v10 =	vmul.f32 v7, v36;
	[tilespmem:s15+$0xB0] =	vst v5;
	v5 =	vmul.f32 $1.442695020e+00, v9;
	_ =	sdelay $0x1  }
0x36a: {  	v3 =	vnsel vm0, $0x0, v3;
	[tilespmem:s15+$0xD0] =	vst v10;
	v5 =	vbroadcast v5, $0xF  }
0x36b: {  	[tilespmem:s16+$0xFFFFFFF0] =	vst v3;
	v3 =	vnsel vm0, $0x0, v7;
	v6 =	vmul.f32 v7, v6  }
0x36c: {  	v9 =	vmul.f32 v7, v37;
	[tilespmem:s15+$0x110] =	vst v3;
	(erf) = vpow2.f32 v5  }
0x36d: {  	[tilespmem:s15+$0xC0] =	vst v6;
	v6 =	vmul.f32 v7, v31  }
0x36e: {  	[tilespmem:s15+$0xE0] =	vst v9;
	v7, _, _ =	vpop (xrf2)  }
0x36f: {  	v5 =	vpop (erf);
	v7 =	vmul.f32 $1.442695020e+00, v7;
	[tilespmem:s15+$0xF0] =	vst v6;
	v6 =	vnsel vm0, $0x0, v8  }
0x370: {  	v3 =	vnsel vm0, $0x0, v5;
	[tilespmem:s16+$0x80] =	vst v6  }
0x371: {  	v7 =	vbroadcast v7, $0xF;
	v6 =	vld [tilespmem:$0x1FC40];
	[tilespmem:s15+$0xFFFFFF60] =	vst v3;
	v3 =	vmul.f32 v5, v45;
	_ =	sdelay $0x1  }
0x372: {  	[tilespmem:s15+$0xFFFFFEF0] =	vst v3;
	v3 =	vmul.f32 v5, v53  }
0x373: {  	v0 =	vmul.f32 v5, v0  }
0x374: {  	(erf) = vpow2.f32 v7;
	v7 =	vpop (erf);
	[tilespmem:s15+$0xFFFFFF10] =	vst v3;
	v3 =	vmul.f32 v5, v46  }
0x375: {  	[tilespmem:s15+$0xFFFFFF50] =	vst v0;
	v0 =	vmul.f32 v7, v60  }
0x376: {  	v1 =	vmul.f32 v7, v1;
	[tilespmem:s15+$0xFFFFFF30] =	vst v3  }
0x377: {  	v6 =	vmul.f32 v5, v6;
	[tilespmem:s15+$0xFFFFFF90] =	vst v0  }
0x378: {  	v3 =	vmul.f32 v7, v49;
	[tilespmem:s15+$0xFFFFFFA0] =	vst v1  }
0x379: {  	v0 =	vmul.f32 v7, v52;
	[tilespmem:s15+$0xFFFFFEE0] =	vst v6  }
0x37a: {  	v6 =	vmul.f32 v5, v47;
	[tilespmem:s15+$0xFFFFFF70] =	vst v3  }
0x37b: {  	v1 =	vmul.f32 v7, v61;
	[tilespmem:s15+$0xFFFFFFC0] =	vst v0  }
0x37c: {  	v3 =	vmul.f32 v7, v50;
	[tilespmem:s15+$0xFFFFFF00] =	vst v6;
	v6 =	vmul.f32 v5, v48  }
0x37d: {  	[tilespmem:s15+$0xFFFFFFD0] =	vst v1  }
0x37e: {  	[tilespmem:s15+$0xFFFFFF20] =	vst v6;
	v6 =	vmul.f32 v5, v58;
	v5 =	vmul.f32 v7, v51  }
0x37f: {  	[tilespmem:s15+$0xFFFFFFB0] =	vst v3  }
0x380: {  	v3 =	vpop (erf);
	[tilespmem:s15+$0xFFFFFF80] =	vst v5;
	v5 =	vmul.f32 v7, v62  }
0x381: {  	[tilespmem:s15+$0xFFFFFF40] =	vst v6;
	v0 =	vmul.f32 v3, v54  }
0x382: {  	v1 =	vmul.f32 v3, v55;
	[tilespmem:s15+$0xFFFFFFE0] =	vst v5  }
0x383: {  	v5 =	vmul.f32 v3, v63;
	[tilespmem:s15+$0x0] =	vst v0  }
0x384: {  	v0 =	vmul.f32 v3, v2;
	[tilespmem:s15+$0x10] =	vst v1  }
0x385: {  	v1 =	vmul.f32 v3, v56;
	[tilespmem:s15+$0x20] =	vst v5  }
0x386: {  	v2 =	vmul.f32 v3, v57;
	[tilespmem:s15+$0x30] =	vst v0  }
0x387: {  	v0 =	vmul.f32 v3, v59;
	[tilespmem:s15+$0x40] =	vst v1  }
0x388: {  	v1 =	vmul.f32 v3, v4;
	[tilespmem:s15+$0x50] =	vst v2  }
0x389: {  	[tilespmem:s15+$0x60] =	vst v0  }
0x38a: {  	v0 =	vnsel vm0, $0x0, v7;
	[tilespmem:s15+$0x70] =	vst v1  }
0x38b: {  	v1 =	vnsel vm0, $0x0, v3;
	[tilespmem:s15+$0xFFFFFFF0] =	vst v0  }
0x38c: {  	s0 =	simm.s32 $0x160E8;
	[tilespmem:s15+$0x80] =	vst v1  }
0x38d: {  	[spmem:s3] =	stream.indirect.scatter.add.f32 [tilespmem:s10], [sflag:$0x4], $0x90, s0, s26, $0xb8;
	[tilespmem:$0x1EC00] =	vst v63  }
0x38e: {  	_ =	swait.ge [sflag:s31], $0x78  }
0x38f: {  	[sflag:s31] =	ssyncset.done $0x0  }
0x390: {  	s13 =	simm.s32 $0x17600;
	[sflag:s31] =	ssyncadd.s32 $0xFFFFFF88  }
0x391: {  	[tilespmem:s13], [sflag:$0x2] =	stream.indirect.gather [hbm4b:s6+s26], $0x80, s14, s26, $0xb8;
	[tilespmem:$0x1EC00] =	vst v63  }
0x392: {  	s15 =	smin.u32 s8, $0xF7;
	s13 =	rddreg [dreg:$0xb]  }
0x393: {  	s0 =	sadd.s32 s15, s13  }
0x394: {  	s17 =	simm.s32 $0x161B0;
	s16 =	simm.s32 $0x19E00;
	s0 =	smul.u32 $0x78, s0  }
0x395: {  	[tilespmem:s16], [sflag:$0x2] =	stream.indirect.gather [hbm4b:s9+s26], $0x80, s17, s26, $0xb8;
	[tilespmem:$0x1EC00] =	vst v63  }
0x396: {  	_ =	swait.ge [sflag:s2], $0x1680;
	s0 =	sadd.s32 s5, s0  }
0x397: {  	[sflag:s2] =	ssyncset.done $0x0;
	s0 =	sshrl.u32 s0, $0x3  }
0x398: {  	[sflag:s2] =	ssyncadd.s32 $0xFFFFE980;
	s0 =	sadd.s32 s11, s0  }
0x399: {  	[tilespmem:s23], [sflag:$0x5] =	stream.linear.gather [hbm4b:s0+s4], $0x78, $0x38;
	[tilespmem:$0x1EC00] =	vst v63  }
0x39a: {  	_ =	swait.ge [sflag:s22], $0x1400  }
0x39b: {  	[sflag:s22] =	ssyncset.done $0x0  }
0x39c: {  	[sflag:s22] =	ssyncadd.s32 $0xFFFFEC00  }
0x39d: {  	_ =	swait.ge [sflag:s22], $0x1400  }
0x39e: {  	[sflag:s22] =	ssyncset.done $0x0  }
0x39f: {  	s15 =	simm.s32 $0x16300;
	[sflag:s22] =	ssyncadd.s32 $0xFFFFEC00  }
0x3a0: {  	v13 =	vld [tilespmem:s15+$0xB0];
	_ =	sdelay $0x4  }
0x3a1: {  	[tilespmem:$0x1FAB0] =	vst v13  }
0x3a2: {  	v18 =	vld [tilespmem:s15+$0xF0];
	_ =	sdelay $0x4  }
0x3a3: {  	[tilespmem:$0x1FA80] =	vst v18  }
0x3a4: {  	v16 =	vld [tilespmem:s15+$0xA0];
	_ =	sdelay $0x2  }
0x3a5: {  	s16 =	simm.s32 $0x18B00  }
0x3a6: {  	v0 =	vld [tilespmem:s16+$0xB0]  }
0x3a7: {  	v1 =	vld [tilespmem:s16+$0xF0];
	[tilespmem:$0x1FAA0] =	vst v16  }
0x3a8: {  	v12 =	vld [tilespmem:s15+$0xE0];
	_ =	sdelay $0x4  }
0x3a9: {  	[tilespmem:$0x1FAE0] =	vst v12  }
0x3aa: {  	v19 =	vld [tilespmem:s15+$0x90];
	_ =	sdelay $0x2  }
0x3ab: {  	v2 =	vld [tilespmem:s16+$0xA0]  }
0x3ac: {  	v3 =	vld [tilespmem:s16+$0xE0]  }
0x3ad: {  	v62 =	vld [tilespmem:s15+$0x80];
	[tilespmem:$0x1FA90] =	vst v19  }
0x3ae: {  	v15 =	vld [tilespmem:s15+$0xC0];
	_ =	sdelay $0x4  }
0x3af: {  	[tilespmem:$0x1FAC0] =	vst v15  }
0x3b0: {  	v14 =	vld [tilespmem:s15+$0xD0]  }
0x3b1: {  	v30 =	vld [tilespmem:$0x1FFC0]  }
0x3b2: {  	v33 =	vld [tilespmem:$0x1FFE0]  }
0x3b3: {  	v32 =	vld [tilespmem:$0x1FFD0]  }
0x3b4: {  	v26 =	vld [tilespmem:$0x1FFA0]  }
0x3b5: {  	v28 =	vld [tilespmem:$0x1FFB0];
	[tilespmem:$0x1FAD0] =	vst v14  }
0x3b6: {  	v53 =	vld [tilespmem:s15+$0xFFFFFF10]  }
0x3b7: {  	v39 =	vld [tilespmem:$0x1FFF0]  }
0x3b8: {  	v4 =	vld [tilespmem:s16+$0x80]  }
0x3b9: {  	v5 =	vld [tilespmem:s16+$0x90]  }
0x3ba: {  	v6 =	vld [tilespmem:s16+$0xC0]  }
0x3bb: {  	v7 =	vld [tilespmem:s16+$0xD0];
	[tilespmem:$0x1FB00] =	vst v53  }
0x3bc: {  	v41 =	vld [tilespmem:s15+$0xFFFFFF40]  }
0x3bd: {  	v54 =	vld [tilespmem:s15+$0xFFFFFF50]  }
0x3be: {  	v8 =	vld [tilespmem:s16+$0xFFFFFF00]  }
0x3bf: {  	v9 =	vld [tilespmem:s16+$0xFFFFFF10]  }
0x3c0: {  	v10 =	vld [tilespmem:s16+$0xFFFFFF40]  }
0x3c1: {  	v11 =	vld [tilespmem:s16+$0xFFFFFF50]  }
0x3c2: {  	v55 =	vld [tilespmem:s15+$0xFFFFFF80]  }
0x3c3: {  	v56 =	vld [tilespmem:s15+$0xFFFFFF90]  }
0x3c4: {  	v29 =	vld [tilespmem:s15+$0xFFFFFFC0]  }
0x3c5: {  	v0 =	vadd.f32 v0, v13;
	v57 =	vld [tilespmem:s15+$0xFFFFFFD0]  }
0x3c6: {  	v3 =	vadd.f32 v3, v12;
	v5 =	vadd.f32 v5, v19;
	v12 =	vld [tilespmem:s16+$0xFFFFFF80]  }
0x3c7: {  	v1 =	vadd.f32 v1, v18;
	v6 =	vadd.f32 v6, v15;
	v13 =	vld [tilespmem:s16+$0xFFFFFF90]  }
0x3c8: {  	v4 =	vadd.f32 v4, v62;
	v7 =	vadd.f32 v7, v14;
	v14 =	vld [tilespmem:s16+$0xFFFFFFC0];
	vm6 =	vge.f32 v5, $0.0e+00  }
0x3c9: {  	v2 =	vadd.f32 v2, v16;
	v15 =	vld [tilespmem:s16+$0xFFFFFFD0];
	vm7 =	vge.f32 v6, $0.0e+00;
	v18 =	vsel vm6, v21, v33  }
0x3ca: {  	vm3 =	vge.f32 v4, $0.0e+00;
	v19 =	vsel vm7, v23, v32;
	v5 =	vmul.f32 v18, v5;
	v18 =	vld [tilespmem:$0x1FF80]  }
0x3cb: {  	v16 =	vsel vm3, v22, v30;
	v6 =	vmul.f32 v19, v6;
	v19 =	vld [tilespmem:$0x1FF90]  }
0x3cc: {  	vm4 =	vge.f32 v2, $0.0e+00;
	v58 =	vld [tilespmem:s15+$0x0];
	v4 =	vmul.f32 v16, v4  }
0x3cd: {  	v27 =	vsel vm4, v24, v26;
	v59 =	vld [tilespmem:s15+$0x10]  }
0x3ce: {  	v2 =	vmul.f32 v27, v2;
	v31 =	vld [tilespmem:s15+$0x40];
	vm8 =	vge.f32 v7, $0.0e+00;
	v4 =	vadd.f32 v5, v4  }
0x3cf: {  	vm1 =	vge.f32 v0, $0.0e+00;
	v60 =	vld [tilespmem:s15+$0x50];
	v16 =	vsel vm8, v25, v18  }
0x3d0: {  	v2 =	vadd.f32 v2, v4;
	v4 =	vld [tilespmem:s16+$0x40];
	v7 =	vmul.f32 v16, v7;
	v16 =	vsel vm1, v20, v19  }
0x3d1: {  	v0 =	vmul.f32 v16, v0;
	v16 =	vld [tilespmem:s16+$0x10]  }
0x3d2: {  	v5 =	vadd.f32 v7, v6;
	v6 =	vld [tilespmem:s16+$0x0];
	[tilespmem:$0x1F970] =	vst v54  }
0x3d3: {  	vm5 =	vge.f32 v3, $0.0e+00;
	v63 =	vld [tilespmem:s15+$0xFFFFFF00]  }
0x3d4: {  	v27 =	vsel vm5, v39, v28  }
0x3d5: {  	v3 =	vmul.f32 v27, v3;
	_ =	sdelay $0x1  }
0x3d6: {  	v3 =	vadd.f32 v3, v5;
	v5 =	vadd.f32 v10, v41;
	v10 =	vld [tilespmem:s16+$0x50];
	[tilespmem:$0x1F980] =	vst v55  }
0x3d7: {  	[tilespmem:$0x1FAF0] =	vst v63  }
0x3d8: {  	v48 =	vld [tilespmem:s15+$0xFFFFFF20]  }
0x3d9: {  	vm2 =	vge.f32 v1, $0.0e+00  }
0x3da: {  	v7 =	vadd.f32 v9, v53;
	v9 =	vsel vm2, v44, v17  }
0x3db: {  	v15 =	vadd.f32 v15, v57;
	v1 =	vmul.f32 v9, v1;
	v9 =	vadd.f32 v11, v54  }
0x3dc: {  	v0 =	vadd.f32 v0, v2;
	v2 =	vadd.f32 v12, v55;
	[tilespmem:$0x1F990] =	vst v56  }
0x3dd: {  	v11 =	vadd.f32 v13, v56;
	v1 =	vadd.f32 v1, v3;
	[tilespmem:$0x1FB10] =	vst v48  }
0x3de: {  	v12 =	vadd.f32 v14, v29;
	vm3 =	vge.f32 v9, $0.0e+00;
	vm2 =	vge.f32 v5, $0.0e+00;
	v49 =	vld [tilespmem:s15+$0xFFFFFF60];
	[tilespmem:$0x1F9A0] =	vst v29  }
0x3df: {  	v3 =	vsel vm2, v23, v32;
	vm2 =	vge.f32 v2, $0.0e+00;
	v0 =	vadd.f32 v1, v0;
	v13 =	vld [tilespmem:s16+$0xFFFFFF20];
	[tilespmem:$0x1F9B0] =	vst v57  }
0x3e0: {  	v1 =	vsel vm3, v25, v18;
	v14 =	vsel vm2, v22, v30;
	vm2 =	vge.f32 v11, $0.0e+00;
	v29 =	vld [tilespmem:s16+$0xFFFFFF60]  }
0x3e1: {  	v3 =	vmul.f32 v3, v5;
	v27 =	vsel vm2, v21, v33;
	vm2 =	vge.f32 v12, $0.0e+00;
	v50 =	vld [tilespmem:s15+$0xFFFFFFA0]  }
0x3e2: {  	v1 =	vmul.f32 v1, v9;
	v5 =	vsel vm2, v23, v32;
	vm2 =	vge.f32 v15, $0.0e+00;
	v51 =	vld [tilespmem:s15+$0xFFFFFFE0]  }
0x3e3: {  	v2 =	vmul.f32 v14, v2;
	v9 =	vsel vm2, v25, v18;
	v14 =	vld [tilespmem:s16+$0xFFFFFFA0]  }
0x3e4: {  	v1 =	vadd.f32 v1, v3;
	v3 =	vmul.f32 v9, v15;
	v9 =	vld [tilespmem:s16+$0xFFFFFFE0];
	[tilespmem:$0x1F9C0] =	vst v58  }
0x3e5: {  	v52 =	vld [tilespmem:s15+$0x20];
	[tilespmem:$0x1F9D0] =	vst v59  }
0x3e6: {  	v11 =	vmul.f32 v27, v11;
	v27 =	vld [tilespmem:s15+$0x60];
	[tilespmem:$0x1F9E0] =	vst v31  }
0x3e7: {  	v53 =	vld [tilespmem:s15+$0xFFFFFF30];
	_ =	sdelay $0x2  }
0x3e8: {  	v4 =	vadd.f32 v4, v31;
	v5 =	vmul.f32 v5, v12  }
0x3e9: {  	vm1 =	vge.f32 v7, $0.0e+00;
	v6 =	vadd.f32 v6, v58;
	v10 =	vadd.f32 v10, v60;
	[tilespmem:$0x1F9F0] =	vst v60  }
0x3ea: {  	v12 =	vsel vm1, v21, v33;
	v3 =	vadd.f32 v3, v5;
	v5 =	vadd.f32 v8, v63;
	[tilespmem:$0x1FB20] =	vst v53  }
0x3eb: {  	vm1 =	vge.f32 v6, $0.0e+00;
	v2 =	vadd.f32 v11, v2;
	v11 =	vadd.f32 v16, v59;
	v54 =	vld [tilespmem:s15+$0xFFFFFF70]  }
0x3ec: {  	v7 =	vmul.f32 v12, v7;
	vm2 =	vge.f32 v5, $0.0e+00;
	v13 =	vadd.f32 v13, v48;
	v15 =	vld [tilespmem:s16+$0xFFFFFF30];
	[tilespmem:$0x1FA00] =	vst v49  }
0x3ed: {  	v8 =	vsel vm1, v22, v30;
	vm1 =	vge.f32 v11, $0.0e+00;
	v16 =	vsel vm2, v22, v30;
	v31 =	vld [tilespmem:s16+$0xFFFFFF70]  }
0x3ee: {  	v61 =	vmovc v44;
	v5 =	vmul.f32 v16, v5;
	v29 =	vadd.f32 v29, v49;
	vm2 =	vge.f32 v13, $0.0e+00;
	v44 =	vld [tilespmem:s15+$0xFFFFFFB0];
	[tilespmem:$0x1FA10] =	vst v50  }
0x3ef: {  	v6 =	vmul.f32 v8, v6;
	v14 =	vadd.f32 v14, v50;
	v8 =	vsel vm2, v24, v26;
	v42 =	vld [tilespmem:s15+$0xFFFFFFF0]  }
0x3f0: {  	v5 =	vadd.f32 v7, v5;
	vm2 =	vge.f32 v29, $0.0e+00;
	v8 =	vmul.f32 v8, v13;
	v13 =	vld [tilespmem:s16+$0xFFFFFFB0];
	[tilespmem:$0x1FA20] =	vst v51  }
0x3f1: {  	v9 =	vadd.f32 v9, v51;
	v7 =	vsel vm2, v39, v28;
	vm2 =	vge.f32 v14, $0.0e+00;
	v16 =	vld [tilespmem:s16+$0xFFFFFFF0]  }
0x3f2: {  	v7 =	vmul.f32 v7, v29;
	v5 =	vadd.f32 v8, v5;
	v8 =	vsel vm2, v24, v26;
	v55 =	vld [tilespmem:s16+$0x20]  }
0x3f3: {  	v12 =	vsel vm1, v21, v33;
	vm1 =	vge.f32 v4, $0.0e+00;
	v8 =	vmul.f32 v8, v14;
	v56 =	vld [tilespmem:s16+$0x60];
	[tilespmem:$0x1FA30] =	vst v54  }
0x3f4: {  	vm2 =	vge.f32 v9, $0.0e+00;
	v1 =	vadd.f32 v7, v1;
	v15 =	vadd.f32 v15, v53;
	v57 =	vld [tilespmem:s15+$0x70]  }
0x3f5: {  	v14 =	vsel vm2, v39, v28;
	v2 =	vadd.f32 v8, v2;
	v29 =	vadd.f32 v31, v54;
	v8 =	vld [tilespmem:s16+$0x70]  }
0x3f6: {  	v9 =	vmul.f32 v14, v9;
	vm3 =	vge.f32 v15, $0.0e+00;
	v13 =	vadd.f32 v13, v44  }
0x3f7: {  	v31 =	vsel vm3, v20, v19;
	vm2 =	vge.f32 v29, $0.0e+00;
	v16 =	vadd.f32 v16, v42  }
0x3f8: {  	s17 =	simm.s32 $0x16500;
	(xrf2) =	vadd.scan.msk.f32 $0xffff, v0;
	v0 =	vadd.f32 v9, v3;
	v43 =	vld [tilespmem:s15+$0x30];
	v7 =	vmul.f32 v31, v15;
	v31 =	vsel vm2, v61, v17  }
0x3f9: {  	v58 =	vld [tilespmem:s17+$0xF0];
	vm2 =	vge.f32 v13, $0.0e+00;
	v14 =	vmul.f32 v31, v29;
	vm3 =	vge.f32 v16, $0.0e+00  }
0x3fa: {  	v15 =	vld [tilespmem:s16+$0x30];
	v7 =	vadd.f32 v7, v5;
	v31 =	vsel vm3, v61, v17;
	v8 =	vadd.f32 v8, v57  }
0x3fb: {  	s13 =	simm.s32 $0x18D00;
	v5 =	vld [tilespmem:s17+$0xB0];
	v1 =	vadd.f32 v14, v1;
	v14 =	vsel vm2, v20, v19;
	v9 =	vmul.f32 v31, v16  }
0x3fc: {  	v16 =	vadd.f32 v55, v52;
	v3 =	vmul.f32 v14, v13;
	v13 =	vld [tilespmem:s13+$0xB0];
	v14 =	vsel vm1, v23, v32;
	[tilespmem:$0x1FA40] =	vst v52  }
0x3fd: {  	vm1 =	vge.f32 v10, $0.0e+00;
	v1 =	vadd.f32 v1, v7;
	v7 =	vld [tilespmem:s13+$0xF0];
	v0 =	vadd.f32 v9, v0  }
0x3fe: {  	v34 =	vld [tilespmem:s17+$0xA0];
	v9 =	vmul.f32 v12, v11;
	v4 =	vmul.f32 v14, v4;
	v2 =	vadd.f32 v3, v2  }
0x3ff: {  	v31 =	vld [tilespmem:s17+$0xE0];
	v11 =	vadd.f32 v15, v43;
	v3 =	vsel vm1, v25, v18;
	(xrf2) =	vadd.scan.msk.f32 $0xffff, v1;
	v1 =	vadd.f32 v56, v27  }
0x400: {  	vm1 =	vge.f32 v16, $0.0e+00;
	v3 =	vmul.f32 v3, v10;
	v10 =	vld [tilespmem:s13+$0xE0];
	v0 =	vadd.f32 v0, v2  }
0x401: {  	v6 =	vadd.f32 v9, v6;
	v9 =	vsel vm1, v24, v26;
	v2 =	vld [tilespmem:s13+$0xA0];
	[tilespmem:$0x1FA50] =	vst v57;
	vm1 =	vge.f32 v1, $0.0e+00  }
0x402: {  	v40 =	vld [tilespmem:s17+$0x80];
	(xrf2) =	vadd.scan.msk.f32 $0xffff, v0;
	v0 =	vadd.f32 v3, v4;
	v3 =	vmul.f32 v9, v16;
	v4 =	vsel vm1, v39, v28  }
0x403: {  	vm2 =	vge.f32 v8, $0.0e+00;
	v38 =	vld [tilespmem:s17+$0x90];
	vm1 =	vge.f32 v11, $0.0e+00;
	v1 =	vmul.f32 v4, v1  }
0x404: {  	v36 =	vld [tilespmem:s17+$0xC0];
	v4 =	vsel vm1, v20, v19;
	v3 =	vadd.f32 v3, v6;
	v6 =	vsel vm2, v61, v17  }
0x405: {  	v37 =	vld [tilespmem:s17+$0xD0];
	v9, _, _ =	vpop (xrf2);
	v10 =	vadd.f32 v10, v31;
	v0 =	vadd.f32 v1, v0;
	v1 =	vmul.f32 v4, v11  }
0x406: {  	v4 =	vmul.f32 v6, v8;
	v6 =	vld [tilespmem:s13+$0x80];
	v8 =	vmul.f32 $1.442695020e+00, v9  }
0x407: {  	v9 =	vld [tilespmem:s13+$0x90];
	v2 =	vadd.f32 v2, v34;
	vm12 =	vge.f32 v10, $0.0e+00  }
0x408: {  	v11 =	vld [tilespmem:s13+$0xD0];
	v1 =	vadd.f32 v1, v3;
	v0 =	vadd.f32 v4, v0;
	v4 =	vbroadcast v8, $0xF  }
0x409: {  	v29 =	vmov v61;
	v3 =	vld [tilespmem:s13+$0xC0];
	[tilespmem:$0x1FA60] =	vst v5;
	vm4 =	vge.f32 v2, $0.0e+00;
	v63 =	vsel vm12, v39, v28  }
0x40a: {  	v48 =	vld [tilespmem:s17+$0xFFFFFF40];
	v61 =	vsel vm4, v24, v26;
	v8, _, _ =	vpop (xrf2);
	v0 =	vadd.f32 v0, v1;
	(erf) = vpow2.f32 v4  }
0x40b: {  	v46 =	vld [tilespmem:s17+$0xFFFFFF50];
	v4 =	vadd.f32 v7, v58;
	v1 =	vmul.f32 $1.442695020e+00, v8;
	v8 =	vadd.f32 v13, v5  }
0x40c: {  	v12 =	vld [tilespmem:s13+$0xFFFFFF00];
	v2 =	vmul.f32 v61, v2;
	v6 =	vadd.f32 v6, v40;
	v9 =	vadd.f32 v9, v38  }
0x40d: {  	v14 =	vld [tilespmem:s13+$0xFFFFFF40];
	v11 =	vadd.f32 v11, v37;
	vm2 =	vge.f32 v4, $0.0e+00;
	v1 =	vbroadcast v1, $0xF  }
0x40e: {  	v15 =	vld [tilespmem:s13+$0xFFFFFF50];
	v7, _, _ =	vpop (xrf2);
	v3 =	vadd.f32 v3, v36;
	vm3 =	vge.f32 v6, $0.0e+00;
	vm13 =	vge.f32 v9, $0.0e+00  }
0x40f: {  	v5 =	vld [tilespmem:s17+$0xFFFFFF10];
	vm15 =	vge.f32 v11, $0.0e+00;
	v7 =	vmul.f32 $1.442695020e+00, v7;
	v16 =	vsel vm3, v22, v30  }
0x410: {  	v13 =	vld [tilespmem:s13+$0xFFFFFF10];
	v59 =	vsel vm13, v21, v33;
	vm14 =	vge.f32 v3, $0.0e+00;
	v6 =	vmul.f32 v16, v6  }
0x411: {  	v49 =	vld [tilespmem:s17+$0xFFFFFF80];
	v9 =	vmul.f32 v59, v9;
	v16 =	vsel vm15, v25, v18;
	v60 =	vsel vm14, v23, v32  }
0x412: {  	v51 =	vld [tilespmem:s17+$0xFFFFFF90];
	vm1 =	vge.f32 v8, $0.0e+00;
	v11 =	vmul.f32 v16, v11;
	v3 =	vmul.f32 v60, v3  }
0x413: {  	v50 =	vld [tilespmem:s17+$0xFFFFFFC0];
	(erf) = vpow2.f32 v1;
	v16 =	vsel vm1, v20, v19;
	v1 =	vbroadcast v7, $0xF  }
0x414: {  	v52 =	vld [tilespmem:s17+$0xFFFFFFD0];
	v6 =	vadd.f32 v9, v6;
	v9 =	vmul.f32 v63, v10;
	v3 =	vadd.f32 v11, v3  }
0x415: {  	v10 =	vld [tilespmem:s13+$0xFFFFFF80];
	v8 =	vmul.f32 v16, v8;
	v11 =	vadd.f32 v13, v5;
	v13 =	vsel vm2, v29, v17  }
0x416: {  	v54 =	vld [tilespmem:s17+$0x0];
	v2 =	vadd.f32 v2, v6;
	v4 =	vmul.f32 v13, v4;
	v3 =	vadd.f32 v9, v3  }
0x417: {  	v16 =	vld [tilespmem:s13+$0xFFFFFF90];
	(erf) = vpow2.f32 v1;
	v1 =	vadd.f32 v15, v46  }
0x418: {  	v6 =	vld [tilespmem:s13+$0xFFFFFFC0];
	v2 =	vadd.f32 v8, v2;
	v3 =	vadd.f32 v4, v3  }
0x419: {  	v7 =	vadd.f32 v14, v48;
	vm2 =	vge.f32 v1, $0.0e+00;
	vm1 =	vge.f32 v11, $0.0e+00;
	v9 =	vld [tilespmem:s13+$0xFFFFFFD0]  }
0x41a: {  	v55 =	vld [tilespmem:s17+$0x10];
	v13 =	vsel vm2, v25, v18;
	v8 =	vadd.f32 v10, v49;
	v2 =	vadd.f32 v3, v2  }
0x41b: {  	(xrf2) =	vadd.scan.msk.f32 $0xffff, v0;
	v10 =	vld [tilespmem:s13+$0x0];
	v1 =	vmul.f32 v13, v1;
	v4 =	vsel vm1, v21, v33;
	vm1 =	vge.f32 v7, $0.0e+00  }
0x41c: {  	v45 =	vmovc v5;
	v5 =	vld [tilespmem:s17+$0xFFFFFF00];
	v0 =	vsel vm1, v23, v32;
	vm1 =	vge.f32 v8, $0.0e+00;
	v3 =	vadd.f32 v16, v51;
	(xrf2) =	vadd.scan.msk.f32 $0xffff, v2  }
0x41d: {  	v6 =	vadd.f32 v6, v50;
	v4 =	vmul.f32 v4, v11;
	v14 =	vsel vm1, v22, v30;
	v2 =	vld [tilespmem:s13+$0x10]  }
0x41e: {  	v57 =	vld [tilespmem:s17+$0x50];
	v0 =	vmul.f32 v0, v7;
	v9 =	vadd.f32 v9, v52;
	vm1 =	vge.f32 v3, $0.0e+00  }
0x41f: {  	v8 =	vmul.f32 v14, v8;
	v14 =	vld [tilespmem:s13+$0x50];
	v7 =	vsel vm1, v21, v33;
	vm1 =	vge.f32 v6, $0.0e+00  }
0x420: {  	v56 =	vld [tilespmem:s17+$0x40];
	v10 =	vadd.f32 v10, v54;
	v11 =	vsel vm1, v23, v32;
	vm1 =	vge.f32 v9, $0.0e+00  }
0x421: {  	v47 =	vld [tilespmem:s17+$0xFFFFFF20];
	v1 =	vadd.f32 v1, v0;
	v3 =	vmul.f32 v7, v3;
	v13 =	vsel vm1, v25, v18  }
0x422: {  	v7 =	vld [tilespmem:s13+$0x40];
	[tilespmem:$0x1FA70] =	vst v5;
	v6 =	vmul.f32 v11, v6;
	vm1 =	vge.f32 v10, $0.0e+00;
	v2 =	vadd.f32 v2, v55  }
0x423: {  	v11 =	vld [tilespmem:s13+$0xFFFFFF20];
	v0 =	vmul.f32 v13, v9;
	v9 =	vadd.f32 v12, v5;
	v3 =	vadd.f32 v3, v8  }
0x424: {  	v35 =	vmovc v27;
	v27 =	vmovc v58;
	v58 =	vld [tilespmem:s17+$0xFFFFFF60];
	v8 =	vsel vm1, v22, v30;
	v13 =	vadd.f32 v14, v57;
	vm2 =	vge.f32 v2, $0.0e+00  }
0x425: {  	v60 =	vld [tilespmem:s17+$0xFFFFFFA0];
	v8 =	vmul.f32 v8, v10;
	v10, _, _ =	vpop (xrf2);
	vm1 =	vge.f32 v9, $0.0e+00;
	v12 =	vsel vm2, v21, v33  }
0x426: {  	v6 =	vadd.f32 v0, v6;
	v15 =	vsel vm1, v22, v30;
	v2 =	vmul.f32 v12, v2;
	v12 =	vld [tilespmem:s13+$0xFFFFFF60];
	v14, _, _ =	vpop (xrf2)  }
0x427: {  	v7 =	vadd.f32 v7, v56;
	v0 =	vmul.f32 v15, v9;
	v9 =	vmul.f32 $1.442695020e+00, v14;
	v14 =	vld [tilespmem:s13+$0xFFFFFFA0]  }
0x428: {  	v61 =	vld [tilespmem:s17+$0xFFFFFFE0];
	v10 =	vmul.f32 $1.442695020e+00, v10;
	vm2 =	vge.f32 v13, $0.0e+00  }
0x429: {  	v11 =	vadd.f32 v11, v47;
	v33 =	vld [tilespmem:s13+$0xFFFFFFE0];
	vm1 =	vge.f32 v7, $0.0e+00;
	v16 =	vsel vm2, v25, v18  }
0x42a: {  	v15 =	vsel vm1, v23, v32;
	v13 =	vmul.f32 v16, v13;
	v0 =	vadd.f32 v4, v0  }
0x42b: {  	v63 =	vld [tilespmem:s17+$0x20];
	vm1 =	vge.f32 v11, $0.0e+00;
	v9 =	vbroadcast v9, $0xF;
	v12 =	vadd.f32 v12, v58  }
0x42c: {  	v7 =	vmul.f32 v15, v7;
	v2 =	vadd.f32 v2, v8;
	v4 =	vadd.f32 v14, v60;
	v14 =	vld [tilespmem:s13+$0x20]  }
0x42d: {  	(erf) = vpow2.f32 v9;
	v9 =	vsel vm1, v24, v26;
	vm2 =	vge.f32 v12, $0.0e+00  }
0x42e: {  	v9 =	vmul.f32 v9, v11;
	v11 =	vadd.f32 v33, v61;
	v8 =	vsel vm2, v39, v28  }
0x42f: {  	v16 =	vadd.f32 v13, v7;
	v8 =	vmul.f32 v8, v12;
	vm1 =	vge.f32 v4, $0.0e+00  }
0x430: {  	v32 =	vadd.f32 v9, v0;
	v13 =	vsel vm1, v24, v26;
	vm1 =	vge.f32 v11, $0.0e+00  }
0x431: {  	v9 =	vbroadcast v10, $0xF;
	v10 =	vadd.f32 v14, v63;
	v14 =	vsel vm1, v39, v28  }
0x432: {  	v15 =	vadd.f32 v8, v1;
	v1 =	vmul.f32 v14, v11  }
0x433: {  	v59 =	vld [tilespmem:s17+$0x60]  }
0x434: {  	v30 =	vadd.f32 v1, v6;
	v1 =	vld [tilespmem:$0x1FA80]  }
0x435: {  	v12 =	vld [tilespmem:s13+$0x60];
	_ =	sdelay $0x1  }
0x436: {  	v53 =	vld [tilespmem:s17+$0xFFFFFF30]  }
0x437: {  	v4 =	vmul.f32 v13, v4;
	v13 =	vld [tilespmem:s13+$0xFFFFFF30];
	v11 =	vpop (erf)  }
0x438: {  	(erf) = vpow2.f32 v9;
	vm1 =	vge.f32 v10, $0.0e+00;
	v6 =	vmul.f32 v11, v1  }
0x439: {  	s16 =	simm.s32 $0x1B320;
	v18 =	vadd.f32 v4, v3;
	v4 =	vadd.f32 v12, v59;
	v1 =	vsel vm1, v24, v26  }
0x43a: {  	v9 =	vmul.f32 v1, v10;
	v10 =	vmul.f32 v11, v62;
	[tilespmem:s16+$0x100] =	vst v6  }
0x43b: {  	vm1 =	vge.f32 v4, $0.0e+00;
	v5 =	vld [tilespmem:$0x1FA90]  }
0x43c: {  	v12 =	vadd.f32 v13, v53;
	v13 =	vsel vm1, v39, v28;
	[tilespmem:s16+$0x90] =	vst v10  }
0x43d: {  	v7 =	vmul.f32 v13, v4;
	v4 =	vld [tilespmem:$0x1FAA0];
	_ =	sdelay $0x1  }
0x43e: {  	v0 =	vld [tilespmem:s17+$0xFFFFFF70]  }
0x43f: {  	v3 =	vld [tilespmem:s13+$0xFFFFFF70];
	v6 =	vmul.f32 v11, v5;
	_ =	sdelay $0x1  }
0x440: {  	v10 =	vmul.f32 v11, v4;
	[tilespmem:s16+$0xA0] =	vst v6  }
0x441: {  	v9 =	vadd.f32 v9, v2;
	v2 =	vld [tilespmem:$0x1FAB0]  }
0x442: {  	[tilespmem:s16+$0xB0] =	vst v10  }
0x443: {  	v4 =	vadd.f32 v3, v0;
	v3 =	vld [tilespmem:$0x1FAC0];
	_ =	sdelay $0x2  }
0x444: {  	v2 =	vmul.f32 v11, v2;
	_ =	sdelay $0x1  }
0x445: {  	v6 =	vmul.f32 v11, v3;
	[tilespmem:s16+$0xC0] =	vst v2  }
0x446: {  	vm1 =	vge.f32 v12, $0.0e+00;
	vm2 =	vge.f32 v4, $0.0e+00;
	v2 =	vld [tilespmem:$0x1FAD0]  }
0x447: {  	v10 =	vsel vm1, v20, v19;
	v3 =	vsel vm2, v29, v17;
	[tilespmem:s16+$0xD0] =	vst v6  }
0x448: {  	v12 =	vmul.f32 v10, v12;
	v10 =	vadd.f32 v7, v16;
	v7 =	vmul.f32 v3, v4;
	v3 =	vld [tilespmem:$0x1FAE0];
	_ =	sdelay $0x1  }
0x449: {  	v6 =	vpop (erf)  }
0x44a: {  	v14 =	vnsel vm0, $0x0, v6;
	v5 =	vmul.f32 v11, v2  }
0x44b: {  	v1 =	vld [tilespmem:s17+$0xFFFFFFB0];
	[tilespmem:s16+$0xFFFFFF60] =	vst v14  }
0x44c: {  	v13 =	vld [tilespmem:s13+$0xFFFFFFB0];
	v16 =	vmul.f32 v11, v3;
	v11 =	vnsel vm0, $0x0, v11;
	[tilespmem:s16+$0xE0] =	vst v5  }
0x44d: {  	[tilespmem:s16+$0x110] =	vst v11  }
0x44e: {  	[tilespmem:s16+$0xF0] =	vst v16  }
0x44f: {  	v5 =	vld [tilespmem:$0x1FAF0]  }
0x450: {  	v26 =	vadd.f32 v12, v32;
	v3 =	vpop (erf)  }
0x451: {  	v8 =	vld [tilespmem:s13+$0xFFFFFFF0];
	v12 =	vadd.f32 v13, v1;
	v15 =	vadd.f32 v7, v15;
	v7 =	vpop (erf)  }
0x452: {  	v62 =	vld [tilespmem:s17+$0xFFFFFFF0];
	v11 =	vmul.f32 v7, v27  }
0x453: {  	s15 =	simm.s32 $0x1B560;
	vm1 =	vge.f32 v12, $0.0e+00  }
0x454: {  	[tilespmem:s15+$0x100] =	vst v11;
	v14 =	vmul.f32 v6, v5;
	v5 =	vsel vm1, v20, v19  }
0x455: {  	v12 =	vmul.f32 v5, v12;
	v5 =	vld [tilespmem:$0x1FB00];
	_ =	sdelay $0x1  }
0x456: {  	v8 =	vadd.f32 v8, v62;
	_ =	sdelay $0x1  }
0x457: {  	vm2 =	vge.f32 v8, $0.0e+00  }
0x458: {  	[tilespmem:s16+$0xFFFFFEE0] =	vst v14;
	v11 =	vmul.f32 v6, v5;
	v5 =	vsel vm2, v29, v17  }
0x459: {  	v8 =	vmul.f32 v5, v8;
	v5 =	vld [tilespmem:$0x1FB10];
	_ =	sdelay $0x2  }
0x45a: {  	v28 =	vld [tilespmem:s13+$0x30]  }
0x45b: {  	v13 =	vld [tilespmem:s13+$0x70]  }
0x45c: {  	v2 =	vld [tilespmem:s17+$0x30];
	v14 =	vmul.f32 v6, v5  }
0x45d: {  	v4 =	vld [tilespmem:s17+$0x70];
	[tilespmem:s16+$0xFFFFFEF0] =	vst v11  }
0x45e: {  	[tilespmem:s16+$0xFFFFFF00] =	vst v14  }
0x45f: {  	v14 =	vld [tilespmem:$0x1FB20];
	_ =	sdelay $0x1  }
0x460: {  	v5 =	vadd.f32 v28, v2  }
0x461: {  	v16 =	vadd.f32 v15, v26;
	v11 =	vadd.f32 v13, v4  }
0x462: {  	v12 =	vadd.f32 v12, v18;
	v13 =	vadd.f32 v8, v30;
	vm1 =	vge.f32 v5, $0.0e+00  }
0x463: {  	s0 =	simm.s32 $0x16700;
	s17 =	simm.s32 $0x4;
	(xrf2) =	vadd.scan.msk.f32 $0xffff, v16;
	v8 =	vpop (erf);
	v15 =	vmul.f32 v6, v14;
	v14 =	vsel vm1, v20, v19;
	vm1 =	vge.f32 v11, $0.0e+00  }
.LBB2_12:
0x464: {  	v16 =	vld [tilespmem:s0+$0xB0]  }
0x465: {  	v27 =	vld [tilespmem:$0x1FF00]  }
0x466: {  	v30 =	vld [tilespmem:$0x1FF10]  }
0x467: {  	v14 =	vmul.f32 v14, v5;
	v5 =	vld [tilespmem:s0+$0xF0]  }
0x468: {  	v32 =	vmul.f32 v3, v44;
	v44 =	vld [tilespmem:s0+$0xE0]  }
0x469: {  	v26 =	vld [tilespmem:$0x1F9D0]  }
0x46a: {  	v14 =	vadd.f32 v14, v9;
	v9 =	vld [tilespmem:$0x1FA00]  }
0x46b: {  	v17 =	vmov v48;
	v48 =	vld [tilespmem:s0+$0x80];
	v18 =	vsel vm1, v27, v30  }
0x46c: {  	v29 =	vmov v50;
	v50 =	vld [tilespmem:s0+$0x90];
	v19 =	vmul.f32 v18, v11  }
0x46d: {  	s13 =	sadd.s32 $0x200, s13;
	[tilespmem:s16+$0xFFFFFF10] =	vst v15;
	v12 =	vadd.f32 v13, v12;
	v13 =	vld [tilespmem:$0x1F970];
	v15 =	vmul.f32 v6, v41  }
0x46e: {  	[tilespmem:$0x1F960] =	vst v17;
	v17 =	vld [tilespmem:s13+$0xB0];
	v10 =	vadd.f32 v19, v10  }
0x46f: {  	[tilespmem:s16+$0xFFFFFF20] =	vst v15;
	v15 =	vmul.f32 v6, v9;
	v9 =	vld [tilespmem:$0x1FA30]  }
0x470: {  	v14 =	vadd.f32 v10, v14;
	v10 =	vld [tilespmem:$0x1F9A0]  }
0x471: {  	v43 =	vmul.f32 v8, v43;
	[tilespmem:s16+$0xFFFFFFA0] =	vst v32;
	v32 =	vld [tilespmem:$0x1FFA0]  }
0x472: {  	v41 =	vld [tilespmem:s0+$0xA0]  }
0x473: {  	[tilespmem:s16+$0x30] =	vst v43;
	v18 =	vld [tilespmem:s13+$0xF0];
	v11 =	vmov v46  }
0x474: {  	v13 =	vmul.f32 v6, v13;
	[tilespmem:$0x1F970] =	vst v11;
	v6 =	vmul.f32 v6, v9;
	v9 =	vld [tilespmem:$0x1F980]  }
0x475: {  	v28 =	vmov v52;
	[tilespmem:s16+$0xFFFFFF40] =	vst v15;
	v15 =	vmul.f32 v3, v10;
	v10 =	vld [tilespmem:$0x1F9B0]  }
0x476: {  	[tilespmem:$0x1F9B0] =	vst v28;
	v28 =	vld [tilespmem:$0x1F9E0]  }
0x477: {  	v39 =	vmov v51;
	[tilespmem:s16+$0xFFFFFF30] =	vst v13;
	v19 =	vld [tilespmem:s13+$0xA0]  }
0x478: {  	[tilespmem:s16+$0xFFFFFF50] =	vst v6;
	v6 =	vld [tilespmem:$0x1FA20]  }
0x479: {  	(xrf2) =	vadd.scan.msk.f32 $0xffff, v12;
	v12 =	vmul.f32 v3, v9;
	v9 =	vld [tilespmem:$0x1F990];
	[tilespmem:$0x1F990] =	vst v39  }
0x47a: {  	(xrf2) =	vadd.scan.msk.f32 $0xffff, v14;
	v14 =	vld [tilespmem:$0x1F9C0];
	v39 =	vmov v55;
	[tilespmem:s16+$0xFFFFFFB0] =	vst v15  }
0x47b: {  	v55 =	vmov v56;
	[tilespmem:$0x1F9D0] =	vst v39;
	v51 =	vmul.f32 v8, v28;
	v28 =	vld [tilespmem:$0x1F9F0]  }
0x47c: {  	v43 =	vmov v2;
	v2 =	vmov v4;
	v4 =	vld [tilespmem:s13+$0xFFFFFF50];
	[tilespmem:$0x1F9E0] =	vst v55  }
0x47d: {  	v55 =	vld [tilespmem:s0+$0xD0];
	[tilespmem:s16+$0xFFFFFF70] =	vst v12;
	v15 =	vmov v63  }
0x47e: {  	v6 =	vmul.f32 v3, v6;
	v12 =	vld [tilespmem:$0x1FA40];
	v39 =	vmov v58;
	[tilespmem:$0x1FA40] =	vst v15  }
0x47f: {  	v46 =	vmul.f32 v3, v10;
	v10 =	vmov v49;
	v15 =	vld [tilespmem:s13+$0x90];
	[tilespmem:$0x1FA00] =	vst v39  }
0x480: {  	v49 =	vmul.f32 v8, v26;
	v26, _, _ =	vpop (xrf2);
	v39 =	vld [tilespmem:s13+$0x80];
	[tilespmem:s16+$0xFFFFFFD0] =	vst v6;
	v52 =	vmul.f32 v8, v28;
	v28 =	vmov v54  }
0x481: {  	v6 =	vld [tilespmem:s13+$0xD0];
	[tilespmem:$0x1F9C0] =	vst v28;
	v28 =	vmul.f32 $1.442695020e+00, v26;
	v26 =	vmov v57  }
0x482: {  	[tilespmem:$0x1F9F0] =	vst v26;
	v26 =	vld [tilespmem:$0x1FA50]  }
0x483: {  	[tilespmem:$0x1F9A0] =	vst v29;
	v56 =	vmul.f32 v7, v40;
	v40, _, _ =	vpop (xrf2);
	v33 =	vmul.f32 v3, v9;
	v9 =	vld [tilespmem:$0x1FA10]  }
0x484: {  	v14 =	vmul.f32 v8, v14;
	[tilespmem:s16+$0xFFFFFFC0] =	vst v46;
	v46 =	vmul.f32 $1.442695020e+00, v40;
	v40 =	vmov v48;
	v48 =	vld [tilespmem:s0+$0xFFFFFF40]  }
0x485: {  	[tilespmem:s16+$0xFFFFFF80] =	vst v33;
	v33 =	vld [tilespmem:$0x1FFB0]  }
0x486: {  	v29 =	vmovc v47;
	v47 =	vmovc v45;
	v45 =	vmov v59;
	v59 =	vmul.f32 v7, v34;
	v34 =	vmov v41;
	[tilespmem:s16+$0x0] =	vst v14;
	v54 =	vld [tilespmem:s0+$0xC0]  }
0x487: {  	v14 =	vadd.f32 v19, v34;
	v19 =	vadd.f32 v39, v40;
	v39 =	vld [tilespmem:$0x1FFE0];
	v57 =	vmul.f32 v8, v26;
	v26 =	vmovc v61  }
0x488: {  	v13 =	vmul.f32 v3, v9;
	[tilespmem:$0x1FA20] =	vst v26;
	v26 =	vld [tilespmem:$0x1FA60]  }
0x489: {  	v9 =	vnsel vm0, $0x0, v3;
	v3 =	vmul.f32 v3, v42;
	v42 =	vld [tilespmem:s13+$0xE0];
	[tilespmem:$0x1FA50] =	vst v2  }
0x48a: {  	v2 =	vld [tilespmem:s13+$0xFFFFFF40];
	[tilespmem:s16+$0xFFFFFF90] =	vst v13  }
0x48b: {  	v13 =	vmul.f32 v8, v35;
	[tilespmem:s16+$0xFFFFFFE0] =	vst v3;
	v35 =	vld [tilespmem:$0x1FFC0]  }
0x48c: {  	v18 =	vadd.f32 v18, v5;
	[tilespmem:s16+$0x10] =	vst v49;
	v49 =	vld [tilespmem:s0+$0xFFFFFF80]  }
0x48d: {  	v11 =	vnsel vm0, $0x0, v8;
	v12 =	vmul.f32 v8, v12;
	v8 =	vmovc v60;
	v60 =	vmul.f32 v7, v26;
	v26 =	vmovc v16;
	v16 =	vld [tilespmem:s13+$0xC0]  }
0x48e: {  	vm1 =	vge.f32 v18, $0.0e+00;
	v63 =	vmul.f32 v7, v37;
	v58 =	vmul.f32 v7, v38;
	v38 =	vmovc v50;
	[tilespmem:s16+$0x40] =	vst v51;
	v51 =	vld [tilespmem:s0+$0xFFFFFF90]  }
0x48f: {  	v37 =	vmovc v55;
	v50 =	vld [tilespmem:s0+$0xFFFFFFC0];
	v61 =	vmul.f32 v7, v36;
	v36 =	vmovc v54;
	v54 =	vmul.f32 v7, v31;
	v31 =	vmov v44  }
0x490: {  	[tilespmem:s16+$0x20] =	vst v12;
	v44 =	vmovc v1;
	v1 =	vadd.f32 v15, v38;
	v55 =	vadd.f32 v42, v31;
	v42 =	vmov v62;
	v62 =	vld [tilespmem:$0x1FFD0]  }
0x491: {  	vm4 =	vge.f32 v14, $0.0e+00;
	vm3 =	vge.f32 v19, $0.0e+00;
	v15 =	vld [tilespmem:s13+$0xFFFFFF10];
	[tilespmem:$0x1FA10] =	vst v8;
	v8 =	vbroadcast v28, $0xF  }
0x492: {  	v3 =	vmovc v0;
	[tilespmem:s16+$0x60] =	vst v13;
	v28 =	vld [tilespmem:$0x1FF80];
	vm6 =	vge.f32 v1, $0.0e+00;
	v13 =	vsel vm3, v22, v35;
	v12 =	vadd.f32 v16, v36  }
0x493: {  	[tilespmem:$0x1FA30] =	vst v3;
	(erf) = vpow2.f32 v8;
	v8 =	vld [tilespmem:s0+$0xFFFFFF10];
	v3 =	vadd.f32 v17, v26;
	v17 =	vbroadcast v46, $0xF  }
0x494: {  	v13 =	vmul.f32 v13, v19;
	v19 =	vsel vm4, v24, v32;
	v46 =	vld [tilespmem:s0+$0xFFFFFF50];
	vm7 =	vge.f32 v12, $0.0e+00  }
0x495: {  	[tilespmem:$0x1FA60] =	vst v26;
	v26 =	vld [tilespmem:$0x1FF90];
	(erf) = vpow2.f32 v17;
	v17 =	vsel vm6, v21, v39;
	v41 =	vsel vm7, v23, v62  }
0x496: {  	[tilespmem:$0x1F980] =	vst v10;
	v1 =	vmul.f32 v17, v1;
	v16 =	vadd.f32 v6, v37;
	v12 =	vmul.f32 v41, v12;
	v41 =	vld [tilespmem:$0x1FFF0]  }
0x497: {  	v10 =	vnsel vm0, $0x0, v7;
	[tilespmem:s16+$0x50] =	vst v52;
	v52 =	vld [tilespmem:s0+$0xFFFFFFD0];
	v0, _, _ =	vpop (xrf2);
	v2 =	vadd.f32 v2, v48;
	v14 =	vmul.f32 v19, v14  }
0x498: {  	v7 =	vmul.f32 $1.442695020e+00, v0;
	v0 =	vld [tilespmem:s13+$0xFFFFFF00];
	v1 =	vadd.f32 v1, v13;
	vm8 =	vge.f32 v16, $0.0e+00  }
0x499: {  	vm5 =	vge.f32 v55, $0.0e+00;
	[tilespmem:s15+$0x90] =	vst v56;
	v56 =	vld [tilespmem:s13+$0xFFFFFF80];
	vm2 =	vge.f32 v3, $0.0e+00;
	v17 =	vsel vm8, v25, v28  }
0x49a: {  	[tilespmem:s16+$0x70] =	vst v57;
	v4 =	vadd.f32 v4, v46;
	v1 =	vadd.f32 v14, v1;
	v14 =	vld [tilespmem:s13+$0xFFFFFFD0];
	v16 =	vmul.f32 v17, v16  }
0x49b: {  	[tilespmem:s15+$0xD0] =	vst v61;
	v61 =	vld [tilespmem:s13+$0xFFFFFFC0];
	v15 =	vadd.f32 v15, v8;
	v17 =	vsel vm2, v20, v26;
	v19 =	vsel vm5, v41, v33  }
0x49c: {  	[tilespmem:s15+$0xF0] =	vst v54;
	vm2 =	vge.f32 v4, $0.0e+00;
	v12 =	vadd.f32 v16, v12;
	v16 =	vld [tilespmem:s13+$0xFFFFFF90];
	v13 =	vmul.f32 v19, v55  }
0x49d: {  	v54 =	vld [tilespmem:s0+$0x0];
	[tilespmem:s15+$0x110] =	vst v10;
	v17 =	vmul.f32 v17, v3;
	v10 =	vsel vm2, v25, v28;
	v19 =	vsel vm1, v27, v30  }
0x49e: {  	v20 =	vld [tilespmem:s0+$0xFFFFFF00];
	[tilespmem:s16+$0xFFFFFFF0] =	vst v9;
	v9 =	vadd.f32 v56, v49;
	v12 =	vadd.f32 v13, v12;
	v13 =	vmul.f32 v19, v18  }
0x49f: {  	v1 =	vadd.f32 v17, v1;
	v14 =	vadd.f32 v14, v52;
	vm1 =	vge.f32 v15, $0.0e+00;
	v55 =	vld [tilespmem:s0+$0x10];
	[tilespmem:s16+$0x80] =	vst v11  }
0x4a0: {  	v56 =	vld [tilespmem:s0+$0x40];
	v18 =	vsel vm1, v21, v39;
	vm1 =	vge.f32 v2, $0.0e+00;
	v12 =	vadd.f32 v13, v12  }
0x4a1: {  	v57 =	vld [tilespmem:s0+$0x50];
	v11 =	vsel vm1, v23, v62;
	vm1 =	vge.f32 v9, $0.0e+00;
	v13 =	vadd.f32 v16, v51  }
0x4a2: {  	v17 =	vld [tilespmem:s13+$0x0];
	v16 =	vsel vm1, v22, v35;
	v1 =	vadd.f32 v12, v1;
	v12 =	vadd.f32 v61, v50  }
0x4a3: {  	v19 =	vld [tilespmem:s13+$0x40];
	v2 =	vmul.f32 v11, v2;
	v9 =	vmul.f32 v16, v9;
	vm1 =	vge.f32 v13, $0.0e+00  }
0x4a4: {  	v6 =	vpop (erf);
	(xrf2) =	vadd.scan.msk.f32 $0xffff, v1;
	v1 =	vmul.f32 v18, v15;
	v15 =	vsel vm1, v21, v39;
	vm1 =	vge.f32 v12, $0.0e+00;
	v18 =	vld [tilespmem:s13+$0x10]  }
0x4a5: {  	v16 =	vld [tilespmem:s13+$0x50];
	v11 =	vsel vm1, v23, v62;
	v13 =	vmul.f32 v15, v13;
	v15 =	vnsel vm0, $0x0, v6  }
0x4a6: {  	v4 =	vmul.f32 v10, v4;
	vm1 =	vge.f32 v14, $0.0e+00;
	v12 =	vmul.f32 v11, v12;
	v11 =	vld [tilespmem:s0+$0xFFFFFF20];
	[tilespmem:s15+$0xFFFFFF60] =	vst v15  }
0x4a7: {  	[tilespmem:s15+$0xA0] =	vst v58;
	v0 =	vadd.f32 v0, v20;
	v10 =	vsel vm1, v25, v28;
	v58 =	vld [tilespmem:s0+$0xFFFFFF60]  }
0x4a8: {  	v2 =	vadd.f32 v4, v2;
	v4 =	vmul.f32 v10, v14;
	v10 =	vadd.f32 v17, v54;
	v14 =	vld [tilespmem:s13+$0xFFFFFF20]  }
0x4a9: {  	vm2 =	vge.f32 v0, $0.0e+00;
	v9 =	vadd.f32 v13, v9;
	v15 =	vld [tilespmem:s13+$0xFFFFFF60];
	v13 =	vadd.f32 v18, v55  }
0x4aa: {  	v4 =	vadd.f32 v4, v12;
	vm1 =	vge.f32 v10, $0.0e+00;
	v12 =	vadd.f32 v19, v56  }
0x4ab: {  	[tilespmem:s15+$0xC0] =	vst v60;
	v60 =	vld [tilespmem:s0+$0xFFFFFFA0];
	v16 =	vadd.f32 v16, v57;
	v17 =	vsel vm1, v22, v35;
	vm1 =	vge.f32 v13, $0.0e+00  }
0x4ac: {  	v61 =	vld [tilespmem:s0+$0xFFFFFFE0];
	v10 =	vmul.f32 v17, v10;
	v18 =	vsel vm1, v21, v39;
	vm1 =	vge.f32 v12, $0.0e+00  }
0x4ad: {  	v39 =	vsel vm2, v22, v35;
	v14 =	vadd.f32 v14, v11;
	v17 =	vsel vm1, v23, v62;
	v62 =	vld [tilespmem:s13+$0xFFFFFFA0]  }
0x4ae: {  	v22 =	vld [tilespmem:s13+$0xFFFFFFE0];
	v15 =	vadd.f32 v15, v58;
	vm1 =	vge.f32 v16, $0.0e+00;
	v0 =	vmul.f32 v39, v0;
	v19, _, _ =	vpop (xrf2)  }
0x4af: {  	v21 =	vsel vm1, v25, v28;
	vm1 =	vge.f32 v14, $0.0e+00;
	v19 =	vmul.f32 $1.442695020e+00, v19  }
0x4b0: {  	[tilespmem:s15+$0xE0] =	vst v63;
	v63 =	vld [tilespmem:s0+$0x20];
	v13 =	vmul.f32 v18, v13;
	v12 =	vmul.f32 v17, v12;
	v17 =	vsel vm1, v24, v32  }
0x4b1: {  	v1 =	vadd.f32 v1, v0;
	v14 =	vmul.f32 v17, v14;
	v18 =	vbroadcast v19, $0xF;
	v19 =	vld [tilespmem:s13+$0x20]  }
0x4b2: {  	v16 =	vmul.f32 v21, v16;
	v10 =	vadd.f32 v13, v10;
	v21 =	vadd.f32 v62, v60  }
0x4b3: {  	vm1 =	vge.f32 v15, $0.0e+00;
	v17 =	vadd.f32 v22, v61;
	v14 =	vadd.f32 v14, v1  }
0x4b4: {  	v3 =	vpop (erf);
	(erf) = vpow2.f32 v18;
	v18 =	vsel vm1, v41, v33;
	vm1 =	vge.f32 v21, $0.0e+00  }
0x4b5: {  	v13 =	vmul.f32 v18, v15;
	v1 =	vsel vm1, v24, v32;
	vm1 =	vge.f32 v17, $0.0e+00  }
0x4b6: {  	v18 =	vmul.f32 v1, v21;
	v21 =	vsel vm1, v41, v33;
	v19 =	vadd.f32 v19, v63  }
0x4b7: {  	v13 =	vadd.f32 v13, v2;
	v2 =	vmul.f32 v21, v17  }
0x4b8: {  	vm1 =	vge.f32 v19, $0.0e+00  }
0x4b9: {  	v22 =	vadd.f32 v2, v4;
	v2 =	vsel vm1, v24, v32  }
0x4ba: {  	v18 =	vadd.f32 v18, v9;
	v9 =	vmul.f32 v2, v19  }
0x4bb: {  	[tilespmem:s15+$0xB0] =	vst v59;
	v59 =	vld [tilespmem:s0+$0x60]  }
0x4bc: {  	v9 =	vadd.f32 v9, v10;
	v10 =	vld [tilespmem:$0x1FA70]  }
0x4bd: {  	v35 =	vmov v45;
	v45 =	vld [tilespmem:s13+$0x60]  }
0x4be: {  	v23 =	vld [tilespmem:s0+$0xFFFFFF30]  }
0x4bf: {  	v15 =	vld [tilespmem:s13+$0xFFFFFF30];
	_ =	sdelay $0x1  }
0x4c0: {  	v7 =	vbroadcast v7, $0xF;
	v25 =	vld [tilespmem:s13+$0x30];
	v19 =	vmul.f32 v6, v10;
	v10 =	vmov v20  }
0x4c1: {  	[tilespmem:$0x1FA70] =	vst v10;
	v10 =	vld [tilespmem:$0x1FF50]  }
0x4c2: {  	v0 =	vld [tilespmem:s0+$0xFFFFFF70];
	v17 =	vadd.f32 v45, v59  }
0x4c3: {  	v12 =	vadd.f32 v16, v12;
	v16 =	vld [tilespmem:s13+$0xFFFFFF70];
	v15 =	vadd.f32 v15, v23  }
0x4c4: {  	v62 =	vld [tilespmem:s0+$0xFFFFFFF0];
	(erf) = vpow2.f32 v7;
	vm1 =	vge.f32 v17, $0.0e+00;
	v7 =	vpop (erf)  }
0x4c5: {  	v1 =	vld [tilespmem:s0+$0xFFFFFFB0];
	v4 =	vsel vm1, v41, v33;
	vm1 =	vge.f32 v15, $0.0e+00;
	v5 =	vmul.f32 v7, v5  }
0x4c6: {  	s16 =	smov.u32 s15;
	s15 =	sadd.s32 $0x240, s15;
	v21 =	vld [tilespmem:s13+$0xFFFFFFB0];
	v20 =	vsel vm1, v10, v26  }
0x4c7: {  	v24 =	vld [tilespmem:s13+$0xFFFFFFF0];
	[tilespmem:s15+$0x100] =	vst v5;
	v5 =	vmul.f32 v20, v15  }
0x4c8: {  	v16 =	vadd.f32 v16, v0;
	v2 =	vld [tilespmem:s0+$0x30];
	v17 =	vmul.f32 v4, v17  }
0x4c9: {  	v14 =	vadd.f32 v5, v14;
	v5 =	vld [tilespmem:$0x1FF50]  }
0x4ca: {  	v4 =	vld [tilespmem:s0+$0x70];
	vm1 =	vge.f32 v16, $0.0e+00;
	v10 =	vadd.f32 v17, v12  }
0x4cb: {  	v17 =	vld [tilespmem:s13+$0x70];
	v12 =	vsel vm1, v27, v30;
	v15 =	vadd.f32 v21, v1;
	v20 =	vmul.f32 v6, v29  }
0x4cc: {  	s17 =	sadd.s32 $0x4, s17;
	v41 =	vld [tilespmem:$0x1F960];
	[tilespmem:s16+$0xFFFFFEE0] =	vst v19;
	v12 =	vmul.f32 v12, v16;
	v16 =	vadd.f32 v24, v62  }
0x4cd: {  	p0 =	slt.u32 s17, $0x24;
	v19 =	vmul.f32 v6, v47;
	vm1 =	vge.f32 v15, $0.0e+00;
	[tilespmem:s16+$0xFFFFFF00] =	vst v20;
	v20 =	vld [tilespmem:$0x1FF50]  }
.Ltmp4:
0x4ce: {  	v47 =	vmovc v11;
	v21 =	vld [tilespmem:$0x1FF30];
	v11 =	vadd.f32 v12, v13;
	v5 =	vsel vm1, v5, v26;
	vm1 =	vge.f32 v16, $0.0e+00;
	(pc) =	sbr.rel @p0 .LBB2_12-.Ltmp4, $4  }
0x4cf: {  	v24 =	vld [tilespmem:$0x1FF40];
	v12 =	vmul.f32 v5, v15;
	v13 =	vsel vm1, v27, v30;
	v5 =	vadd.f32 v25, v2  }
0x4d0: {  	[tilespmem:s16+$0xFFFFFEF0] =	vst v19;
	v19 =	vadd.f32 v11, v14;
	v11 =	vadd.f32 v17, v4;
	v25 =	vld [tilespmem:$0x1FF70];
	v13 =	vmul.f32 v13, v16  }
0x4d1: {  	v45 =	vmovc v8;
	v15 =	vmul.f32 v6, v53;
	v53 =	vmovc v23;
	v23 =	vld [tilespmem:$0x1FF60];
	v12 =	vadd.f32 v12, v18;
	vm1 =	vge.f32 v5, $0.0e+00  }
0x4d2: {  	s0 =	sadd.s32 $0x200, s0;
	v8 =	vpop (erf);
	(xrf2) =	vadd.scan.msk.f32 $0xffff, v19;
	v13 =	vadd.f32 v13, v22;
	v22 =	vld [tilespmem:$0x1FF20];
	v14 =	vsel vm1, v20, v26;
	vm1 =	vge.f32 v11, $0.0e+00  }
0x4d3: {  	v16 =	vmul.f32 v6, v41  }
0x4d4: {  	[tilespmem:s16+$0xFFFFFF10] =	vst v15  }
0x4d5: {  	v15 =	vld [tilespmem:$0x1F970];
	[tilespmem:s16+$0xFFFFFF20] =	vst v16  }
0x4d6: {  	v16 =	vld [tilespmem:$0x1FA00]  }
0x4d7: {  	v17 =	vld [tilespmem:$0x1FA30];
	_ =	sdelay $0x2  }
0x4d8: {  	v15 =	vmul.f32 v6, v15  }
0x4d9: {  	v16 =	vmul.f32 v6, v16  }
0x4da: {  	v6 =	vmul.f32 v6, v17;
	[tilespmem:s16+$0xFFFFFF30] =	vst v15  }
0x4db: {  	v15 =	vld [tilespmem:$0x1F980];
	[tilespmem:s16+$0xFFFFFF40] =	vst v16  }
0x4dc: {  	v16 =	vld [tilespmem:$0x1F990];
	[tilespmem:s16+$0xFFFFFF50] =	vst v6  }
0x4dd: {  	v6 =	vld [tilespmem:$0x1FA10];
	_ =	sdelay $0x2  }
0x4de: {  	v15 =	vmul.f32 v3, v15  }
0x4df: {  	v16 =	vmul.f32 v3, v16  }
0x4e0: {  	[tilespmem:s16+$0xFFFFFF70] =	vst v15;
	v6 =	vmul.f32 v3, v6  }
0x4e1: {  	[tilespmem:s16+$0xFFFFFF80] =	vst v16  }
0x4e2: {  	v15 =	vmul.f32 v3, v44;
	v16 =	vld [tilespmem:$0x1F9A0];
	[tilespmem:s16+$0xFFFFFF90] =	vst v6  }
0x4e3: {  	v6 =	vld [tilespmem:$0x1F9B0]  }
0x4e4: {  	[tilespmem:s16+$0xFFFFFFA0] =	vst v15  }
0x4e5: {  	v15 =	vld [tilespmem:$0x1FA20];
	_ =	sdelay $0x1  }
0x4e6: {  	v16 =	vmul.f32 v3, v16  }
0x4e7: {  	v6 =	vmul.f32 v3, v6  }
0x4e8: {  	[tilespmem:s16+$0xFFFFFFB0] =	vst v16  }
0x4e9: {  	v15 =	vmul.f32 v3, v15;
	[tilespmem:s16+$0xFFFFFFC0] =	vst v6  }
0x4ea: {  	v6 =	vadd.f32 v13, v12;
	v12 =	vld [tilespmem:$0x1F9C0]  }
0x4eb: {  	[tilespmem:s16+$0xFFFFFFD0] =	vst v15  }
0x4ec: {  	v13 =	vld [tilespmem:$0x1F9D0];
	_ =	sdelay $0x1  }
0x4ed: {  	v16 =	vmul.f32 v3, v42  }
0x4ee: {  	v12 =	vmul.f32 v8, v12  }
0x4ef: {  	[tilespmem:s16+$0xFFFFFFE0] =	vst v16  }
0x4f0: {  	(xrf2) =	vadd.scan.msk.f32 $0xffff, v6;
	v6 =	vld [tilespmem:$0x1FA40];
	v13 =	vmul.f32 v8, v13;
	[tilespmem:s16+$0x0] =	vst v12  }
0x4f1: {  	v44 =	vld [tilespmem:$0x1FF00]  }
0x4f2: {  	v17 =	vld [tilespmem:$0x1FF10];
	[tilespmem:s16+$0x10] =	vst v13  }
0x4f3: {  	v13 =	vld [tilespmem:$0x1F9E0];
	_ =	sdelay $0x1  }
0x4f4: {  	v6 =	vmul.f32 v8, v6;
	_ =	sdelay $0x1  }
0x4f5: {  	v5 =	vmul.f32 v14, v5;
	v14 =	vmul.f32 v8, v43;
	[tilespmem:s16+$0x20] =	vst v6  }
0x4f6: {  	v6 =	vld [tilespmem:$0x1F9F0];
	v12 =	vsel vm1, v44, v17;
	v13 =	vmul.f32 v8, v13  }
0x4f7: {  	[tilespmem:s16+$0x30] =	vst v14;
	v11 =	vmul.f32 v12, v11  }
0x4f8: {  	[tilespmem:s16+$0x40] =	vst v13  }
0x4f9: {  	v5 =	vadd.f32 v5, v9;
	v9 =	vadd.f32 v11, v10;
	v11 =	vld [tilespmem:$0x1FA50];
	_ =	sdelay $0x1  }
0x4fa: {  	v6 =	vmul.f32 v8, v6  }
0x4fb: {  	v12, _, _ =	vpop (xrf2);
	v10 =	vmul.f32 v8, v35  }
0x4fc: {  	v12 =	vmul.f32 $1.442695020e+00, v12;
	[tilespmem:s16+$0x50] =	vst v6;
	v6 =	vmul.f32 v7, v40;
	v5 =	vadd.f32 v9, v5  }
0x4fd: {  	[tilespmem:s16+$0x60] =	vst v10;
	v9 =	vmul.f32 v7, v38;
	v11 =	vmul.f32 v8, v11  }
0x4fe: {  	v12 =	vbroadcast v12, $0xF;
	[tilespmem:s15+$0x90] =	vst v6;
	(xrf2) =	vadd.scan.msk.f32 $0xffff, v5  }
0x4ff: {  	[tilespmem:s16+$0x70] =	vst v11  }
0x500: {  	v5 =	vmul.f32 v7, v34;
	(erf) = vpow2.f32 v12;
	v6 =	vld [tilespmem:$0x1FA60]  }
0x501: {  	[tilespmem:s15+$0xA0] =	vst v9;
	v9, _, _ =	vpop (xrf2)  }
0x502: {  	v10 =	vmul.f32 v7, v36;
	[tilespmem:s15+$0xB0] =	vst v5;
	v5 =	vmul.f32 $1.442695020e+00, v9;
	_ =	sdelay $0x1  }
0x503: {  	v3 =	vnsel vm0, $0x0, v3;
	[tilespmem:s15+$0xD0] =	vst v10;
	v5 =	vbroadcast v5, $0xF  }
0x504: {  	[tilespmem:s16+$0xFFFFFFF0] =	vst v3;
	v3 =	vnsel vm0, $0x0, v7;
	v6 =	vmul.f32 v7, v6  }
0x505: {  	v9 =	vmul.f32 v7, v37;
	[tilespmem:s15+$0x110] =	vst v3;
	(erf) = vpow2.f32 v5  }
0x506: {  	[tilespmem:s15+$0xC0] =	vst v6;
	v6 =	vmul.f32 v7, v31  }
0x507: {  	[tilespmem:s15+$0xE0] =	vst v9;
	v7, _, _ =	vpop (xrf2)  }
0x508: {  	v5 =	vpop (erf);
	v7 =	vmul.f32 $1.442695020e+00, v7;
	[tilespmem:s15+$0xF0] =	vst v6;
	v6 =	vnsel vm0, $0x0, v8  }
0x509: {  	v3 =	vnsel vm0, $0x0, v5;
	[tilespmem:s16+$0x80] =	vst v6  }
0x50a: {  	v7 =	vbroadcast v7, $0xF;
	v6 =	vld [tilespmem:$0x1FA70];
	[tilespmem:s15+$0xFFFFFF60] =	vst v3;
	v3 =	vmul.f32 v5, v45;
	_ =	sdelay $0x1  }
0x50b: {  	[tilespmem:s15+$0xFFFFFEF0] =	vst v3;
	v3 =	vmul.f32 v5, v53  }
0x50c: {  	v0 =	vmul.f32 v5, v0  }
0x50d: {  	(erf) = vpow2.f32 v7;
	v7 =	vpop (erf);
	[tilespmem:s15+$0xFFFFFF10] =	vst v3;
	v3 =	vmul.f32 v5, v46  }
0x50e: {  	[tilespmem:s15+$0xFFFFFF50] =	vst v0;
	v0 =	vmul.f32 v7, v60  }
0x50f: {  	v1 =	vmul.f32 v7, v1;
	[tilespmem:s15+$0xFFFFFF30] =	vst v3  }
0x510: {  	v6 =	vmul.f32 v5, v6;
	[tilespmem:s15+$0xFFFFFF90] =	vst v0  }
0x511: {  	v3 =	vmul.f32 v7, v49;
	[tilespmem:s15+$0xFFFFFFA0] =	vst v1  }
0x512: {  	v0 =	vmul.f32 v7, v52;
	[tilespmem:s15+$0xFFFFFEE0] =	vst v6  }
0x513: {  	v6 =	vmul.f32 v5, v47;
	[tilespmem:s15+$0xFFFFFF70] =	vst v3  }
0x514: {  	v1 =	vmul.f32 v7, v61;
	[tilespmem:s15+$0xFFFFFFC0] =	vst v0  }
0x515: {  	v3 =	vmul.f32 v7, v50;
	[tilespmem:s15+$0xFFFFFF00] =	vst v6;
	v6 =	vmul.f32 v5, v48  }
0x516: {  	[tilespmem:s15+$0xFFFFFFD0] =	vst v1  }
0x517: {  	[tilespmem:s15+$0xFFFFFF20] =	vst v6;
	v6 =	vmul.f32 v5, v58;
	v5 =	vmul.f32 v7, v51  }
0x518: {  	[tilespmem:s15+$0xFFFFFFB0] =	vst v3  }
0x519: {  	v3 =	vpop (erf);
	[tilespmem:s15+$0xFFFFFF80] =	vst v5;
	v5 =	vmul.f32 v7, v62  }
0x51a: {  	[tilespmem:s15+$0xFFFFFF40] =	vst v6;
	v0 =	vmul.f32 v3, v54  }
0x51b: {  	v1 =	vmul.f32 v3, v55;
	[tilespmem:s15+$0xFFFFFFE0] =	vst v5  }
0x51c: {  	v5 =	vmul.f32 v3, v63;
	[tilespmem:s15+$0x0] =	vst v0  }
0x51d: {  	v0 =	vmul.f32 v3, v2;
	[tilespmem:s15+$0x10] =	vst v1  }
0x51e: {  	v1 =	vmul.f32 v3, v56;
	[tilespmem:s15+$0x20] =	vst v5  }
0x51f: {  	v2 =	vmul.f32 v3, v57;
	[tilespmem:s15+$0x30] =	vst v0  }
0x520: {  	v0 =	vmul.f32 v3, v59;
	[tilespmem:s15+$0x40] =	vst v1  }
0x521: {  	v1 =	vmul.f32 v3, v4;
	[tilespmem:s15+$0x50] =	vst v2  }
0x522: {  	[tilespmem:s15+$0x60] =	vst v0  }
0x523: {  	v0 =	vnsel vm0, $0x0, v7;
	[tilespmem:s15+$0x70] =	vst v1  }
0x524: {  	v1 =	vnsel vm0, $0x0, v3;
	[tilespmem:s15+$0xFFFFFFF0] =	vst v0  }
0x525: {  	s0 =	simm.s32 $0x16160;
	[tilespmem:s15+$0x80] =	vst v1  }
0x526: {  	[spmem:s3] =	stream.indirect.scatter.add.f32 [tilespmem:s20], [sflag:$0x3], $0x90, s0, s26, $0xb8;
	[tilespmem:$0x1EC00] =	vst v63  }
0x527: {  	_ =	swait.ge [sflag:s25], $0x78  }
0x528: {  	s16 =	smin.u32 s8, $0xF6;
	[sflag:s25] =	ssyncset.done $0x0;
	s17 =	rddreg [dreg:$0xc]  }
0x529: {  	[sflag:s25] =	ssyncadd.s32 $0xFFFFFF88;
	s0 =	sadd.s32 s16, s17  }
0x52a: {  	[tilespmem:s28], [sflag:$0x1] =	stream.indirect.gather [hbm4b:s6+s26], $0x80, s23, s26, $0xb8;
	[tilespmem:$0x1EC00] =	vst v63  }
0x52b: {  	s13 =	simm.s32 $0x16048;
	s0 =	smul.u32 $0x78, s0  }
0x52c: {  	[tilespmem:s30], [sflag:$0x1] =	stream.indirect.gather [hbm4b:s9+s26], $0x80, s13, s26, $0xb8;
	[tilespmem:$0x1EC00] =	vst v63  }
0x52d: {  	s0 =	sadd.s32 s5, s0;
	_ =	swait.ge [sflag:s7], $0x1680  }
0x52e: {  	s0 =	sshrl.u32 s0, $0x3;
	[sflag:s7] =	ssyncset.done $0x0  }
0x52f: {  	s0 =	sadd.s32 s11, s0;
	[sflag:s7] =	ssyncadd.s32 $0xFFFFE980  }
0x530: {  	[tilespmem:s24], [sflag:$0x6] =	stream.linear.gather [hbm4b:s0+s4], $0x78, $0x38;
	[tilespmem:$0x1EC00] =	vst v63  }
0x531: {  	_ =	swait.ge [sflag:s12], $0x1400  }
0x532: {  	[sflag:s12] =	ssyncset.done $0x0  }
0x533: {  	[sflag:s12] =	ssyncadd.s32 $0xFFFFEC00  }
0x534: {  	_ =	swait.ge [sflag:s12], $0x1400  }
0x535: {  	[sflag:s12] =	ssyncset.done $0x0  }
0x536: {  	s15 =	simm.s32 $0x17700;
	[sflag:s12] =	ssyncadd.s32 $0xFFFFEC00  }
0x537: {  	v13 =	vld [tilespmem:s15+$0xB0];
	_ =	sdelay $0x4  }
0x538: {  	[tilespmem:$0x1F8E0] =	vst v13  }
0x539: {  	v18 =	vld [tilespmem:s15+$0xF0];
	_ =	sdelay $0x4  }
0x53a: {  	[tilespmem:$0x1F8B0] =	vst v18  }
0x53b: {  	v16 =	vld [tilespmem:s15+$0xA0];
	_ =	sdelay $0x2  }
0x53c: {  	s16 =	simm.s32 $0x19F00  }
0x53d: {  	v0 =	vld [tilespmem:s16+$0xB0]  }
0x53e: {  	v1 =	vld [tilespmem:s16+$0xF0];
	[tilespmem:$0x1F8D0] =	vst v16  }
0x53f: {  	v12 =	vld [tilespmem:s15+$0xE0];
	_ =	sdelay $0x4  }
0x540: {  	[tilespmem:$0x1F910] =	vst v12  }
0x541: {  	v19 =	vld [tilespmem:s15+$0x90];
	_ =	sdelay $0x2  }
0x542: {  	v2 =	vld [tilespmem:s16+$0xA0]  }
0x543: {  	v3 =	vld [tilespmem:s16+$0xE0]  }
0x544: {  	v62 =	vld [tilespmem:s15+$0x80];
	[tilespmem:$0x1F8C0] =	vst v19  }
0x545: {  	v15 =	vld [tilespmem:s15+$0xC0];
	_ =	sdelay $0x4  }
0x546: {  	[tilespmem:$0x1F8F0] =	vst v15  }
0x547: {  	v14 =	vld [tilespmem:s15+$0xD0]  }
0x548: {  	v30 =	vld [tilespmem:$0x1FFC0]  }
0x549: {  	v33 =	vld [tilespmem:$0x1FFE0]  }
0x54a: {  	v32 =	vld [tilespmem:$0x1FFD0]  }
0x54b: {  	v26 =	vld [tilespmem:$0x1FFA0]  }
0x54c: {  	v28 =	vld [tilespmem:$0x1FFB0];
	[tilespmem:$0x1F900] =	vst v14  }
0x54d: {  	v53 =	vld [tilespmem:s15+$0xFFFFFF10]  }
0x54e: {  	v39 =	vld [tilespmem:$0x1FFF0]  }
0x54f: {  	v4 =	vld [tilespmem:s16+$0x80]  }
0x550: {  	v5 =	vld [tilespmem:s16+$0x90]  }
0x551: {  	v6 =	vld [tilespmem:s16+$0xC0]  }
0x552: {  	v7 =	vld [tilespmem:s16+$0xD0];
	[tilespmem:$0x1F930] =	vst v53  }
0x553: {  	v41 =	vld [tilespmem:s15+$0xFFFFFF40]  }
0x554: {  	v54 =	vld [tilespmem:s15+$0xFFFFFF50]  }
0x555: {  	v8 =	vld [tilespmem:s16+$0xFFFFFF00]  }
0x556: {  	v9 =	vld [tilespmem:s16+$0xFFFFFF10]  }
0x557: {  	v10 =	vld [tilespmem:s16+$0xFFFFFF40]  }
0x558: {  	v11 =	vld [tilespmem:s16+$0xFFFFFF50]  }
0x559: {  	v55 =	vld [tilespmem:s15+$0xFFFFFF80]  }
0x55a: {  	v56 =	vld [tilespmem:s15+$0xFFFFFF90]  }
0x55b: {  	v29 =	vld [tilespmem:s15+$0xFFFFFFC0]  }
0x55c: {  	v0 =	vadd.f32 v0, v13;
	v57 =	vld [tilespmem:s15+$0xFFFFFFD0]  }
0x55d: {  	v3 =	vadd.f32 v3, v12;
	v5 =	vadd.f32 v5, v19;
	v12 =	vld [tilespmem:s16+$0xFFFFFF80]  }
0x55e: {  	v1 =	vadd.f32 v1, v18;
	v6 =	vadd.f32 v6, v15;
	v13 =	vld [tilespmem:s16+$0xFFFFFF90]  }
0x55f: {  	v4 =	vadd.f32 v4, v62;
	v7 =	vadd.f32 v7, v14;
	v14 =	vld [tilespmem:s16+$0xFFFFFFC0];
	vm6 =	vge.f32 v5, $0.0e+00  }
0x560: {  	v2 =	vadd.f32 v2, v16;
	v15 =	vld [tilespmem:s16+$0xFFFFFFD0];
	vm7 =	vge.f32 v6, $0.0e+00;
	v18 =	vsel vm6, v21, v33  }
0x561: {  	vm3 =	vge.f32 v4, $0.0e+00;
	v19 =	vsel vm7, v23, v32;
	v5 =	vmul.f32 v18, v5;
	v18 =	vld [tilespmem:$0x1FF80]  }
0x562: {  	v16 =	vsel vm3, v22, v30;
	v6 =	vmul.f32 v19, v6;
	v19 =	vld [tilespmem:$0x1FF90]  }
0x563: {  	vm4 =	vge.f32 v2, $0.0e+00;
	v58 =	vld [tilespmem:s15+$0x0];
	v4 =	vmul.f32 v16, v4  }
0x564: {  	v27 =	vsel vm4, v24, v26;
	v59 =	vld [tilespmem:s15+$0x10]  }
0x565: {  	v2 =	vmul.f32 v27, v2;
	v31 =	vld [tilespmem:s15+$0x40];
	vm8 =	vge.f32 v7, $0.0e+00;
	v4 =	vadd.f32 v5, v4  }
0x566: {  	vm1 =	vge.f32 v0, $0.0e+00;
	v60 =	vld [tilespmem:s15+$0x50];
	v16 =	vsel vm8, v25, v18  }
0x567: {  	v2 =	vadd.f32 v2, v4;
	v4 =	vld [tilespmem:s16+$0x40];
	v7 =	vmul.f32 v16, v7;
	v16 =	vsel vm1, v20, v19  }
0x568: {  	v0 =	vmul.f32 v16, v0;
	v16 =	vld [tilespmem:s16+$0x10]  }
0x569: {  	v5 =	vadd.f32 v7, v6;
	v6 =	vld [tilespmem:s16+$0x0];
	[tilespmem:$0x1F7A0] =	vst v54  }
0x56a: {  	vm5 =	vge.f32 v3, $0.0e+00;
	v63 =	vld [tilespmem:s15+$0xFFFFFF00]  }
0x56b: {  	v27 =	vsel vm5, v39, v28  }
0x56c: {  	v3 =	vmul.f32 v27, v3;
	_ =	sdelay $0x1  }
0x56d: {  	v3 =	vadd.f32 v3, v5;
	v5 =	vadd.f32 v10, v41;
	v10 =	vld [tilespmem:s16+$0x50];
	[tilespmem:$0x1F7B0] =	vst v55  }
0x56e: {  	[tilespmem:$0x1F920] =	vst v63  }
0x56f: {  	v48 =	vld [tilespmem:s15+$0xFFFFFF20]  }
0x570: {  	vm2 =	vge.f32 v1, $0.0e+00  }
0x571: {  	v7 =	vadd.f32 v9, v53;
	v9 =	vsel vm2, v44, v17  }
0x572: {  	v15 =	vadd.f32 v15, v57;
	v1 =	vmul.f32 v9, v1;
	v9 =	vadd.f32 v11, v54  }
0x573: {  	v0 =	vadd.f32 v0, v2;
	v2 =	vadd.f32 v12, v55;
	[tilespmem:$0x1F7C0] =	vst v56  }
0x574: {  	v11 =	vadd.f32 v13, v56;
	v1 =	vadd.f32 v1, v3;
	[tilespmem:$0x1F940] =	vst v48  }
0x575: {  	v12 =	vadd.f32 v14, v29;
	vm3 =	vge.f32 v9, $0.0e+00;
	vm2 =	vge.f32 v5, $0.0e+00;
	v49 =	vld [tilespmem:s15+$0xFFFFFF60];
	[tilespmem:$0x1F7D0] =	vst v29  }
0x576: {  	v3 =	vsel vm2, v23, v32;
	vm2 =	vge.f32 v2, $0.0e+00;
	v0 =	vadd.f32 v1, v0;
	v13 =	vld [tilespmem:s16+$0xFFFFFF20];
	[tilespmem:$0x1F7E0] =	vst v57  }
0x577: {  	v1 =	vsel vm3, v25, v18;
	v14 =	vsel vm2, v22, v30;
	vm2 =	vge.f32 v11, $0.0e+00;
	v29 =	vld [tilespmem:s16+$0xFFFFFF60]  }
0x578: {  	v3 =	vmul.f32 v3, v5;
	v27 =	vsel vm2, v21, v33;
	vm2 =	vge.f32 v12, $0.0e+00;
	v50 =	vld [tilespmem:s15+$0xFFFFFFA0]  }
0x579: {  	v1 =	vmul.f32 v1, v9;
	v5 =	vsel vm2, v23, v32;
	vm2 =	vge.f32 v15, $0.0e+00;
	v51 =	vld [tilespmem:s15+$0xFFFFFFE0]  }
0x57a: {  	v2 =	vmul.f32 v14, v2;
	v9 =	vsel vm2, v25, v18;
	v14 =	vld [tilespmem:s16+$0xFFFFFFA0]  }
0x57b: {  	v1 =	vadd.f32 v1, v3;
	v3 =	vmul.f32 v9, v15;
	v9 =	vld [tilespmem:s16+$0xFFFFFFE0];
	[tilespmem:$0x1F7F0] =	vst v58  }
0x57c: {  	v52 =	vld [tilespmem:s15+$0x20];
	[tilespmem:$0x1F800] =	vst v59  }
0x57d: {  	v11 =	vmul.f32 v27, v11;
	v27 =	vld [tilespmem:s15+$0x60];
	[tilespmem:$0x1F810] =	vst v31  }
0x57e: {  	v53 =	vld [tilespmem:s15+$0xFFFFFF30];
	_ =	sdelay $0x2  }
0x57f: {  	v4 =	vadd.f32 v4, v31;
	v5 =	vmul.f32 v5, v12  }
0x580: {  	vm1 =	vge.f32 v7, $0.0e+00;
	v6 =	vadd.f32 v6, v58;
	v10 =	vadd.f32 v10, v60;
	[tilespmem:$0x1F820] =	vst v60  }
0x581: {  	v12 =	vsel vm1, v21, v33;
	v3 =	vadd.f32 v3, v5;
	v5 =	vadd.f32 v8, v63;
	[tilespmem:$0x1F950] =	vst v53  }
0x582: {  	vm1 =	vge.f32 v6, $0.0e+00;
	v2 =	vadd.f32 v11, v2;
	v11 =	vadd.f32 v16, v59;
	v54 =	vld [tilespmem:s15+$0xFFFFFF70]  }
0x583: {  	v7 =	vmul.f32 v12, v7;
	vm2 =	vge.f32 v5, $0.0e+00;
	v13 =	vadd.f32 v13, v48;
	v15 =	vld [tilespmem:s16+$0xFFFFFF30];
	[tilespmem:$0x1F830] =	vst v49  }
0x584: {  	v8 =	vsel vm1, v22, v30;
	vm1 =	vge.f32 v11, $0.0e+00;
	v16 =	vsel vm2, v22, v30;
	v31 =	vld [tilespmem:s16+$0xFFFFFF70]  }
0x585: {  	v61 =	vmovc v44;
	v5 =	vmul.f32 v16, v5;
	v29 =	vadd.f32 v29, v49;
	vm2 =	vge.f32 v13, $0.0e+00;
	v44 =	vld [tilespmem:s15+$0xFFFFFFB0];
	[tilespmem:$0x1F840] =	vst v50  }
0x586: {  	v6 =	vmul.f32 v8, v6;
	v14 =	vadd.f32 v14, v50;
	v8 =	vsel vm2, v24, v26;
	v42 =	vld [tilespmem:s15+$0xFFFFFFF0]  }
0x587: {  	v5 =	vadd.f32 v7, v5;
	vm2 =	vge.f32 v29, $0.0e+00;
	v8 =	vmul.f32 v8, v13;
	v13 =	vld [tilespmem:s16+$0xFFFFFFB0];
	[tilespmem:$0x1F850] =	vst v51  }
0x588: {  	v9 =	vadd.f32 v9, v51;
	v7 =	vsel vm2, v39, v28;
	vm2 =	vge.f32 v14, $0.0e+00;
	v16 =	vld [tilespmem:s16+$0xFFFFFFF0]  }
0x589: {  	v7 =	vmul.f32 v7, v29;
	v5 =	vadd.f32 v8, v5;
	v8 =	vsel vm2, v24, v26;
	v55 =	vld [tilespmem:s16+$0x20]  }
0x58a: {  	v12 =	vsel vm1, v21, v33;
	vm1 =	vge.f32 v4, $0.0e+00;
	v8 =	vmul.f32 v8, v14;
	v56 =	vld [tilespmem:s16+$0x60];
	[tilespmem:$0x1F860] =	vst v54  }
0x58b: {  	vm2 =	vge.f32 v9, $0.0e+00;
	v1 =	vadd.f32 v7, v1;
	v15 =	vadd.f32 v15, v53;
	v57 =	vld [tilespmem:s15+$0x70]  }
0x58c: {  	v14 =	vsel vm2, v39, v28;
	v2 =	vadd.f32 v8, v2;
	v29 =	vadd.f32 v31, v54;
	v8 =	vld [tilespmem:s16+$0x70]  }
0x58d: {  	v9 =	vmul.f32 v14, v9;
	vm3 =	vge.f32 v15, $0.0e+00;
	v13 =	vadd.f32 v13, v44  }
0x58e: {  	v31 =	vsel vm3, v20, v19;
	vm2 =	vge.f32 v29, $0.0e+00;
	v16 =	vadd.f32 v16, v42  }
0x58f: {  	s17 =	simm.s32 $0x17900;
	(xrf2) =	vadd.scan.msk.f32 $0xffff, v0;
	v0 =	vadd.f32 v9, v3;
	v43 =	vld [tilespmem:s15+$0x30];
	v7 =	vmul.f32 v31, v15;
	v31 =	vsel vm2, v61, v17  }
0x590: {  	v58 =	vld [tilespmem:s17+$0xF0];
	vm2 =	vge.f32 v13, $0.0e+00;
	v14 =	vmul.f32 v31, v29;
	vm3 =	vge.f32 v16, $0.0e+00  }
0x591: {  	v15 =	vld [tilespmem:s16+$0x30];
	v7 =	vadd.f32 v7, v5;
	v31 =	vsel vm3, v61, v17;
	v8 =	vadd.f32 v8, v57  }
0x592: {  	s8 =	simm.s32 $0x1A100;
	v5 =	vld [tilespmem:s17+$0xB0];
	v1 =	vadd.f32 v14, v1;
	v14 =	vsel vm2, v20, v19;
	v9 =	vmul.f32 v31, v16  }
0x593: {  	v16 =	vadd.f32 v55, v52;
	v3 =	vmul.f32 v14, v13;
	v13 =	vld [tilespmem:s8+$0xB0];
	v14 =	vsel vm1, v23, v32;
	[tilespmem:$0x1F870] =	vst v52  }
0x594: {  	vm1 =	vge.f32 v10, $0.0e+00;
	v1 =	vadd.f32 v1, v7;
	v7 =	vld [tilespmem:s8+$0xF0];
	v0 =	vadd.f32 v9, v0  }
0x595: {  	v34 =	vld [tilespmem:s17+$0xA0];
	v9 =	vmul.f32 v12, v11;
	v4 =	vmul.f32 v14, v4;
	v2 =	vadd.f32 v3, v2  }
0x596: {  	v31 =	vld [tilespmem:s17+$0xE0];
	v11 =	vadd.f32 v15, v43;
	v3 =	vsel vm1, v25, v18;
	(xrf2) =	vadd.scan.msk.f32 $0xffff, v1;
	v1 =	vadd.f32 v56, v27  }
0x597: {  	vm1 =	vge.f32 v16, $0.0e+00;
	v3 =	vmul.f32 v3, v10;
	v10 =	vld [tilespmem:s8+$0xE0];
	v0 =	vadd.f32 v0, v2  }
0x598: {  	v6 =	vadd.f32 v9, v6;
	v9 =	vsel vm1, v24, v26;
	v2 =	vld [tilespmem:s8+$0xA0];
	[tilespmem:$0x1F880] =	vst v57;
	vm1 =	vge.f32 v1, $0.0e+00  }
0x599: {  	v40 =	vld [tilespmem:s17+$0x80];
	(xrf2) =	vadd.scan.msk.f32 $0xffff, v0;
	v0 =	vadd.f32 v3, v4;
	v3 =	vmul.f32 v9, v16;
	v4 =	vsel vm1, v39, v28  }
0x59a: {  	vm2 =	vge.f32 v8, $0.0e+00;
	v38 =	vld [tilespmem:s17+$0x90];
	vm1 =	vge.f32 v11, $0.0e+00;
	v1 =	vmul.f32 v4, v1  }
0x59b: {  	v36 =	vld [tilespmem:s17+$0xC0];
	v4 =	vsel vm1, v20, v19;
	v3 =	vadd.f32 v3, v6;
	v6 =	vsel vm2, v61, v17  }
0x59c: {  	v37 =	vld [tilespmem:s17+$0xD0];
	v9, _, _ =	vpop (xrf2);
	v10 =	vadd.f32 v10, v31;
	v0 =	vadd.f32 v1, v0;
	v1 =	vmul.f32 v4, v11  }
0x59d: {  	v4 =	vmul.f32 v6, v8;
	v6 =	vld [tilespmem:s8+$0x80];
	v8 =	vmul.f32 $1.442695020e+00, v9  }
0x59e: {  	v9 =	vld [tilespmem:s8+$0x90];
	v2 =	vadd.f32 v2, v34;
	vm12 =	vge.f32 v10, $0.0e+00  }
0x59f: {  	v11 =	vld [tilespmem:s8+$0xD0];
	v1 =	vadd.f32 v1, v3;
	v0 =	vadd.f32 v4, v0;
	v4 =	vbroadcast v8, $0xF  }
0x5a0: {  	v29 =	vmov v61;
	v3 =	vld [tilespmem:s8+$0xC0];
	[tilespmem:$0x1F890] =	vst v5;
	vm4 =	vge.f32 v2, $0.0e+00;
	v63 =	vsel vm12, v39, v28  }
0x5a1: {  	v48 =	vld [tilespmem:s17+$0xFFFFFF40];
	v61 =	vsel vm4, v24, v26;
	v8, _, _ =	vpop (xrf2);
	v0 =	vadd.f32 v0, v1;
	(erf) = vpow2.f32 v4  }
0x5a2: {  	v46 =	vld [tilespmem:s17+$0xFFFFFF50];
	v4 =	vadd.f32 v7, v58;
	v1 =	vmul.f32 $1.442695020e+00, v8;
	v8 =	vadd.f32 v13, v5  }
0x5a3: {  	v12 =	vld [tilespmem:s8+$0xFFFFFF00];
	v2 =	vmul.f32 v61, v2;
	v6 =	vadd.f32 v6, v40;
	v9 =	vadd.f32 v9, v38  }
0x5a4: {  	v14 =	vld [tilespmem:s8+$0xFFFFFF40];
	v11 =	vadd.f32 v11, v37;
	vm2 =	vge.f32 v4, $0.0e+00;
	v1 =	vbroadcast v1, $0xF  }
0x5a5: {  	v15 =	vld [tilespmem:s8+$0xFFFFFF50];
	v7, _, _ =	vpop (xrf2);
	v3 =	vadd.f32 v3, v36;
	vm3 =	vge.f32 v6, $0.0e+00;
	vm13 =	vge.f32 v9, $0.0e+00  }
0x5a6: {  	v5 =	vld [tilespmem:s17+$0xFFFFFF10];
	vm15 =	vge.f32 v11, $0.0e+00;
	v7 =	vmul.f32 $1.442695020e+00, v7;
	v16 =	vsel vm3, v22, v30  }
0x5a7: {  	v13 =	vld [tilespmem:s8+$0xFFFFFF10];
	v59 =	vsel vm13, v21, v33;
	vm14 =	vge.f32 v3, $0.0e+00;
	v6 =	vmul.f32 v16, v6  }
0x5a8: {  	v49 =	vld [tilespmem:s17+$0xFFFFFF80];
	v9 =	vmul.f32 v59, v9;
	v16 =	vsel vm15, v25, v18;
	v60 =	vsel vm14, v23, v32  }
0x5a9: {  	v51 =	vld [tilespmem:s17+$0xFFFFFF90];
	vm1 =	vge.f32 v8, $0.0e+00;
	v11 =	vmul.f32 v16, v11;
	v3 =	vmul.f32 v60, v3  }
0x5aa: {  	v50 =	vld [tilespmem:s17+$0xFFFFFFC0];
	(erf) = vpow2.f32 v1;
	v16 =	vsel vm1, v20, v19;
	v1 =	vbroadcast v7, $0xF  }
0x5ab: {  	v52 =	vld [tilespmem:s17+$0xFFFFFFD0];
	v6 =	vadd.f32 v9, v6;
	v9 =	vmul.f32 v63, v10;
	v3 =	vadd.f32 v11, v3  }
0x5ac: {  	v10 =	vld [tilespmem:s8+$0xFFFFFF80];
	v8 =	vmul.f32 v16, v8;
	v11 =	vadd.f32 v13, v5;
	v13 =	vsel vm2, v29, v17  }
0x5ad: {  	v54 =	vld [tilespmem:s17+$0x0];
	v2 =	vadd.f32 v2, v6;
	v4 =	vmul.f32 v13, v4;
	v3 =	vadd.f32 v9, v3  }
0x5ae: {  	v16 =	vld [tilespmem:s8+$0xFFFFFF90];
	(erf) = vpow2.f32 v1;
	v1 =	vadd.f32 v15, v46  }
0x5af: {  	v6 =	vld [tilespmem:s8+$0xFFFFFFC0];
	v2 =	vadd.f32 v8, v2;
	v3 =	vadd.f32 v4, v3  }
0x5b0: {  	v7 =	vadd.f32 v14, v48;
	vm2 =	vge.f32 v1, $0.0e+00;
	vm1 =	vge.f32 v11, $0.0e+00;
	v9 =	vld [tilespmem:s8+$0xFFFFFFD0]  }
0x5b1: {  	v55 =	vld [tilespmem:s17+$0x10];
	v13 =	vsel vm2, v25, v18;
	v8 =	vadd.f32 v10, v49;
	v2 =	vadd.f32 v3, v2  }
0x5b2: {  	(xrf2) =	vadd.scan.msk.f32 $0xffff, v0;
	v10 =	vld [tilespmem:s8+$0x0];
	v1 =	vmul.f32 v13, v1;
	v4 =	vsel vm1, v21, v33;
	vm1 =	vge.f32 v7, $0.0e+00  }
0x5b3: {  	v45 =	vmovc v5;
	v5 =	vld [tilespmem:s17+$0xFFFFFF00];
	v0 =	vsel vm1, v23, v32;
	vm1 =	vge.f32 v8, $0.0e+00;
	v3 =	vadd.f32 v16, v51;
	(xrf2) =	vadd.scan.msk.f32 $0xffff, v2  }
0x5b4: {  	v6 =	vadd.f32 v6, v50;
	v4 =	vmul.f32 v4, v11;
	v14 =	vsel vm1, v22, v30;
	v2 =	vld [tilespmem:s8+$0x10]  }
0x5b5: {  	v57 =	vld [tilespmem:s17+$0x50];
	v0 =	vmul.f32 v0, v7;
	v9 =	vadd.f32 v9, v52;
	vm1 =	vge.f32 v3, $0.0e+00  }
0x5b6: {  	v8 =	vmul.f32 v14, v8;
	v14 =	vld [tilespmem:s8+$0x50];
	v7 =	vsel vm1, v21, v33;
	vm1 =	vge.f32 v6, $0.0e+00  }
0x5b7: {  	v56 =	vld [tilespmem:s17+$0x40];
	v10 =	vadd.f32 v10, v54;
	v11 =	vsel vm1, v23, v32;
	vm1 =	vge.f32 v9, $0.0e+00  }
0x5b8: {  	v47 =	vld [tilespmem:s17+$0xFFFFFF20];
	v1 =	vadd.f32 v1, v0;
	v3 =	vmul.f32 v7, v3;
	v13 =	vsel vm1, v25, v18  }
0x5b9: {  	v7 =	vld [tilespmem:s8+$0x40];
	[tilespmem:$0x1F8A0] =	vst v5;
	v6 =	vmul.f32 v11, v6;
	vm1 =	vge.f32 v10, $0.0e+00;
	v2 =	vadd.f32 v2, v55  }
0x5ba: {  	v11 =	vld [tilespmem:s8+$0xFFFFFF20];
	v0 =	vmul.f32 v13, v9;
	v9 =	vadd.f32 v12, v5;
	v3 =	vadd.f32 v3, v8  }
0x5bb: {  	v35 =	vmovc v27;
	v27 =	vmovc v58;
	v58 =	vld [tilespmem:s17+$0xFFFFFF60];
	v8 =	vsel vm1, v22, v30;
	v13 =	vadd.f32 v14, v57;
	vm2 =	vge.f32 v2, $0.0e+00  }
0x5bc: {  	v60 =	vld [tilespmem:s17+$0xFFFFFFA0];
	v8 =	vmul.f32 v8, v10;
	v10, _, _ =	vpop (xrf2);
	vm1 =	vge.f32 v9, $0.0e+00;
	v12 =	vsel vm2, v21, v33  }
0x5bd: {  	v6 =	vadd.f32 v0, v6;
	v15 =	vsel vm1, v22, v30;
	v2 =	vmul.f32 v12, v2;
	v12 =	vld [tilespmem:s8+$0xFFFFFF60];
	v14, _, _ =	vpop (xrf2)  }
0x5be: {  	v7 =	vadd.f32 v7, v56;
	v0 =	vmul.f32 v15, v9;
	v9 =	vmul.f32 $1.442695020e+00, v14;
	v14 =	vld [tilespmem:s8+$0xFFFFFFA0]  }
0x5bf: {  	v61 =	vld [tilespmem:s17+$0xFFFFFFE0];
	v10 =	vmul.f32 $1.442695020e+00, v10;
	vm2 =	vge.f32 v13, $0.0e+00  }
0x5c0: {  	v11 =	vadd.f32 v11, v47;
	v33 =	vld [tilespmem:s8+$0xFFFFFFE0];
	vm1 =	vge.f32 v7, $0.0e+00;
	v16 =	vsel vm2, v25, v18  }
0x5c1: {  	v15 =	vsel vm1, v23, v32;
	v13 =	vmul.f32 v16, v13;
	v0 =	vadd.f32 v4, v0  }
0x5c2: {  	v63 =	vld [tilespmem:s17+$0x20];
	vm1 =	vge.f32 v11, $0.0e+00;
	v9 =	vbroadcast v9, $0xF;
	v12 =	vadd.f32 v12, v58  }
0x5c3: {  	v7 =	vmul.f32 v15, v7;
	v2 =	vadd.f32 v2, v8;
	v4 =	vadd.f32 v14, v60;
	v14 =	vld [tilespmem:s8+$0x20]  }
0x5c4: {  	(erf) = vpow2.f32 v9;
	v9 =	vsel vm1, v24, v26;
	vm2 =	vge.f32 v12, $0.0e+00  }
0x5c5: {  	v9 =	vmul.f32 v9, v11;
	v11 =	vadd.f32 v33, v61;
	v8 =	vsel vm2, v39, v28  }
0x5c6: {  	v16 =	vadd.f32 v13, v7;
	v8 =	vmul.f32 v8, v12;
	vm1 =	vge.f32 v4, $0.0e+00  }
0x5c7: {  	v32 =	vadd.f32 v9, v0;
	v13 =	vsel vm1, v24, v26;
	vm1 =	vge.f32 v11, $0.0e+00  }
0x5c8: {  	v9 =	vbroadcast v10, $0xF;
	v10 =	vadd.f32 v14, v63;
	v14 =	vsel vm1, v39, v28  }
0x5c9: {  	v15 =	vadd.f32 v8, v1;
	v1 =	vmul.f32 v14, v11  }
0x5ca: {  	v59 =	vld [tilespmem:s17+$0x60]  }
0x5cb: {  	v30 =	vadd.f32 v1, v6;
	v1 =	vld [tilespmem:$0x1F8B0]  }
0x5cc: {  	v12 =	vld [tilespmem:s8+$0x60];
	_ =	sdelay $0x1  }
0x5cd: {  	v53 =	vld [tilespmem:s17+$0xFFFFFF30]  }
0x5ce: {  	v4 =	vmul.f32 v13, v4;
	v13 =	vld [tilespmem:s8+$0xFFFFFF30];
	v11 =	vpop (erf)  }
0x5cf: {  	(erf) = vpow2.f32 v9;
	vm1 =	vge.f32 v10, $0.0e+00;
	v6 =	vmul.f32 v11, v1  }
0x5d0: {  	s15 =	simm.s32 $0x1C9A0;
	v18 =	vadd.f32 v4, v3;
	v4 =	vadd.f32 v12, v59;
	v1 =	vsel vm1, v24, v26  }
0x5d1: {  	v9 =	vmul.f32 v1, v10;
	v10 =	vmul.f32 v11, v62;
	[tilespmem:s15+$0x100] =	vst v6  }
0x5d2: {  	vm1 =	vge.f32 v4, $0.0e+00;
	v5 =	vld [tilespmem:$0x1F8C0]  }
0x5d3: {  	v12 =	vadd.f32 v13, v53;
	v13 =	vsel vm1, v39, v28;
	[tilespmem:s15+$0x90] =	vst v10  }
0x5d4: {  	v7 =	vmul.f32 v13, v4;
	v4 =	vld [tilespmem:$0x1F8D0];
	_ =	sdelay $0x1  }
0x5d5: {  	v0 =	vld [tilespmem:s17+$0xFFFFFF70]  }
0x5d6: {  	v3 =	vld [tilespmem:s8+$0xFFFFFF70];
	v6 =	vmul.f32 v11, v5;
	_ =	sdelay $0x1  }
0x5d7: {  	v10 =	vmul.f32 v11, v4;
	[tilespmem:s15+$0xA0] =	vst v6  }
0x5d8: {  	v9 =	vadd.f32 v9, v2;
	v2 =	vld [tilespmem:$0x1F8E0]  }
0x5d9: {  	[tilespmem:s15+$0xB0] =	vst v10  }
0x5da: {  	v4 =	vadd.f32 v3, v0;
	v3 =	vld [tilespmem:$0x1F8F0];
	_ =	sdelay $0x2  }
0x5db: {  	v2 =	vmul.f32 v11, v2;
	_ =	sdelay $0x1  }
0x5dc: {  	v6 =	vmul.f32 v11, v3;
	[tilespmem:s15+$0xC0] =	vst v2  }
0x5dd: {  	vm1 =	vge.f32 v12, $0.0e+00;
	vm2 =	vge.f32 v4, $0.0e+00;
	v2 =	vld [tilespmem:$0x1F900]  }
0x5de: {  	v10 =	vsel vm1, v20, v19;
	v3 =	vsel vm2, v29, v17;
	[tilespmem:s15+$0xD0] =	vst v6  }
0x5df: {  	v12 =	vmul.f32 v10, v12;
	v10 =	vadd.f32 v7, v16;
	v7 =	vmul.f32 v3, v4;
	v3 =	vld [tilespmem:$0x1F910];
	_ =	sdelay $0x1  }
0x5e0: {  	v6 =	vpop (erf)  }
0x5e1: {  	v14 =	vnsel vm0, $0x0, v6;
	v5 =	vmul.f32 v11, v2  }
0x5e2: {  	v1 =	vld [tilespmem:s17+$0xFFFFFFB0];
	[tilespmem:s15+$0xFFFFFF60] =	vst v14  }
0x5e3: {  	v13 =	vld [tilespmem:s8+$0xFFFFFFB0];
	v16 =	vmul.f32 v11, v3;
	v11 =	vnsel vm0, $0x0, v11;
	[tilespmem:s15+$0xE0] =	vst v5  }
0x5e4: {  	[tilespmem:s15+$0x110] =	vst v11  }
0x5e5: {  	[tilespmem:s15+$0xF0] =	vst v16  }
0x5e6: {  	v5 =	vld [tilespmem:$0x1F920]  }
0x5e7: {  	v26 =	vadd.f32 v12, v32;
	v3 =	vpop (erf)  }
0x5e8: {  	v8 =	vld [tilespmem:s8+$0xFFFFFFF0];
	v12 =	vadd.f32 v13, v1;
	v15 =	vadd.f32 v7, v15;
	v7 =	vpop (erf)  }
0x5e9: {  	v62 =	vld [tilespmem:s17+$0xFFFFFFF0];
	v11 =	vmul.f32 v7, v27  }
0x5ea: {  	s13 =	simm.s32 $0x1CBE0;
	vm1 =	vge.f32 v12, $0.0e+00  }
0x5eb: {  	[tilespmem:s13+$0x100] =	vst v11;
	v14 =	vmul.f32 v6, v5;
	v5 =	vsel vm1, v20, v19  }
0x5ec: {  	v12 =	vmul.f32 v5, v12;
	v5 =	vld [tilespmem:$0x1F930];
	_ =	sdelay $0x1  }
0x5ed: {  	v8 =	vadd.f32 v8, v62;
	_ =	sdelay $0x1  }
0x5ee: {  	vm2 =	vge.f32 v8, $0.0e+00  }
0x5ef: {  	[tilespmem:s15+$0xFFFFFEE0] =	vst v14;
	v11 =	vmul.f32 v6, v5;
	v5 =	vsel vm2, v29, v17  }
0x5f0: {  	v8 =	vmul.f32 v5, v8;
	v5 =	vld [tilespmem:$0x1F940];
	_ =	sdelay $0x2  }
0x5f1: {  	v28 =	vld [tilespmem:s8+$0x30]  }
0x5f2: {  	v13 =	vld [tilespmem:s8+$0x70]  }
0x5f3: {  	v2 =	vld [tilespmem:s17+$0x30];
	v14 =	vmul.f32 v6, v5  }
0x5f4: {  	v4 =	vld [tilespmem:s17+$0x70];
	[tilespmem:s15+$0xFFFFFEF0] =	vst v11  }
0x5f5: {  	[tilespmem:s15+$0xFFFFFF00] =	vst v14  }
0x5f6: {  	v14 =	vld [tilespmem:$0x1F950];
	_ =	sdelay $0x1  }
0x5f7: {  	v5 =	vadd.f32 v28, v2  }
0x5f8: {  	v16 =	vadd.f32 v15, v26;
	v11 =	vadd.f32 v13, v4  }
0x5f9: {  	v12 =	vadd.f32 v12, v18;
	v13 =	vadd.f32 v8, v30;
	vm1 =	vge.f32 v5, $0.0e+00  }
0x5fa: {  	s0 =	simm.s32 $0x17B00;
	s16 =	simm.s32 $0x4;
	(xrf2) =	vadd.scan.msk.f32 $0xffff, v16;
	v8 =	vpop (erf);
	v15 =	vmul.f32 v6, v14;
	v14 =	vsel vm1, v20, v19;
	vm1 =	vge.f32 v11, $0.0e+00  }
.LBB2_14:
0x5fb: {  	v16 =	vld [tilespmem:s0+$0xB0]  }
0x5fc: {  	v27 =	vld [tilespmem:$0x1FF00]  }
0x5fd: {  	v30 =	vld [tilespmem:$0x1FF10]  }
0x5fe: {  	v14 =	vmul.f32 v14, v5;
	v5 =	vld [tilespmem:s0+$0xF0]  }
0x5ff: {  	v32 =	vmul.f32 v3, v44;
	v44 =	vld [tilespmem:s0+$0xE0]  }
0x600: {  	v26 =	vld [tilespmem:$0x1F800]  }
0x601: {  	v14 =	vadd.f32 v14, v9;
	v9 =	vld [tilespmem:$0x1F830]  }
0x602: {  	v17 =	vmov v48;
	v48 =	vld [tilespmem:s0+$0x80];
	v18 =	vsel vm1, v27, v30  }
0x603: {  	v29 =	vmov v50;
	v50 =	vld [tilespmem:s0+$0x90];
	v19 =	vmul.f32 v18, v11  }
0x604: {  	s8 =	sadd.s32 $0x200, s8;
	[tilespmem:s15+$0xFFFFFF10] =	vst v15;
	v12 =	vadd.f32 v13, v12;
	v13 =	vld [tilespmem:$0x1F7A0];
	v15 =	vmul.f32 v6, v41  }
0x605: {  	[tilespmem:$0x1F790] =	vst v17;
	v17 =	vld [tilespmem:s8+$0xB0];
	v10 =	vadd.f32 v19, v10  }
0x606: {  	[tilespmem:s15+$0xFFFFFF20] =	vst v15;
	v15 =	vmul.f32 v6, v9;
	v9 =	vld [tilespmem:$0x1F860]  }
0x607: {  	v14 =	vadd.f32 v10, v14;
	v10 =	vld [tilespmem:$0x1F7D0]  }
0x608: {  	v43 =	vmul.f32 v8, v43;
	[tilespmem:s15+$0xFFFFFFA0] =	vst v32;
	v32 =	vld [tilespmem:$0x1FFA0]  }
0x609: {  	v41 =	vld [tilespmem:s0+$0xA0]  }
0x60a: {  	[tilespmem:s15+$0x30] =	vst v43;
	v18 =	vld [tilespmem:s8+$0xF0];
	v11 =	vmov v46  }
0x60b: {  	v13 =	vmul.f32 v6, v13;
	[tilespmem:$0x1F7A0] =	vst v11;
	v6 =	vmul.f32 v6, v9;
	v9 =	vld [tilespmem:$0x1F7B0]  }
0x60c: {  	v28 =	vmov v52;
	[tilespmem:s15+$0xFFFFFF40] =	vst v15;
	v15 =	vmul.f32 v3, v10;
	v10 =	vld [tilespmem:$0x1F7E0]  }
0x60d: {  	[tilespmem:$0x1F7E0] =	vst v28;
	v28 =	vld [tilespmem:$0x1F810]  }
0x60e: {  	v39 =	vmov v51;
	[tilespmem:s15+$0xFFFFFF30] =	vst v13;
	v19 =	vld [tilespmem:s8+$0xA0]  }
0x60f: {  	[tilespmem:s15+$0xFFFFFF50] =	vst v6;
	v6 =	vld [tilespmem:$0x1F850]  }
0x610: {  	(xrf2) =	vadd.scan.msk.f32 $0xffff, v12;
	v12 =	vmul.f32 v3, v9;
	v9 =	vld [tilespmem:$0x1F7C0];
	[tilespmem:$0x1F7C0] =	vst v39  }
0x611: {  	(xrf2) =	vadd.scan.msk.f32 $0xffff, v14;
	v14 =	vld [tilespmem:$0x1F7F0];
	v39 =	vmov v55;
	[tilespmem:s15+$0xFFFFFFB0] =	vst v15  }
0x612: {  	v55 =	vmov v56;
	[tilespmem:$0x1F800] =	vst v39;
	v51 =	vmul.f32 v8, v28;
	v28 =	vld [tilespmem:$0x1F820]  }
0x613: {  	v43 =	vmov v2;
	v2 =	vmov v4;
	v4 =	vld [tilespmem:s8+$0xFFFFFF50];
	[tilespmem:$0x1F810] =	vst v55  }
0x614: {  	v55 =	vld [tilespmem:s0+$0xD0];
	[tilespmem:s15+$0xFFFFFF70] =	vst v12;
	v15 =	vmov v63  }
0x615: {  	v6 =	vmul.f32 v3, v6;
	v12 =	vld [tilespmem:$0x1F870];
	v39 =	vmov v58;
	[tilespmem:$0x1F870] =	vst v15  }
0x616: {  	v46 =	vmul.f32 v3, v10;
	v10 =	vmov v49;
	v15 =	vld [tilespmem:s8+$0x90];
	[tilespmem:$0x1F830] =	vst v39  }
0x617: {  	v49 =	vmul.f32 v8, v26;
	v26, _, _ =	vpop (xrf2);
	v39 =	vld [tilespmem:s8+$0x80];
	[tilespmem:s15+$0xFFFFFFD0] =	vst v6;
	v52 =	vmul.f32 v8, v28;
	v28 =	vmov v54  }
0x618: {  	v6 =	vld [tilespmem:s8+$0xD0];
	[tilespmem:$0x1F7F0] =	vst v28;
	v28 =	vmul.f32 $1.442695020e+00, v26;
	v26 =	vmov v57  }
0x619: {  	[tilespmem:$0x1F820] =	vst v26;
	v26 =	vld [tilespmem:$0x1F880]  }
0x61a: {  	[tilespmem:$0x1F7D0] =	vst v29;
	v56 =	vmul.f32 v7, v40;
	v40, _, _ =	vpop (xrf2);
	v33 =	vmul.f32 v3, v9;
	v9 =	vld [tilespmem:$0x1F840]  }
0x61b: {  	v14 =	vmul.f32 v8, v14;
	[tilespmem:s15+$0xFFFFFFC0] =	vst v46;
	v46 =	vmul.f32 $1.442695020e+00, v40;
	v40 =	vmov v48;
	v48 =	vld [tilespmem:s0+$0xFFFFFF40]  }
0x61c: {  	[tilespmem:s15+$0xFFFFFF80] =	vst v33;
	v33 =	vld [tilespmem:$0x1FFB0]  }
0x61d: {  	v29 =	vmovc v47;
	v47 =	vmovc v45;
	v45 =	vmov v59;
	v59 =	vmul.f32 v7, v34;
	v34 =	vmov v41;
	[tilespmem:s15+$0x0] =	vst v14;
	v54 =	vld [tilespmem:s0+$0xC0]  }
0x61e: {  	v14 =	vadd.f32 v19, v34;
	v19 =	vadd.f32 v39, v40;
	v39 =	vld [tilespmem:$0x1FFE0];
	v57 =	vmul.f32 v8, v26;
	v26 =	vmovc v61  }
0x61f: {  	v13 =	vmul.f32 v3, v9;
	[tilespmem:$0x1F850] =	vst v26;
	v26 =	vld [tilespmem:$0x1F890]  }
0x620: {  	v9 =	vnsel vm0, $0x0, v3;
	v3 =	vmul.f32 v3, v42;
	v42 =	vld [tilespmem:s8+$0xE0];
	[tilespmem:$0x1F880] =	vst v2  }
0x621: {  	v2 =	vld [tilespmem:s8+$0xFFFFFF40];
	[tilespmem:s15+$0xFFFFFF90] =	vst v13  }
0x622: {  	v13 =	vmul.f32 v8, v35;
	[tilespmem:s15+$0xFFFFFFE0] =	vst v3;
	v35 =	vld [tilespmem:$0x1FFC0]  }
0x623: {  	v18 =	vadd.f32 v18, v5;
	[tilespmem:s15+$0x10] =	vst v49;
	v49 =	vld [tilespmem:s0+$0xFFFFFF80]  }
0x624: {  	v11 =	vnsel vm0, $0x0, v8;
	v12 =	vmul.f32 v8, v12;
	v8 =	vmovc v60;
	v60 =	vmul.f32 v7, v26;
	v26 =	vmovc v16;
	v16 =	vld [tilespmem:s8+$0xC0]  }
0x625: {  	vm1 =	vge.f32 v18, $0.0e+00;
	v63 =	vmul.f32 v7, v37;
	v58 =	vmul.f32 v7, v38;
	v38 =	vmovc v50;
	[tilespmem:s15+$0x40] =	vst v51;
	v51 =	vld [tilespmem:s0+$0xFFFFFF90]  }
0x626: {  	v37 =	vmovc v55;
	v50 =	vld [tilespmem:s0+$0xFFFFFFC0];
	v61 =	vmul.f32 v7, v36;
	v36 =	vmovc v54;
	v54 =	vmul.f32 v7, v31;
	v31 =	vmov v44  }
0x627: {  	[tilespmem:s15+$0x20] =	vst v12;
	v44 =	vmovc v1;
	v1 =	vadd.f32 v15, v38;
	v55 =	vadd.f32 v42, v31;
	v42 =	vmov v62;
	v62 =	vld [tilespmem:$0x1FFD0]  }
0x628: {  	vm4 =	vge.f32 v14, $0.0e+00;
	vm3 =	vge.f32 v19, $0.0e+00;
	v15 =	vld [tilespmem:s8+$0xFFFFFF10];
	[tilespmem:$0x1F840] =	vst v8;
	v8 =	vbroadcast v28, $0xF  }
0x629: {  	v3 =	vmovc v0;
	[tilespmem:s15+$0x60] =	vst v13;
	v28 =	vld [tilespmem:$0x1FF80];
	vm6 =	vge.f32 v1, $0.0e+00;
	v13 =	vsel vm3, v22, v35;
	v12 =	vadd.f32 v16, v36  }
0x62a: {  	[tilespmem:$0x1F860] =	vst v3;
	(erf) = vpow2.f32 v8;
	v8 =	vld [tilespmem:s0+$0xFFFFFF10];
	v3 =	vadd.f32 v17, v26;
	v17 =	vbroadcast v46, $0xF  }
0x62b: {  	v13 =	vmul.f32 v13, v19;
	v19 =	vsel vm4, v24, v32;
	v46 =	vld [tilespmem:s0+$0xFFFFFF50];
	vm7 =	vge.f32 v12, $0.0e+00  }
0x62c: {  	[tilespmem:$0x1F890] =	vst v26;
	v26 =	vld [tilespmem:$0x1FF90];
	(erf) = vpow2.f32 v17;
	v17 =	vsel vm6, v21, v39;
	v41 =	vsel vm7, v23, v62  }
0x62d: {  	[tilespmem:$0x1F7B0] =	vst v10;
	v1 =	vmul.f32 v17, v1;
	v16 =	vadd.f32 v6, v37;
	v12 =	vmul.f32 v41, v12;
	v41 =	vld [tilespmem:$0x1FFF0]  }
0x62e: {  	v10 =	vnsel vm0, $0x0, v7;
	[tilespmem:s15+$0x50] =	vst v52;
	v52 =	vld [tilespmem:s0+$0xFFFFFFD0];
	v0, _, _ =	vpop (xrf2);
	v2 =	vadd.f32 v2, v48;
	v14 =	vmul.f32 v19, v14  }
0x62f: {  	v7 =	vmul.f32 $1.442695020e+00, v0;
	v0 =	vld [tilespmem:s8+$0xFFFFFF00];
	v1 =	vadd.f32 v1, v13;
	vm8 =	vge.f32 v16, $0.0e+00  }
0x630: {  	vm5 =	vge.f32 v55, $0.0e+00;
	[tilespmem:s13+$0x90] =	vst v56;
	v56 =	vld [tilespmem:s8+$0xFFFFFF80];
	vm2 =	vge.f32 v3, $0.0e+00;
	v17 =	vsel vm8, v25, v28  }
0x631: {  	[tilespmem:s15+$0x70] =	vst v57;
	v4 =	vadd.f32 v4, v46;
	v1 =	vadd.f32 v14, v1;
	v14 =	vld [tilespmem:s8+$0xFFFFFFD0];
	v16 =	vmul.f32 v17, v16  }
0x632: {  	[tilespmem:s13+$0xD0] =	vst v61;
	v61 =	vld [tilespmem:s8+$0xFFFFFFC0];
	v15 =	vadd.f32 v15, v8;
	v17 =	vsel vm2, v20, v26;
	v19 =	vsel vm5, v41, v33  }
0x633: {  	[tilespmem:s13+$0xF0] =	vst v54;
	vm2 =	vge.f32 v4, $0.0e+00;
	v12 =	vadd.f32 v16, v12;
	v16 =	vld [tilespmem:s8+$0xFFFFFF90];
	v13 =	vmul.f32 v19, v55  }
0x634: {  	v54 =	vld [tilespmem:s0+$0x0];
	[tilespmem:s13+$0x110] =	vst v10;
	v17 =	vmul.f32 v17, v3;
	v10 =	vsel vm2, v25, v28;
	v19 =	vsel vm1, v27, v30  }
0x635: {  	v20 =	vld [tilespmem:s0+$0xFFFFFF00];
	[tilespmem:s15+$0xFFFFFFF0] =	vst v9;
	v9 =	vadd.f32 v56, v49;
	v12 =	vadd.f32 v13, v12;
	v13 =	vmul.f32 v19, v18  }
0x636: {  	v1 =	vadd.f32 v17, v1;
	v14 =	vadd.f32 v14, v52;
	vm1 =	vge.f32 v15, $0.0e+00;
	v55 =	vld [tilespmem:s0+$0x10];
	[tilespmem:s15+$0x80] =	vst v11  }
0x637: {  	v56 =	vld [tilespmem:s0+$0x40];
	v18 =	vsel vm1, v21, v39;
	vm1 =	vge.f32 v2, $0.0e+00;
	v12 =	vadd.f32 v13, v12  }
0x638: {  	v57 =	vld [tilespmem:s0+$0x50];
	v11 =	vsel vm1, v23, v62;
	vm1 =	vge.f32 v9, $0.0e+00;
	v13 =	vadd.f32 v16, v51  }
0x639: {  	v17 =	vld [tilespmem:s8+$0x0];
	v16 =	vsel vm1, v22, v35;
	v1 =	vadd.f32 v12, v1;
	v12 =	vadd.f32 v61, v50  }
0x63a: {  	v19 =	vld [tilespmem:s8+$0x40];
	v2 =	vmul.f32 v11, v2;
	v9 =	vmul.f32 v16, v9;
	vm1 =	vge.f32 v13, $0.0e+00  }
0x63b: {  	v6 =	vpop (erf);
	(xrf2) =	vadd.scan.msk.f32 $0xffff, v1;
	v1 =	vmul.f32 v18, v15;
	v15 =	vsel vm1, v21, v39;
	vm1 =	vge.f32 v12, $0.0e+00;
	v18 =	vld [tilespmem:s8+$0x10]  }
0x63c: {  	v16 =	vld [tilespmem:s8+$0x50];
	v11 =	vsel vm1, v23, v62;
	v13 =	vmul.f32 v15, v13;
	v15 =	vnsel vm0, $0x0, v6  }
0x63d: {  	v4 =	vmul.f32 v10, v4;
	vm1 =	vge.f32 v14, $0.0e+00;
	v12 =	vmul.f32 v11, v12;
	v11 =	vld [tilespmem:s0+$0xFFFFFF20];
	[tilespmem:s13+$0xFFFFFF60] =	vst v15  }
0x63e: {  	[tilespmem:s13+$0xA0] =	vst v58;
	v0 =	vadd.f32 v0, v20;
	v10 =	vsel vm1, v25, v28;
	v58 =	vld [tilespmem:s0+$0xFFFFFF60]  }
0x63f: {  	v2 =	vadd.f32 v4, v2;
	v4 =	vmul.f32 v10, v14;
	v10 =	vadd.f32 v17, v54;
	v14 =	vld [tilespmem:s8+$0xFFFFFF20]  }
0x640: {  	vm2 =	vge.f32 v0, $0.0e+00;
	v9 =	vadd.f32 v13, v9;
	v15 =	vld [tilespmem:s8+$0xFFFFFF60];
	v13 =	vadd.f32 v18, v55  }
0x641: {  	v4 =	vadd.f32 v4, v12;
	vm1 =	vge.f32 v10, $0.0e+00;
	v12 =	vadd.f32 v19, v56  }
0x642: {  	[tilespmem:s13+$0xC0] =	vst v60;
	v60 =	vld [tilespmem:s0+$0xFFFFFFA0];
	v16 =	vadd.f32 v16, v57;
	v17 =	vsel vm1, v22, v35;
	vm1 =	vge.f32 v13, $0.0e+00  }
0x643: {  	v61 =	vld [tilespmem:s0+$0xFFFFFFE0];
	v10 =	vmul.f32 v17, v10;
	v18 =	vsel vm1, v21, v39;
	vm1 =	vge.f32 v12, $0.0e+00  }
0x644: {  	v39 =	vsel vm2, v22, v35;
	v14 =	vadd.f32 v14, v11;
	v17 =	vsel vm1, v23, v62;
	v62 =	vld [tilespmem:s8+$0xFFFFFFA0]  }
0x645: {  	v22 =	vld [tilespmem:s8+$0xFFFFFFE0];
	v15 =	vadd.f32 v15, v58;
	vm1 =	vge.f32 v16, $0.0e+00;
	v0 =	vmul.f32 v39, v0;
	v19, _, _ =	vpop (xrf2)  }
0x646: {  	v21 =	vsel vm1, v25, v28;
	vm1 =	vge.f32 v14, $0.0e+00;
	v19 =	vmul.f32 $1.442695020e+00, v19  }
0x647: {  	[tilespmem:s13+$0xE0] =	vst v63;
	v63 =	vld [tilespmem:s0+$0x20];
	v13 =	vmul.f32 v18, v13;
	v12 =	vmul.f32 v17, v12;
	v17 =	vsel vm1, v24, v32  }
0x648: {  	v1 =	vadd.f32 v1, v0;
	v14 =	vmul.f32 v17, v14;
	v18 =	vbroadcast v19, $0xF;
	v19 =	vld [tilespmem:s8+$0x20]  }
0x649: {  	v16 =	vmul.f32 v21, v16;
	v10 =	vadd.f32 v13, v10;
	v21 =	vadd.f32 v62, v60  }
0x64a: {  	vm1 =	vge.f32 v15, $0.0e+00;
	v17 =	vadd.f32 v22, v61;
	v14 =	vadd.f32 v14, v1  }
0x64b: {  	v3 =	vpop (erf);
	(erf) = vpow2.f32 v18;
	v18 =	vsel vm1, v41, v33;
	vm1 =	vge.f32 v21, $0.0e+00  }
0x64c: {  	v13 =	vmul.f32 v18, v15;
	v1 =	vsel vm1, v24, v32;
	vm1 =	vge.f32 v17, $0.0e+00  }
0x64d: {  	v18 =	vmul.f32 v1, v21;
	v21 =	vsel vm1, v41, v33;
	v19 =	vadd.f32 v19, v63  }
0x64e: {  	v13 =	vadd.f32 v13, v2;
	v2 =	vmul.f32 v21, v17  }
0x64f: {  	vm1 =	vge.f32 v19, $0.0e+00  }
0x650: {  	v22 =	vadd.f32 v2, v4;
	v2 =	vsel vm1, v24, v32  }
0x651: {  	v18 =	vadd.f32 v18, v9;
	v9 =	vmul.f32 v2, v19  }
0x652: {  	[tilespmem:s13+$0xB0] =	vst v59;
	v59 =	vld [tilespmem:s0+$0x60]  }
0x653: {  	v9 =	vadd.f32 v9, v10;
	v10 =	vld [tilespmem:$0x1F8A0]  }
0x654: {  	v35 =	vmov v45;
	v45 =	vld [tilespmem:s8+$0x60]  }
0x655: {  	v23 =	vld [tilespmem:s0+$0xFFFFFF30]  }
0x656: {  	v15 =	vld [tilespmem:s8+$0xFFFFFF30];
	_ =	sdelay $0x1  }
0x657: {  	v7 =	vbroadcast v7, $0xF;
	v25 =	vld [tilespmem:s8+$0x30];
	v19 =	vmul.f32 v6, v10;
	v10 =	vmov v20  }
0x658: {  	[tilespmem:$0x1F8A0] =	vst v10;
	v10 =	vld [tilespmem:$0x1FF50]  }
0x659: {  	v0 =	vld [tilespmem:s0+$0xFFFFFF70];
	v17 =	vadd.f32 v45, v59  }
0x65a: {  	v12 =	vadd.f32 v16, v12;
	v16 =	vld [tilespmem:s8+$0xFFFFFF70];
	v15 =	vadd.f32 v15, v23  }
0x65b: {  	v62 =	vld [tilespmem:s0+$0xFFFFFFF0];
	(erf) = vpow2.f32 v7;
	vm1 =	vge.f32 v17, $0.0e+00;
	v7 =	vpop (erf)  }
0x65c: {  	v1 =	vld [tilespmem:s0+$0xFFFFFFB0];
	v4 =	vsel vm1, v41, v33;
	vm1 =	vge.f32 v15, $0.0e+00;
	v5 =	vmul.f32 v7, v5  }
0x65d: {  	s15 =	smov.u32 s13;
	s13 =	sadd.s32 $0x240, s13;
	v21 =	vld [tilespmem:s8+$0xFFFFFFB0];
	v20 =	vsel vm1, v10, v26  }
0x65e: {  	v24 =	vld [tilespmem:s8+$0xFFFFFFF0];
	[tilespmem:s13+$0x100] =	vst v5;
	v5 =	vmul.f32 v20, v15  }
0x65f: {  	v16 =	vadd.f32 v16, v0;
	v2 =	vld [tilespmem:s0+$0x30];
	v17 =	vmul.f32 v4, v17  }
0x660: {  	v14 =	vadd.f32 v5, v14;
	v5 =	vld [tilespmem:$0x1FF50]  }
0x661: {  	v4 =	vld [tilespmem:s0+$0x70];
	vm1 =	vge.f32 v16, $0.0e+00;
	v10 =	vadd.f32 v17, v12  }
0x662: {  	v17 =	vld [tilespmem:s8+$0x70];
	v12 =	vsel vm1, v27, v30;
	v15 =	vadd.f32 v21, v1;
	v20 =	vmul.f32 v6, v29  }
0x663: {  	s16 =	sadd.s32 $0x4, s16;
	v41 =	vld [tilespmem:$0x1F790];
	[tilespmem:s15+$0xFFFFFEE0] =	vst v19;
	v12 =	vmul.f32 v12, v16;
	v16 =	vadd.f32 v24, v62  }
0x664: {  	p0 =	slt.u32 s16, $0x24;
	v19 =	vmul.f32 v6, v47;
	vm1 =	vge.f32 v15, $0.0e+00;
	[tilespmem:s15+$0xFFFFFF00] =	vst v20;
	v20 =	vld [tilespmem:$0x1FF50]  }
.Ltmp5:
0x665: {  	v47 =	vmovc v11;
	v21 =	vld [tilespmem:$0x1FF30];
	v11 =	vadd.f32 v12, v13;
	v5 =	vsel vm1, v5, v26;
	vm1 =	vge.f32 v16, $0.0e+00;
	(pc) =	sbr.rel @p0 .LBB2_14-.Ltmp5, $4  }
0x666: {  	v24 =	vld [tilespmem:$0x1FF40];
	v12 =	vmul.f32 v5, v15;
	v13 =	vsel vm1, v27, v30;
	v5 =	vadd.f32 v25, v2  }
0x667: {  	[tilespmem:s15+$0xFFFFFEF0] =	vst v19;
	v19 =	vadd.f32 v11, v14;
	v11 =	vadd.f32 v17, v4;
	v25 =	vld [tilespmem:$0x1FF70];
	v13 =	vmul.f32 v13, v16  }
0x668: {  	v45 =	vmovc v8;
	v15 =	vmul.f32 v6, v53;
	v53 =	vmovc v23;
	v23 =	vld [tilespmem:$0x1FF60];
	v12 =	vadd.f32 v12, v18;
	vm1 =	vge.f32 v5, $0.0e+00  }
0x669: {  	s0 =	sadd.s32 $0x200, s0;
	v8 =	vpop (erf);
	(xrf2) =	vadd.scan.msk.f32 $0xffff, v19;
	v13 =	vadd.f32 v13, v22;
	v22 =	vld [tilespmem:$0x1FF20];
	v14 =	vsel vm1, v20, v26;
	vm1 =	vge.f32 v11, $0.0e+00  }
0x66a: {  	v16 =	vmul.f32 v6, v41  }
0x66b: {  	[tilespmem:s15+$0xFFFFFF10] =	vst v15  }
0x66c: {  	v15 =	vld [tilespmem:$0x1F7A0];
	[tilespmem:s15+$0xFFFFFF20] =	vst v16  }
0x66d: {  	v16 =	vld [tilespmem:$0x1F830];
	_ =	sdelay $0x3  }
0x66e: {  	v15 =	vmul.f32 v6, v15  }
0x66f: {  	v16 =	vmul.f32 v6, v16  }
0x670: {  	v17 =	vld [tilespmem:$0x1F860];
	[tilespmem:s15+$0xFFFFFF30] =	vst v15  }
0x671: {  	[tilespmem:s15+$0xFFFFFF40] =	vst v16  }
0x672: {  	v15 =	vld [tilespmem:$0x1F7B0];
	_ =	sdelay $0x3  }
0x673: {  	v33 =	vmul.f32 v6, v17  }
0x674: {  	v15 =	vmul.f32 v3, v15  }
0x675: {  	[tilespmem:s15+$0xFFFFFF50] =	vst v33  }
0x676: {  	v6 =	vld [tilespmem:$0x1F7C0];
	[tilespmem:s15+$0xFFFFFF70] =	vst v15  }
0x677: {  	v15 =	vld [tilespmem:$0x1F840];
	_ =	sdelay $0x3  }
0x678: {  	v6 =	vmul.f32 v3, v6  }
0x679: {  	v15 =	vmul.f32 v3, v15  }
0x67a: {  	[tilespmem:s15+$0xFFFFFF80] =	vst v6  }
0x67b: {  	[tilespmem:s15+$0xFFFFFF90] =	vst v15  }
0x67c: {  	v15 =	vld [tilespmem:$0x1F7D0];
	_ =	sdelay $0x3  }
0x67d: {  	v39 =	vmul.f32 v3, v44  }
0x67e: {  	v15 =	vmul.f32 v3, v15  }
0x67f: {  	[tilespmem:s15+$0xFFFFFFA0] =	vst v39  }
0x680: {  	v6 =	vld [tilespmem:$0x1F7E0];
	[tilespmem:s15+$0xFFFFFFB0] =	vst v15  }
0x681: {  	v15 =	vld [tilespmem:$0x1F850];
	_ =	sdelay $0x3  }
0x682: {  	v6 =	vmul.f32 v3, v6  }
0x683: {  	v15 =	vmul.f32 v3, v15  }
0x684: {  	[tilespmem:s15+$0xFFFFFFC0] =	vst v6  }
0x685: {  	[tilespmem:s15+$0xFFFFFFD0] =	vst v15  }
0x686: {  	v41 =	vmul.f32 v3, v42;
	v42 =	vld [tilespmem:$0x1F7F0];
	_ =	sdelay $0x1  }
0x687: {  	[tilespmem:s15+$0xFFFFFFE0] =	vst v41  }
0x688: {  	v6 =	vld [tilespmem:$0x1F800];
	_ =	sdelay $0x1  }
0x689: {  	v12 =	vadd.f32 v13, v12;
	v13 =	vmul.f32 v8, v42;
	_ =	sdelay $0x1  }
0x68a: {  	[tilespmem:s15+$0x0] =	vst v13  }
0x68b: {  	v6 =	vmul.f32 v8, v6;
	v44 =	vld [tilespmem:$0x1F870];
	_ =	sdelay $0x1  }
0x68c: {  	[tilespmem:s15+$0x10] =	vst v6  }
0x68d: {  	v6 =	vld [tilespmem:$0x1FF00]  }
0x68e: {  	v13 =	vld [tilespmem:$0x1FF10]  }
0x68f: {  	(xrf2) =	vadd.scan.msk.f32 $0xffff, v12;
	v12 =	vmul.f32 v8, v44  }
0x690: {  	v32 =	vmul.f32 v8, v43  }
0x691: {  	[tilespmem:s15+$0x20] =	vst v12  }
0x692: {  	v12 =	vld [tilespmem:$0x1F810];
	[tilespmem:s15+$0x30] =	vst v32  }
0x693: {  	v6 =	vsel vm1, v6, v13;
	v13 =	vld [tilespmem:$0x1F820];
	_ =	sdelay $0x3  }
0x694: {  	v12 =	vmul.f32 v8, v12  }
0x695: {  	v13 =	vmul.f32 v8, v13  }
0x696: {  	[tilespmem:s15+$0x40] =	vst v12  }
0x697: {  	v5 =	vmul.f32 v14, v5;
	v6 =	vmul.f32 v6, v11;
	[tilespmem:s15+$0x50] =	vst v13  }
0x698: {  	v33, _, _ =	vpop (xrf2);
	v39 =	vld [tilespmem:$0x1F880]  }
0x699: {  	v5 =	vadd.f32 v5, v9;
	v11 =	vmul.f32 $1.442695020e+00, v33;
	v6 =	vadd.f32 v6, v10  }
0x69a: {  	v35 =	vmul.f32 v8, v35  }
0x69b: {  	v40 =	vmul.f32 v7, v40;
	v11 =	vbroadcast v11, $0xF;
	v5 =	vadd.f32 v6, v5  }
0x69c: {  	v41 =	vmul.f32 v7, v38;
	[tilespmem:s15+$0x60] =	vst v35  }
0x69d: {  	(erf) = vpow2.f32 v11;
	(xrf2) =	vadd.scan.msk.f32 $0xffff, v5;
	[tilespmem:s13+$0x90] =	vst v40;
	v10 =	vmul.f32 v8, v39  }
0x69e: {  	v42 =	vmul.f32 v7, v34;
	[tilespmem:s13+$0xA0] =	vst v41  }
0x69f: {  	v43, _, _ =	vpop (xrf2);
	v44 =	vmul.f32 v7, v36;
	[tilespmem:s15+$0x70] =	vst v10  }
0x6a0: {  	v5 =	vmul.f32 $1.442695020e+00, v43;
	v12 =	vmul.f32 v7, v37;
	v6 =	vld [tilespmem:$0x1F890];
	[tilespmem:s13+$0xB0] =	vst v42  }
0x6a1: {  	v13 =	vmul.f32 v7, v31;
	[tilespmem:s13+$0xD0] =	vst v44  }
0x6a2: {  	v5 =	vbroadcast v5, $0xF;
	[tilespmem:s13+$0xE0] =	vst v12  }
0x6a3: {  	v14 =	vnsel vm0, $0x0, v3;
	[tilespmem:s13+$0xF0] =	vst v13  }
0x6a4: {  	v32 =	vnsel vm0, $0x0, v8;
	(erf) = vpow2.f32 v5;
	[tilespmem:s15+$0xFFFFFFF0] =	vst v14  }
0x6a5: {  	v33 =	vnsel vm0, $0x0, v7;
	[tilespmem:s15+$0x80] =	vst v32;
	v6 =	vmul.f32 v7, v6  }
0x6a6: {  	v34 =	vpop (erf);
	[tilespmem:s13+$0x110] =	vst v33  }
0x6a7: {  	v35 =	vnsel vm0, $0x0, v34;
	v37 =	vmul.f32 v34, v45;
	v36, _, _ =	vpop (xrf2);
	[tilespmem:s13+$0xC0] =	vst v6  }
0x6a8: {  	v38 =	vmul.f32 v34, v47;
	v5 =	vmul.f32 $1.442695020e+00, v36;
	v6 =	vld [tilespmem:$0x1F8A0];
	[tilespmem:s13+$0xFFFFFF60] =	vst v35  }
0x6a9: {  	v39 =	vmul.f32 v34, v53;
	[tilespmem:s13+$0xFFFFFEF0] =	vst v37  }
0x6aa: {  	v40 =	vmul.f32 v34, v48;
	v5 =	vbroadcast v5, $0xF;
	[tilespmem:s13+$0xFFFFFF00] =	vst v38  }
0x6ab: {  	v41 =	vmul.f32 v34, v46;
	[tilespmem:s13+$0xFFFFFF10] =	vst v39  }
0x6ac: {  	v42 =	vmul.f32 v34, v58;
	(erf) = vpow2.f32 v5;
	[tilespmem:s13+$0xFFFFFF20] =	vst v40  }
0x6ad: {  	v0 =	vmul.f32 v34, v0;
	v43 =	vpop (erf);
	[tilespmem:s13+$0xFFFFFF30] =	vst v41  }
0x6ae: {  	v44 =	vmul.f32 v43, v49;
	[tilespmem:s13+$0xFFFFFF40] =	vst v42  }
0x6af: {  	v45 =	vmul.f32 v43, v51;
	[tilespmem:s13+$0xFFFFFF50] =	vst v0  }
0x6b0: {  	v46 =	vmul.f32 v43, v60;
	[tilespmem:s13+$0xFFFFFF70] =	vst v44  }
0x6b1: {  	v47 =	vmul.f32 v43, v1;
	[tilespmem:s13+$0xFFFFFF80] =	vst v45  }
0x6b2: {  	v48 =	vmul.f32 v43, v50;
	[tilespmem:s13+$0xFFFFFF90] =	vst v46  }
0x6b3: {  	v49 =	vmul.f32 v43, v52;
	[tilespmem:s13+$0xFFFFFFA0] =	vst v47  }
0x6b4: {  	v50 =	vmul.f32 v43, v61;
	[tilespmem:s13+$0xFFFFFFB0] =	vst v48  }
0x6b5: {  	v52 =	vmul.f32 v43, v62;
	[tilespmem:s13+$0xFFFFFFC0] =	vst v49;
	v51 =	vpop (erf)  }
0x6b6: {  	[tilespmem:s13+$0xFFFFFFD0] =	vst v50;
	v53 =	vmul.f32 v51, v54  }
0x6b7: {  	[tilespmem:s13+$0xFFFFFFE0] =	vst v52;
	v54 =	vmul.f32 v51, v55;
	v55 =	vmul.f32 v51, v63;
	v63 =	vnsel vm0, $0x0, v43  }
0x6b8: {  	v6 =	vmul.f32 v34, v6;
	v0 =	vnsel vm0, $0x0, v51;
	[tilespmem:s13+$0xFFFFFFF0] =	vst v63  }
0x6b9: {  	[tilespmem:s13+$0x80] =	vst v0  }
0x6ba: {  	[tilespmem:s13+$0xFFFFFEE0] =	vst v6  }
0x6bb: {  	[tilespmem:s13+$0x0] =	vst v53  }
0x6bc: {  	v2 =	vmul.f32 v51, v2;
	[tilespmem:s13+$0x10] =	vst v54  }
0x6bd: {  	v58 =	vmul.f32 v51, v56;
	[tilespmem:s13+$0x20] =	vst v55  }
0x6be: {  	v60 =	vmul.f32 v51, v57;
	[tilespmem:s13+$0x30] =	vst v2  }
0x6bf: {  	v61 =	vmul.f32 v51, v59;
	[tilespmem:s13+$0x40] =	vst v58  }
0x6c0: {  	v62 =	vmul.f32 v51, v4;
	[tilespmem:s13+$0x50] =	vst v60  }
0x6c1: {  	[tilespmem:s13+$0x60] =	vst v61  }
0x6c2: {  	[tilespmem:s13+$0x70] =	vst v62  }
0x6c3: {  	v16 =	vld [tilespmem:$0x1FFF0]  }
0x6c4: {  	s29 =	sadd.s32 $0x1, s29;
	v33 =	vld [tilespmem:$0x1FFC0]  }
0x6c5: {  	p0 =	sne.s32 s29, $0x3F;
	v59 =	vld [tilespmem:$0x1FFE0]  }
.Ltmp6:
0x6c6: {  	v17 =	vld [tilespmem:$0x1FFA0];
	(pc) =	sbr.rel @p0 .LBB2_7-.Ltmp6, $4  }
0x6c7: {  	v28 =	vld [tilespmem:$0x1FF90]  }
0x6c8: {  	v53 =	vld [tilespmem:$0x1FFD0]  }
0x6c9: {  	s0 =	simm.s32 $0x161D8;
	v26 =	vld [tilespmem:$0x1FF80]  }
0x6ca: {  	[spmem:s3] =	stream.indirect.scatter.add.f32 [tilespmem:s10], [sflag:$0x4], $0x90, s0, s26, $0xb8;
	v29 =	vld [tilespmem:$0x1FFB0]  }
0x6cb: {  	_ =	swait.ge [sflag:s31], $0x78  }
0x6cc: {  	[sflag:s31] =	ssyncset.done $0x0  }
0x6cd: {  	[sflag:s31] =	ssyncadd.s32 $0xFFFFFF88  }
0x6ce: {  	_ =	swait.ge [sflag:s22], $0x1400  }
0x6cf: {  	[sflag:s22] =	ssyncset.done $0x0  }
0x6d0: {  	[sflag:s22] =	ssyncadd.s32 $0xFFFFEC00  }
0x6d1: {  	_ =	swait.ge [sflag:s22], $0x1400  }
0x6d2: {  	[sflag:s22] =	ssyncset.done $0x0  }
0x6d3: {  	[sflag:s22] =	ssyncadd.s32 $0xFFFFEC00  }
0x6d4: {  	_ =	swait.ge [sflag:s2], $0x1680  }
0x6d5: {  	[sflag:s2] =	ssyncset.done $0x0  }
0x6d6: {  	[sflag:s2] =	ssyncadd.s32 $0xFFFFE980  }
0x6d7: {  	_ =	swait.ge [sflag:s7], $0x1680  }
0x6d8: {  	[sflag:s7] =	ssyncset.done $0x0  }
0x6d9: {  	[sflag:s7] =	ssyncadd.s32 $0xFFFFE980  }
0x6da: {  	[bflag:$0x0] =	sbarrier.arrive $0xFFFF  }
0x6db: {  	s0 =	rddreg [dreg:$0x10]  }
0x6dc: {  	s5 =	simm.s32 $0x0;
	s29 =	rddreg [dreg:$0x4];
	s0 =	smul.u32 $0x2710, s0  }
.LBB2_17:
0x6dd: {  	s8 =	smul.u32 $0x19, s5;
	_ =	sdelay $0x1  }
0x6de: {  	s8 =	sadd.s32 s29, s8  }
0x6df: {  	s13 =	smul.u32 $0x240, s8;
	_ =	sdelay $0x1  }
0x6e0: {  	s13 =	sshra.s32 s13, $0x2  }
0x6e1: {  	s13 =	sadd.s32 s13, s3  }
0x6e2: {  	[tilespmem:s20], [sflag:$0x7] =	stream.linear.gather [spmem:s13], $0xE10, $0x38;
	[tilespmem:$0x1EC00] =	vst v63  }
0x6e3: {  	_ =	swait.ge [sflag:s21], $0xE10  }
0x6e4: {  	[sflag:s21] =	ssyncset.done $0x0  }
0x6e5: {  	s13 =	simm.s32 $0x1B240;
	[sflag:s21] =	ssyncadd.s32 $0xFFFFF1F0  }
0x6e6: {  	s16 =	simm.s32 $0x200;
	s15 =	simm.s32 $0x0;
	v0 =	vld [tilespmem:s13+$0x40]  }
.LBB2_18:
0x6e7: {  	p0 =	sne.s32 s16, $0x3000;
	v1 =	vld [tilespmem:s13+$0xFFFFFFC0];
	_ =	sdelay $0x3  }
0x6e8: {  	v0 =	vadd.f32 $1.000000020e-16, v0;
	_ =	sdelay $0x1  }
0x6e9: {  	v0 =	vbroadcast v0, $0x0;
	_ =	sdelay $0x1  }
0x6ea: {  	(erf) = vrcp.f32 v0;
	_ =	sdelay $0x8  }
0x6eb: {  	v0 =	vpop (erf)  }
0x6ec: {  	v1 =	vmul.f32 v0, v1  }
0x6ed: {  	s17 =	sshra.s32 s15, $0x2;
	s15 =	smov.u32 s16  }
0x6ee: {  	[tilespmem:s17+$0x1DF80] =	vst v1  }
0x6ef: {  	v1 =	vld [tilespmem:s13+$0xFFFFFFD0];
	_ =	sdelay $0x4  }
0x6f0: {  	v1 =	vmul.f32 v0, v1;
	_ =	sdelay $0x1  }
0x6f1: {  	[tilespmem:s17+$0x1DF90] =	vst v1  }
0x6f2: {  	v1 =	vld [tilespmem:s13+$0xFFFFFFE0];
	_ =	sdelay $0x4  }
0x6f3: {  	v1 =	vmul.f32 v1, v0;
	_ =	sdelay $0x1  }
0x6f4: {  	[tilespmem:s17+$0x1DFA0] =	vst v1  }
0x6f5: {  	v1 =	vld [tilespmem:s13+$0xFFFFFFF0];
	_ =	sdelay $0x4  }
0x6f6: {  	v1 =	vmul.f32 v1, v0;
	_ =	sdelay $0x1  }
0x6f7: {  	[tilespmem:s17+$0x1DFB0] =	vst v1  }
0x6f8: {  	v1 =	vld [tilespmem:s13+$0x0];
	_ =	sdelay $0x4  }
0x6f9: {  	v1 =	vmul.f32 v1, v0;
	_ =	sdelay $0x1  }
0x6fa: {  	[tilespmem:s17+$0x1DFC0] =	vst v1  }
0x6fb: {  	v1 =	vld [tilespmem:s13+$0x10];
	_ =	sdelay $0x4  }
0x6fc: {  	v1 =	vmul.f32 v1, v0;
	_ =	sdelay $0x1  }
0x6fd: {  	[tilespmem:s17+$0x1DFD0] =	vst v1  }
0x6fe: {  	v1 =	vld [tilespmem:s13+$0x20];
	_ =	sdelay $0x4  }
0x6ff: {  	v1 =	vmul.f32 v1, v0;
	_ =	sdelay $0x1  }
0x700: {  	[tilespmem:s17+$0x1DFE0] =	vst v1  }
0x701: {  	v1 =	vld [tilespmem:s13+$0x30];
	_ =	sdelay $0x3  }
.Ltmp7:
0x702: {  	(pc) =	sbr.rel @p0 .LBB2_18-.Ltmp7, $3  }
0x703: {  	v0 =	vmul.f32 v1, v0;
	_ =	sdelay $0x1  }
0x704: {  	s13 =	sadd.s32 $0x90, s13;
	[tilespmem:s17+$0x1DFF0] =	vst v0  }
0x705: {  	s16 =	sadd.s32 $0x200, s16;
	v0 =	vld [tilespmem:s13+$0x40]  }
0x706: {  	_ =	sdelay $0x3  }
0x707: {  	v0 =	vadd.f32 $1.000000020e-16, v0;
	_ =	sdelay $0x1  }
0x708: {  	v0 =	vbroadcast v0, $0x0;
	_ =	sdelay $0x1  }
0x709: {  	(erf) = vrcp.f32 v0;
	_ =	sdelay $0x4  }
0x70a: {  	v63 =	vld [tilespmem:s13+$0xFFFFFFC0];
	_ =	sdelay $0x3  }
0x70b: {  	v1 =	vpop (erf)  }
0x70c: {  	v0 =	vmul.f32 v1, v63  }
0x70d: {  	s15 =	sshra.s32 s15, $0x2  }
0x70e: {  	[tilespmem:s15+$0x1DF80] =	vst v0  }
0x70f: {  	v0 =	vld [tilespmem:s13+$0xFFFFFFD0];
	_ =	sdelay $0x4  }
0x710: {  	v0 =	vmul.f32 v1, v0;
	_ =	sdelay $0x1  }
0x711: {  	[tilespmem:s15+$0x1DF90] =	vst v0  }
0x712: {  	v0 =	vld [tilespmem:s13+$0xFFFFFFE0];
	_ =	sdelay $0x4  }
0x713: {  	v0 =	vmul.f32 v0, v1;
	_ =	sdelay $0x1  }
0x714: {  	[tilespmem:s15+$0x1DFA0] =	vst v0  }
0x715: {  	v0 =	vld [tilespmem:s13+$0xFFFFFFF0];
	_ =	sdelay $0x4  }
0x716: {  	v0 =	vmul.f32 v0, v1;
	_ =	sdelay $0x1  }
0x717: {  	[tilespmem:s15+$0x1DFB0] =	vst v0  }
0x718: {  	v0 =	vld [tilespmem:s13+$0x0];
	_ =	sdelay $0x4  }
0x719: {  	v0 =	vmul.f32 v0, v1;
	_ =	sdelay $0x1  }
0x71a: {  	[tilespmem:s15+$0x1DFC0] =	vst v0  }
0x71b: {  	v0 =	vld [tilespmem:s13+$0x10];
	_ =	sdelay $0x4  }
0x71c: {  	v0 =	vmul.f32 v0, v1;
	_ =	sdelay $0x1  }
0x71d: {  	[tilespmem:s15+$0x1DFD0] =	vst v0  }
0x71e: {  	v0 =	vld [tilespmem:s13+$0x20];
	_ =	sdelay $0x4  }
0x71f: {  	v0 =	vmul.f32 v0, v1;
	_ =	sdelay $0x1  }
0x720: {  	[tilespmem:s15+$0x1DFE0] =	vst v0  }
0x721: {  	v0 =	vld [tilespmem:s13+$0x30];
	_ =	sdelay $0x4  }
0x722: {  	s8 =	sadd.s32 s0, s8;
	s5 =	sadd.s32 $0x1, s5;
	v0 =	vmul.f32 v0, v1  }
0x723: {  	s16 =	rddreg [dreg:$0x8];
	s8 =	sshll.u32 s8, $0x4;
	p0 =	sne.s32 s5, $0x19  }
.Ltmp8:
0x724: {  	s17 =	simm.s32 $0x1DF80;
	s8 =	sadd.s32 s16, s8;
	[tilespmem:s15+$0x1DFF0] =	vst v0;
	(pc) =	sbr.rel @p0 .LBB2_17-.Ltmp8, $4  }
0x725: {  	[hbm4b:s8+s4] =	stream.linear.scatter [tilespmem:s17], [sflag:$0x7], $0xC80, $0x38;
	[tilespmem:$0x1EC00] =	vst v63  }
0x726: {  	_ =	swait.ge [sflag:s21], $0xC80  }
0x727: {  	[sflag:s21] =	ssyncset.done $0x0  }
0x728: {  	[sflag:s21] =	ssyncadd.s32 $0xFFFFF380  }
0x729: {  	s8 =	rddreg [dreg:$0xf]  }
0x72a: {  	s8 =	sadd.s32 $0x1, s8  }
0x72b: {  	p0 =	sne.s32 s8, $0x5  }
.Ltmp9:
0x72c: {  	_ = 	snop;
	(pc) =	sbr.rel @p0 .LBB2_2-.Ltmp9, $3  }
0x72d: {  	_ =	sdelay $0x1  }
0x72e: {  	[bflag:$0x0] =	sbarrier.arrive $0xFFFF  }
0x72f: {  	v0 =	vimm.f32 $0.0e+00  }
0x730: {  	s5 =	rddreg [dreg:$0xe]  }
0x731: {  	s0 =	rddreg [dreg:$0xd];
	s5 =	sadd.s32 $0x1, s5  }
0x732: {  	p0 =	sne.s32 s5, s0  }
.Ltmp10:
0x733: {  	_ = 	snop;
	(pc) =	sbr.rel @p0 .LBB2_1-.Ltmp10, $1  }
0x734: {  	_ =	sdelay $0x3  }
0x735: {  	_ =	sfence.sel $0x180000  }
0x736: {  	[bflag:$0x0] =	sbarrier.arrive $0xFFFF  }
0x737: {  	_ =	strace $0x90000047  }
0x738: {  	s0 =	stileid.u32;
	[bflag:$0x2] =	sbarrier.arrive $0xFFFF  }
0x739: {  	p0 =	sne.s32 s0, $0x0;
	s0 =	rddreg [dreg:$0x3]  }
0x73a: {  	s0 =	sadd.s32 @!p0 $0x100000, s0  }
0x73b: {  	[sflag:s0] =	ssyncadd.tile.s32 @!p0 $0x1;
	_ =	shalt  }
.Lfunc_end2:
_tile_overlayer_lowered:
.L_overlay_start_2:
0x73c: {  	(tag) =	ssettag $0x2  }
0x73d: {  	s0 =	rddreg [dreg:$0x0];
	s2 =	stileid.u32  }
0x73e: {  	s1 =	rddreg [dreg:$0x1];
	p0 =	sne.s32 s2, $0x0  }
0x73f: {  	s3 =	rddreg [dreg:$0x2];
	[bflag:$0x3] =	sbarrier.arrive $0xFFFF;
	s2 =	simm.s32 @!p0 $0x1C07  }
0x740: {  	[timem:s3], [sflag:s2] =	dma.local @!p0 [hbm:s0], s1  }
0x741: {  	s0 =	simm.s32 @!p0 $0x7  }
0x742: {  	_ =	swait.ge @!p0 [sflag:s0], s1  }
0x743: {  	s1 =	ssub.s32 @!p0 $0x0, s1;
	[sflag:s0] =	ssyncset.done @!p0 $0x0  }
0x744: {  	[sflag:s0] =	ssyncadd.s32 @!p0 s1  }
0x745: {  	[bflag:$0x3] =	sbarrier.arrive $0xFFFF  }
0x746: {  	_ =	shalt  }

</sc_bundles>
